<compile_context>
chip_gen: v7x
topology: tpu7x:2x2x1
jax: 0.10.2.dev20260603
libtpu: 0.0.44.dev20260713+nightly
codegen_flags: <defaults>
</compile_context>

<pallas_src>
import jax
import jax.numpy as jnp
from jax import lax
from jax.experimental import pallas as pl
from jax.experimental.pallas import tpu as pltpu
from jax.experimental.pallas import tpu_sc as plsc

STATE_LEN = 1024
SEQ_LEN = 2048
NPOI = 4096

NUM_CORES = 2
NUM_SUBCORES = 16
LANES = 16
NW = NUM_CORES * NUM_SUBCORES
ROWS_PER_W = STATE_LEN // NW
CHUNK = 8
NCHUNK = ROWS_PER_W // CHUNK
U1 = 8
J1 = SEQ_LEN // (LANES * U1)

TC_BLOCK_ROWS = 256


def _gather_body(his_hbm, cur_hbm, d_hbm, g_hbm,
                 his_v, cur_v, rows_a, rows_b, g_a, g_b,
                 sem_a, sem_b, sem_oa, sem_ob):
    wid = lax.axis_index("s") * NUM_CORES + lax.axis_index("c")
    base = wid * ROWS_PER_W

    pltpu.sync_copy(his_hbm, his_v)
    pltpu.sync_copy(cur_hbm.at[pl.ds(base, ROWS_PER_W)], cur_v)

    bufs = (rows_a, rows_b)
    sems = (sem_a, sem_b)

    def start_gather(c):
        return pltpu.async_copy(
            d_hbm.at[cur_v.at[pl.ds(c * CHUNK, CHUNK)]],
            bufs[c % 2], sems[c % 2],
        )

    row_ids = [jnp.full((LANES,), r, jnp.int32) for r in range(CHUNK)]
    gbufs = (g_a, g_b)
    osems = (sem_oa, sem_ob)

    pending = start_gather(0)
    out_pending = [None, None]
    for c in range(NCHUNK):
        pending.wait()
        if c + 1 < NCHUNK:
            pending = start_gather(c + 1)
        rows_v = bufs[c % 2]
        g_v = gbufs[c % 2]
        if out_pending[c % 2] is not None:
            out_pending[c % 2].wait()

        def colgather(j, carry, rows_v=rows_v, g_v=g_v):
            for u in range(U1):
                off = j * (U1 * LANES) + u * LANES
                idx = his_v[pl.ds(off, LANES)]
                for r in range(CHUNK):
                    g_v[r, j, u * LANES:(u + 1) * LANES] = plsc.load_gather(
                        rows_v, [row_ids[r], idx]
                    )
            return carry

        lax.fori_loop(0, J1, colgather, 0)
        out_pending[c % 2] = pltpu.async_copy(
            g_v, g_hbm.at[pl.ds(base + c * CHUNK, CHUNK)], osems[c % 2]
        )
    for d in out_pending:
        if d is not None:
            d.wait()


def _softmax_body(g_ref, o_ref):
    d = g_ref[...]
    nz = d != 0.0
    e = jnp.where(nz, 1.0 / jnp.where(nz, d, 1.0), 1e-6)
    m = jnp.max(e, axis=(1, 2), keepdims=True)
    p = jnp.exp(e - m)
    s = jnp.sum(p, axis=(1, 2), keepdims=True)
    o_ref[...] = (p / s).reshape(TC_BLOCK_ROWS, SEQ_LEN)


@jax.jit
def kernel(his, cur, poi_distance_mat):
    gather = pl.kernel(
        _gather_body,
        out_type=jax.ShapeDtypeStruct((STATE_LEN, SEQ_LEN // 128, 128), jnp.float32),
        mesh=plsc.VectorSubcoreMesh(core_axis_name="c", subcore_axis_name="s"),
        scratch_types=[
            pltpu.VMEM((SEQ_LEN,), jnp.int32),
            pltpu.VMEM((ROWS_PER_W,), jnp.int32),
            pltpu.VMEM((CHUNK, NPOI), jnp.float32),
            pltpu.VMEM((CHUNK, NPOI), jnp.float32),
            pltpu.VMEM((CHUNK, SEQ_LEN // 128, 128), jnp.float32),
            pltpu.VMEM((CHUNK, SEQ_LEN // 128, 128), jnp.float32),
            pltpu.SemaphoreType.DMA,
            pltpu.SemaphoreType.DMA,
            pltpu.SemaphoreType.DMA,
            pltpu.SemaphoreType.DMA,
        ],
        compiler_params=pltpu.CompilerParams(
            use_tc_tiling_on_sc=False, needs_layout_passes=False
        ),
    )
    g = gather(his.astype(jnp.int32), cur.astype(jnp.int32), poi_distance_mat)

    softmax = pl.pallas_call(
        _softmax_body,
        grid=(STATE_LEN // TC_BLOCK_ROWS,),
        in_specs=[
            pl.BlockSpec((TC_BLOCK_ROWS, SEQ_LEN // 128, 128),
                         lambda i: (i, 0, 0)),
        ],
        out_specs=pl.BlockSpec((TC_BLOCK_ROWS, SEQ_LEN), lambda i: (i, 0)),
        out_shape=jax.ShapeDtypeStruct((STATE_LEN, SEQ_LEN), jnp.float32),
    )
    return softmax(g)

# --- scband reference (transcript-rebuilt; emitter-appended) ---
"""Pipeline reference for scband-attn-loc-47863115547246 (READ-ONLY COPY).

The authoritative reference and input builder live on the scoring server;
editing this copy changes nothing except your own understanding.
"""

import jax, jax.numpy as jnp
import numpy as np


def setup_inputs(seed: int = 0) -> dict:
    key = jax.random.key(seed)
    k1, k2, k3 = jax.random.split(key, 3)
    his = jax.random.randint(k1, (2048,), 0, 4096, dtype=jnp.int64) if jax.config.jax_enable_x64 else jax.random.randint(k1, (2048,), 0, 4096, dtype=jnp.int32)
    cur = jax.random.randint(k2, (1024,), 0, 4096, dtype=jnp.int64) if jax.config.jax_enable_x64 else jax.random.randint(k2, (1024,), 0, 4096, dtype=jnp.int32)
    poi_distance_mat = jax.random.uniform(k3, (4096, 4096), dtype=jnp.float32)
    return {"his": his, "cur": cur, "poi_distance_mat": poi_distance_mat}


def reference(his, cur, poi_distance_mat):
    # attn_energies[i, j] = 1 / D[cur[i], his[j]] if D[cur[i], his[j]] != 0 else 1e-6
    d = poi_distance_mat[cur[:, None], his[None, :]]  # gather -> [state_len, seq_len]
    d_safe = jnp.where(d != 0, d, 1.0)
    attn_energies = jnp.where(d != 0, 1.0 / d_safe, 1e-6)
    return jax.nn.softmax(attn_energies, axis=-1)

if __name__ == "__main__":
    import jax
    _d = setup_inputs()
    print(jax.jit(kernel)(*tuple(_d.values())))

</pallas_src>

<mosaic_0001>
#map = affine_map<(d0, d1) -> (0)>
#map1 = affine_map<(d0, d1) -> (0, 0)>
#map2 = affine_map<(d0, d1) -> (0, 0, 0)>
module attributes {stable_mosaic.version = 14 : i64} {
  func.func @_gather_body(%arg0: i32, %arg1: i32, %arg2: memref<2048xi32, #tpu.memory_space<hbm>>, %arg3: memref<1024xi32, #tpu.memory_space<hbm>>, %arg4: memref<4096x4096xf32, #tpu.memory_space<hbm>>, %arg5: memref<1024x16x128xf32, #tpu.memory_space<hbm>>, %arg6: memref<2048xi32, #tpu.memory_space<vmem>>, %arg7: memref<32xi32, #tpu.memory_space<vmem>>, %arg8: memref<8x4096xf32, #tpu.memory_space<vmem>>, %arg9: memref<8x4096xf32, #tpu.memory_space<vmem>>, %arg10: memref<8x16x128xf32, #tpu.memory_space<vmem>>, %arg11: memref<8x16x128xf32, #tpu.memory_space<vmem>>, %arg12: memref<!tpu.dma_semaphore, #tpu.memory_space<semaphore_mem>>, %arg13: memref<!tpu.dma_semaphore, #tpu.memory_space<semaphore_mem>>, %arg14: memref<!tpu.dma_semaphore, #tpu.memory_space<semaphore_mem>>, %arg15: memref<!tpu.dma_semaphore, #tpu.memory_space<semaphore_mem>>) attributes {dimension_semantics = [#tpu.dimension_semantics<core_parallel>, #tpu.dimension_semantics<subcore_parallel>], iteration_bounds = array<i64: 2, 16>, scalar_prefetch = 0 : i64, scratch_operands = 10 : i64, tpu.core_type = #tpu.core_type<sc_vector_subcore>, window_params = [{transform_indices = #map}, {transform_indices = #map}, {transform_indices = #map1}, {transform_indices = #map2}]} {
    %mul3A = arith.constant 2 : i32
    %mul3A_0 = arith.muli %arg1, %mul3A : i32
    %add3A = arith.addi %mul3A_0, %arg0 : i32
    %mul3A_1 = arith.constant 32 : i32
    %mul3A_2 = arith.muli %add3A, %mul3A_1 : i32
    "tpu.region"() ({
      %run_scoped3A = tpu.sem_alloc : memref<!tpu.dma_semaphore, #tpu.memory_space<semaphore_mem>>
      tpu.enqueue_dma source(%arg2 : memref<2048xi32, #tpu.memory_space<hbm>>) target(%arg6 : memref<2048xi32, #tpu.memory_space<vmem>>) target_semaphore(%run_scoped3A : memref<!tpu.dma_semaphore, #tpu.memory_space<semaphore_mem>>)
      tpu.wait_dma2 semaphore(%run_scoped3A : memref<!tpu.dma_semaphore, #tpu.memory_space<semaphore_mem>>) src(%arg2 : memref<2048xi32, #tpu.memory_space<hbm>>) dst(%arg6 : memref<2048xi32, #tpu.memory_space<vmem>>)
      tpu.yield
    }) : () -> ()
    "tpu.region"() ({
      %run_scoped3A = tpu.sem_alloc : memref<!tpu.dma_semaphore, #tpu.memory_space<semaphore_mem>>
      %dma_start3A_135 = tpu.memref_slice %arg3[%mul3A_2] : memref<1024xi32, #tpu.memory_space<hbm>> -> memref<32xi32, #tpu.memory_space<hbm>>
      %dma_start3A_136 = tpu.memref_slice %arg3[%mul3A_2] : memref<1024xi32, #tpu.memory_space<hbm>> -> memref<32xi32, #tpu.memory_space<hbm>>
      tpu.enqueue_dma source(%dma_start3A_136 : memref<32xi32, #tpu.memory_space<hbm>>) target(%arg7 : memref<32xi32, #tpu.memory_space<vmem>>) target_semaphore(%run_scoped3A : memref<!tpu.dma_semaphore, #tpu.memory_space<semaphore_mem>>)
      %dma_wait3A_137 = tpu.memref_slice %arg3[%mul3A_2] : memref<1024xi32, #tpu.memory_space<hbm>> -> memref<32xi32, #tpu.memory_space<hbm>>
      %dma_wait3A_138 = tpu.memref_slice %arg3[%mul3A_2] : memref<1024xi32, #tpu.memory_space<hbm>> -> memref<32xi32, #tpu.memory_space<hbm>>
      tpu.wait_dma2 semaphore(%run_scoped3A : memref<!tpu.dma_semaphore, #tpu.memory_space<semaphore_mem>>) src(%dma_wait3A_138 : memref<32xi32, #tpu.memory_space<hbm>>) dst(%arg7 : memref<32xi32, #tpu.memory_space<vmem>>)
      tpu.yield
    }) : () -> ()
    %broadcast_in_dim3A = arith.constant 0 : i32
    %broadcast_in_dim3A_3 = vector.broadcast %broadcast_in_dim3A : i32 to vector<16xi32>
    %broadcast_in_dim3A_4 = arith.constant 1 : i32
    %broadcast_in_dim3A_5 = vector.broadcast %broadcast_in_dim3A_4 : i32 to vector<16xi32>
    %broadcast_in_dim3A_6 = arith.constant 2 : i32
    %broadcast_in_dim3A_7 = vector.broadcast %broadcast_in_dim3A_6 : i32 to vector<16xi32>
    %broadcast_in_dim3A_8 = arith.constant 3 : i32
    %broadcast_in_dim3A_9 = vector.broadcast %broadcast_in_dim3A_8 : i32 to vector<16xi32>
    %broadcast_in_dim3A_10 = arith.constant 4 : i32
    %broadcast_in_dim3A_11 = vector.broadcast %broadcast_in_dim3A_10 : i32 to vector<16xi32>
    %broadcast_in_dim3A_12 = arith.constant 5 : i32
    %broadcast_in_dim3A_13 = vector.broadcast %broadcast_in_dim3A_12 : i32 to vector<16xi32>
    %broadcast_in_dim3A_14 = arith.constant 6 : i32
    %broadcast_in_dim3A_15 = vector.broadcast %broadcast_in_dim3A_14 : i32 to vector<16xi32>
    %broadcast_in_dim3A_16 = arith.constant 7 : i32
    %broadcast_in_dim3A_17 = vector.broadcast %broadcast_in_dim3A_16 : i32 to vector<16xi32>
    %dma_start3A = arith.constant 0 : i32
    %dma_start3A_18 = tpu.memref_slice %arg7[%dma_start3A] : memref<32xi32, #tpu.memory_space<vmem>> -> memref<8xi32, #tpu.memory_space<vmem>>
    %dma_start3A_19 = arith.constant 0 : i32
    %dma_start3A_20 = arith.constant 0 : i32
    %dma_start3A_21 = tpu.memref_slice %arg4[%dma_start3A_19, %dma_start3A_20] : memref<4096x4096xf32, #tpu.memory_space<hbm>> -> memref<4096x4096xf32, #tpu.memory_space<hbm>>
    tpu.enqueue_indirect_dma source(%dma_start3A_21 : memref<4096x4096xf32, #tpu.memory_space<hbm>>) target(%arg8 : memref<8x4096xf32, #tpu.memory_space<vmem>>) offsets(%dma_start3A_18 : memref<8xi32, #tpu.memory_space<vmem>>) semaphore(%arg12 : memref<!tpu.dma_semaphore, #tpu.memory_space<semaphore_mem>>)
    %dma_wait3A = arith.constant 0 : i32
    %dma_wait3A_22 = tpu.memref_slice %arg7[%dma_wait3A] : memref<32xi32, #tpu.memory_space<vmem>> -> memref<8xi32, #tpu.memory_space<vmem>>
    %dma_wait3A_23 = arith.constant 0 : i32
    %dma_wait3A_24 = arith.constant 0 : i32
    %dma_wait3A_25 = tpu.memref_slice %arg4[%dma_wait3A_23, %dma_wait3A_24] : memref<4096x4096xf32, #tpu.memory_space<hbm>> -> memref<4096x4096xf32, #tpu.memory_space<hbm>>
    tpu.wait_indirect_dma semaphore(%arg12 : memref<!tpu.dma_semaphore, #tpu.memory_space<semaphore_mem>>) src(%dma_wait3A_25 : memref<4096x4096xf32, #tpu.memory_space<hbm>>) dst(%arg8 : memref<8x4096xf32, #tpu.memory_space<vmem>>)
    %dma_start3A_26 = arith.constant 8 : i32
    %dma_start3A_27 = tpu.memref_slice %arg7[%dma_start3A_26] : memref<32xi32, #tpu.memory_space<vmem>> -> memref<8xi32, #tpu.memory_space<vmem>>
    %dma_start3A_28 = arith.constant 0 : i32
    %dma_start3A_29 = arith.constant 0 : i32
    %dma_start3A_30 = tpu.memref_slice %arg4[%dma_start3A_28, %dma_start3A_29] : memref<4096x4096xf32, #tpu.memory_space<hbm>> -> memref<4096x4096xf32, #tpu.memory_space<hbm>>
    tpu.enqueue_indirect_dma source(%dma_start3A_30 : memref<4096x4096xf32, #tpu.memory_space<hbm>>) target(%arg9 : memref<8x4096xf32, #tpu.memory_space<vmem>>) offsets(%dma_start3A_27 : memref<8xi32, #tpu.memory_space<vmem>>) semaphore(%arg13 : memref<!tpu.dma_semaphore, #tpu.memory_space<semaphore_mem>>)
    %scan3A = arith.constant 0 : i32
    %scan3A_31 = arith.constant 0 : i32
    %scan3A_32 = arith.constant 16 : i32
    %scan3A_33 = arith.addi %scan3A_31, %scan3A_32 : i32
    %scan3A_34 = arith.constant 1 : i32
    scf.for %scan3A_135 = %scan3A_31 to %scan3A_33 step %scan3A_34  : i32 {
      %mul3A_136 = arith.constant 128 : i32
      %mul3A_137 = arith.muli %scan3A_135, %mul3A_136 : i32
      %add3A_138 = arith.constant 0 : i32
      %add3A_139 = arith.addi %mul3A_137, %add3A_138 : i32
      %get3A = arith.index_cast %add3A_139 : i32 to index
      %get3A_140 = tpu.vector_load %arg6[%get3A] {strides = array<i32>} : memref<2048xi32, #tpu.memory_space<vmem>>, vector<16xi32>,
      %gather3A = tpu.vector_load_idx %arg8[%broadcast_in_dim3A_3, %get3A_140] : memref<8x4096xf32, #tpu.memory_space<vmem>>[vector<16xi32>, vector<16xi32>], vector<16xf32>,
      %swap3A = arith.constant 0 : i32
      %swap3A_141 = arith.index_cast %swap3A : i32 to index
      %swap3A_142 = arith.index_cast %scan3A_135 : i32 to index
      %swap3A_143 = arith.constant 0 : index
      %swap3A_144 = tpu.vector_load %arg10[%swap3A_141, %swap3A_142, %swap3A_143] {strides = array<i32>} : memref<8x16x128xf32, #tpu.memory_space<vmem>>, vector<16xf32>,
      tpu.vector_store %arg10[%swap3A_141, %swap3A_142, %swap3A_143], %gather3A {strides = array<i32>} : memref<8x16x128xf32, #tpu.memory_space<vmem>>, vector<16xf32>,
      %gather3A_145 = tpu.vector_load_idx %arg8[%broadcast_in_dim3A_5, %get3A_140] : memref<8x4096xf32, #tpu.memory_space<vmem>>[vector<16xi32>, vector<16xi32>], vector<16xf32>,
      %swap3A_146 = arith.constant 1 : i32
      %swap3A_147 = arith.index_cast %swap3A_146 : i32 to index
      %swap3A_148 = arith.index_cast %scan3A_135 : i32 to index
      %swap3A_149 = arith.constant 0 : index
      %swap3A_150 = tpu.vector_load %arg10[%swap3A_147, %swap3A_148, %swap3A_149] {strides = array<i32>} : memref<8x16x128xf32, #tpu.memory_space<vmem>>, vector<16xf32>,
      tpu.vector_store %arg10[%swap3A_147, %swap3A_148, %swap3A_149], %gather3A_145 {strides = array<i32>} : memref<8x16x128xf32, #tpu.memory_space<vmem>>, vector<16xf32>,
      %gather3A_151 = tpu.vector_load_idx %arg8[%broadcast_in_dim3A_7, %get3A_140] : memref<8x4096xf32, #tpu.memory_space<vmem>>[vector<16xi32>, vector<16xi32>], vector<16xf32>,
      %swap3A_152 = arith.constant 2 : i32
      %swap3A_153 = arith.index_cast %swap3A_152 : i32 to index
      %swap3A_154 = arith.index_cast %scan3A_135 : i32 to index
      %swap3A_155 = arith.constant 0 : index
      %swap3A_156 = tpu.vector_load %arg10[%swap3A_153, %swap3A_154, %swap3A_155] {strides = array<i32>} : memref<8x16x128xf32, #tpu.memory_space<vmem>>, vector<16xf32>,
      tpu.vector_store %arg10[%swap3A_153, %swap3A_154, %swap3A_155], %gather3A_151 {strides = array<i32>} : memref<8x16x128xf32, #tpu.memory_space<vmem>>, vector<16xf32>,
      %gather3A_157 = tpu.vector_load_idx %arg8[%broadcast_in_dim3A_9, %get3A_140] : memref<8x4096xf32, #tpu.memory_space<vmem>>[vector<16xi32>, vector<16xi32>], vector<16xf32>,
      %swap3A_158 = arith.constant 3 : i32
      %swap3A_159 = arith.index_cast %swap3A_158 : i32 to index
      %swap3A_160 = arith.index_cast %scan3A_135 : i32 to index
      %swap3A_161 = arith.constant 0 : index
      %swap3A_162 = tpu.vector_load %arg10[%swap3A_159, %swap3A_160, %swap3A_161] {strides = array<i32>} : memref<8x16x128xf32, #tpu.memory_space<vmem>>, vector<16xf32>,
      tpu.vector_store %arg10[%swap3A_159, %swap3A_160, %swap3A_161], %gather3A_157 {strides = array<i32>} : memref<8x16x128xf32, #tpu.memory_space<vmem>>, vector<16xf32>,
      %gather3A_163 = tpu.vector_load_idx %arg8[%broadcast_in_dim3A_11, %get3A_140] : memref<8x4096xf32, #tpu.memory_space<vmem>>[vector<16xi32>, vector<16xi32>], vector<16xf32>,
      %swap3A_164 = arith.constant 4 : i32
      %swap3A_165 = arith.index_cast %swap3A_164 : i32 to index
      %swap3A_166 = arith.index_cast %scan3A_135 : i32 to index
      %swap3A_167 = arith.constant 0 : index
      %swap3A_168 = tpu.vector_load %arg10[%swap3A_165, %swap3A_166, %swap3A_167] {strides = array<i32>} : memref<8x16x128xf32, #tpu.memory_space<vmem>>, vector<16xf32>,
      tpu.vector_store %arg10[%swap3A_165, %swap3A_166, %swap3A_167], %gather3A_163 {strides = array<i32>} : memref<8x16x128xf32, #tpu.memory_space<vmem>>, vector<16xf32>,
      %gather3A_169 = tpu.vector_load_idx %arg8[%broadcast_in_dim3A_13, %get3A_140] : memref<8x4096xf32, #tpu.memory_space<vmem>>[vector<16xi32>, vector<16xi32>], vector<16xf32>,
      %swap3A_170 = arith.constant 5 : i32
      %swap3A_171 = arith.index_cast %swap3A_170 : i32 to index
      %swap3A_172 = arith.index_cast %scan3A_135 : i32 to index
      %swap3A_173 = arith.constant 0 : index
      %swap3A_174 = tpu.vector_load %arg10[%swap3A_171, %swap3A_172, %swap3A_173] {strides = array<i32>} : memref<8x16x128xf32, #tpu.memory_space<vmem>>, vector<16xf32>,
      tpu.vector_store %arg10[%swap3A_171, %swap3A_172, %swap3A_173], %gather3A_169 {strides = array<i32>} : memref<8x16x128xf32, #tpu.memory_space<vmem>>, vector<16xf32>,
      %gather3A_175 = tpu.vector_load_idx %arg8[%broadcast_in_dim3A_15, %get3A_140] : memref<8x4096xf32, #tpu.memory_space<vmem>>[vector<16xi32>, vector<16xi32>], vector<16xf32>,
      %swap3A_176 = arith.constant 6 : i32
      %swap3A_177 = arith.index_cast %swap3A_176 : i32 to index
      %swap3A_178 = arith.index_cast %scan3A_135 : i32 to index
      %swap3A_179 = arith.constant 0 : index
      %swap3A_180 = tpu.vector_load %arg10[%swap3A_177, %swap3A_178, %swap3A_179] {strides = array<i32>} : memref<8x16x128xf32, #tpu.memory_space<vmem>>, vector<16xf32>,
      tpu.vector_store %arg10[%swap3A_177, %swap3A_178, %swap3A_179], %gather3A_175 {strides = array<i32>} : memref<8x16x128xf32, #tpu.memory_space<vmem>>, vector<16xf32>,
      %gather3A_181 = tpu.vector_load_idx %arg8[%broadcast_in_dim3A_17, %get3A_140] : memref<8x4096xf32, #tpu.memory_space<vmem>>[vector<16xi32>, vector<16xi32>], vector<16xf32>,
      %swap3A_182 = arith.constant 7 : i32
      %swap3A_183 = arith.index_cast %swap3A_182 : i32 to index
      %swap3A_184 = arith.index_cast %scan3A_135 : i32 to index
      %swap3A_185 = arith.constant 0 : index
      %swap3A_186 = tpu.vector_load %arg10[%swap3A_183, %swap3A_184, %swap3A_185] {strides = array<i32>} : memref<8x16x128xf32, #tpu.memory_space<vmem>>, vector<16xf32>,
      tpu.vector_store %arg10[%swap3A_183, %swap3A_184, %swap3A_185], %gather3A_181 {strides = array<i32>} : memref<8x16x128xf32, #tpu.memory_space<vmem>>, vector<16xf32>,
      %mul3A_187 = arith.constant 128 : i32
      %mul3A_188 = arith.muli %scan3A_135, %mul3A_187 : i32
      %add3A_189 = arith.constant 16 : i32
      %add3A_190 = arith.addi %mul3A_188, %add3A_189 : i32
      %get3A_191 = arith.index_cast %add3A_190 : i32 to index
      %get3A_192 = tpu.vector_load %arg6[%get3A_191] {strides = array<i32>} : memref<2048xi32, #tpu.memory_space<vmem>>, vector<16xi32>,
      %gather3A_193 = tpu.vector_load_idx %arg8[%broadcast_in_dim3A_3, %get3A_192] : memref<8x4096xf32, #tpu.memory_space<vmem>>[vector<16xi32>, vector<16xi32>], vector<16xf32>,
      %swap3A_194 = arith.constant 0 : i32
      %swap3A_195 = arith.index_cast %swap3A_194 : i32 to index
      %swap3A_196 = arith.index_cast %scan3A_135 : i32 to index
      %swap3A_197 = arith.constant 16 : index
      %swap3A_198 = tpu.vector_load %arg10[%swap3A_195, %swap3A_196, %swap3A_197] {strides = array<i32>} : memref<8x16x128xf32, #tpu.memory_space<vmem>>, vector<16xf32>,
      tpu.vector_store %arg10[%swap3A_195, %swap3A_196, %swap3A_197], %gather3A_193 {strides = array<i32>} : memref<8x16x128xf32, #tpu.memory_space<vmem>>, vector<16xf32>,
      %gather3A_199 = tpu.vector_load_idx %arg8[%broadcast_in_dim3A_5, %get3A_192] : memref<8x4096xf32, #tpu.memory_space<vmem>>[vector<16xi32>, vector<16xi32>], vector<16xf32>,
      %swap3A_200 = arith.constant 1 : i32
      %swap3A_201 = arith.index_cast %swap3A_200 : i32 to index
      %swap3A_202 = arith.index_cast %scan3A_135 : i32 to index
      %swap3A_203 = arith.constant 16 : index
      %swap3A_204 = tpu.vector_load %arg10[%swap3A_201, %swap3A_202, %swap3A_203] {strides = array<i32>} : memref<8x16x128xf32, #tpu.memory_space<vmem>>, vector<16xf32>,
      tpu.vector_store %arg10[%swap3A_201, %swap3A_202, %swap3A_203], %gather3A_199 {strides = array<i32>} : memref<8x16x128xf32, #tpu.memory_space<vmem>>, vector<16xf32>,
      %gather3A_205 = tpu.vector_load_idx %arg8[%broadcast_in_dim3A_7, %get3A_192] : memref<8x4096xf32, #tpu.memory_space<vmem>>[vector<16xi32>, vector<16xi32>], vector<16xf32>,
      %swap3A_206 = arith.constant 2 : i32
      %swap3A_207 = arith.index_cast %swap3A_206 : i32 to index
      %swap3A_208 = arith.index_cast %scan3A_135 : i32 to index
      %swap3A_209 = arith.constant 16 : index
      %swap3A_210 = tpu.vector_load %arg10[%swap3A_207, %swap3A_208, %swap3A_209] {strides = array<i32>} : memref<8x16x128xf32, #tpu.memory_space<vmem>>, vector<16xf32>,
      tpu.vector_store %arg10[%swap3A_207, %swap3A_208, %swap3A_209], %gather3A_205 {strides = array<i32>} : memref<8x16x128xf32, #tpu.memory_space<vmem>>, vector<16xf32>,
      %gather3A_211 = tpu.vector_load_idx %arg8[%broadcast_in_dim3A_9, %get3A_192] : memref<8x4096xf32, #tpu.memory_space<vmem>>[vector<16xi32>, vector<16xi32>], vector<16xf32>,
      %swap3A_212 = arith.constant 3 : i32
      %swap3A_213 = arith.index_cast %swap3A_212 : i32 to index
      %swap3A_214 = arith.index_cast %scan3A_135 : i32 to index
      %swap3A_215 = arith.constant 16 : index
      %swap3A_216 = tpu.vector_load %arg10[%swap3A_213, %swap3A_214, %swap3A_215] {strides = array<i32>} : memref<8x16x128xf32, #tpu.memory_space<vmem>>, vector<16xf32>,
      tpu.vector_store %arg10[%swap3A_213, %swap3A_214, %swap3A_215], %gather3A_211 {strides = array<i32>} : memref<8x16x128xf32, #tpu.memory_space<vmem>>, vector<16xf32>,
      %gather3A_217 = tpu.vector_load_idx %arg8[%broadcast_in_dim3A_11, %get3A_192] : memref<8x4096xf32, #tpu.memory_space<vmem>>[vector<16xi32>, vector<16xi32>], vector<16xf32>,
      %swap3A_218 = arith.constant 4 : i32
      %swap3A_219 = arith.index_cast %swap3A_218 : i32 to index
      %swap3A_220 = arith.index_cast %scan3A_135 : i32 to index
      %swap3A_221 = arith.constant 16 : index
      %swap3A_222 = tpu.vector_load %arg10[%swap3A_219, %swap3A_220, %swap3A_221] {strides = array<i32>} : memref<8x16x128xf32, #tpu.memory_space<vmem>>, vector<16xf32>,
      tpu.vector_store %arg10[%swap3A_219, %swap3A_220, %swap3A_221], %gather3A_217 {strides = array<i32>} : memref<8x16x128xf32, #tpu.memory_space<vmem>>, vector<16xf32>,
      %gather3A_223 = tpu.vector_load_idx %arg8[%broadcast_in_dim3A_13, %get3A_192] : memref<8x4096xf32, #tpu.memory_space<vmem>>[vector<16xi32>, vector<16xi32>], vector<16xf32>,
      %swap3A_224 = arith.constant 5 : i32
      %swap3A_225 = arith.index_cast %swap3A_224 : i32 to index
      %swap3A_226 = arith.index_cast %scan3A_135 : i32 to index
      %swap3A_227 = arith.constant 16 : index
      %swap3A_228 = tpu.vector_load %arg10[%swap3A_225, %swap3A_226, %swap3A_227] {strides = array<i32>} : memref<8x16x128xf32, #tpu.memory_space<vmem>>, vector<16xf32>,
      tpu.vector_store %arg10[%swap3A_225, %swap3A_226, %swap3A_227], %gather3A_223 {strides = array<i32>} : memref<8x16x128xf32, #tpu.memory_space<vmem>>, vector<16xf32>,
      %gather3A_229 = tpu.vector_load_idx %arg8[%broadcast_in_dim3A_15, %get3A_192] : memref<8x4096xf32, #tpu.memory_space<vmem>>[vector<16xi32>, vector<16xi32>], vector<16xf32>,
      %swap3A_230 = arith.constant 6 : i32
      %swap3A_231 = arith.index_cast %swap3A_230 : i32 to index
      %swap3A_232 = arith.index_cast %scan3A_135 : i32 to index
      %swap3A_233 = arith.constant 16 : index
      %swap3A_234 = tpu.vector_load %arg10[%swap3A_231, %swap3A_232, %swap3A_233] {strides = array<i32>} : memref<8x16x128xf32, #tpu.memory_space<vmem>>, vector<16xf32>,
      tpu.vector_store %arg10[%swap3A_231, %swap3A_232, %swap3A_233], %gather3A_229 {strides = array<i32>} : memref<8x16x128xf32, #tpu.memory_space<vmem>>, vector<16xf32>,
      %gather3A_235 = tpu.vector_load_idx %arg8[%broadcast_in_dim3A_17, %get3A_192] : memref<8x4096xf32, #tpu.memory_space<vmem>>[vector<16xi32>, vector<16xi32>], vector<16xf32>,
      %swap3A_236 = arith.constant 7 : i32
      %swap3A_237 = arith.index_cast %swap3A_236 : i32 to index
      %swap3A_238 = arith.index_cast %scan3A_135 : i32 to index
      %swap3A_239 = arith.constant 16 : index
      %swap3A_240 = tpu.vector_load %arg10[%swap3A_237, %swap3A_238, %swap3A_239] {strides = array<i32>} : memref<8x16x128xf32, #tpu.memory_space<vmem>>, vector<16xf32>,
      tpu.vector_store %arg10[%swap3A_237, %swap3A_238, %swap3A_239], %gather3A_235 {strides = array<i32>} : memref<8x16x128xf32, #tpu.memory_space<vmem>>, vector<16xf32>,
      %mul3A_241 = arith.constant 128 : i32
      %mul3A_242 = arith.muli %scan3A_135, %mul3A_241 : i32
      %add3A_243 = arith.constant 32 : i32
      %add3A_244 = arith.addi %mul3A_242, %add3A_243 : i32
      %get3A_245 = arith.index_cast %add3A_244 : i32 to index
      %get3A_246 = tpu.vector_load %arg6[%get3A_245] {strides = array<i32>} : memref<2048xi32, #tpu.memory_space<vmem>>, vector<16xi32>,
      %gather3A_247 = tpu.vector_load_idx %arg8[%broadcast_in_dim3A_3, %get3A_246] : memref<8x4096xf32, #tpu.memory_space<vmem>>[vector<16xi32>, vector<16xi32>], vector<16xf32>,
      %swap3A_248 = arith.constant 0 : i32
      %swap3A_249 = arith.index_cast %swap3A_248 : i32 to index
      %swap3A_250 = arith.index_cast %scan3A_135 : i32 to index
      %swap3A_251 = arith.constant 32 : index
      %swap3A_252 = tpu.vector_load %arg10[%swap3A_249, %swap3A_250, %swap3A_251] {strides = array<i32>} : memref<8x16x128xf32, #tpu.memory_space<vmem>>, vector<16xf32>,
      tpu.vector_store %arg10[%swap3A_249, %swap3A_250, %swap3A_251], %gather3A_247 {strides = array<i32>} : memref<8x16x128xf32, #tpu.memory_space<vmem>>, vector<16xf32>,
      %gather3A_253 = tpu.vector_load_idx %arg8[%broadcast_in_dim3A_5, %get3A_246] : memref<8x4096xf32, #tpu.memory_space<vmem>>[vector<16xi32>, vector<16xi32>], vector<16xf32>,
      %swap3A_254 = arith.constant 1 : i32
      %swap3A_255 = arith.index_cast %swap3A_254 : i32 to index
      %swap3A_256 = arith.index_cast %scan3A_135 : i32 to index
      %swap3A_257 = arith.constant 32 : index
      %swap3A_258 = tpu.vector_load %arg10[%swap3A_255, %swap3A_256, %swap3A_257] {strides = array<i32>} : memref<8x16x128xf32, #tpu.memory_space<vmem>>, vector<16xf32>,
      tpu.vector_store %arg10[%swap3A_255, %swap3A_256, %swap3A_257], %gather3A_253 {strides = array<i32>} : memref<8x16x128xf32, #tpu.memory_space<vmem>>, vector<16xf32>,
      %gather3A_259 = tpu.vector_load_idx %arg8[%broadcast_in_dim3A_7, %get3A_246] : memref<8x4096xf32, #tpu.memory_space<vmem>>[vector<16xi32>, vector<16xi32>], vector<16xf32>,
      %swap3A_260 = arith.constant 2 : i32
      %swap3A_261 = arith.index_cast %swap3A_260 : i32 to index
      %swap3A_262 = arith.index_cast %scan3A_135 : i32 to index
      %swap3A_263 = arith.constant 32 : index
      %swap3A_264 = tpu.vector_load %arg10[%swap3A_261, %swap3A_262, %swap3A_263] {strides = array<i32>} : memref<8x16x128xf32, #tpu.memory_space<vmem>>, vector<16xf32>,
      tpu.vector_store %arg10[%swap3A_261, %swap3A_262, %swap3A_263], %gather3A_259 {strides = array<i32>} : memref<8x16x128xf32, #tpu.memory_space<vmem>>, vector<16xf32>,
      %gather3A_265 = tpu.vector_load_idx %arg8[%broadcast_in_dim3A_9, %get3A_246] : memref<8x4096xf32, #tpu.memory_space<vmem>>[vector<16xi32>, vector<16xi32>], vector<16xf32>,
      %swap3A_266 = arith.constant 3 : i32
      %swap3A_267 = arith.index_cast %swap3A_266 : i32 to index
      %swap3A_268 = arith.index_cast %scan3A_135 : i32 to index
      %swap3A_269 = arith.constant 32 : index
      %swap3A_270 = tpu.vector_load %arg10[%swap3A_267, %swap3A_268, %swap3A_269] {strides = array<i32>} : memref<8x16x128xf32, #tpu.memory_space<vmem>>, vector<16xf32>,
      tpu.vector_store %arg10[%swap3A_267, %swap3A_268, %swap3A_269], %gather3A_265 {strides = array<i32>} : memref<8x16x128xf32, #tpu.memory_space<vmem>>, vector<16xf32>,
      %gather3A_271 = tpu.vector_load_idx %arg8[%broadcast_in_dim3A_11, %get3A_246] : memref<8x4096xf32, #tpu.memory_space<vmem>>[vector<16xi32>, vector<16xi32>], vector<16xf32>,
      %swap3A_272 = arith.constant 4 : i32
      %swap3A_273 = arith.index_cast %swap3A_272 : i32 to index
      %swap3A_274 = arith.index_cast %scan3A_135 : i32 to index
      %swap3A_275 = arith.constant 32 : index
      %swap3A_276 = tpu.vector_load %arg10[%swap3A_273, %swap3A_274, %swap3A_275] {strides = array<i32>} : memref<8x16x128xf32, #tpu.memory_space<vmem>>, vector<16xf32>,
      tpu.vector_store %arg10[%swap3A_273, %swap3A_274, %swap3A_275], %gather3A_271 {strides = array<i32>} : memref<8x16x128xf32, #tpu.memory_space<vmem>>, vector<16xf32>,
      %gather3A_277 = tpu.vector_load_idx %arg8[%broadcast_in_dim3A_13, %get3A_246] : memref<8x4096xf32, #tpu.memory_space<vmem>>[vector<16xi32>, vector<16xi32>], vector<16xf32>,
      %swap3A_278 = arith.constant 5 : i32
      %swap3A_279 = arith.index_cast %swap3A_278 : i32 to index
      %swap3A_280 = arith.index_cast %scan3A_135 : i32 to index
      %swap3A_281 = arith.constant 32 : index
      %swap3A_282 = tpu.vector_load %arg10[%swap3A_279, %swap3A_280, %swap3A_281] {strides = array<i32>} : memref<8x16x128xf32, #tpu.memory_space<vmem>>, vector<16xf32>,
      tpu.vector_store %arg10[%swap3A_279, %swap3A_280, %swap3A_281], %gather3A_277 {strides = array<i32>} : memref<8x16x128xf32, #tpu.memory_space<vmem>>, vector<16xf32>,
      %gather3A_283 = tpu.vector_load_idx %arg8[%broadcast_in_dim3A_15, %get3A_246] : memref<8x4096xf32, #tpu.memory_space<vmem>>[vector<16xi32>, vector<16xi32>], vector<16xf32>,
      %swap3A_284 = arith.constant 6 : i32
      %swap3A_285 = arith.index_cast %swap3A_284 : i32 to index
      %swap3A_286 = arith.index_cast %scan3A_135 : i32 to index
      %swap3A_287 = arith.constant 32 : index
      %swap3A_288 = tpu.vector_load %arg10[%swap3A_285, %swap3A_286, %swap3A_287] {strides = array<i32>} : memref<8x16x128xf32, #tpu.memory_space<vmem>>, vector<16xf32>,
      tpu.vector_store %arg10[%swap3A_285, %swap3A_286, %swap3A_287], %gather3A_283 {strides = array<i32>} : memref<8x16x128xf32, #tpu.memory_space<vmem>>, vector<16xf32>,
      %gather3A_289 = tpu.vector_load_idx %arg8[%broadcast_in_dim3A_17, %get3A_246] : memref<8x4096xf32, #tpu.memory_space<vmem>>[vector<16xi32>, vector<16xi32>], vector<16xf32>,
      %swap3A_290 = arith.constant 7 : i32
      %swap3A_291 = arith.index_cast %swap3A_290 : i32 to index
      %swap3A_292 = arith.index_cast %scan3A_135 : i32 to index
      %swap3A_293 = arith.constant 32 : index
      %swap3A_294 = tpu.vector_load %arg10[%swap3A_291, %swap3A_292, %swap3A_293] {strides = array<i32>} : memref<8x16x128xf32, #tpu.memory_space<vmem>>, vector<16xf32>,
      tpu.vector_store %arg10[%swap3A_291, %swap3A_292, %swap3A_293], %gather3A_289 {strides = array<i32>} : memref<8x16x128xf32, #tpu.memory_space<vmem>>, vector<16xf32>,
      %mul3A_295 = arith.constant 128 : i32
      %mul3A_296 = arith.muli %scan3A_135, %mul3A_295 : i32
      %add3A_297 = arith.constant 48 : i32
      %add3A_298 = arith.addi %mul3A_296, %add3A_297 : i32
      %get3A_299 = arith.index_cast %add3A_298 : i32 to index
      %get3A_300 = tpu.vector_load %arg6[%get3A_299] {strides = array<i32>} : memref<2048xi32, #tpu.memory_space<vmem>>, vector<16xi32>,
      %gather3A_301 = tpu.vector_load_idx %arg8[%broadcast_in_dim3A_3, %get3A_300] : memref<8x4096xf32, #tpu.memory_space<vmem>>[vector<16xi32>, vector<16xi32>], vector<16xf32>,
      %swap3A_302 = arith.constant 0 : i32
      %swap3A_303 = arith.index_cast %swap3A_302 : i32 to index
      %swap3A_304 = arith.index_cast %scan3A_135 : i32 to index
      %swap3A_305 = arith.constant 48 : index
      %swap3A_306 = tpu.vector_load %arg10[%swap3A_303, %swap3A_304, %swap3A_305] {strides = array<i32>} : memref<8x16x128xf32, #tpu.memory_space<vmem>>, vector<16xf32>,
      tpu.vector_store %arg10[%swap3A_303, %swap3A_304, %swap3A_305], %gather3A_301 {strides = array<i32>} : memref<8x16x128xf32, #tpu.memory_space<vmem>>, vector<16xf32>,
      %gather3A_307 = tpu.vector_load_idx %arg8[%broadcast_in_dim3A_5, %get3A_300] : memref<8x4096xf32, #tpu.memory_space<vmem>>[vector<16xi32>, vector<16xi32>], vector<16xf32>,
      %swap3A_308 = arith.constant 1 : i32
      %swap3A_309 = arith.index_cast %swap3A_308 : i32 to index
      %swap3A_310 = arith.index_cast %scan3A_135 : i32 to index
      %swap3A_311 = arith.constant 48 : index
      %swap3A_312 = tpu.vector_load %arg10[%swap3A_309, %swap3A_310, %swap3A_311] {strides = array<i32>} : memref<8x16x128xf32, #tpu.memory_space<vmem>>, vector<16xf32>,
      tpu.vector_store %arg10[%swap3A_309, %swap3A_310, %swap3A_311], %gather3A_307 {strides = array<i32>} : memref<8x16x128xf32, #tpu.memory_space<vmem>>, vector<16xf32>,
      %gather3A_313 = tpu.vector_load_idx %arg8[%broadcast_in_dim3A_7, %get3A_300] : memref<8x4096xf32, #tpu.memory_space<vmem>>[vector<16xi32>, vector<16xi32>], vector<16xf32>,
      %swap3A_314 = arith.constant 2 : i32
      %swap3A_315 = arith.index_cast %swap3A_314 : i32 to index
      %swap3A_316 = arith.index_cast %scan3A_135 : i32 to index
      %swap3A_317 = arith.constant 48 : index
      %swap3A_318 = tpu.vector_load %arg10[%swap3A_315, %swap3A_316, %swap3A_317] {strides = array<i32>} : memref<8x16x128xf32, #tpu.memory_space<vmem>>, vector<16xf32>,
      tpu.vector_store %arg10[%swap3A_315, %swap3A_316, %swap3A_317], %gather3A_313 {strides = array<i32>} : memref<8x16x128xf32, #tpu.memory_space<vmem>>, vector<16xf32>,
      %gather3A_319 = tpu.vector_load_idx %arg8[%broadcast_in_dim3A_9, %get3A_300] : memref<8x4096xf32, #tpu.memory_space<vmem>>[vector<16xi32>, vector<16xi32>], vector<16xf32>,
      %swap3A_320 = arith.constant 3 : i32
      %swap3A_321 = arith.index_cast %swap3A_320 : i32 to index
      %swap3A_322 = arith.index_cast %scan3A_135 : i32 to index
      %swap3A_323 = arith.constant 48 : index
      %swap3A_324 = tpu.vector_load %arg10[%swap3A_321, %swap3A_322, %swap3A_323] {strides = array<i32>} : memref<8x16x128xf32, #tpu.memory_space<vmem>>, vector<16xf32>,
      tpu.vector_store %arg10[%swap3A_321, %swap3A_322, %swap3A_323], %gather3A_319 {strides = array<i32>} : memref<8x16x128xf32, #tpu.memory_space<vmem>>, vector<16xf32>,
      %gather3A_325 = tpu.vector_load_idx %arg8[%broadcast_in_dim3A_11, %get3A_300] : memref<8x4096xf32, #tpu.memory_space<vmem>>[vector<16xi32>, vector<16xi32>], vector<16xf32>,
      %swap3A_326 = arith.constant 4 : i32
      %swap3A_327 = arith.index_cast %swap3A_326 : i32 to index
      %swap3A_328 = arith.index_cast %scan3A_135 : i32 to index
      %swap3A_329 = arith.constant 48 : index
      %swap3A_330 = tpu.vector_load %arg10[%swap3A_327, %swap3A_328, %swap3A_329] {strides = array<i32>} : memref<8x16x128xf32, #tpu.memory_space<vmem>>, vector<16xf32>,
      tpu.vector_store %arg10[%swap3A_327, %swap3A_328, %swap3A_329], %gather3A_325 {strides = array<i32>} : memref<8x16x128xf32, #tpu.memory_space<vmem>>, vector<16xf32>,
      %gather3A_331 = tpu.vector_load_idx %arg8[%broadcast_in_dim3A_13, %get3A_300] : memref<8x4096xf32, #tpu.memory_space<vmem>>[vector<16xi32>, vector<16xi32>], vector<16xf32>,
      %swap3A_332 = arith.constant 5 : i32
      %swap3A_333 = arith.index_cast %swap3A_332 : i32 to index
      %swap3A_334 = arith.index_cast %scan3A_135 : i32 to index
      %swap3A_335 = arith.constant 48 : index
      %swap3A_336 = tpu.vector_load %arg10[%swap3A_333, %swap3A_334, %swap3A_335] {strides = array<i32>} : memref<8x16x128xf32, #tpu.memory_space<vmem>>, vector<16xf32>,
      tpu.vector_store %arg10[%swap3A_333, %swap3A_334, %swap3A_335], %gather3A_331 {strides = array<i32>} : memref<8x16x128xf32, #tpu.memory_space<vmem>>, vector<16xf32>,
      %gather3A_337 = tpu.vector_load_idx %arg8[%broadcast_in_dim3A_15, %get3A_300] : memref<8x4096xf32, #tpu.memory_space<vmem>>[vector<16xi32>, vector<16xi32>], vector<16xf32>,
      %swap3A_338 = arith.constant 6 : i32
      %swap3A_339 = arith.index_cast %swap3A_338 : i32 to index
      %swap3A_340 = arith.index_cast %scan3A_135 : i32 to index
      %swap3A_341 = arith.constant 48 : index
      %swap3A_342 = tpu.vector_load %arg10[%swap3A_339, %swap3A_340, %swap3A_341] {strides = array<i32>} : memref<8x16x128xf32, #tpu.memory_space<vmem>>, vector<16xf32>,
      tpu.vector_store %arg10[%swap3A_339, %swap3A_340, %swap3A_341], %gather3A_337 {strides = array<i32>} : memref<8x16x128xf32, #tpu.memory_space<vmem>>, vector<16xf32>,
      %gather3A_343 = tpu.vector_load_idx %arg8[%broadcast_in_dim3A_17, %get3A_300] : memref<8x4096xf32, #tpu.memory_space<vmem>>[vector<16xi32>, vector<16xi32>], vector<16xf32>,
      %swap3A_344 = arith.constant 7 : i32
      %swap3A_345 = arith.index_cast %swap3A_344 : i32 to index
      %swap3A_346 = arith.index_cast %scan3A_135 : i32 to index
      %swap3A_347 = arith.constant 48 : index
      %swap3A_348 = tpu.vector_load %arg10[%swap3A_345, %swap3A_346, %swap3A_347] {strides = array<i32>} : memref<8x16x128xf32, #tpu.memory_space<vmem>>, vector<16xf32>,
      tpu.vector_store %arg10[%swap3A_345, %swap3A_346, %swap3A_347], %gather3A_343 {strides = array<i32>} : memref<8x16x128xf32, #tpu.memory_space<vmem>>, vector<16xf32>,
      %mul3A_349 = arith.constant 128 : i32
      %mul3A_350 = arith.muli %scan3A_135, %mul3A_349 : i32
      %add3A_351 = arith.constant 64 : i32
      %add3A_352 = arith.addi %mul3A_350, %add3A_351 : i32
      %get3A_353 = arith.index_cast %add3A_352 : i32 to index
      %get3A_354 = tpu.vector_load %arg6[%get3A_353] {strides = array<i32>} : memref<2048xi32, #tpu.memory_space<vmem>>, vector<16xi32>,
      %gather3A_355 = tpu.vector_load_idx %arg8[%broadcast_in_dim3A_3, %get3A_354] : memref<8x4096xf32, #tpu.memory_space<vmem>>[vector<16xi32>, vector<16xi32>], vector<16xf32>,
      %swap3A_356 = arith.constant 0 : i32
      %swap3A_357 = arith.index_cast %swap3A_356 : i32 to index
      %swap3A_358 = arith.index_cast %scan3A_135 : i32 to index
      %swap3A_359 = arith.constant 64 : index
      %swap3A_360 = tpu.vector_load %arg10[%swap3A_357, %swap3A_358, %swap3A_359] {strides = array<i32>} : memref<8x16x128xf32, #tpu.memory_space<vmem>>, vector<16xf32>,
      tpu.vector_store %arg10[%swap3A_357, %swap3A_358, %swap3A_359], %gather3A_355 {strides = array<i32>} : memref<8x16x128xf32, #tpu.memory_space<vmem>>, vector<16xf32>,
      %gather3A_361 = tpu.vector_load_idx %arg8[%broadcast_in_dim3A_5, %get3A_354] : memref<8x4096xf32, #tpu.memory_space<vmem>>[vector<16xi32>, vector<16xi32>], vector<16xf32>,
      %swap3A_362 = arith.constant 1 : i32
      %swap3A_363 = arith.index_cast %swap3A_362 : i32 to index
      %swap3A_364 = arith.index_cast %scan3A_135 : i32 to index
      %swap3A_365 = arith.constant 64 : index
      %swap3A_366 = tpu.vector_load %arg10[%swap3A_363, %swap3A_364, %swap3A_365] {strides = array<i32>} : memref<8x16x128xf32, #tpu.memory_space<vmem>>, vector<16xf32>,
      tpu.vector_store %arg10[%swap3A_363, %swap3A_364, %swap3A_365], %gather3A_361 {strides = array<i32>} : memref<8x16x128xf32, #tpu.memory_space<vmem>>, vector<16xf32>,
      %gather3A_367 = tpu.vector_load_idx %arg8[%broadcast_in_dim3A_7, %get3A_354] : memref<8x4096xf32, #tpu.memory_space<vmem>>[vector<16xi32>, vector<16xi32>], vector<16xf32>,
      %swap3A_368 = arith.constant 2 : i32
      %swap3A_369 = arith.index_cast %swap3A_368 : i32 to index
      %swap3A_370 = arith.index_cast %scan3A_135 : i32 to index
      %swap3A_371 = arith.constant 64 : index
      %swap3A_372 = tpu.vector_load %arg10[%swap3A_369, %swap3A_370, %swap3A_371] {strides = array<i32>} : memref<8x16x128xf32, #tpu.memory_space<vmem>>, vector<16xf32>,
      tpu.vector_store %arg10[%swap3A_369, %swap3A_370, %swap3A_371], %gather3A_367 {strides = array<i32>} : memref<8x16x128xf32, #tpu.memory_space<vmem>>, vector<16xf32>,
      %gather3A_373 = tpu.vector_load_idx %arg8[%broadcast_in_dim3A_9, %get3A_354] : memref<8x4096xf32, #tpu.memory_space<vmem>>[vector<16xi32>, vector<16xi32>], vector<16xf32>,
      %swap3A_374 = arith.constant 3 : i32
      %swap3A_375 = arith.index_cast %swap3A_374 : i32 to index
      %swap3A_376 = arith.index_cast %scan3A_135 : i32 to index
      %swap3A_377 = arith.constant 64 : index
      %swap3A_378 = tpu.vector_load %arg10[%swap3A_375, %swap3A_376, %swap3A_377] {strides = array<i32>} : memref<8x16x128xf32, #tpu.memory_space<vmem>>, vector<16xf32>,
      tpu.vector_store %arg10[%swap3A_375, %swap3A_376, %swap3A_377], %gather3A_373 {strides = array<i32>} : memref<8x16x128xf32, #tpu.memory_space<vmem>>, vector<16xf32>,
      %gather3A_379 = tpu.vector_load_idx %arg8[%broadcast_in_dim3A_11, %get3A_354] : memref<8x4096xf32, #tpu.memory_space<vmem>>[vector<16xi32>, vector<16xi32>], vector<16xf32>,
      %swap3A_380 = arith.constant 4 : i32
      %swap3A_381 = arith.index_cast %swap3A_380 : i32 to index
      %swap3A_382 = arith.index_cast %scan3A_135 : i32 to index
      %swap3A_383 = arith.constant 64 : index
      %swap3A_384 = tpu.vector_load %arg10[%swap3A_381, %swap3A_382, %swap3A_383] {strides = array<i32>} : memref<8x16x128xf32, #tpu.memory_space<vmem>>, vector<16xf32>,
      tpu.vector_store %arg10[%swap3A_381, %swap3A_382, %swap3A_383], %gather3A_379 {strides = array<i32>} : memref<8x16x128xf32, #tpu.memory_space<vmem>>, vector<16xf32>,
      %gather3A_385 = tpu.vector_load_idx %arg8[%broadcast_in_dim3A_13, %get3A_354] : memref<8x4096xf32, #tpu.memory_space<vmem>>[vector<16xi32>, vector<16xi32>], vector<16xf32>,
      %swap3A_386 = arith.constant 5 : i32
      %swap3A_387 = arith.index_cast %swap3A_386 : i32 to index
      %swap3A_388 = arith.index_cast %scan3A_135 : i32 to index
      %swap3A_389 = arith.constant 64 : index
      %swap3A_390 = tpu.vector_load %arg10[%swap3A_387, %swap3A_388, %swap3A_389] {strides = array<i32>} : memref<8x16x128xf32, #tpu.memory_space<vmem>>, vector<16xf32>,
      tpu.vector_store %arg10[%swap3A_387, %swap3A_388, %swap3A_389], %gather3A_385 {strides = array<i32>} : memref<8x16x128xf32, #tpu.memory_space<vmem>>, vector<16xf32>,
      %gather3A_391 = tpu.vector_load_idx %arg8[%broadcast_in_dim3A_15, %get3A_354] : memref<8x4096xf32, #tpu.memory_space<vmem>>[vector<16xi32>, vector<16xi32>], vector<16xf32>,
      %swap3A_392 = arith.constant 6 : i32
      %swap3A_393 = arith.index_cast %swap3A_392 : i32 to index
      %swap3A_394 = arith.index_cast %scan3A_135 : i32 to index
      %swap3A_395 = arith.constant 64 : index
      %swap3A_396 = tpu.vector_load %arg10[%swap3A_393, %swap3A_394, %swap3A_395] {strides = array<i32>} : memref<8x16x128xf32, #tpu.memory_space<vmem>>, vector<16xf32>,
      tpu.vector_store %arg10[%swap3A_393, %swap3A_394, %swap3A_395], %gather3A_391 {strides = array<i32>} : memref<8x16x128xf32, #tpu.memory_space<vmem>>, vector<16xf32>,
      %gather3A_397 = tpu.vector_load_idx %arg8[%broadcast_in_dim3A_17, %get3A_354] : memref<8x4096xf32, #tpu.memory_space<vmem>>[vector<16xi32>, vector<16xi32>], vector<16xf32>,
      %swap3A_398 = arith.constant 7 : i32
      %swap3A_399 = arith.index_cast %swap3A_398 : i32 to index
      %swap3A_400 = arith.index_cast %scan3A_135 : i32 to index
      %swap3A_401 = arith.constant 64 : index
      %swap3A_402 = tpu.vector_load %arg10[%swap3A_399, %swap3A_400, %swap3A_401] {strides = array<i32>} : memref<8x16x128xf32, #tpu.memory_space<vmem>>, vector<16xf32>,
      tpu.vector_store %arg10[%swap3A_399, %swap3A_400, %swap3A_401], %gather3A_397 {strides = array<i32>} : memref<8x16x128xf32, #tpu.memory_space<vmem>>, vector<16xf32>,
      %mul3A_403 = arith.constant 128 : i32
      %mul3A_404 = arith.muli %scan3A_135, %mul3A_403 : i32
      %add3A_405 = arith.constant 80 : i32
      %add3A_406 = arith.addi %mul3A_404, %add3A_405 : i32
      %get3A_407 = arith.index_cast %add3A_406 : i32 to index
      %get3A_408 = tpu.vector_load %arg6[%get3A_407] {strides = array<i32>} : memref<2048xi32, #tpu.memory_space<vmem>>, vector<16xi32>,
      %gather3A_409 = tpu.vector_load_idx %arg8[%broadcast_in_dim3A_3, %get3A_408] : memref<8x4096xf32, #tpu.memory_space<vmem>>[vector<16xi32>, vector<16xi32>], vector<16xf32>,
      %swap3A_410 = arith.constant 0 : i32
      %swap3A_411 = arith.index_cast %swap3A_410 : i32 to index
      %swap3A_412 = arith.index_cast %scan3A_135 : i32 to index
      %swap3A_413 = arith.constant 80 : index
      %swap3A_414 = tpu.vector_load %arg10[%swap3A_411, %swap3A_412, %swap3A_413] {strides = array<i32>} : memref<8x16x128xf32, #tpu.memory_space<vmem>>, vector<16xf32>,
      tpu.vector_store %arg10[%swap3A_411, %swap3A_412, %swap3A_413], %gather3A_409 {strides = array<i32>} : memref<8x16x128xf32, #tpu.memory_space<vmem>>, vector<16xf32>,
      %gather3A_415 = tpu.vector_load_idx %arg8[%broadcast_in_dim3A_5, %get3A_408] : memref<8x4096xf32, #tpu.memory_space<vmem>>[vector<16xi32>, vector<16xi32>], vector<16xf32>,
      %swap3A_416 = arith.constant 1 : i32
      %swap3A_417 = arith.index_cast %swap3A_416 : i32 to index
      %swap3A_418 = arith.index_cast %scan3A_135 : i32 to index
      %swap3A_419 = arith.constant 80 : index
      %swap3A_420 = tpu.vector_load %arg10[%swap3A_417, %swap3A_418, %swap3A_419] {strides = array<i32>} : memref<8x16x128xf32, #tpu.memory_space<vmem>>, vector<16xf32>,
      tpu.vector_store %arg10[%swap3A_417, %swap3A_418, %swap3A_419], %gather3A_415 {strides = array<i32>} : memref<8x16x128xf32, #tpu.memory_space<vmem>>, vector<16xf32>,
      %gather3A_421 = tpu.vector_load_idx %arg8[%broadcast_in_dim3A_7, %get3A_408] : memref<8x4096xf32, #tpu.memory_space<vmem>>[vector<16xi32>, vector<16xi32>], vector<16xf32>,
      %swap3A_422 = arith.constant 2 : i32
      %swap3A_423 = arith.index_cast %swap3A_422 : i32 to index
      %swap3A_424 = arith.index_cast %scan3A_135 : i32 to index
      %swap3A_425 = arith.constant 80 : index
      %swap3A_426 = tpu.vector_load %arg10[%swap3A_423, %swap3A_424, %swap3A_425] {strides = array<i32>} : memref<8x16x128xf32, #tpu.memory_space<vmem>>, vector<16xf32>,
      tpu.vector_store %arg10[%swap3A_423, %swap3A_424, %swap3A_425], %gather3A_421 {strides = array<i32>} : memref<8x16x128xf32, #tpu.memory_space<vmem>>, vector<16xf32>,
      %gather3A_427 = tpu.vector_load_idx %arg8[%broadcast_in_dim3A_9, %get3A_408] : memref<8x4096xf32, #tpu.memory_space<vmem>>[vector<16xi32>, vector<16xi32>], vector<16xf32>,
      %swap3A_428 = arith.constant 3 : i32
      %swap3A_429 = arith.index_cast %swap3A_428 : i32 to index
      %swap3A_430 = arith.index_cast %scan3A_135 : i32 to index
      %swap3A_431 = arith.constant 80 : index
      %swap3A_432 = tpu.vector_load %arg10[%swap3A_429, %swap3A_430, %swap3A_431] {strides = array<i32>} : memref<8x16x128xf32, #tpu.memory_space<vmem>>, vector<16xf32>,
      tpu.vector_store %arg10[%swap3A_429, %swap3A_430, %swap3A_431], %gather3A_427 {strides = array<i32>} : memref<8x16x128xf32, #tpu.memory_space<vmem>>, vector<16xf32>,
      %gather3A_433 = tpu.vector_load_idx %arg8[%broadcast_in_dim3A_11, %get3A_408] : memref<8x4096xf32, #tpu.memory_space<vmem>>[vector<16xi32>, vector<16xi32>], vector<16xf32>,
      %swap3A_434 = arith.constant 4 : i32
      %swap3A_435 = arith.index_cast %swap3A_434 : i32 to index
      %swap3A_436 = arith.index_cast %scan3A_135 : i32 to index
      %swap3A_437 = arith.constant 80 : index
      %swap3A_438 = tpu.vector_load %arg10[%swap3A_435, %swap3A_436, %swap3A_437] {strides = array<i32>} : memref<8x16x128xf32, #tpu.memory_space<vmem>>, vector<16xf32>,
      tpu.vector_store %arg10[%swap3A_435, %swap3A_436, %swap3A_437], %gather3A_433 {strides = array<i32>} : memref<8x16x128xf32, #tpu.memory_space<vmem>>, vector<16xf32>,
      %gather3A_439 = tpu.vector_load_idx %arg8[%broadcast_in_dim3A_13, %get3A_408] : memref<8x4096xf32, #tpu.memory_space<vmem>>[vector<16xi32>, vector<16xi32>], vector<16xf32>,
      %swap3A_440 = arith.constant 5 : i32
      %swap3A_441 = arith.index_cast %swap3A_440 : i32 to index
      %swap3A_442 = arith.index_cast %scan3A_135 : i32 to index
      %swap3A_443 = arith.constant 80 : index
      %swap3A_444 = tpu.vector_load %arg10[%swap3A_441, %swap3A_442, %swap3A_443] {strides = array<i32>} : memref<8x16x128xf32, #tpu.memory_space<vmem>>, vector<16xf32>,
      tpu.vector_store %arg10[%swap3A_441, %swap3A_442, %swap3A_443], %gather3A_439 {strides = array<i32>} : memref<8x16x128xf32, #tpu.memory_space<vmem>>, vector<16xf32>,
      %gather3A_445 = tpu.vector_load_idx %arg8[%broadcast_in_dim3A_15, %get3A_408] : memref<8x4096xf32, #tpu.memory_space<vmem>>[vector<16xi32>, vector<16xi32>], vector<16xf32>,
      %swap3A_446 = arith.constant 6 : i32
      %swap3A_447 = arith.index_cast %swap3A_446 : i32 to index
      %swap3A_448 = arith.index_cast %scan3A_135 : i32 to index
      %swap3A_449 = arith.constant 80 : index
      %swap3A_450 = tpu.vector_load %arg10[%swap3A_447, %swap3A_448, %swap3A_449] {strides = array<i32>} : memref<8x16x128xf32, #tpu.memory_space<vmem>>, vector<16xf32>,
      tpu.vector_store %arg10[%swap3A_447, %swap3A_448, %swap3A_449], %gather3A_445 {strides = array<i32>} : memref<8x16x128xf32, #tpu.memory_space<vmem>>, vector<16xf32>,
      %gather3A_451 = tpu.vector_load_idx %arg8[%broadcast_in_dim3A_17, %get3A_408] : memref<8x4096xf32, #tpu.memory_space<vmem>>[vector<16xi32>, vector<16xi32>], vector<16xf32>,
      %swap3A_452 = arith.constant 7 : i32
      %swap3A_453 = arith.index_cast %swap3A_452 : i32 to index
      %swap3A_454 = arith.index_cast %scan3A_135 : i32 to index
      %swap3A_455 = arith.constant 80 : index
      %swap3A_456 = tpu.vector_load %arg10[%swap3A_453, %swap3A_454, %swap3A_455] {strides = array<i32>} : memref<8x16x128xf32, #tpu.memory_space<vmem>>, vector<16xf32>,
      tpu.vector_store %arg10[%swap3A_453, %swap3A_454, %swap3A_455], %gather3A_451 {strides = array<i32>} : memref<8x16x128xf32, #tpu.memory_space<vmem>>, vector<16xf32>,
      %mul3A_457 = arith.constant 128 : i32
      %mul3A_458 = arith.muli %scan3A_135, %mul3A_457 : i32
      %add3A_459 = arith.constant 96 : i32
      %add3A_460 = arith.addi %mul3A_458, %add3A_459 : i32
      %get3A_461 = arith.index_cast %add3A_460 : i32 to index
      %get3A_462 = tpu.vector_load %arg6[%get3A_461] {strides = array<i32>} : memref<2048xi32, #tpu.memory_space<vmem>>, vector<16xi32>,
      %gather3A_463 = tpu.vector_load_idx %arg8[%broadcast_in_dim3A_3, %get3A_462] : memref<8x4096xf32, #tpu.memory_space<vmem>>[vector<16xi32>, vector<16xi32>], vector<16xf32>,
      %swap3A_464 = arith.constant 0 : i32
      %swap3A_465 = arith.index_cast %swap3A_464 : i32 to index
      %swap3A_466 = arith.index_cast %scan3A_135 : i32 to index
      %swap3A_467 = arith.constant 96 : index
      %swap3A_468 = tpu.vector_load %arg10[%swap3A_465, %swap3A_466, %swap3A_467] {strides = array<i32>} : memref<8x16x128xf32, #tpu.memory_space<vmem>>, vector<16xf32>,
      tpu.vector_store %arg10[%swap3A_465, %swap3A_466, %swap3A_467], %gather3A_463 {strides = array<i32>} : memref<8x16x128xf32, #tpu.memory_space<vmem>>, vector<16xf32>,
      %gather3A_469 = tpu.vector_load_idx %arg8[%broadcast_in_dim3A_5, %get3A_462] : memref<8x4096xf32, #tpu.memory_space<vmem>>[vector<16xi32>, vector<16xi32>], vector<16xf32>,
      %swap3A_470 = arith.constant 1 : i32
      %swap3A_471 = arith.index_cast %swap3A_470 : i32 to index
      %swap3A_472 = arith.index_cast %scan3A_135 : i32 to index
      %swap3A_473 = arith.constant 96 : index
      %swap3A_474 = tpu.vector_load %arg10[%swap3A_471, %swap3A_472, %swap3A_473] {strides = array<i32>} : memref<8x16x128xf32, #tpu.memory_space<vmem>>, vector<16xf32>,
      tpu.vector_store %arg10[%swap3A_471, %swap3A_472, %swap3A_473], %gather3A_469 {strides = array<i32>} : memref<8x16x128xf32, #tpu.memory_space<vmem>>, vector<16xf32>,
      %gather3A_475 = tpu.vector_load_idx %arg8[%broadcast_in_dim3A_7, %get3A_462] : memref<8x4096xf32, #tpu.memory_space<vmem>>[vector<16xi32>, vector<16xi32>], vector<16xf32>,
      %swap3A_476 = arith.constant 2 : i32
      %swap3A_477 = arith.index_cast %swap3A_476 : i32 to index
      %swap3A_478 = arith.index_cast %scan3A_135 : i32 to index
      %swap3A_479 = arith.constant 96 : index
      %swap3A_480 = tpu.vector_load %arg10[%swap3A_477, %swap3A_478, %swap3A_479] {strides = array<i32>} : memref<8x16x128xf32, #tpu.memory_space<vmem>>, vector<16xf32>,
      tpu.vector_store %arg10[%swap3A_477, %swap3A_478, %swap3A_479], %gather3A_475 {strides = array<i32>} : memref<8x16x128xf32, #tpu.memory_space<vmem>>, vector<16xf32>,
      %gather3A_481 = tpu.vector_load_idx %arg8[%broadcast_in_dim3A_9, %get3A_462] : memref<8x4096xf32, #tpu.memory_space<vmem>>[vector<16xi32>, vector<16xi32>], vector<16xf32>,
      %swap3A_482 = arith.constant 3 : i32
      %swap3A_483 = arith.index_cast %swap3A_482 : i32 to index
      %swap3A_484 = arith.index_cast %scan3A_135 : i32 to index
      %swap3A_485 = arith.constant 96 : index
      %swap3A_486 = tpu.vector_load %arg10[%swap3A_483, %swap3A_484, %swap3A_485] {strides = array<i32>} : memref<8x16x128xf32, #tpu.memory_space<vmem>>, vector<16xf32>,
      tpu.vector_store %arg10[%swap3A_483, %swap3A_484, %swap3A_485], %gather3A_481 {strides = array<i32>} : memref<8x16x128xf32, #tpu.memory_space<vmem>>, vector<16xf32>,
      %gather3A_487 = tpu.vector_load_idx %arg8[%broadcast_in_dim3A_11, %get3A_462] : memref<8x4096xf32, #tpu.memory_space<vmem>>[vector<16xi32>, vector<16xi32>], vector<16xf32>,
      %swap3A_488 = arith.constant 4 : i32
      %swap3A_489 = arith.index_cast %swap3A_488 : i32 to index
      %swap3A_490 = arith.index_cast %scan3A_135 : i32 to index
      %swap3A_491 = arith.constant 96 : index
      %swap3A_492 = tpu.vector_load %arg10[%swap3A_489, %swap3A_490, %swap3A_491] {strides = array<i32>} : memref<8x16x128xf32, #tpu.memory_space<vmem>>, vector<16xf32>,
      tpu.vector_store %arg10[%swap3A_489, %swap3A_490, %swap3A_491], %gather3A_487 {strides = array<i32>} : memref<8x16x128xf32, #tpu.memory_space<vmem>>, vector<16xf32>,
      %gather3A_493 = tpu.vector_load_idx %arg8[%broadcast_in_dim3A_13, %get3A_462] : memref<8x4096xf32, #tpu.memory_space<vmem>>[vector<16xi32>, vector<16xi32>], vector<16xf32>,
      %swap3A_494 = arith.constant 5 : i32
      %swap3A_495 = arith.index_cast %swap3A_494 : i32 to index
      %swap3A_496 = arith.index_cast %scan3A_135 : i32 to index
      %swap3A_497 = arith.constant 96 : index
      %swap3A_498 = tpu.vector_load %arg10[%swap3A_495, %swap3A_496, %swap3A_497] {strides = array<i32>} : memref<8x16x128xf32, #tpu.memory_space<vmem>>, vector<16xf32>,
      tpu.vector_store %arg10[%swap3A_495, %swap3A_496, %swap3A_497], %gather3A_493 {strides = array<i32>} : memref<8x16x128xf32, #tpu.memory_space<vmem>>, vector<16xf32>,
      %gather3A_499 = tpu.vector_load_idx %arg8[%broadcast_in_dim3A_15, %get3A_462] : memref<8x4096xf32, #tpu.memory_space<vmem>>[vector<16xi32>, vector<16xi32>], vector<16xf32>,
      %swap3A_500 = arith.constant 6 : i32
      %swap3A_501 = arith.index_cast %swap3A_500 : i32 to index
      %swap3A_502 = arith.index_cast %scan3A_135 : i32 to index
      %swap3A_503 = arith.constant 96 : index
      %swap3A_504 = tpu.vector_load %arg10[%swap3A_501, %swap3A_502, %swap3A_503] {strides = array<i32>} : memref<8x16x128xf32, #tpu.memory_space<vmem>>, vector<16xf32>,
      tpu.vector_store %arg10[%swap3A_501, %swap3A_502, %swap3A_503], %gather3A_499 {strides = array<i32>} : memref<8x16x128xf32, #tpu.memory_space<vmem>>, vector<16xf32>,
      %gather3A_505 = tpu.vector_load_idx %arg8[%broadcast_in_dim3A_17, %get3A_462] : memref<8x4096xf32, #tpu.memory_space<vmem>>[vector<16xi32>, vector<16xi32>], vector<16xf32>,
      %swap3A_506 = arith.constant 7 : i32
      %swap3A_507 = arith.index_cast %swap3A_506 : i32 to index
      %swap3A_508 = arith.index_cast %scan3A_135 : i32 to index
      %swap3A_509 = arith.constant 96 : index
      %swap3A_510 = tpu.vector_load %arg10[%swap3A_507, %swap3A_508, %swap3A_509] {strides = array<i32>} : memref<8x16x128xf32, #tpu.memory_space<vmem>>, vector<16xf32>,
      tpu.vector_store %arg10[%swap3A_507, %swap3A_508, %swap3A_509], %gather3A_505 {strides = array<i32>} : memref<8x16x128xf32, #tpu.memory_space<vmem>>, vector<16xf32>,
      %mul3A_511 = arith.constant 128 : i32
      %mul3A_512 = arith.muli %scan3A_135, %mul3A_511 : i32
      %add3A_513 = arith.constant 112 : i32
      %add3A_514 = arith.addi %mul3A_512, %add3A_513 : i32
      %get3A_515 = arith.index_cast %add3A_514 : i32 to index
      %get3A_516 = tpu.vector_load %arg6[%get3A_515] {strides = array<i32>} : memref<2048xi32, #tpu.memory_space<vmem>>, vector<16xi32>,
      %gather3A_517 = tpu.vector_load_idx %arg8[%broadcast_in_dim3A_3, %get3A_516] : memref<8x4096xf32, #tpu.memory_space<vmem>>[vector<16xi32>, vector<16xi32>], vector<16xf32>,
      %swap3A_518 = arith.constant 0 : i32
      %swap3A_519 = arith.index_cast %swap3A_518 : i32 to index
      %swap3A_520 = arith.index_cast %scan3A_135 : i32 to index
      %swap3A_521 = arith.constant 112 : index
      %swap3A_522 = tpu.vector_load %arg10[%swap3A_519, %swap3A_520, %swap3A_521] {strides = array<i32>} : memref<8x16x128xf32, #tpu.memory_space<vmem>>, vector<16xf32>,
      tpu.vector_store %arg10[%swap3A_519, %swap3A_520, %swap3A_521], %gather3A_517 {strides = array<i32>} : memref<8x16x128xf32, #tpu.memory_space<vmem>>, vector<16xf32>,
      %gather3A_523 = tpu.vector_load_idx %arg8[%broadcast_in_dim3A_5, %get3A_516] : memref<8x4096xf32, #tpu.memory_space<vmem>>[vector<16xi32>, vector<16xi32>], vector<16xf32>,
      %swap3A_524 = arith.constant 1 : i32
      %swap3A_525 = arith.index_cast %swap3A_524 : i32 to index
      %swap3A_526 = arith.index_cast %scan3A_135 : i32 to index
      %swap3A_527 = arith.constant 112 : index
      %swap3A_528 = tpu.vector_load %arg10[%swap3A_525, %swap3A_526, %swap3A_527] {strides = array<i32>} : memref<8x16x128xf32, #tpu.memory_space<vmem>>, vector<16xf32>,
      tpu.vector_store %arg10[%swap3A_525, %swap3A_526, %swap3A_527], %gather3A_523 {strides = array<i32>} : memref<8x16x128xf32, #tpu.memory_space<vmem>>, vector<16xf32>,
      %gather3A_529 = tpu.vector_load_idx %arg8[%broadcast_in_dim3A_7, %get3A_516] : memref<8x4096xf32, #tpu.memory_space<vmem>>[vector<16xi32>, vector<16xi32>], vector<16xf32>,
      %swap3A_530 = arith.constant 2 : i32
      %swap3A_531 = arith.index_cast %swap3A_530 : i32 to index
      %swap3A_532 = arith.index_cast %scan3A_135 : i32 to index
      %swap3A_533 = arith.constant 112 : index
      %swap3A_534 = tpu.vector_load %arg10[%swap3A_531, %swap3A_532, %swap3A_533] {strides = array<i32>} : memref<8x16x128xf32, #tpu.memory_space<vmem>>, vector<16xf32>,
      tpu.vector_store %arg10[%swap3A_531, %swap3A_532, %swap3A_533], %gather3A_529 {strides = array<i32>} : memref<8x16x128xf32, #tpu.memory_space<vmem>>, vector<16xf32>,
      %gather3A_535 = tpu.vector_load_idx %arg8[%broadcast_in_dim3A_9, %get3A_516] : memref<8x4096xf32, #tpu.memory_space<vmem>>[vector<16xi32>, vector<16xi32>], vector<16xf32>,
      %swap3A_536 = arith.constant 3 : i32
      %swap3A_537 = arith.index_cast %swap3A_536 : i32 to index
      %swap3A_538 = arith.index_cast %scan3A_135 : i32 to index
      %swap3A_539 = arith.constant 112 : index
      %swap3A_540 = tpu.vector_load %arg10[%swap3A_537, %swap3A_538, %swap3A_539] {strides = array<i32>} : memref<8x16x128xf32, #tpu.memory_space<vmem>>, vector<16xf32>,
      tpu.vector_store %arg10[%swap3A_537, %swap3A_538, %swap3A_539], %gather3A_535 {strides = array<i32>} : memref<8x16x128xf32, #tpu.memory_space<vmem>>, vector<16xf32>,
      %gather3A_541 = tpu.vector_load_idx %arg8[%broadcast_in_dim3A_11, %get3A_516] : memref<8x4096xf32, #tpu.memory_space<vmem>>[vector<16xi32>, vector<16xi32>], vector<16xf32>,
      %swap3A_542 = arith.constant 4 : i32
      %swap3A_543 = arith.index_cast %swap3A_542 : i32 to index
      %swap3A_544 = arith.index_cast %scan3A_135 : i32 to index
      %swap3A_545 = arith.constant 112 : index
      %swap3A_546 = tpu.vector_load %arg10[%swap3A_543, %swap3A_544, %swap3A_545] {strides = array<i32>} : memref<8x16x128xf32, #tpu.memory_space<vmem>>, vector<16xf32>,
      tpu.vector_store %arg10[%swap3A_543, %swap3A_544, %swap3A_545], %gather3A_541 {strides = array<i32>} : memref<8x16x128xf32, #tpu.memory_space<vmem>>, vector<16xf32>,
      %gather3A_547 = tpu.vector_load_idx %arg8[%broadcast_in_dim3A_13, %get3A_516] : memref<8x4096xf32, #tpu.memory_space<vmem>>[vector<16xi32>, vector<16xi32>], vector<16xf32>,
      %swap3A_548 = arith.constant 5 : i32
      %swap3A_549 = arith.index_cast %swap3A_548 : i32 to index
      %swap3A_550 = arith.index_cast %scan3A_135 : i32 to index
      %swap3A_551 = arith.constant 112 : index
      %swap3A_552 = tpu.vector_load %arg10[%swap3A_549, %swap3A_550, %swap3A_551] {strides = array<i32>} : memref<8x16x128xf32, #tpu.memory_space<vmem>>, vector<16xf32>,
      tpu.vector_store %arg10[%swap3A_549, %swap3A_550, %swap3A_551], %gather3A_547 {strides = array<i32>} : memref<8x16x128xf32, #tpu.memory_space<vmem>>, vector<16xf32>,
      %gather3A_553 = tpu.vector_load_idx %arg8[%broadcast_in_dim3A_15, %get3A_516] : memref<8x4096xf32, #tpu.memory_space<vmem>>[vector<16xi32>, vector<16xi32>], vector<16xf32>,
      %swap3A_554 = arith.constant 6 : i32
      %swap3A_555 = arith.index_cast %swap3A_554 : i32 to index
      %swap3A_556 = arith.index_cast %scan3A_135 : i32 to index
      %swap3A_557 = arith.constant 112 : index
      %swap3A_558 = tpu.vector_load %arg10[%swap3A_555, %swap3A_556, %swap3A_557] {strides = array<i32>} : memref<8x16x128xf32, #tpu.memory_space<vmem>>, vector<16xf32>,
      tpu.vector_store %arg10[%swap3A_555, %swap3A_556, %swap3A_557], %gather3A_553 {strides = array<i32>} : memref<8x16x128xf32, #tpu.memory_space<vmem>>, vector<16xf32>,
      %gather3A_559 = tpu.vector_load_idx %arg8[%broadcast_in_dim3A_17, %get3A_516] : memref<8x4096xf32, #tpu.memory_space<vmem>>[vector<16xi32>, vector<16xi32>], vector<16xf32>,
      %swap3A_560 = arith.constant 7 : i32
      %swap3A_561 = arith.index_cast %swap3A_560 : i32 to index
      %swap3A_562 = arith.index_cast %scan3A_135 : i32 to index
      %swap3A_563 = arith.constant 112 : index
      %swap3A_564 = tpu.vector_load %arg10[%swap3A_561, %swap3A_562, %swap3A_563] {strides = array<i32>} : memref<8x16x128xf32, #tpu.memory_space<vmem>>, vector<16xf32>,
      tpu.vector_store %arg10[%swap3A_561, %swap3A_562, %swap3A_563], %gather3A_559 {strides = array<i32>} : memref<8x16x128xf32, #tpu.memory_space<vmem>>, vector<16xf32>,
    }
    %scan3A_35 = arith.constant 16 : i32
    %add3A_36 = arith.constant 0 : i32
    %add3A_37 = arith.addi %mul3A_2, %add3A_36 : i32
    %dma_start3A_38 = arith.constant 0 : i32
    %dma_start3A_39 = arith.constant 0 : i32
    %dma_start3A_40 = tpu.memref_slice %arg5[%add3A_37, %dma_start3A_38, %dma_start3A_39] : memref<1024x16x128xf32, #tpu.memory_space<hbm>> -> memref<8x16x128xf32, #tpu.memory_space<hbm>>
    %dma_start3A_41 = arith.constant 0 : i32
    %dma_start3A_42 = arith.constant 0 : i32
    %dma_start3A_43 = tpu.memref_slice %arg5[%add3A_37, %dma_start3A_41, %dma_start3A_42] : memref<1024x16x128xf32, #tpu.memory_space<hbm>> -> memref<8x16x128xf32, #tpu.memory_space<hbm>>
    tpu.enqueue_dma source(%arg10 : memref<8x16x128xf32, #tpu.memory_space<vmem>>) target(%dma_start3A_43 : memref<8x16x128xf32, #tpu.memory_space<hbm>>) target_semaphore(%arg14 : memref<!tpu.dma_semaphore, #tpu.memory_space<semaphore_mem>>)
    %dma_wait3A_44 = arith.constant 8 : i32
    %dma_wait3A_45 = tpu.memref_slice %arg7[%dma_wait3A_44] : memref<32xi32, #tpu.memory_space<vmem>> -> memref<8xi32, #tpu.memory_space<vmem>>
    %dma_wait3A_46 = arith.constant 0 : i32
    %dma_wait3A_47 = arith.constant 0 : i32
    %dma_wait3A_48 = tpu.memref_slice %arg4[%dma_wait3A_46, %dma_wait3A_47] : memref<4096x4096xf32, #tpu.memory_space<hbm>> -> memref<4096x4096xf32, #tpu.memory_space<hbm>>
    tpu.wait_indirect_dma semaphore(%arg13 : memref<!tpu.dma_semaphore, #tpu.memory_space<semaphore_mem>>) src(%dma_wait3A_48 : memref<4096x4096xf32, #tpu.memory_space<hbm>>) dst(%arg9 : memref<8x4096xf32, #tpu.memory_space<vmem>>)
    %dma_start3A_49 = arith.constant 16 : i32
    %dma_start3A_50 = tpu.memref_slice %arg7[%dma_start3A_49] : memref<32xi32, #tpu.memory_space<vmem>> -> memref<8xi32, #tpu.memory_space<vmem>>
    %dma_start3A_51 = arith.constant 0 : i32
    %dma_start3A_52 = arith.constant 0 : i32
    %dma_start3A_53 = tpu.memref_slice %arg4[%dma_start3A_51, %dma_start3A_52] : memref<4096x4096xf32, #tpu.memory_space<hbm>> -> memref<4096x4096xf32, #tpu.memory_space<hbm>>
    tpu.enqueue_indirect_dma source(%dma_start3A_53 : memref<4096x4096xf32, #tpu.memory_space<hbm>>) target(%arg8 : memref<8x4096xf32, #tpu.memory_space<vmem>>) offsets(%dma_start3A_50 : memref<8xi32, #tpu.memory_space<vmem>>) semaphore(%arg12 : memref<!tpu.dma_semaphore, #tpu.memory_space<semaphore_mem>>)
    %scan3A_54 = arith.constant 0 : i32
    %scan3A_55 = arith.constant 0 : i32
    %scan3A_56 = arith.constant 16 : i32
    %scan3A_57 = arith.addi %scan3A_55, %scan3A_56 : i32
    %scan3A_58 = arith.constant 1 : i32
    scf.for %scan3A_135 = %scan3A_55 to %scan3A_57 step %scan3A_58  : i32 {
      %mul3A_136 = arith.constant 128 : i32
      %mul3A_137 = arith.muli %scan3A_135, %mul3A_136 : i32
      %add3A_138 = arith.constant 0 : i32
      %add3A_139 = arith.addi %mul3A_137, %add3A_138 : i32
      %get3A = arith.index_cast %add3A_139 : i32 to index
      %get3A_140 = tpu.vector_load %arg6[%get3A] {strides = array<i32>} : memref<2048xi32, #tpu.memory_space<vmem>>, vector<16xi32>,
      %gather3A = tpu.vector_load_idx %arg9[%broadcast_in_dim3A_3, %get3A_140] : memref<8x4096xf32, #tpu.memory_space<vmem>>[vector<16xi32>, vector<16xi32>], vector<16xf32>,
      %swap3A = arith.constant 0 : i32
      %swap3A_141 = arith.index_cast %swap3A : i32 to index
      %swap3A_142 = arith.index_cast %scan3A_135 : i32 to index
      %swap3A_143 = arith.constant 0 : index
      %swap3A_144 = tpu.vector_load %arg11[%swap3A_141, %swap3A_142, %swap3A_143] {strides = array<i32>} : memref<8x16x128xf32, #tpu.memory_space<vmem>>, vector<16xf32>,
      tpu.vector_store %arg11[%swap3A_141, %swap3A_142, %swap3A_143], %gather3A {strides = array<i32>} : memref<8x16x128xf32, #tpu.memory_space<vmem>>, vector<16xf32>,
      %gather3A_145 = tpu.vector_load_idx %arg9[%broadcast_in_dim3A_5, %get3A_140] : memref<8x4096xf32, #tpu.memory_space<vmem>>[vector<16xi32>, vector<16xi32>], vector<16xf32>,
      %swap3A_146 = arith.constant 1 : i32
      %swap3A_147 = arith.index_cast %swap3A_146 : i32 to index
      %swap3A_148 = arith.index_cast %scan3A_135 : i32 to index
      %swap3A_149 = arith.constant 0 : index
      %swap3A_150 = tpu.vector_load %arg11[%swap3A_147, %swap3A_148, %swap3A_149] {strides = array<i32>} : memref<8x16x128xf32, #tpu.memory_space<vmem>>, vector<16xf32>,
      tpu.vector_store %arg11[%swap3A_147, %swap3A_148, %swap3A_149], %gather3A_145 {strides = array<i32>} : memref<8x16x128xf32, #tpu.memory_space<vmem>>, vector<16xf32>,
      %gather3A_151 = tpu.vector_load_idx %arg9[%broadcast_in_dim3A_7, %get3A_140] : memref<8x4096xf32, #tpu.memory_space<vmem>>[vector<16xi32>, vector<16xi32>], vector<16xf32>,
      %swap3A_152 = arith.constant 2 : i32
      %swap3A_153 = arith.index_cast %swap3A_152 : i32 to index
      %swap3A_154 = arith.index_cast %scan3A_135 : i32 to index
      %swap3A_155 = arith.constant 0 : index
      %swap3A_156 = tpu.vector_load %arg11[%swap3A_153, %swap3A_154, %swap3A_155] {strides = array<i32>} : memref<8x16x128xf32, #tpu.memory_space<vmem>>, vector<16xf32>,
      tpu.vector_store %arg11[%swap3A_153, %swap3A_154, %swap3A_155], %gather3A_151 {strides = array<i32>} : memref<8x16x128xf32, #tpu.memory_space<vmem>>, vector<16xf32>,
      %gather3A_157 = tpu.vector_load_idx %arg9[%broadcast_in_dim3A_9, %get3A_140] : memref<8x4096xf32, #tpu.memory_space<vmem>>[vector<16xi32>, vector<16xi32>], vector<16xf32>,
      %swap3A_158 = arith.constant 3 : i32
      %swap3A_159 = arith.index_cast %swap3A_158 : i32 to index
      %swap3A_160 = arith.index_cast %scan3A_135 : i32 to index
      %swap3A_161 = arith.constant 0 : index
      %swap3A_162 = tpu.vector_load %arg11[%swap3A_159, %swap3A_160, %swap3A_161] {strides = array<i32>} : memref<8x16x128xf32, #tpu.memory_space<vmem>>, vector<16xf32>,
      tpu.vector_store %arg11[%swap3A_159, %swap3A_160, %swap3A_161], %gather3A_157 {strides = array<i32>} : memref<8x16x128xf32, #tpu.memory_space<vmem>>, vector<16xf32>,
      %gather3A_163 = tpu.vector_load_idx %arg9[%broadcast_in_dim3A_11, %get3A_140] : memref<8x4096xf32, #tpu.memory_space<vmem>>[vector<16xi32>, vector<16xi32>], vector<16xf32>,
      %swap3A_164 = arith.constant 4 : i32
      %swap3A_165 = arith.index_cast %swap3A_164 : i32 to index
      %swap3A_166 = arith.index_cast %scan3A_135 : i32 to index
      %swap3A_167 = arith.constant 0 : index
      %swap3A_168 = tpu.vector_load %arg11[%swap3A_165, %swap3A_166, %swap3A_167] {strides = array<i32>} : memref<8x16x128xf32, #tpu.memory_space<vmem>>, vector<16xf32>,
      tpu.vector_store %arg11[%swap3A_165, %swap3A_166, %swap3A_167], %gather3A_163 {strides = array<i32>} : memref<8x16x128xf32, #tpu.memory_space<vmem>>, vector<16xf32>,
      %gather3A_169 = tpu.vector_load_idx %arg9[%broadcast_in_dim3A_13, %get3A_140] : memref<8x4096xf32, #tpu.memory_space<vmem>>[vector<16xi32>, vector<16xi32>], vector<16xf32>,
      %swap3A_170 = arith.constant 5 : i32
      %swap3A_171 = arith.index_cast %swap3A_170 : i32 to index
      %swap3A_172 = arith.index_cast %scan3A_135 : i32 to index
      %swap3A_173 = arith.constant 0 : index
      %swap3A_174 = tpu.vector_load %arg11[%swap3A_171, %swap3A_172, %swap3A_173] {strides = array<i32>} : memref<8x16x128xf32, #tpu.memory_space<vmem>>, vector<16xf32>,
      tpu.vector_store %arg11[%swap3A_171, %swap3A_172, %swap3A_173], %gather3A_169 {strides = array<i32>} : memref<8x16x128xf32, #tpu.memory_space<vmem>>, vector<16xf32>,
      %gather3A_175 = tpu.vector_load_idx %arg9[%broadcast_in_dim3A_15, %get3A_140] : memref<8x4096xf32, #tpu.memory_space<vmem>>[vector<16xi32>, vector<16xi32>], vector<16xf32>,
      %swap3A_176 = arith.constant 6 : i32
      %swap3A_177 = arith.index_cast %swap3A_176 : i32 to index
      %swap3A_178 = arith.index_cast %scan3A_135 : i32 to index
      %swap3A_179 = arith.constant 0 : index
      %swap3A_180 = tpu.vector_load %arg11[%swap3A_177, %swap3A_178, %swap3A_179] {strides = array<i32>} : memref<8x16x128xf32, #tpu.memory_space<vmem>>, vector<16xf32>,
      tpu.vector_store %arg11[%swap3A_177, %swap3A_178, %swap3A_179], %gather3A_175 {strides = array<i32>} : memref<8x16x128xf32, #tpu.memory_space<vmem>>, vector<16xf32>,
      %gather3A_181 = tpu.vector_load_idx %arg9[%broadcast_in_dim3A_17, %get3A_140] : memref<8x4096xf32, #tpu.memory_space<vmem>>[vector<16xi32>, vector<16xi32>], vector<16xf32>,
      %swap3A_182 = arith.constant 7 : i32
      %swap3A_183 = arith.index_cast %swap3A_182 : i32 to index
      %swap3A_184 = arith.index_cast %scan3A_135 : i32 to index
      %swap3A_185 = arith.constant 0 : index
      %swap3A_186 = tpu.vector_load %arg11[%swap3A_183, %swap3A_184, %swap3A_185] {strides = array<i32>} : memref<8x16x128xf32, #tpu.memory_space<vmem>>, vector<16xf32>,
      tpu.vector_store %arg11[%swap3A_183, %swap3A_184, %swap3A_185], %gather3A_181 {strides = array<i32>} : memref<8x16x128xf32, #tpu.memory_space<vmem>>, vector<16xf32>,
      %mul3A_187 = arith.constant 128 : i32
      %mul3A_188 = arith.muli %scan3A_135, %mul3A_187 : i32
      %add3A_189 = arith.constant 16 : i32
      %add3A_190 = arith.addi %mul3A_188, %add3A_189 : i32
      %get3A_191 = arith.index_cast %add3A_190 : i32 to index
      %get3A_192 = tpu.vector_load %arg6[%get3A_191] {strides = array<i32>} : memref<2048xi32, #tpu.memory_space<vmem>>, vector<16xi32>,
      %gather3A_193 = tpu.vector_load_idx %arg9[%broadcast_in_dim3A_3, %get3A_192] : memref<8x4096xf32, #tpu.memory_space<vmem>>[vector<16xi32>, vector<16xi32>], vector<16xf32>,
      %swap3A_194 = arith.constant 0 : i32
      %swap3A_195 = arith.index_cast %swap3A_194 : i32 to index
      %swap3A_196 = arith.index_cast %scan3A_135 : i32 to index
      %swap3A_197 = arith.constant 16 : index
      %swap3A_198 = tpu.vector_load %arg11[%swap3A_195, %swap3A_196, %swap3A_197] {strides = array<i32>} : memref<8x16x128xf32, #tpu.memory_space<vmem>>, vector<16xf32>,
      tpu.vector_store %arg11[%swap3A_195, %swap3A_196, %swap3A_197], %gather3A_193 {strides = array<i32>} : memref<8x16x128xf32, #tpu.memory_space<vmem>>, vector<16xf32>,
      %gather3A_199 = tpu.vector_load_idx %arg9[%broadcast_in_dim3A_5, %get3A_192] : memref<8x4096xf32, #tpu.memory_space<vmem>>[vector<16xi32>, vector<16xi32>], vector<16xf32>,
      %swap3A_200 = arith.constant 1 : i32
      %swap3A_201 = arith.index_cast %swap3A_200 : i32 to index
      %swap3A_202 = arith.index_cast %scan3A_135 : i32 to index
      %swap3A_203 = arith.constant 16 : index
      %swap3A_204 = tpu.vector_load %arg11[%swap3A_201, %swap3A_202, %swap3A_203] {strides = array<i32>} : memref<8x16x128xf32, #tpu.memory_space<vmem>>, vector<16xf32>,
      tpu.vector_store %arg11[%swap3A_201, %swap3A_202, %swap3A_203], %gather3A_199 {strides = array<i32>} : memref<8x16x128xf32, #tpu.memory_space<vmem>>, vector<16xf32>,
      %gather3A_205 = tpu.vector_load_idx %arg9[%broadcast_in_dim3A_7, %get3A_192] : memref<8x4096xf32, #tpu.memory_space<vmem>>[vector<16xi32>, vector<16xi32>], vector<16xf32>,
      %swap3A_206 = arith.constant 2 : i32
      %swap3A_207 = arith.index_cast %swap3A_206 : i32 to index
      %swap3A_208 = arith.index_cast %scan3A_135 : i32 to index
      %swap3A_209 = arith.constant 16 : index
      %swap3A_210 = tpu.vector_load %arg11[%swap3A_207, %swap3A_208, %swap3A_209] {strides = array<i32>} : memref<8x16x128xf32, #tpu.memory_space<vmem>>, vector<16xf32>,
      tpu.vector_store %arg11[%swap3A_207, %swap3A_208, %swap3A_209], %gather3A_205 {strides = array<i32>} : memref<8x16x128xf32, #tpu.memory_space<vmem>>, vector<16xf32>,
      %gather3A_211 = tpu.vector_load_idx %arg9[%broadcast_in_dim3A_9, %get3A_192] : memref<8x4096xf32, #tpu.memory_space<vmem>>[vector<16xi32>, vector<16xi32>], vector<16xf32>,
      %swap3A_212 = arith.constant 3 : i32
      %swap3A_213 = arith.index_cast %swap3A_212 : i32 to index
      %swap3A_214 = arith.index_cast %scan3A_135 : i32 to index
      %swap3A_215 = arith.constant 16 : index
      %swap3A_216 = tpu.vector_load %arg11[%swap3A_213, %swap3A_214, %swap3A_215] {strides = array<i32>} : memref<8x16x128xf32, #tpu.memory_space<vmem>>, vector<16xf32>,
      tpu.vector_store %arg11[%swap3A_213, %swap3A_214, %swap3A_215], %gather3A_211 {strides = array<i32>} : memref<8x16x128xf32, #tpu.memory_space<vmem>>, vector<16xf32>,
      %gather3A_217 = tpu.vector_load_idx %arg9[%broadcast_in_dim3A_11, %get3A_192] : memref<8x4096xf32, #tpu.memory_space<vmem>>[vector<16xi32>, vector<16xi32>], vector<16xf32>,
      %swap3A_218 = arith.constant 4 : i32
      %swap3A_219 = arith.index_cast %swap3A_218 : i32 to index
      %swap3A_220 = arith.index_cast %scan3A_135 : i32 to index
      %swap3A_221 = arith.constant 16 : index
      %swap3A_222 = tpu.vector_load %arg11[%swap3A_219, %swap3A_220, %swap3A_221] {strides = array<i32>} : memref<8x16x128xf32, #tpu.memory_space<vmem>>, vector<16xf32>,
      tpu.vector_store %arg11[%swap3A_219, %swap3A_220, %swap3A_221], %gather3A_217 {strides = array<i32>} : memref<8x16x128xf32, #tpu.memory_space<vmem>>, vector<16xf32>,
      %gather3A_223 = tpu.vector_load_idx %arg9[%broadcast_in_dim3A_13, %get3A_192] : memref<8x4096xf32, #tpu.memory_space<vmem>>[vector<16xi32>, vector<16xi32>], vector<16xf32>,
      %swap3A_224 = arith.constant 5 : i32
      %swap3A_225 = arith.index_cast %swap3A_224 : i32 to index
      %swap3A_226 = arith.index_cast %scan3A_135 : i32 to index
      %swap3A_227 = arith.constant 16 : index
      %swap3A_228 = tpu.vector_load %arg11[%swap3A_225, %swap3A_226, %swap3A_227] {strides = array<i32>} : memref<8x16x128xf32, #tpu.memory_space<vmem>>, vector<16xf32>,
      tpu.vector_store %arg11[%swap3A_225, %swap3A_226, %swap3A_227], %gather3A_223 {strides = array<i32>} : memref<8x16x128xf32, #tpu.memory_space<vmem>>, vector<16xf32>,
      %gather3A_229 = tpu.vector_load_idx %arg9[%broadcast_in_dim3A_15, %get3A_192] : memref<8x4096xf32, #tpu.memory_space<vmem>>[vector<16xi32>, vector<16xi32>], vector<16xf32>,
      %swap3A_230 = arith.constant 6 : i32
      %swap3A_231 = arith.index_cast %swap3A_230 : i32 to index
      %swap3A_232 = arith.index_cast %scan3A_135 : i32 to index
      %swap3A_233 = arith.constant 16 : index
      %swap3A_234 = tpu.vector_load %arg11[%swap3A_231, %swap3A_232, %swap3A_233] {strides = array<i32>} : memref<8x16x128xf32, #tpu.memory_space<vmem>>, vector<16xf32>,
      tpu.vector_store %arg11[%swap3A_231, %swap3A_232, %swap3A_233], %gather3A_229 {strides = array<i32>} : memref<8x16x128xf32, #tpu.memory_space<vmem>>, vector<16xf32>,
      %gather3A_235 = tpu.vector_load_idx %arg9[%broadcast_in_dim3A_17, %get3A_192] : memref<8x4096xf32, #tpu.memory_space<vmem>>[vector<16xi32>, vector<16xi32>], vector<16xf32>,
      %swap3A_236 = arith.constant 7 : i32
      %swap3A_237 = arith.index_cast %swap3A_236 : i32 to index
      %swap3A_238 = arith.index_cast %scan3A_135 : i32 to index
      %swap3A_239 = arith.constant 16 : index
      %swap3A_240 = tpu.vector_load %arg11[%swap3A_237, %swap3A_238, %swap3A_239] {strides = array<i32>} : memref<8x16x128xf32, #tpu.memory_space<vmem>>, vector<16xf32>,
      tpu.vector_store %arg11[%swap3A_237, %swap3A_238, %swap3A_239], %gather3A_235 {strides = array<i32>} : memref<8x16x128xf32, #tpu.memory_space<vmem>>, vector<16xf32>,
      %mul3A_241 = arith.constant 128 : i32
      %mul3A_242 = arith.muli %scan3A_135, %mul3A_241 : i32
      %add3A_243 = arith.constant 32 : i32
      %add3A_244 = arith.addi %mul3A_242, %add3A_243 : i32
      %get3A_245 = arith.index_cast %add3A_244 : i32 to index
      %get3A_246 = tpu.vector_load %arg6[%get3A_245] {strides = array<i32>} : memref<2048xi32, #tpu.memory_space<vmem>>, vector<16xi32>,
      %gather3A_247 = tpu.vector_load_idx %arg9[%broadcast_in_dim3A_3, %get3A_246] : memref<8x4096xf32, #tpu.memory_space<vmem>>[vector<16xi32>, vector<16xi32>], vector<16xf32>,
      %swap3A_248 = arith.constant 0 : i32
      %swap3A_249 = arith.index_cast %swap3A_248 : i32 to index
      %swap3A_250 = arith.index_cast %scan3A_135 : i32 to index
      %swap3A_251 = arith.constant 32 : index
      %swap3A_252 = tpu.vector_load %arg11[%swap3A_249, %swap3A_250, %swap3A_251] {strides = array<i32>} : memref<8x16x128xf32, #tpu.memory_space<vmem>>, vector<16xf32>,
      tpu.vector_store %arg11[%swap3A_249, %swap3A_250, %swap3A_251], %gather3A_247 {strides = array<i32>} : memref<8x16x128xf32, #tpu.memory_space<vmem>>, vector<16xf32>,
      %gather3A_253 = tpu.vector_load_idx %arg9[%broadcast_in_dim3A_5, %get3A_246] : memref<8x4096xf32, #tpu.memory_space<vmem>>[vector<16xi32>, vector<16xi32>], vector<16xf32>,
      %swap3A_254 = arith.constant 1 : i32
      %swap3A_255 = arith.index_cast %swap3A_254 : i32 to index
      %swap3A_256 = arith.index_cast %scan3A_135 : i32 to index
      %swap3A_257 = arith.constant 32 : index
      %swap3A_258 = tpu.vector_load %arg11[%swap3A_255, %swap3A_256, %swap3A_257] {strides = array<i32>} : memref<8x16x128xf32, #tpu.memory_space<vmem>>, vector<16xf32>,
      tpu.vector_store %arg11[%swap3A_255, %swap3A_256, %swap3A_257], %gather3A_253 {strides = array<i32>} : memref<8x16x128xf32, #tpu.memory_space<vmem>>, vector<16xf32>,
      %gather3A_259 = tpu.vector_load_idx %arg9[%broadcast_in_dim3A_7, %get3A_246] : memref<8x4096xf32, #tpu.memory_space<vmem>>[vector<16xi32>, vector<16xi32>], vector<16xf32>,
      %swap3A_260 = arith.constant 2 : i32
      %swap3A_261 = arith.index_cast %swap3A_260 : i32 to index
      %swap3A_262 = arith.index_cast %scan3A_135 : i32 to index
      %swap3A_263 = arith.constant 32 : index
      %swap3A_264 = tpu.vector_load %arg11[%swap3A_261, %swap3A_262, %swap3A_263] {strides = array<i32>} : memref<8x16x128xf32, #tpu.memory_space<vmem>>, vector<16xf32>,
      tpu.vector_store %arg11[%swap3A_261, %swap3A_262, %swap3A_263], %gather3A_259 {strides = array<i32>} : memref<8x16x128xf32, #tpu.memory_space<vmem>>, vector<16xf32>,
      %gather3A_265 = tpu.vector_load_idx %arg9[%broadcast_in_dim3A_9, %get3A_246] : memref<8x4096xf32, #tpu.memory_space<vmem>>[vector<16xi32>, vector<16xi32>], vector<16xf32>,
      %swap3A_266 = arith.constant 3 : i32
      %swap3A_267 = arith.index_cast %swap3A_266 : i32 to index
      %swap3A_268 = arith.index_cast %scan3A_135 : i32 to index
      %swap3A_269 = arith.constant 32 : index
      %swap3A_270 = tpu.vector_load %arg11[%swap3A_267, %swap3A_268, %swap3A_269] {strides = array<i32>} : memref<8x16x128xf32, #tpu.memory_space<vmem>>, vector<16xf32>,
      tpu.vector_store %arg11[%swap3A_267, %swap3A_268, %swap3A_269], %gather3A_265 {strides = array<i32>} : memref<8x16x128xf32, #tpu.memory_space<vmem>>, vector<16xf32>,
      %gather3A_271 = tpu.vector_load_idx %arg9[%broadcast_in_dim3A_11, %get3A_246] : memref<8x4096xf32, #tpu.memory_space<vmem>>[vector<16xi32>, vector<16xi32>], vector<16xf32>,
      %swap3A_272 = arith.constant 4 : i32
      %swap3A_273 = arith.index_cast %swap3A_272 : i32 to index
      %swap3A_274 = arith.index_cast %scan3A_135 : i32 to index
      %swap3A_275 = arith.constant 32 : index
      %swap3A_276 = tpu.vector_load %arg11[%swap3A_273, %swap3A_274, %swap3A_275] {strides = array<i32>} : memref<8x16x128xf32, #tpu.memory_space<vmem>>, vector<16xf32>,
      tpu.vector_store %arg11[%swap3A_273, %swap3A_274, %swap3A_275], %gather3A_271 {strides = array<i32>} : memref<8x16x128xf32, #tpu.memory_space<vmem>>, vector<16xf32>,
      %gather3A_277 = tpu.vector_load_idx %arg9[%broadcast_in_dim3A_13, %get3A_246] : memref<8x4096xf32, #tpu.memory_space<vmem>>[vector<16xi32>, vector<16xi32>], vector<16xf32>,
      %swap3A_278 = arith.constant 5 : i32
      %swap3A_279 = arith.index_cast %swap3A_278 : i32 to index
      %swap3A_280 = arith.index_cast %scan3A_135 : i32 to index
      %swap3A_281 = arith.constant 32 : index
      %swap3A_282 = tpu.vector_load %arg11[%swap3A_279, %swap3A_280, %swap3A_281] {strides = array<i32>} : memref<8x16x128xf32, #tpu.memory_space<vmem>>, vector<16xf32>,
      tpu.vector_store %arg11[%swap3A_279, %swap3A_280, %swap3A_281], %gather3A_277 {strides = array<i32>} : memref<8x16x128xf32, #tpu.memory_space<vmem>>, vector<16xf32>,
      %gather3A_283 = tpu.vector_load_idx %arg9[%broadcast_in_dim3A_15, %get3A_246] : memref<8x4096xf32, #tpu.memory_space<vmem>>[vector<16xi32>, vector<16xi32>], vector<16xf32>,
      %swap3A_284 = arith.constant 6 : i32
      %swap3A_285 = arith.index_cast %swap3A_284 : i32 to index
      %swap3A_286 = arith.index_cast %scan3A_135 : i32 to index
      %swap3A_287 = arith.constant 32 : index
      %swap3A_288 = tpu.vector_load %arg11[%swap3A_285, %swap3A_286, %swap3A_287] {strides = array<i32>} : memref<8x16x128xf32, #tpu.memory_space<vmem>>, vector<16xf32>,
      tpu.vector_store %arg11[%swap3A_285, %swap3A_286, %swap3A_287], %gather3A_283 {strides = array<i32>} : memref<8x16x128xf32, #tpu.memory_space<vmem>>, vector<16xf32>,
      %gather3A_289 = tpu.vector_load_idx %arg9[%broadcast_in_dim3A_17, %get3A_246] : memref<8x4096xf32, #tpu.memory_space<vmem>>[vector<16xi32>, vector<16xi32>], vector<16xf32>,
      %swap3A_290 = arith.constant 7 : i32
      %swap3A_291 = arith.index_cast %swap3A_290 : i32 to index
      %swap3A_292 = arith.index_cast %scan3A_135 : i32 to index
      %swap3A_293 = arith.constant 32 : index
      %swap3A_294 = tpu.vector_load %arg11[%swap3A_291, %swap3A_292, %swap3A_293] {strides = array<i32>} : memref<8x16x128xf32, #tpu.memory_space<vmem>>, vector<16xf32>,
      tpu.vector_store %arg11[%swap3A_291, %swap3A_292, %swap3A_293], %gather3A_289 {strides = array<i32>} : memref<8x16x128xf32, #tpu.memory_space<vmem>>, vector<16xf32>,
      %mul3A_295 = arith.constant 128 : i32
      %mul3A_296 = arith.muli %scan3A_135, %mul3A_295 : i32
      %add3A_297 = arith.constant 48 : i32
      %add3A_298 = arith.addi %mul3A_296, %add3A_297 : i32
      %get3A_299 = arith.index_cast %add3A_298 : i32 to index
      %get3A_300 = tpu.vector_load %arg6[%get3A_299] {strides = array<i32>} : memref<2048xi32, #tpu.memory_space<vmem>>, vector<16xi32>,
      %gather3A_301 = tpu.vector_load_idx %arg9[%broadcast_in_dim3A_3, %get3A_300] : memref<8x4096xf32, #tpu.memory_space<vmem>>[vector<16xi32>, vector<16xi32>], vector<16xf32>,
      %swap3A_302 = arith.constant 0 : i32
      %swap3A_303 = arith.index_cast %swap3A_302 : i32 to index
      %swap3A_304 = arith.index_cast %scan3A_135 : i32 to index
      %swap3A_305 = arith.constant 48 : index
      %swap3A_306 = tpu.vector_load %arg11[%swap3A_303, %swap3A_304, %swap3A_305] {strides = array<i32>} : memref<8x16x128xf32, #tpu.memory_space<vmem>>, vector<16xf32>,
      tpu.vector_store %arg11[%swap3A_303, %swap3A_304, %swap3A_305], %gather3A_301 {strides = array<i32>} : memref<8x16x128xf32, #tpu.memory_space<vmem>>, vector<16xf32>,
      %gather3A_307 = tpu.vector_load_idx %arg9[%broadcast_in_dim3A_5, %get3A_300] : memref<8x4096xf32, #tpu.memory_space<vmem>>[vector<16xi32>, vector<16xi32>], vector<16xf32>,
      %swap3A_308 = arith.constant 1 : i32
      %swap3A_309 = arith.index_cast %swap3A_308 : i32 to index
      %swap3A_310 = arith.index_cast %scan3A_135 : i32 to index
      %swap3A_311 = arith.constant 48 : index
      %swap3A_312 = tpu.vector_load %arg11[%swap3A_309, %swap3A_310, %swap3A_311] {strides = array<i32>} : memref<8x16x128xf32, #tpu.memory_space<vmem>>, vector<16xf32>,
      tpu.vector_store %arg11[%swap3A_309, %swap3A_310, %swap3A_311], %gather3A_307 {strides = array<i32>} : memref<8x16x128xf32, #tpu.memory_space<vmem>>, vector<16xf32>,
      %gather3A_313 = tpu.vector_load_idx %arg9[%broadcast_in_dim3A_7, %get3A_300] : memref<8x4096xf32, #tpu.memory_space<vmem>>[vector<16xi32>, vector<16xi32>], vector<16xf32>,
      %swap3A_314 = arith.constant 2 : i32
      %swap3A_315 = arith.index_cast %swap3A_314 : i32 to index
      %swap3A_316 = arith.index_cast %scan3A_135 : i32 to index
      %swap3A_317 = arith.constant 48 : index
      %swap3A_318 = tpu.vector_load %arg11[%swap3A_315, %swap3A_316, %swap3A_317] {strides = array<i32>} : memref<8x16x128xf32, #tpu.memory_space<vmem>>, vector<16xf32>,
      tpu.vector_store %arg11[%swap3A_315, %swap3A_316, %swap3A_317], %gather3A_313 {strides = array<i32>} : memref<8x16x128xf32, #tpu.memory_space<vmem>>, vector<16xf32>,
      %gather3A_319 = tpu.vector_load_idx %arg9[%broadcast_in_dim3A_9, %get3A_300] : memref<8x4096xf32, #tpu.memory_space<vmem>>[vector<16xi32>, vector<16xi32>], vector<16xf32>,
      %swap3A_320 = arith.constant 3 : i32
      %swap3A_321 = arith.index_cast %swap3A_320 : i32 to index
      %swap3A_322 = arith.index_cast %scan3A_135 : i32 to index
      %swap3A_323 = arith.constant 48 : index
      %swap3A_324 = tpu.vector_load %arg11[%swap3A_321, %swap3A_322, %swap3A_323] {strides = array<i32>} : memref<8x16x128xf32, #tpu.memory_space<vmem>>, vector<16xf32>,
      tpu.vector_store %arg11[%swap3A_321, %swap3A_322, %swap3A_323], %gather3A_319 {strides = array<i32>} : memref<8x16x128xf32, #tpu.memory_space<vmem>>, vector<16xf32>,
      %gather3A_325 = tpu.vector_load_idx %arg9[%broadcast_in_dim3A_11, %get3A_300] : memref<8x4096xf32, #tpu.memory_space<vmem>>[vector<16xi32>, vector<16xi32>], vector<16xf32>,
      %swap3A_326 = arith.constant 4 : i32
      %swap3A_327 = arith.index_cast %swap3A_326 : i32 to index
      %swap3A_328 = arith.index_cast %scan3A_135 : i32 to index
      %swap3A_329 = arith.constant 48 : index
      %swap3A_330 = tpu.vector_load %arg11[%swap3A_327, %swap3A_328, %swap3A_329] {strides = array<i32>} : memref<8x16x128xf32, #tpu.memory_space<vmem>>, vector<16xf32>,
      tpu.vector_store %arg11[%swap3A_327, %swap3A_328, %swap3A_329], %gather3A_325 {strides = array<i32>} : memref<8x16x128xf32, #tpu.memory_space<vmem>>, vector<16xf32>,
      %gather3A_331 = tpu.vector_load_idx %arg9[%broadcast_in_dim3A_13, %get3A_300] : memref<8x4096xf32, #tpu.memory_space<vmem>>[vector<16xi32>, vector<16xi32>], vector<16xf32>,
      %swap3A_332 = arith.constant 5 : i32
      %swap3A_333 = arith.index_cast %swap3A_332 : i32 to index
      %swap3A_334 = arith.index_cast %scan3A_135 : i32 to index
      %swap3A_335 = arith.constant 48 : index
      %swap3A_336 = tpu.vector_load %arg11[%swap3A_333, %swap3A_334, %swap3A_335] {strides = array<i32>} : memref<8x16x128xf32, #tpu.memory_space<vmem>>, vector<16xf32>,
      tpu.vector_store %arg11[%swap3A_333, %swap3A_334, %swap3A_335], %gather3A_331 {strides = array<i32>} : memref<8x16x128xf32, #tpu.memory_space<vmem>>, vector<16xf32>,
      %gather3A_337 = tpu.vector_load_idx %arg9[%broadcast_in_dim3A_15, %get3A_300] : memref<8x4096xf32, #tpu.memory_space<vmem>>[vector<16xi32>, vector<16xi32>], vector<16xf32>,
      %swap3A_338 = arith.constant 6 : i32
      %swap3A_339 = arith.index_cast %swap3A_338 : i32 to index
      %swap3A_340 = arith.index_cast %scan3A_135 : i32 to index
      %swap3A_341 = arith.constant 48 : index
      %swap3A_342 = tpu.vector_load %arg11[%swap3A_339, %swap3A_340, %swap3A_341] {strides = array<i32>} : memref<8x16x128xf32, #tpu.memory_space<vmem>>, vector<16xf32>,
      tpu.vector_store %arg11[%swap3A_339, %swap3A_340, %swap3A_341], %gather3A_337 {strides = array<i32>} : memref<8x16x128xf32, #tpu.memory_space<vmem>>, vector<16xf32>,
      %gather3A_343 = tpu.vector_load_idx %arg9[%broadcast_in_dim3A_17, %get3A_300] : memref<8x4096xf32, #tpu.memory_space<vmem>>[vector<16xi32>, vector<16xi32>], vector<16xf32>,
      %swap3A_344 = arith.constant 7 : i32
      %swap3A_345 = arith.index_cast %swap3A_344 : i32 to index
      %swap3A_346 = arith.index_cast %scan3A_135 : i32 to index
      %swap3A_347 = arith.constant 48 : index
      %swap3A_348 = tpu.vector_load %arg11[%swap3A_345, %swap3A_346, %swap3A_347] {strides = array<i32>} : memref<8x16x128xf32, #tpu.memory_space<vmem>>, vector<16xf32>,
      tpu.vector_store %arg11[%swap3A_345, %swap3A_346, %swap3A_347], %gather3A_343 {strides = array<i32>} : memref<8x16x128xf32, #tpu.memory_space<vmem>>, vector<16xf32>,
      %mul3A_349 = arith.constant 128 : i32
      %mul3A_350 = arith.muli %scan3A_135, %mul3A_349 : i32
      %add3A_351 = arith.constant 64 : i32
      %add3A_352 = arith.addi %mul3A_350, %add3A_351 : i32
      %get3A_353 = arith.index_cast %add3A_352 : i32 to index
      %get3A_354 = tpu.vector_load %arg6[%get3A_353] {strides = array<i32>} : memref<2048xi32, #tpu.memory_space<vmem>>, vector<16xi32>,
      %gather3A_355 = tpu.vector_load_idx %arg9[%broadcast_in_dim3A_3, %get3A_354] : memref<8x4096xf32, #tpu.memory_space<vmem>>[vector<16xi32>, vector<16xi32>], vector<16xf32>,
      %swap3A_356 = arith.constant 0 : i32
      %swap3A_357 = arith.index_cast %swap3A_356 : i32 to index
      %swap3A_358 = arith.index_cast %scan3A_135 : i32 to index
      %swap3A_359 = arith.constant 64 : index
      %swap3A_360 = tpu.vector_load %arg11[%swap3A_357, %swap3A_358, %swap3A_359] {strides = array<i32>} : memref<8x16x128xf32, #tpu.memory_space<vmem>>, vector<16xf32>,
      tpu.vector_store %arg11[%swap3A_357, %swap3A_358, %swap3A_359], %gather3A_355 {strides = array<i32>} : memref<8x16x128xf32, #tpu.memory_space<vmem>>, vector<16xf32>,
      %gather3A_361 = tpu.vector_load_idx %arg9[%broadcast_in_dim3A_5, %get3A_354] : memref<8x4096xf32, #tpu.memory_space<vmem>>[vector<16xi32>, vector<16xi32>], vector<16xf32>,
      %swap3A_362 = arith.constant 1 : i32
      %swap3A_363 = arith.index_cast %swap3A_362 : i32 to index
      %swap3A_364 = arith.index_cast %scan3A_135 : i32 to index
      %swap3A_365 = arith.constant 64 : index
      %swap3A_366 = tpu.vector_load %arg11[%swap3A_363, %swap3A_364, %swap3A_365] {strides = array<i32>} : memref<8x16x128xf32, #tpu.memory_space<vmem>>, vector<16xf32>,
      tpu.vector_store %arg11[%swap3A_363, %swap3A_364, %swap3A_365], %gather3A_361 {strides = array<i32>} : memref<8x16x128xf32, #tpu.memory_space<vmem>>, vector<16xf32>,
      %gather3A_367 = tpu.vector_load_idx %arg9[%broadcast_in_dim3A_7, %get3A_354] : memref<8x4096xf32, #tpu.memory_space<vmem>>[vector<16xi32>, vector<16xi32>], vector<16xf32>,
      %swap3A_368 = arith.constant 2 : i32
      %swap3A_369 = arith.index_cast %swap3A_368 : i32 to index
      %swap3A_370 = arith.index_cast %scan3A_135 : i32 to index
      %swap3A_371 = arith.constant 64 : index
      %swap3A_372 = tpu.vector_load %arg11[%swap3A_369, %swap3A_370, %swap3A_371] {strides = array<i32>} : memref<8x16x128xf32, #tpu.memory_space<vmem>>, vector<16xf32>,
      tpu.vector_store %arg11[%swap3A_369, %swap3A_370, %swap3A_371], %gather3A_367 {strides = array<i32>} : memref<8x16x128xf32, #tpu.memory_space<vmem>>, vector<16xf32>,
      %gather3A_373 = tpu.vector_load_idx %arg9[%broadcast_in_dim3A_9, %get3A_354] : memref<8x4096xf32, #tpu.memory_space<vmem>>[vector<16xi32>, vector<16xi32>], vector<16xf32>,
      %swap3A_374 = arith.constant 3 : i32
      %swap3A_375 = arith.index_cast %swap3A_374 : i32 to index
      %swap3A_376 = arith.index_cast %scan3A_135 : i32 to index
      %swap3A_377 = arith.constant 64 : index
      %swap3A_378 = tpu.vector_load %arg11[%swap3A_375, %swap3A_376, %swap3A_377] {strides = array<i32>} : memref<8x16x128xf32, #tpu.memory_space<vmem>>, vector<16xf32>,
      tpu.vector_store %arg11[%swap3A_375, %swap3A_376, %swap3A_377], %gather3A_373 {strides = array<i32>} : memref<8x16x128xf32, #tpu.memory_space<vmem>>, vector<16xf32>,
      %gather3A_379 = tpu.vector_load_idx %arg9[%broadcast_in_dim3A_11, %get3A_354] : memref<8x4096xf32, #tpu.memory_space<vmem>>[vector<16xi32>, vector<16xi32>], vector<16xf32>,
      %swap3A_380 = arith.constant 4 : i32
      %swap3A_381 = arith.index_cast %swap3A_380 : i32 to index
      %swap3A_382 = arith.index_cast %scan3A_135 : i32 to index
      %swap3A_383 = arith.constant 64 : index
      %swap3A_384 = tpu.vector_load %arg11[%swap3A_381, %swap3A_382, %swap3A_383] {strides = array<i32>} : memref<8x16x128xf32, #tpu.memory_space<vmem>>, vector<16xf32>,
      tpu.vector_store %arg11[%swap3A_381, %swap3A_382, %swap3A_383], %gather3A_379 {strides = array<i32>} : memref<8x16x128xf32, #tpu.memory_space<vmem>>, vector<16xf32>,
      %gather3A_385 = tpu.vector_load_idx %arg9[%broadcast_in_dim3A_13, %get3A_354] : memref<8x4096xf32, #tpu.memory_space<vmem>>[vector<16xi32>, vector<16xi32>], vector<16xf32>,
      %swap3A_386 = arith.constant 5 : i32
      %swap3A_387 = arith.index_cast %swap3A_386 : i32 to index
      %swap3A_388 = arith.index_cast %scan3A_135 : i32 to index
      %swap3A_389 = arith.constant 64 : index
      %swap3A_390 = tpu.vector_load %arg11[%swap3A_387, %swap3A_388, %swap3A_389] {strides = array<i32>} : memref<8x16x128xf32, #tpu.memory_space<vmem>>, vector<16xf32>,
      tpu.vector_store %arg11[%swap3A_387, %swap3A_388, %swap3A_389], %gather3A_385 {strides = array<i32>} : memref<8x16x128xf32, #tpu.memory_space<vmem>>, vector<16xf32>,
      %gather3A_391 = tpu.vector_load_idx %arg9[%broadcast_in_dim3A_15, %get3A_354] : memref<8x4096xf32, #tpu.memory_space<vmem>>[vector<16xi32>, vector<16xi32>], vector<16xf32>,
      %swap3A_392 = arith.constant 6 : i32
      %swap3A_393 = arith.index_cast %swap3A_392 : i32 to index
      %swap3A_394 = arith.index_cast %scan3A_135 : i32 to index
      %swap3A_395 = arith.constant 64 : index
      %swap3A_396 = tpu.vector_load %arg11[%swap3A_393, %swap3A_394, %swap3A_395] {strides = array<i32>} : memref<8x16x128xf32, #tpu.memory_space<vmem>>, vector<16xf32>,
      tpu.vector_store %arg11[%swap3A_393, %swap3A_394, %swap3A_395], %gather3A_391 {strides = array<i32>} : memref<8x16x128xf32, #tpu.memory_space<vmem>>, vector<16xf32>,
      %gather3A_397 = tpu.vector_load_idx %arg9[%broadcast_in_dim3A_17, %get3A_354] : memref<8x4096xf32, #tpu.memory_space<vmem>>[vector<16xi32>, vector<16xi32>], vector<16xf32>,
      %swap3A_398 = arith.constant 7 : i32
      %swap3A_399 = arith.index_cast %swap3A_398 : i32 to index
      %swap3A_400 = arith.index_cast %scan3A_135 : i32 to index
      %swap3A_401 = arith.constant 64 : index
      %swap3A_402 = tpu.vector_load %arg11[%swap3A_399, %swap3A_400, %swap3A_401] {strides = array<i32>} : memref<8x16x128xf32, #tpu.memory_space<vmem>>, vector<16xf32>,
      tpu.vector_store %arg11[%swap3A_399, %swap3A_400, %swap3A_401], %gather3A_397 {strides = array<i32>} : memref<8x16x128xf32, #tpu.memory_space<vmem>>, vector<16xf32>,
      %mul3A_403 = arith.constant 128 : i32
      %mul3A_404 = arith.muli %scan3A_135, %mul3A_403 : i32
      %add3A_405 = arith.constant 80 : i32
      %add3A_406 = arith.addi %mul3A_404, %add3A_405 : i32
      %get3A_407 = arith.index_cast %add3A_406 : i32 to index
      %get3A_408 = tpu.vector_load %arg6[%get3A_407] {strides = array<i32>} : memref<2048xi32, #tpu.memory_space<vmem>>, vector<16xi32>,
      %gather3A_409 = tpu.vector_load_idx %arg9[%broadcast_in_dim3A_3, %get3A_408] : memref<8x4096xf32, #tpu.memory_space<vmem>>[vector<16xi32>, vector<16xi32>], vector<16xf32>,
      %swap3A_410 = arith.constant 0 : i32
      %swap3A_411 = arith.index_cast %swap3A_410 : i32 to index
      %swap3A_412 = arith.index_cast %scan3A_135 : i32 to index
      %swap3A_413 = arith.constant 80 : index
      %swap3A_414 = tpu.vector_load %arg11[%swap3A_411, %swap3A_412, %swap3A_413] {strides = array<i32>} : memref<8x16x128xf32, #tpu.memory_space<vmem>>, vector<16xf32>,
      tpu.vector_store %arg11[%swap3A_411, %swap3A_412, %swap3A_413], %gather3A_409 {strides = array<i32>} : memref<8x16x128xf32, #tpu.memory_space<vmem>>, vector<16xf32>,
      %gather3A_415 = tpu.vector_load_idx %arg9[%broadcast_in_dim3A_5, %get3A_408] : memref<8x4096xf32, #tpu.memory_space<vmem>>[vector<16xi32>, vector<16xi32>], vector<16xf32>,
      %swap3A_416 = arith.constant 1 : i32
      %swap3A_417 = arith.index_cast %swap3A_416 : i32 to index
      %swap3A_418 = arith.index_cast %scan3A_135 : i32 to index
      %swap3A_419 = arith.constant 80 : index
      %swap3A_420 = tpu.vector_load %arg11[%swap3A_417, %swap3A_418, %swap3A_419] {strides = array<i32>} : memref<8x16x128xf32, #tpu.memory_space<vmem>>, vector<16xf32>,
      tpu.vector_store %arg11[%swap3A_417, %swap3A_418, %swap3A_419], %gather3A_415 {strides = array<i32>} : memref<8x16x128xf32, #tpu.memory_space<vmem>>, vector<16xf32>,
      %gather3A_421 = tpu.vector_load_idx %arg9[%broadcast_in_dim3A_7, %get3A_408] : memref<8x4096xf32, #tpu.memory_space<vmem>>[vector<16xi32>, vector<16xi32>], vector<16xf32>,
      %swap3A_422 = arith.constant 2 : i32
      %swap3A_423 = arith.index_cast %swap3A_422 : i32 to index
      %swap3A_424 = arith.index_cast %scan3A_135 : i32 to index
      %swap3A_425 = arith.constant 80 : index
      %swap3A_426 = tpu.vector_load %arg11[%swap3A_423, %swap3A_424, %swap3A_425] {strides = array<i32>} : memref<8x16x128xf32, #tpu.memory_space<vmem>>, vector<16xf32>,
      tpu.vector_store %arg11[%swap3A_423, %swap3A_424, %swap3A_425], %gather3A_421 {strides = array<i32>} : memref<8x16x128xf32, #tpu.memory_space<vmem>>, vector<16xf32>,
      %gather3A_427 = tpu.vector_load_idx %arg9[%broadcast_in_dim3A_9, %get3A_408] : memref<8x4096xf32, #tpu.memory_space<vmem>>[vector<16xi32>, vector<16xi32>], vector<16xf32>,
      %swap3A_428 = arith.constant 3 : i32
      %swap3A_429 = arith.index_cast %swap3A_428 : i32 to index
      %swap3A_430 = arith.index_cast %scan3A_135 : i32 to index
      %swap3A_431 = arith.constant 80 : index
      %swap3A_432 = tpu.vector_load %arg11[%swap3A_429, %swap3A_430, %swap3A_431] {strides = array<i32>} : memref<8x16x128xf32, #tpu.memory_space<vmem>>, vector<16xf32>,
      tpu.vector_store %arg11[%swap3A_429, %swap3A_430, %swap3A_431], %gather3A_427 {strides = array<i32>} : memref<8x16x128xf32, #tpu.memory_space<vmem>>, vector<16xf32>,
      %gather3A_433 = tpu.vector_load_idx %arg9[%broadcast_in_dim3A_11, %get3A_408] : memref<8x4096xf32, #tpu.memory_space<vmem>>[vector<16xi32>, vector<16xi32>], vector<16xf32>,
      %swap3A_434 = arith.constant 4 : i32
      %swap3A_435 = arith.index_cast %swap3A_434 : i32 to index
      %swap3A_436 = arith.index_cast %scan3A_135 : i32 to index
      %swap3A_437 = arith.constant 80 : index
      %swap3A_438 = tpu.vector_load %arg11[%swap3A_435, %swap3A_436, %swap3A_437] {strides = array<i32>} : memref<8x16x128xf32, #tpu.memory_space<vmem>>, vector<16xf32>,
      tpu.vector_store %arg11[%swap3A_435, %swap3A_436, %swap3A_437], %gather3A_433 {strides = array<i32>} : memref<8x16x128xf32, #tpu.memory_space<vmem>>, vector<16xf32>,
      %gather3A_439 = tpu.vector_load_idx %arg9[%broadcast_in_dim3A_13, %get3A_408] : memref<8x4096xf32, #tpu.memory_space<vmem>>[vector<16xi32>, vector<16xi32>], vector<16xf32>,
      %swap3A_440 = arith.constant 5 : i32
      %swap3A_441 = arith.index_cast %swap3A_440 : i32 to index
      %swap3A_442 = arith.index_cast %scan3A_135 : i32 to index
      %swap3A_443 = arith.constant 80 : index
      %swap3A_444 = tpu.vector_load %arg11[%swap3A_441, %swap3A_442, %swap3A_443] {strides = array<i32>} : memref<8x16x128xf32, #tpu.memory_space<vmem>>, vector<16xf32>,
      tpu.vector_store %arg11[%swap3A_441, %swap3A_442, %swap3A_443], %gather3A_439 {strides = array<i32>} : memref<8x16x128xf32, #tpu.memory_space<vmem>>, vector<16xf32>,
      %gather3A_445 = tpu.vector_load_idx %arg9[%broadcast_in_dim3A_15, %get3A_408] : memref<8x4096xf32, #tpu.memory_space<vmem>>[vector<16xi32>, vector<16xi32>], vector<16xf32>,
      %swap3A_446 = arith.constant 6 : i32
      %swap3A_447 = arith.index_cast %swap3A_446 : i32 to index
      %swap3A_448 = arith.index_cast %scan3A_135 : i32 to index
      %swap3A_449 = arith.constant 80 : index
      %swap3A_450 = tpu.vector_load %arg11[%swap3A_447, %swap3A_448, %swap3A_449] {strides = array<i32>} : memref<8x16x128xf32, #tpu.memory_space<vmem>>, vector<16xf32>,
      tpu.vector_store %arg11[%swap3A_447, %swap3A_448, %swap3A_449], %gather3A_445 {strides = array<i32>} : memref<8x16x128xf32, #tpu.memory_space<vmem>>, vector<16xf32>,
      %gather3A_451 = tpu.vector_load_idx %arg9[%broadcast_in_dim3A_17, %get3A_408] : memref<8x4096xf32, #tpu.memory_space<vmem>>[vector<16xi32>, vector<16xi32>], vector<16xf32>,
      %swap3A_452 = arith.constant 7 : i32
      %swap3A_453 = arith.index_cast %swap3A_452 : i32 to index
      %swap3A_454 = arith.index_cast %scan3A_135 : i32 to index
      %swap3A_455 = arith.constant 80 : index
      %swap3A_456 = tpu.vector_load %arg11[%swap3A_453, %swap3A_454, %swap3A_455] {strides = array<i32>} : memref<8x16x128xf32, #tpu.memory_space<vmem>>, vector<16xf32>,
      tpu.vector_store %arg11[%swap3A_453, %swap3A_454, %swap3A_455], %gather3A_451 {strides = array<i32>} : memref<8x16x128xf32, #tpu.memory_space<vmem>>, vector<16xf32>,
      %mul3A_457 = arith.constant 128 : i32
      %mul3A_458 = arith.muli %scan3A_135, %mul3A_457 : i32
      %add3A_459 = arith.constant 96 : i32
      %add3A_460 = arith.addi %mul3A_458, %add3A_459 : i32
      %get3A_461 = arith.index_cast %add3A_460 : i32 to index
      %get3A_462 = tpu.vector_load %arg6[%get3A_461] {strides = array<i32>} : memref<2048xi32, #tpu.memory_space<vmem>>, vector<16xi32>,
      %gather3A_463 = tpu.vector_load_idx %arg9[%broadcast_in_dim3A_3, %get3A_462] : memref<8x4096xf32, #tpu.memory_space<vmem>>[vector<16xi32>, vector<16xi32>], vector<16xf32>,
      %swap3A_464 = arith.constant 0 : i32
      %swap3A_465 = arith.index_cast %swap3A_464 : i32 to index
      %swap3A_466 = arith.index_cast %scan3A_135 : i32 to index
      %swap3A_467 = arith.constant 96 : index
      %swap3A_468 = tpu.vector_load %arg11[%swap3A_465, %swap3A_466, %swap3A_467] {strides = array<i32>} : memref<8x16x128xf32, #tpu.memory_space<vmem>>, vector<16xf32>,
      tpu.vector_store %arg11[%swap3A_465, %swap3A_466, %swap3A_467], %gather3A_463 {strides = array<i32>} : memref<8x16x128xf32, #tpu.memory_space<vmem>>, vector<16xf32>,
      %gather3A_469 = tpu.vector_load_idx %arg9[%broadcast_in_dim3A_5, %get3A_462] : memref<8x4096xf32, #tpu.memory_space<vmem>>[vector<16xi32>, vector<16xi32>], vector<16xf32>,
      %swap3A_470 = arith.constant 1 : i32
      %swap3A_471 = arith.index_cast %swap3A_470 : i32 to index
      %swap3A_472 = arith.index_cast %scan3A_135 : i32 to index
      %swap3A_473 = arith.constant 96 : index
      %swap3A_474 = tpu.vector_load %arg11[%swap3A_471, %swap3A_472, %swap3A_473] {strides = array<i32>} : memref<8x16x128xf32, #tpu.memory_space<vmem>>, vector<16xf32>,
      tpu.vector_store %arg11[%swap3A_471, %swap3A_472, %swap3A_473], %gather3A_469 {strides = array<i32>} : memref<8x16x128xf32, #tpu.memory_space<vmem>>, vector<16xf32>,
      %gather3A_475 = tpu.vector_load_idx %arg9[%broadcast_in_dim3A_7, %get3A_462] : memref<8x4096xf32, #tpu.memory_space<vmem>>[vector<16xi32>, vector<16xi32>], vector<16xf32>,
      %swap3A_476 = arith.constant 2 : i32
      %swap3A_477 = arith.index_cast %swap3A_476 : i32 to index
      %swap3A_478 = arith.index_cast %scan3A_135 : i32 to index
      %swap3A_479 = arith.constant 96 : index
      %swap3A_480 = tpu.vector_load %arg11[%swap3A_477, %swap3A_478, %swap3A_479] {strides = array<i32>} : memref<8x16x128xf32, #tpu.memory_space<vmem>>, vector<16xf32>,
      tpu.vector_store %arg11[%swap3A_477, %swap3A_478, %swap3A_479], %gather3A_475 {strides = array<i32>} : memref<8x16x128xf32, #tpu.memory_space<vmem>>, vector<16xf32>,
      %gather3A_481 = tpu.vector_load_idx %arg9[%broadcast_in_dim3A_9, %get3A_462] : memref<8x4096xf32, #tpu.memory_space<vmem>>[vector<16xi32>, vector<16xi32>], vector<16xf32>,
      %swap3A_482 = arith.constant 3 : i32
      %swap3A_483 = arith.index_cast %swap3A_482 : i32 to index
      %swap3A_484 = arith.index_cast %scan3A_135 : i32 to index
      %swap3A_485 = arith.constant 96 : index
      %swap3A_486 = tpu.vector_load %arg11[%swap3A_483, %swap3A_484, %swap3A_485] {strides = array<i32>} : memref<8x16x128xf32, #tpu.memory_space<vmem>>, vector<16xf32>,
      tpu.vector_store %arg11[%swap3A_483, %swap3A_484, %swap3A_485], %gather3A_481 {strides = array<i32>} : memref<8x16x128xf32, #tpu.memory_space<vmem>>, vector<16xf32>,
      %gather3A_487 = tpu.vector_load_idx %arg9[%broadcast_in_dim3A_11, %get3A_462] : memref<8x4096xf32, #tpu.memory_space<vmem>>[vector<16xi32>, vector<16xi32>], vector<16xf32>,
      %swap3A_488 = arith.constant 4 : i32
      %swap3A_489 = arith.index_cast %swap3A_488 : i32 to index
      %swap3A_490 = arith.index_cast %scan3A_135 : i32 to index
      %swap3A_491 = arith.constant 96 : index
      %swap3A_492 = tpu.vector_load %arg11[%swap3A_489, %swap3A_490, %swap3A_491] {strides = array<i32>} : memref<8x16x128xf32, #tpu.memory_space<vmem>>, vector<16xf32>,
      tpu.vector_store %arg11[%swap3A_489, %swap3A_490, %swap3A_491], %gather3A_487 {strides = array<i32>} : memref<8x16x128xf32, #tpu.memory_space<vmem>>, vector<16xf32>,
      %gather3A_493 = tpu.vector_load_idx %arg9[%broadcast_in_dim3A_13, %get3A_462] : memref<8x4096xf32, #tpu.memory_space<vmem>>[vector<16xi32>, vector<16xi32>], vector<16xf32>,
      %swap3A_494 = arith.constant 5 : i32
      %swap3A_495 = arith.index_cast %swap3A_494 : i32 to index
      %swap3A_496 = arith.index_cast %scan3A_135 : i32 to index
      %swap3A_497 = arith.constant 96 : index
      %swap3A_498 = tpu.vector_load %arg11[%swap3A_495, %swap3A_496, %swap3A_497] {strides = array<i32>} : memref<8x16x128xf32, #tpu.memory_space<vmem>>, vector<16xf32>,
      tpu.vector_store %arg11[%swap3A_495, %swap3A_496, %swap3A_497], %gather3A_493 {strides = array<i32>} : memref<8x16x128xf32, #tpu.memory_space<vmem>>, vector<16xf32>,
      %gather3A_499 = tpu.vector_load_idx %arg9[%broadcast_in_dim3A_15, %get3A_462] : memref<8x4096xf32, #tpu.memory_space<vmem>>[vector<16xi32>, vector<16xi32>], vector<16xf32>,
      %swap3A_500 = arith.constant 6 : i32
      %swap3A_501 = arith.index_cast %swap3A_500 : i32 to index
      %swap3A_502 = arith.index_cast %scan3A_135 : i32 to index
      %swap3A_503 = arith.constant 96 : index
      %swap3A_504 = tpu.vector_load %arg11[%swap3A_501, %swap3A_502, %swap3A_503] {strides = array<i32>} : memref<8x16x128xf32, #tpu.memory_space<vmem>>, vector<16xf32>,
      tpu.vector_store %arg11[%swap3A_501, %swap3A_502, %swap3A_503], %gather3A_499 {strides = array<i32>} : memref<8x16x128xf32, #tpu.memory_space<vmem>>, vector<16xf32>,
      %gather3A_505 = tpu.vector_load_idx %arg9[%broadcast_in_dim3A_17, %get3A_462] : memref<8x4096xf32, #tpu.memory_space<vmem>>[vector<16xi32>, vector<16xi32>], vector<16xf32>,
      %swap3A_506 = arith.constant 7 : i32
      %swap3A_507 = arith.index_cast %swap3A_506 : i32 to index
      %swap3A_508 = arith.index_cast %scan3A_135 : i32 to index
      %swap3A_509 = arith.constant 96 : index
      %swap3A_510 = tpu.vector_load %arg11[%swap3A_507, %swap3A_508, %swap3A_509] {strides = array<i32>} : memref<8x16x128xf32, #tpu.memory_space<vmem>>, vector<16xf32>,
      tpu.vector_store %arg11[%swap3A_507, %swap3A_508, %swap3A_509], %gather3A_505 {strides = array<i32>} : memref<8x16x128xf32, #tpu.memory_space<vmem>>, vector<16xf32>,
      %mul3A_511 = arith.constant 128 : i32
      %mul3A_512 = arith.muli %scan3A_135, %mul3A_511 : i32
      %add3A_513 = arith.constant 112 : i32
      %add3A_514 = arith.addi %mul3A_512, %add3A_513 : i32
      %get3A_515 = arith.index_cast %add3A_514 : i32 to index
      %get3A_516 = tpu.vector_load %arg6[%get3A_515] {strides = array<i32>} : memref<2048xi32, #tpu.memory_space<vmem>>, vector<16xi32>,
      %gather3A_517 = tpu.vector_load_idx %arg9[%broadcast_in_dim3A_3, %get3A_516] : memref<8x4096xf32, #tpu.memory_space<vmem>>[vector<16xi32>, vector<16xi32>], vector<16xf32>,
      %swap3A_518 = arith.constant 0 : i32
      %swap3A_519 = arith.index_cast %swap3A_518 : i32 to index
      %swap3A_520 = arith.index_cast %scan3A_135 : i32 to index
      %swap3A_521 = arith.constant 112 : index
      %swap3A_522 = tpu.vector_load %arg11[%swap3A_519, %swap3A_520, %swap3A_521] {strides = array<i32>} : memref<8x16x128xf32, #tpu.memory_space<vmem>>, vector<16xf32>,
      tpu.vector_store %arg11[%swap3A_519, %swap3A_520, %swap3A_521], %gather3A_517 {strides = array<i32>} : memref<8x16x128xf32, #tpu.memory_space<vmem>>, vector<16xf32>,
      %gather3A_523 = tpu.vector_load_idx %arg9[%broadcast_in_dim3A_5, %get3A_516] : memref<8x4096xf32, #tpu.memory_space<vmem>>[vector<16xi32>, vector<16xi32>], vector<16xf32>,
      %swap3A_524 = arith.constant 1 : i32
      %swap3A_525 = arith.index_cast %swap3A_524 : i32 to index
      %swap3A_526 = arith.index_cast %scan3A_135 : i32 to index
      %swap3A_527 = arith.constant 112 : index
      %swap3A_528 = tpu.vector_load %arg11[%swap3A_525, %swap3A_526, %swap3A_527] {strides = array<i32>} : memref<8x16x128xf32, #tpu.memory_space<vmem>>, vector<16xf32>,
      tpu.vector_store %arg11[%swap3A_525, %swap3A_526, %swap3A_527], %gather3A_523 {strides = array<i32>} : memref<8x16x128xf32, #tpu.memory_space<vmem>>, vector<16xf32>,
      %gather3A_529 = tpu.vector_load_idx %arg9[%broadcast_in_dim3A_7, %get3A_516] : memref<8x4096xf32, #tpu.memory_space<vmem>>[vector<16xi32>, vector<16xi32>], vector<16xf32>,
      %swap3A_530 = arith.constant 2 : i32
      %swap3A_531 = arith.index_cast %swap3A_530 : i32 to index
      %swap3A_532 = arith.index_cast %scan3A_135 : i32 to index
      %swap3A_533 = arith.constant 112 : index
      %swap3A_534 = tpu.vector_load %arg11[%swap3A_531, %swap3A_532, %swap3A_533] {strides = array<i32>} : memref<8x16x128xf32, #tpu.memory_space<vmem>>, vector<16xf32>,
      tpu.vector_store %arg11[%swap3A_531, %swap3A_532, %swap3A_533], %gather3A_529 {strides = array<i32>} : memref<8x16x128xf32, #tpu.memory_space<vmem>>, vector<16xf32>,
      %gather3A_535 = tpu.vector_load_idx %arg9[%broadcast_in_dim3A_9, %get3A_516] : memref<8x4096xf32, #tpu.memory_space<vmem>>[vector<16xi32>, vector<16xi32>], vector<16xf32>,
      %swap3A_536 = arith.constant 3 : i32
      %swap3A_537 = arith.index_cast %swap3A_536 : i32 to index
      %swap3A_538 = arith.index_cast %scan3A_135 : i32 to index
      %swap3A_539 = arith.constant 112 : index
      %swap3A_540 = tpu.vector_load %arg11[%swap3A_537, %swap3A_538, %swap3A_539] {strides = array<i32>} : memref<8x16x128xf32, #tpu.memory_space<vmem>>, vector<16xf32>,
      tpu.vector_store %arg11[%swap3A_537, %swap3A_538, %swap3A_539], %gather3A_535 {strides = array<i32>} : memref<8x16x128xf32, #tpu.memory_space<vmem>>, vector<16xf32>,
      %gather3A_541 = tpu.vector_load_idx %arg9[%broadcast_in_dim3A_11, %get3A_516] : memref<8x4096xf32, #tpu.memory_space<vmem>>[vector<16xi32>, vector<16xi32>], vector<16xf32>,
      %swap3A_542 = arith.constant 4 : i32
      %swap3A_543 = arith.index_cast %swap3A_542 : i32 to index
      %swap3A_544 = arith.index_cast %scan3A_135 : i32 to index
      %swap3A_545 = arith.constant 112 : index
      %swap3A_546 = tpu.vector_load %arg11[%swap3A_543, %swap3A_544, %swap3A_545] {strides = array<i32>} : memref<8x16x128xf32, #tpu.memory_space<vmem>>, vector<16xf32>,
      tpu.vector_store %arg11[%swap3A_543, %swap3A_544, %swap3A_545], %gather3A_541 {strides = array<i32>} : memref<8x16x128xf32, #tpu.memory_space<vmem>>, vector<16xf32>,
      %gather3A_547 = tpu.vector_load_idx %arg9[%broadcast_in_dim3A_13, %get3A_516] : memref<8x4096xf32, #tpu.memory_space<vmem>>[vector<16xi32>, vector<16xi32>], vector<16xf32>,
      %swap3A_548 = arith.constant 5 : i32
      %swap3A_549 = arith.index_cast %swap3A_548 : i32 to index
      %swap3A_550 = arith.index_cast %scan3A_135 : i32 to index
      %swap3A_551 = arith.constant 112 : index
      %swap3A_552 = tpu.vector_load %arg11[%swap3A_549, %swap3A_550, %swap3A_551] {strides = array<i32>} : memref<8x16x128xf32, #tpu.memory_space<vmem>>, vector<16xf32>,
      tpu.vector_store %arg11[%swap3A_549, %swap3A_550, %swap3A_551], %gather3A_547 {strides = array<i32>} : memref<8x16x128xf32, #tpu.memory_space<vmem>>, vector<16xf32>,
      %gather3A_553 = tpu.vector_load_idx %arg9[%broadcast_in_dim3A_15, %get3A_516] : memref<8x4096xf32, #tpu.memory_space<vmem>>[vector<16xi32>, vector<16xi32>], vector<16xf32>,
      %swap3A_554 = arith.constant 6 : i32
      %swap3A_555 = arith.index_cast %swap3A_554 : i32 to index
      %swap3A_556 = arith.index_cast %scan3A_135 : i32 to index
      %swap3A_557 = arith.constant 112 : index
      %swap3A_558 = tpu.vector_load %arg11[%swap3A_555, %swap3A_556, %swap3A_557] {strides = array<i32>} : memref<8x16x128xf32, #tpu.memory_space<vmem>>, vector<16xf32>,
      tpu.vector_store %arg11[%swap3A_555, %swap3A_556, %swap3A_557], %gather3A_553 {strides = array<i32>} : memref<8x16x128xf32, #tpu.memory_space<vmem>>, vector<16xf32>,
      %gather3A_559 = tpu.vector_load_idx %arg9[%broadcast_in_dim3A_17, %get3A_516] : memref<8x4096xf32, #tpu.memory_space<vmem>>[vector<16xi32>, vector<16xi32>], vector<16xf32>,
      %swap3A_560 = arith.constant 7 : i32
      %swap3A_561 = arith.index_cast %swap3A_560 : i32 to index
      %swap3A_562 = arith.index_cast %scan3A_135 : i32 to index
      %swap3A_563 = arith.constant 112 : index
      %swap3A_564 = tpu.vector_load %arg11[%swap3A_561, %swap3A_562, %swap3A_563] {strides = array<i32>} : memref<8x16x128xf32, #tpu.memory_space<vmem>>, vector<16xf32>,
      tpu.vector_store %arg11[%swap3A_561, %swap3A_562, %swap3A_563], %gather3A_559 {strides = array<i32>} : memref<8x16x128xf32, #tpu.memory_space<vmem>>, vector<16xf32>,
    }
    %scan3A_59 = arith.constant 16 : i32
    %add3A_60 = arith.constant 8 : i32
    %add3A_61 = arith.addi %mul3A_2, %add3A_60 : i32
    %dma_start3A_62 = arith.constant 0 : i32
    %dma_start3A_63 = arith.constant 0 : i32
    %dma_start3A_64 = tpu.memref_slice %arg5[%add3A_61, %dma_start3A_62, %dma_start3A_63] : memref<1024x16x128xf32, #tpu.memory_space<hbm>> -> memref<8x16x128xf32, #tpu.memory_space<hbm>>
    %dma_start3A_65 = arith.constant 0 : i32
    %dma_start3A_66 = arith.constant 0 : i32
    %dma_start3A_67 = tpu.memref_slice %arg5[%add3A_61, %dma_start3A_65, %dma_start3A_66] : memref<1024x16x128xf32, #tpu.memory_space<hbm>> -> memref<8x16x128xf32, #tpu.memory_space<hbm>>
    tpu.enqueue_dma source(%arg11 : memref<8x16x128xf32, #tpu.memory_space<vmem>>) target(%dma_start3A_67 : memref<8x16x128xf32, #tpu.memory_space<hbm>>) target_semaphore(%arg15 : memref<!tpu.dma_semaphore, #tpu.memory_space<semaphore_mem>>)
    %dma_wait3A_68 = arith.constant 16 : i32
    %dma_wait3A_69 = tpu.memref_slice %arg7[%dma_wait3A_68] : memref<32xi32, #tpu.memory_space<vmem>> -> memref<8xi32, #tpu.memory_space<vmem>>
    %dma_wait3A_70 = arith.constant 0 : i32
    %dma_wait3A_71 = arith.constant 0 : i32
    %dma_wait3A_72 = tpu.memref_slice %arg4[%dma_wait3A_70, %dma_wait3A_71] : memref<4096x4096xf32, #tpu.memory_space<hbm>> -> memref<4096x4096xf32, #tpu.memory_space<hbm>>
    tpu.wait_indirect_dma semaphore(%arg12 : memref<!tpu.dma_semaphore, #tpu.memory_space<semaphore_mem>>) src(%dma_wait3A_72 : memref<4096x4096xf32, #tpu.memory_space<hbm>>) dst(%arg8 : memref<8x4096xf32, #tpu.memory_space<vmem>>)
    %dma_start3A_73 = arith.constant 24 : i32
    %dma_start3A_74 = tpu.memref_slice %arg7[%dma_start3A_73] : memref<32xi32, #tpu.memory_space<vmem>> -> memref<8xi32, #tpu.memory_space<vmem>>
    %dma_start3A_75 = arith.constant 0 : i32
    %dma_start3A_76 = arith.constant 0 : i32
    %dma_start3A_77 = tpu.memref_slice %arg4[%dma_start3A_75, %dma_start3A_76] : memref<4096x4096xf32, #tpu.memory_space<hbm>> -> memref<4096x4096xf32, #tpu.memory_space<hbm>>
    tpu.enqueue_indirect_dma source(%dma_start3A_77 : memref<4096x4096xf32, #tpu.memory_space<hbm>>) target(%arg9 : memref<8x4096xf32, #tpu.memory_space<vmem>>) offsets(%dma_start3A_74 : memref<8xi32, #tpu.memory_space<vmem>>) semaphore(%arg13 : memref<!tpu.dma_semaphore, #tpu.memory_space<semaphore_mem>>)
    %dma_wait3A_78 = arith.constant 0 : i32
    %dma_wait3A_79 = arith.constant 0 : i32
    %dma_wait3A_80 = tpu.memref_slice %arg5[%add3A_37, %dma_wait3A_78, %dma_wait3A_79] : memref<1024x16x128xf32, #tpu.memory_space<hbm>> -> memref<8x16x128xf32, #tpu.memory_space<hbm>>
    %dma_wait3A_81 = arith.constant 0 : i32
    %dma_wait3A_82 = arith.constant 0 : i32
    %dma_wait3A_83 = tpu.memref_slice %arg5[%add3A_37, %dma_wait3A_81, %dma_wait3A_82] : memref<1024x16x128xf32, #tpu.memory_space<hbm>> -> memref<8x16x128xf32, #tpu.memory_space<hbm>>
    tpu.wait_dma2 semaphore(%arg14 : memref<!tpu.dma_semaphore, #tpu.memory_space<semaphore_mem>>) src(%arg10 : memref<8x16x128xf32, #tpu.memory_space<vmem>>) dst(%dma_wait3A_83 : memref<8x16x128xf32, #tpu.memory_space<hbm>>)
    %scan3A_84 = arith.constant 0 : i32
    %scan3A_85 = arith.constant 0 : i32
    %scan3A_86 = arith.constant 16 : i32
    %scan3A_87 = arith.addi %scan3A_85, %scan3A_86 : i32
    %scan3A_88 = arith.constant 1 : i32
    scf.for %scan3A_135 = %scan3A_85 to %scan3A_87 step %scan3A_88  : i32 {
      %mul3A_136 = arith.constant 128 : i32
      %mul3A_137 = arith.muli %scan3A_135, %mul3A_136 : i32
      %add3A_138 = arith.constant 0 : i32
      %add3A_139 = arith.addi %mul3A_137, %add3A_138 : i32
      %get3A = arith.index_cast %add3A_139 : i32 to index
      %get3A_140 = tpu.vector_load %arg6[%get3A] {strides = array<i32>} : memref<2048xi32, #tpu.memory_space<vmem>>, vector<16xi32>,
      %gather3A = tpu.vector_load_idx %arg8[%broadcast_in_dim3A_3, %get3A_140] : memref<8x4096xf32, #tpu.memory_space<vmem>>[vector<16xi32>, vector<16xi32>], vector<16xf32>,
      %swap3A = arith.constant 0 : i32
      %swap3A_141 = arith.index_cast %swap3A : i32 to index
      %swap3A_142 = arith.index_cast %scan3A_135 : i32 to index
      %swap3A_143 = arith.constant 0 : index
      %swap3A_144 = tpu.vector_load %arg10[%swap3A_141, %swap3A_142, %swap3A_143] {strides = array<i32>} : memref<8x16x128xf32, #tpu.memory_space<vmem>>, vector<16xf32>,
      tpu.vector_store %arg10[%swap3A_141, %swap3A_142, %swap3A_143], %gather3A {strides = array<i32>} : memref<8x16x128xf32, #tpu.memory_space<vmem>>, vector<16xf32>,
      %gather3A_145 = tpu.vector_load_idx %arg8[%broadcast_in_dim3A_5, %get3A_140] : memref<8x4096xf32, #tpu.memory_space<vmem>>[vector<16xi32>, vector<16xi32>], vector<16xf32>,
      %swap3A_146 = arith.constant 1 : i32
      %swap3A_147 = arith.index_cast %swap3A_146 : i32 to index
      %swap3A_148 = arith.index_cast %scan3A_135 : i32 to index
      %swap3A_149 = arith.constant 0 : index
      %swap3A_150 = tpu.vector_load %arg10[%swap3A_147, %swap3A_148, %swap3A_149] {strides = array<i32>} : memref<8x16x128xf32, #tpu.memory_space<vmem>>, vector<16xf32>,
      tpu.vector_store %arg10[%swap3A_147, %swap3A_148, %swap3A_149], %gather3A_145 {strides = array<i32>} : memref<8x16x128xf32, #tpu.memory_space<vmem>>, vector<16xf32>,
      %gather3A_151 = tpu.vector_load_idx %arg8[%broadcast_in_dim3A_7, %get3A_140] : memref<8x4096xf32, #tpu.memory_space<vmem>>[vector<16xi32>, vector<16xi32>], vector<16xf32>,
      %swap3A_152 = arith.constant 2 : i32
      %swap3A_153 = arith.index_cast %swap3A_152 : i32 to index
      %swap3A_154 = arith.index_cast %scan3A_135 : i32 to index
      %swap3A_155 = arith.constant 0 : index
      %swap3A_156 = tpu.vector_load %arg10[%swap3A_153, %swap3A_154, %swap3A_155] {strides = array<i32>} : memref<8x16x128xf32, #tpu.memory_space<vmem>>, vector<16xf32>,
      tpu.vector_store %arg10[%swap3A_153, %swap3A_154, %swap3A_155], %gather3A_151 {strides = array<i32>} : memref<8x16x128xf32, #tpu.memory_space<vmem>>, vector<16xf32>,
      %gather3A_157 = tpu.vector_load_idx %arg8[%broadcast_in_dim3A_9, %get3A_140] : memref<8x4096xf32, #tpu.memory_space<vmem>>[vector<16xi32>, vector<16xi32>], vector<16xf32>,
      %swap3A_158 = arith.constant 3 : i32
      %swap3A_159 = arith.index_cast %swap3A_158 : i32 to index
      %swap3A_160 = arith.index_cast %scan3A_135 : i32 to index
      %swap3A_161 = arith.constant 0 : index
      %swap3A_162 = tpu.vector_load %arg10[%swap3A_159, %swap3A_160, %swap3A_161] {strides = array<i32>} : memref<8x16x128xf32, #tpu.memory_space<vmem>>, vector<16xf32>,
      tpu.vector_store %arg10[%swap3A_159, %swap3A_160, %swap3A_161], %gather3A_157 {strides = array<i32>} : memref<8x16x128xf32, #tpu.memory_space<vmem>>, vector<16xf32>,
      %gather3A_163 = tpu.vector_load_idx %arg8[%broadcast_in_dim3A_11, %get3A_140] : memref<8x4096xf32, #tpu.memory_space<vmem>>[vector<16xi32>, vector<16xi32>], vector<16xf32>,
      %swap3A_164 = arith.constant 4 : i32
      %swap3A_165 = arith.index_cast %swap3A_164 : i32 to index
      %swap3A_166 = arith.index_cast %scan3A_135 : i32 to index
      %swap3A_167 = arith.constant 0 : index
      %swap3A_168 = tpu.vector_load %arg10[%swap3A_165, %swap3A_166, %swap3A_167] {strides = array<i32>} : memref<8x16x128xf32, #tpu.memory_space<vmem>>, vector<16xf32>,
      tpu.vector_store %arg10[%swap3A_165, %swap3A_166, %swap3A_167], %gather3A_163 {strides = array<i32>} : memref<8x16x128xf32, #tpu.memory_space<vmem>>, vector<16xf32>,
      %gather3A_169 = tpu.vector_load_idx %arg8[%broadcast_in_dim3A_13, %get3A_140] : memref<8x4096xf32, #tpu.memory_space<vmem>>[vector<16xi32>, vector<16xi32>], vector<16xf32>,
      %swap3A_170 = arith.constant 5 : i32
      %swap3A_171 = arith.index_cast %swap3A_170 : i32 to index
      %swap3A_172 = arith.index_cast %scan3A_135 : i32 to index
      %swap3A_173 = arith.constant 0 : index
      %swap3A_174 = tpu.vector_load %arg10[%swap3A_171, %swap3A_172, %swap3A_173] {strides = array<i32>} : memref<8x16x128xf32, #tpu.memory_space<vmem>>, vector<16xf32>,
      tpu.vector_store %arg10[%swap3A_171, %swap3A_172, %swap3A_173], %gather3A_169 {strides = array<i32>} : memref<8x16x128xf32, #tpu.memory_space<vmem>>, vector<16xf32>,
      %gather3A_175 = tpu.vector_load_idx %arg8[%broadcast_in_dim3A_15, %get3A_140] : memref<8x4096xf32, #tpu.memory_space<vmem>>[vector<16xi32>, vector<16xi32>], vector<16xf32>,
      %swap3A_176 = arith.constant 6 : i32
      %swap3A_177 = arith.index_cast %swap3A_176 : i32 to index
      %swap3A_178 = arith.index_cast %scan3A_135 : i32 to index
      %swap3A_179 = arith.constant 0 : index
      %swap3A_180 = tpu.vector_load %arg10[%swap3A_177, %swap3A_178, %swap3A_179] {strides = array<i32>} : memref<8x16x128xf32, #tpu.memory_space<vmem>>, vector<16xf32>,
      tpu.vector_store %arg10[%swap3A_177, %swap3A_178, %swap3A_179], %gather3A_175 {strides = array<i32>} : memref<8x16x128xf32, #tpu.memory_space<vmem>>, vector<16xf32>,
      %gather3A_181 = tpu.vector_load_idx %arg8[%broadcast_in_dim3A_17, %get3A_140] : memref<8x4096xf32, #tpu.memory_space<vmem>>[vector<16xi32>, vector<16xi32>], vector<16xf32>,
      %swap3A_182 = arith.constant 7 : i32
      %swap3A_183 = arith.index_cast %swap3A_182 : i32 to index
      %swap3A_184 = arith.index_cast %scan3A_135 : i32 to index
      %swap3A_185 = arith.constant 0 : index
      %swap3A_186 = tpu.vector_load %arg10[%swap3A_183, %swap3A_184, %swap3A_185] {strides = array<i32>} : memref<8x16x128xf32, #tpu.memory_space<vmem>>, vector<16xf32>,
      tpu.vector_store %arg10[%swap3A_183, %swap3A_184, %swap3A_185], %gather3A_181 {strides = array<i32>} : memref<8x16x128xf32, #tpu.memory_space<vmem>>, vector<16xf32>,
      %mul3A_187 = arith.constant 128 : i32
      %mul3A_188 = arith.muli %scan3A_135, %mul3A_187 : i32
      %add3A_189 = arith.constant 16 : i32
      %add3A_190 = arith.addi %mul3A_188, %add3A_189 : i32
      %get3A_191 = arith.index_cast %add3A_190 : i32 to index
      %get3A_192 = tpu.vector_load %arg6[%get3A_191] {strides = array<i32>} : memref<2048xi32, #tpu.memory_space<vmem>>, vector<16xi32>,
      %gather3A_193 = tpu.vector_load_idx %arg8[%broadcast_in_dim3A_3, %get3A_192] : memref<8x4096xf32, #tpu.memory_space<vmem>>[vector<16xi32>, vector<16xi32>], vector<16xf32>,
      %swap3A_194 = arith.constant 0 : i32
      %swap3A_195 = arith.index_cast %swap3A_194 : i32 to index
      %swap3A_196 = arith.index_cast %scan3A_135 : i32 to index
      %swap3A_197 = arith.constant 16 : index
      %swap3A_198 = tpu.vector_load %arg10[%swap3A_195, %swap3A_196, %swap3A_197] {strides = array<i32>} : memref<8x16x128xf32, #tpu.memory_space<vmem>>, vector<16xf32>,
      tpu.vector_store %arg10[%swap3A_195, %swap3A_196, %swap3A_197], %gather3A_193 {strides = array<i32>} : memref<8x16x128xf32, #tpu.memory_space<vmem>>, vector<16xf32>,
      %gather3A_199 = tpu.vector_load_idx %arg8[%broadcast_in_dim3A_5, %get3A_192] : memref<8x4096xf32, #tpu.memory_space<vmem>>[vector<16xi32>, vector<16xi32>], vector<16xf32>,
      %swap3A_200 = arith.constant 1 : i32
      %swap3A_201 = arith.index_cast %swap3A_200 : i32 to index
      %swap3A_202 = arith.index_cast %scan3A_135 : i32 to index
      %swap3A_203 = arith.constant 16 : index
      %swap3A_204 = tpu.vector_load %arg10[%swap3A_201, %swap3A_202, %swap3A_203] {strides = array<i32>} : memref<8x16x128xf32, #tpu.memory_space<vmem>>, vector<16xf32>,
      tpu.vector_store %arg10[%swap3A_201, %swap3A_202, %swap3A_203], %gather3A_199 {strides = array<i32>} : memref<8x16x128xf32, #tpu.memory_space<vmem>>, vector<16xf32>,
      %gather3A_205 = tpu.vector_load_idx %arg8[%broadcast_in_dim3A_7, %get3A_192] : memref<8x4096xf32, #tpu.memory_space<vmem>>[vector<16xi32>, vector<16xi32>], vector<16xf32>,
      %swap3A_206 = arith.constant 2 : i32
      %swap3A_207 = arith.index_cast %swap3A_206 : i32 to index
      %swap3A_208 = arith.index_cast %scan3A_135 : i32 to index
      %swap3A_209 = arith.constant 16 : index
      %swap3A_210 = tpu.vector_load %arg10[%swap3A_207, %swap3A_208, %swap3A_209] {strides = array<i32>} : memref<8x16x128xf32, #tpu.memory_space<vmem>>, vector<16xf32>,
      tpu.vector_store %arg10[%swap3A_207, %swap3A_208, %swap3A_209], %gather3A_205 {strides = array<i32>} : memref<8x16x128xf32, #tpu.memory_space<vmem>>, vector<16xf32>,
      %gather3A_211 = tpu.vector_load_idx %arg8[%broadcast_in_dim3A_9, %get3A_192] : memref<8x4096xf32, #tpu.memory_space<vmem>>[vector<16xi32>, vector<16xi32>], vector<16xf32>,
      %swap3A_212 = arith.constant 3 : i32
      %swap3A_213 = arith.index_cast %swap3A_212 : i32 to index
      %swap3A_214 = arith.index_cast %scan3A_135 : i32 to index
      %swap3A_215 = arith.constant 16 : index
      %swap3A_216 = tpu.vector_load %arg10[%swap3A_213, %swap3A_214, %swap3A_215] {strides = array<i32>} : memref<8x16x128xf32, #tpu.memory_space<vmem>>, vector<16xf32>,
      tpu.vector_store %arg10[%swap3A_213, %swap3A_214, %swap3A_215], %gather3A_211 {strides = array<i32>} : memref<8x16x128xf32, #tpu.memory_space<vmem>>, vector<16xf32>,
      %gather3A_217 = tpu.vector_load_idx %arg8[%broadcast_in_dim3A_11, %get3A_192] : memref<8x4096xf32, #tpu.memory_space<vmem>>[vector<16xi32>, vector<16xi32>], vector<16xf32>,
      %swap3A_218 = arith.constant 4 : i32
      %swap3A_219 = arith.index_cast %swap3A_218 : i32 to index
      %swap3A_220 = arith.index_cast %scan3A_135 : i32 to index
      %swap3A_221 = arith.constant 16 : index
      %swap3A_222 = tpu.vector_load %arg10[%swap3A_219, %swap3A_220, %swap3A_221] {strides = array<i32>} : memref<8x16x128xf32, #tpu.memory_space<vmem>>, vector<16xf32>,
      tpu.vector_store %arg10[%swap3A_219, %swap3A_220, %swap3A_221], %gather3A_217 {strides = array<i32>} : memref<8x16x128xf32, #tpu.memory_space<vmem>>, vector<16xf32>,
      %gather3A_223 = tpu.vector_load_idx %arg8[%broadcast_in_dim3A_13, %get3A_192] : memref<8x4096xf32, #tpu.memory_space<vmem>>[vector<16xi32>, vector<16xi32>], vector<16xf32>,
      %swap3A_224 = arith.constant 5 : i32
      %swap3A_225 = arith.index_cast %swap3A_224 : i32 to index
      %swap3A_226 = arith.index_cast %scan3A_135 : i32 to index
      %swap3A_227 = arith.constant 16 : index
      %swap3A_228 = tpu.vector_load %arg10[%swap3A_225, %swap3A_226, %swap3A_227] {strides = array<i32>} : memref<8x16x128xf32, #tpu.memory_space<vmem>>, vector<16xf32>,
      tpu.vector_store %arg10[%swap3A_225, %swap3A_226, %swap3A_227], %gather3A_223 {strides = array<i32>} : memref<8x16x128xf32, #tpu.memory_space<vmem>>, vector<16xf32>,
      %gather3A_229 = tpu.vector_load_idx %arg8[%broadcast_in_dim3A_15, %get3A_192] : memref<8x4096xf32, #tpu.memory_space<vmem>>[vector<16xi32>, vector<16xi32>], vector<16xf32>,
      %swap3A_230 = arith.constant 6 : i32
      %swap3A_231 = arith.index_cast %swap3A_230 : i32 to index
      %swap3A_232 = arith.index_cast %scan3A_135 : i32 to index
      %swap3A_233 = arith.constant 16 : index
      %swap3A_234 = tpu.vector_load %arg10[%swap3A_231, %swap3A_232, %swap3A_233] {strides = array<i32>} : memref<8x16x128xf32, #tpu.memory_space<vmem>>, vector<16xf32>,
      tpu.vector_store %arg10[%swap3A_231, %swap3A_232, %swap3A_233], %gather3A_229 {strides = array<i32>} : memref<8x16x128xf32, #tpu.memory_space<vmem>>, vector<16xf32>,
      %gather3A_235 = tpu.vector_load_idx %arg8[%broadcast_in_dim3A_17, %get3A_192] : memref<8x4096xf32, #tpu.memory_space<vmem>>[vector<16xi32>, vector<16xi32>], vector<16xf32>,
      %swap3A_236 = arith.constant 7 : i32
      %swap3A_237 = arith.index_cast %swap3A_236 : i32 to index
      %swap3A_238 = arith.index_cast %scan3A_135 : i32 to index
      %swap3A_239 = arith.constant 16 : index
      %swap3A_240 = tpu.vector_load %arg10[%swap3A_237, %swap3A_238, %swap3A_239] {strides = array<i32>} : memref<8x16x128xf32, #tpu.memory_space<vmem>>, vector<16xf32>,
      tpu.vector_store %arg10[%swap3A_237, %swap3A_238, %swap3A_239], %gather3A_235 {strides = array<i32>} : memref<8x16x128xf32, #tpu.memory_space<vmem>>, vector<16xf32>,
      %mul3A_241 = arith.constant 128 : i32
      %mul3A_242 = arith.muli %scan3A_135, %mul3A_241 : i32
      %add3A_243 = arith.constant 32 : i32
      %add3A_244 = arith.addi %mul3A_242, %add3A_243 : i32
      %get3A_245 = arith.index_cast %add3A_244 : i32 to index
      %get3A_246 = tpu.vector_load %arg6[%get3A_245] {strides = array<i32>} : memref<2048xi32, #tpu.memory_space<vmem>>, vector<16xi32>,
      %gather3A_247 = tpu.vector_load_idx %arg8[%broadcast_in_dim3A_3, %get3A_246] : memref<8x4096xf32, #tpu.memory_space<vmem>>[vector<16xi32>, vector<16xi32>], vector<16xf32>,
      %swap3A_248 = arith.constant 0 : i32
      %swap3A_249 = arith.index_cast %swap3A_248 : i32 to index
      %swap3A_250 = arith.index_cast %scan3A_135 : i32 to index
      %swap3A_251 = arith.constant 32 : index
      %swap3A_252 = tpu.vector_load %arg10[%swap3A_249, %swap3A_250, %swap3A_251] {strides = array<i32>} : memref<8x16x128xf32, #tpu.memory_space<vmem>>, vector<16xf32>,
      tpu.vector_store %arg10[%swap3A_249, %swap3A_250, %swap3A_251], %gather3A_247 {strides = array<i32>} : memref<8x16x128xf32, #tpu.memory_space<vmem>>, vector<16xf32>,
      %gather3A_253 = tpu.vector_load_idx %arg8[%broadcast_in_dim3A_5, %get3A_246] : memref<8x4096xf32, #tpu.memory_space<vmem>>[vector<16xi32>, vector<16xi32>], vector<16xf32>,
      %swap3A_254 = arith.constant 1 : i32
      %swap3A_255 = arith.index_cast %swap3A_254 : i32 to index
      %swap3A_256 = arith.index_cast %scan3A_135 : i32 to index
      %swap3A_257 = arith.constant 32 : index
      %swap3A_258 = tpu.vector_load %arg10[%swap3A_255, %swap3A_256, %swap3A_257] {strides = array<i32>} : memref<8x16x128xf32, #tpu.memory_space<vmem>>, vector<16xf32>,
      tpu.vector_store %arg10[%swap3A_255, %swap3A_256, %swap3A_257], %gather3A_253 {strides = array<i32>} : memref<8x16x128xf32, #tpu.memory_space<vmem>>, vector<16xf32>,
      %gather3A_259 = tpu.vector_load_idx %arg8[%broadcast_in_dim3A_7, %get3A_246] : memref<8x4096xf32, #tpu.memory_space<vmem>>[vector<16xi32>, vector<16xi32>], vector<16xf32>,
      %swap3A_260 = arith.constant 2 : i32
      %swap3A_261 = arith.index_cast %swap3A_260 : i32 to index
      %swap3A_262 = arith.index_cast %scan3A_135 : i32 to index
      %swap3A_263 = arith.constant 32 : index
      %swap3A_264 = tpu.vector_load %arg10[%swap3A_261, %swap3A_262, %swap3A_263] {strides = array<i32>} : memref<8x16x128xf32, #tpu.memory_space<vmem>>, vector<16xf32>,
      tpu.vector_store %arg10[%swap3A_261, %swap3A_262, %swap3A_263], %gather3A_259 {strides = array<i32>} : memref<8x16x128xf32, #tpu.memory_space<vmem>>, vector<16xf32>,
      %gather3A_265 = tpu.vector_load_idx %arg8[%broadcast_in_dim3A_9, %get3A_246] : memref<8x4096xf32, #tpu.memory_space<vmem>>[vector<16xi32>, vector<16xi32>], vector<16xf32>,
      %swap3A_266 = arith.constant 3 : i32
      %swap3A_267 = arith.index_cast %swap3A_266 : i32 to index
      %swap3A_268 = arith.index_cast %scan3A_135 : i32 to index
      %swap3A_269 = arith.constant 32 : index
      %swap3A_270 = tpu.vector_load %arg10[%swap3A_267, %swap3A_268, %swap3A_269] {strides = array<i32>} : memref<8x16x128xf32, #tpu.memory_space<vmem>>, vector<16xf32>,
      tpu.vector_store %arg10[%swap3A_267, %swap3A_268, %swap3A_269], %gather3A_265 {strides = array<i32>} : memref<8x16x128xf32, #tpu.memory_space<vmem>>, vector<16xf32>,
      %gather3A_271 = tpu.vector_load_idx %arg8[%broadcast_in_dim3A_11, %get3A_246] : memref<8x4096xf32, #tpu.memory_space<vmem>>[vector<16xi32>, vector<16xi32>], vector<16xf32>,
      %swap3A_272 = arith.constant 4 : i32
      %swap3A_273 = arith.index_cast %swap3A_272 : i32 to index
      %swap3A_274 = arith.index_cast %scan3A_135 : i32 to index
      %swap3A_275 = arith.constant 32 : index
      %swap3A_276 = tpu.vector_load %arg10[%swap3A_273, %swap3A_274, %swap3A_275] {strides = array<i32>} : memref<8x16x128xf32, #tpu.memory_space<vmem>>, vector<16xf32>,
      tpu.vector_store %arg10[%swap3A_273, %swap3A_274, %swap3A_275], %gather3A_271 {strides = array<i32>} : memref<8x16x128xf32, #tpu.memory_space<vmem>>, vector<16xf32>,
      %gather3A_277 = tpu.vector_load_idx %arg8[%broadcast_in_dim3A_13, %get3A_246] : memref<8x4096xf32, #tpu.memory_space<vmem>>[vector<16xi32>, vector<16xi32>], vector<16xf32>,
      %swap3A_278 = arith.constant 5 : i32
      %swap3A_279 = arith.index_cast %swap3A_278 : i32 to index
      %swap3A_280 = arith.index_cast %scan3A_135 : i32 to index
      %swap3A_281 = arith.constant 32 : index
      %swap3A_282 = tpu.vector_load %arg10[%swap3A_279, %swap3A_280, %swap3A_281] {strides = array<i32>} : memref<8x16x128xf32, #tpu.memory_space<vmem>>, vector<16xf32>,
      tpu.vector_store %arg10[%swap3A_279, %swap3A_280, %swap3A_281], %gather3A_277 {strides = array<i32>} : memref<8x16x128xf32, #tpu.memory_space<vmem>>, vector<16xf32>,
      %gather3A_283 = tpu.vector_load_idx %arg8[%broadcast_in_dim3A_15, %get3A_246] : memref<8x4096xf32, #tpu.memory_space<vmem>>[vector<16xi32>, vector<16xi32>], vector<16xf32>,
      %swap3A_284 = arith.constant 6 : i32
      %swap3A_285 = arith.index_cast %swap3A_284 : i32 to index
      %swap3A_286 = arith.index_cast %scan3A_135 : i32 to index
      %swap3A_287 = arith.constant 32 : index
      %swap3A_288 = tpu.vector_load %arg10[%swap3A_285, %swap3A_286, %swap3A_287] {strides = array<i32>} : memref<8x16x128xf32, #tpu.memory_space<vmem>>, vector<16xf32>,
      tpu.vector_store %arg10[%swap3A_285, %swap3A_286, %swap3A_287], %gather3A_283 {strides = array<i32>} : memref<8x16x128xf32, #tpu.memory_space<vmem>>, vector<16xf32>,
      %gather3A_289 = tpu.vector_load_idx %arg8[%broadcast_in_dim3A_17, %get3A_246] : memref<8x4096xf32, #tpu.memory_space<vmem>>[vector<16xi32>, vector<16xi32>], vector<16xf32>,
      %swap3A_290 = arith.constant 7 : i32
      %swap3A_291 = arith.index_cast %swap3A_290 : i32 to index
      %swap3A_292 = arith.index_cast %scan3A_135 : i32 to index
      %swap3A_293 = arith.constant 32 : index
      %swap3A_294 = tpu.vector_load %arg10[%swap3A_291, %swap3A_292, %swap3A_293] {strides = array<i32>} : memref<8x16x128xf32, #tpu.memory_space<vmem>>, vector<16xf32>,
      tpu.vector_store %arg10[%swap3A_291, %swap3A_292, %swap3A_293], %gather3A_289 {strides = array<i32>} : memref<8x16x128xf32, #tpu.memory_space<vmem>>, vector<16xf32>,
      %mul3A_295 = arith.constant 128 : i32
      %mul3A_296 = arith.muli %scan3A_135, %mul3A_295 : i32
      %add3A_297 = arith.constant 48 : i32
      %add3A_298 = arith.addi %mul3A_296, %add3A_297 : i32
      %get3A_299 = arith.index_cast %add3A_298 : i32 to index
      %get3A_300 = tpu.vector_load %arg6[%get3A_299] {strides = array<i32>} : memref<2048xi32, #tpu.memory_space<vmem>>, vector<16xi32>,
      %gather3A_301 = tpu.vector_load_idx %arg8[%broadcast_in_dim3A_3, %get3A_300] : memref<8x4096xf32, #tpu.memory_space<vmem>>[vector<16xi32>, vector<16xi32>], vector<16xf32>,
      %swap3A_302 = arith.constant 0 : i32
      %swap3A_303 = arith.index_cast %swap3A_302 : i32 to index
      %swap3A_304 = arith.index_cast %scan3A_135 : i32 to index
      %swap3A_305 = arith.constant 48 : index
      %swap3A_306 = tpu.vector_load %arg10[%swap3A_303, %swap3A_304, %swap3A_305] {strides = array<i32>} : memref<8x16x128xf32, #tpu.memory_space<vmem>>, vector<16xf32>,
      tpu.vector_store %arg10[%swap3A_303, %swap3A_304, %swap3A_305], %gather3A_301 {strides = array<i32>} : memref<8x16x128xf32, #tpu.memory_space<vmem>>, vector<16xf32>,
      %gather3A_307 = tpu.vector_load_idx %arg8[%broadcast_in_dim3A_5, %get3A_300] : memref<8x4096xf32, #tpu.memory_space<vmem>>[vector<16xi32>, vector<16xi32>], vector<16xf32>,
      %swap3A_308 = arith.constant 1 : i32
      %swap3A_309 = arith.index_cast %swap3A_308 : i32 to index
      %swap3A_310 = arith.index_cast %scan3A_135 : i32 to index
      %swap3A_311 = arith.constant 48 : index
      %swap3A_312 = tpu.vector_load %arg10[%swap3A_309, %swap3A_310, %swap3A_311] {strides = array<i32>} : memref<8x16x128xf32, #tpu.memory_space<vmem>>, vector<16xf32>,
      tpu.vector_store %arg10[%swap3A_309, %swap3A_310, %swap3A_311], %gather3A_307 {strides = array<i32>} : memref<8x16x128xf32, #tpu.memory_space<vmem>>, vector<16xf32>,
      %gather3A_313 = tpu.vector_load_idx %arg8[%broadcast_in_dim3A_7, %get3A_300] : memref<8x4096xf32, #tpu.memory_space<vmem>>[vector<16xi32>, vector<16xi32>], vector<16xf32>,
      %swap3A_314 = arith.constant 2 : i32
      %swap3A_315 = arith.index_cast %swap3A_314 : i32 to index
      %swap3A_316 = arith.index_cast %scan3A_135 : i32 to index
      %swap3A_317 = arith.constant 48 : index
      %swap3A_318 = tpu.vector_load %arg10[%swap3A_315, %swap3A_316, %swap3A_317] {strides = array<i32>} : memref<8x16x128xf32, #tpu.memory_space<vmem>>, vector<16xf32>,
      tpu.vector_store %arg10[%swap3A_315, %swap3A_316, %swap3A_317], %gather3A_313 {strides = array<i32>} : memref<8x16x128xf32, #tpu.memory_space<vmem>>, vector<16xf32>,
      %gather3A_319 = tpu.vector_load_idx %arg8[%broadcast_in_dim3A_9, %get3A_300] : memref<8x4096xf32, #tpu.memory_space<vmem>>[vector<16xi32>, vector<16xi32>], vector<16xf32>,
      %swap3A_320 = arith.constant 3 : i32
      %swap3A_321 = arith.index_cast %swap3A_320 : i32 to index
      %swap3A_322 = arith.index_cast %scan3A_135 : i32 to index
      %swap3A_323 = arith.constant 48 : index
      %swap3A_324 = tpu.vector_load %arg10[%swap3A_321, %swap3A_322, %swap3A_323] {strides = array<i32>} : memref<8x16x128xf32, #tpu.memory_space<vmem>>, vector<16xf32>,
      tpu.vector_store %arg10[%swap3A_321, %swap3A_322, %swap3A_323], %gather3A_319 {strides = array<i32>} : memref<8x16x128xf32, #tpu.memory_space<vmem>>, vector<16xf32>,
      %gather3A_325 = tpu.vector_load_idx %arg8[%broadcast_in_dim3A_11, %get3A_300] : memref<8x4096xf32, #tpu.memory_space<vmem>>[vector<16xi32>, vector<16xi32>], vector<16xf32>,
      %swap3A_326 = arith.constant 4 : i32
      %swap3A_327 = arith.index_cast %swap3A_326 : i32 to index
      %swap3A_328 = arith.index_cast %scan3A_135 : i32 to index
      %swap3A_329 = arith.constant 48 : index
      %swap3A_330 = tpu.vector_load %arg10[%swap3A_327, %swap3A_328, %swap3A_329] {strides = array<i32>} : memref<8x16x128xf32, #tpu.memory_space<vmem>>, vector<16xf32>,
      tpu.vector_store %arg10[%swap3A_327, %swap3A_328, %swap3A_329], %gather3A_325 {strides = array<i32>} : memref<8x16x128xf32, #tpu.memory_space<vmem>>, vector<16xf32>,
      %gather3A_331 = tpu.vector_load_idx %arg8[%broadcast_in_dim3A_13, %get3A_300] : memref<8x4096xf32, #tpu.memory_space<vmem>>[vector<16xi32>, vector<16xi32>], vector<16xf32>,
      %swap3A_332 = arith.constant 5 : i32
      %swap3A_333 = arith.index_cast %swap3A_332 : i32 to index
      %swap3A_334 = arith.index_cast %scan3A_135 : i32 to index
      %swap3A_335 = arith.constant 48 : index
      %swap3A_336 = tpu.vector_load %arg10[%swap3A_333, %swap3A_334, %swap3A_335] {strides = array<i32>} : memref<8x16x128xf32, #tpu.memory_space<vmem>>, vector<16xf32>,
      tpu.vector_store %arg10[%swap3A_333, %swap3A_334, %swap3A_335], %gather3A_331 {strides = array<i32>} : memref<8x16x128xf32, #tpu.memory_space<vmem>>, vector<16xf32>,
      %gather3A_337 = tpu.vector_load_idx %arg8[%broadcast_in_dim3A_15, %get3A_300] : memref<8x4096xf32, #tpu.memory_space<vmem>>[vector<16xi32>, vector<16xi32>], vector<16xf32>,
      %swap3A_338 = arith.constant 6 : i32
      %swap3A_339 = arith.index_cast %swap3A_338 : i32 to index
      %swap3A_340 = arith.index_cast %scan3A_135 : i32 to index
      %swap3A_341 = arith.constant 48 : index
      %swap3A_342 = tpu.vector_load %arg10[%swap3A_339, %swap3A_340, %swap3A_341] {strides = array<i32>} : memref<8x16x128xf32, #tpu.memory_space<vmem>>, vector<16xf32>,
      tpu.vector_store %arg10[%swap3A_339, %swap3A_340, %swap3A_341], %gather3A_337 {strides = array<i32>} : memref<8x16x128xf32, #tpu.memory_space<vmem>>, vector<16xf32>,
      %gather3A_343 = tpu.vector_load_idx %arg8[%broadcast_in_dim3A_17, %get3A_300] : memref<8x4096xf32, #tpu.memory_space<vmem>>[vector<16xi32>, vector<16xi32>], vector<16xf32>,
      %swap3A_344 = arith.constant 7 : i32
      %swap3A_345 = arith.index_cast %swap3A_344 : i32 to index
      %swap3A_346 = arith.index_cast %scan3A_135 : i32 to index
      %swap3A_347 = arith.constant 48 : index
      %swap3A_348 = tpu.vector_load %arg10[%swap3A_345, %swap3A_346, %swap3A_347] {strides = array<i32>} : memref<8x16x128xf32, #tpu.memory_space<vmem>>, vector<16xf32>,
      tpu.vector_store %arg10[%swap3A_345, %swap3A_346, %swap3A_347], %gather3A_343 {strides = array<i32>} : memref<8x16x128xf32, #tpu.memory_space<vmem>>, vector<16xf32>,
      %mul3A_349 = arith.constant 128 : i32
      %mul3A_350 = arith.muli %scan3A_135, %mul3A_349 : i32
      %add3A_351 = arith.constant 64 : i32
      %add3A_352 = arith.addi %mul3A_350, %add3A_351 : i32
      %get3A_353 = arith.index_cast %add3A_352 : i32 to index
      %get3A_354 = tpu.vector_load %arg6[%get3A_353] {strides = array<i32>} : memref<2048xi32, #tpu.memory_space<vmem>>, vector<16xi32>,
      %gather3A_355 = tpu.vector_load_idx %arg8[%broadcast_in_dim3A_3, %get3A_354] : memref<8x4096xf32, #tpu.memory_space<vmem>>[vector<16xi32>, vector<16xi32>], vector<16xf32>,
      %swap3A_356 = arith.constant 0 : i32
      %swap3A_357 = arith.index_cast %swap3A_356 : i32 to index
      %swap3A_358 = arith.index_cast %scan3A_135 : i32 to index
      %swap3A_359 = arith.constant 64 : index
      %swap3A_360 = tpu.vector_load %arg10[%swap3A_357, %swap3A_358, %swap3A_359] {strides = array<i32>} : memref<8x16x128xf32, #tpu.memory_space<vmem>>, vector<16xf32>,
      tpu.vector_store %arg10[%swap3A_357, %swap3A_358, %swap3A_359], %gather3A_355 {strides = array<i32>} : memref<8x16x128xf32, #tpu.memory_space<vmem>>, vector<16xf32>,
      %gather3A_361 = tpu.vector_load_idx %arg8[%broadcast_in_dim3A_5, %get3A_354] : memref<8x4096xf32, #tpu.memory_space<vmem>>[vector<16xi32>, vector<16xi32>], vector<16xf32>,
      %swap3A_362 = arith.constant 1 : i32
      %swap3A_363 = arith.index_cast %swap3A_362 : i32 to index
      %swap3A_364 = arith.index_cast %scan3A_135 : i32 to index
      %swap3A_365 = arith.constant 64 : index
      %swap3A_366 = tpu.vector_load %arg10[%swap3A_363, %swap3A_364, %swap3A_365] {strides = array<i32>} : memref<8x16x128xf32, #tpu.memory_space<vmem>>, vector<16xf32>,
      tpu.vector_store %arg10[%swap3A_363, %swap3A_364, %swap3A_365], %gather3A_361 {strides = array<i32>} : memref<8x16x128xf32, #tpu.memory_space<vmem>>, vector<16xf32>,
      %gather3A_367 = tpu.vector_load_idx %arg8[%broadcast_in_dim3A_7, %get3A_354] : memref<8x4096xf32, #tpu.memory_space<vmem>>[vector<16xi32>, vector<16xi32>], vector<16xf32>,
      %swap3A_368 = arith.constant 2 : i32
      %swap3A_369 = arith.index_cast %swap3A_368 : i32 to index
      %swap3A_370 = arith.index_cast %scan3A_135 : i32 to index
      %swap3A_371 = arith.constant 64 : index
      %swap3A_372 = tpu.vector_load %arg10[%swap3A_369, %swap3A_370, %swap3A_371] {strides = array<i32>} : memref<8x16x128xf32, #tpu.memory_space<vmem>>, vector<16xf32>,
      tpu.vector_store %arg10[%swap3A_369, %swap3A_370, %swap3A_371], %gather3A_367 {strides = array<i32>} : memref<8x16x128xf32, #tpu.memory_space<vmem>>, vector<16xf32>,
      %gather3A_373 = tpu.vector_load_idx %arg8[%broadcast_in_dim3A_9, %get3A_354] : memref<8x4096xf32, #tpu.memory_space<vmem>>[vector<16xi32>, vector<16xi32>], vector<16xf32>,
      %swap3A_374 = arith.constant 3 : i32
      %swap3A_375 = arith.index_cast %swap3A_374 : i32 to index
      %swap3A_376 = arith.index_cast %scan3A_135 : i32 to index
      %swap3A_377 = arith.constant 64 : index
      %swap3A_378 = tpu.vector_load %arg10[%swap3A_375, %swap3A_376, %swap3A_377] {strides = array<i32>} : memref<8x16x128xf32, #tpu.memory_space<vmem>>, vector<16xf32>,
      tpu.vector_store %arg10[%swap3A_375, %swap3A_376, %swap3A_377], %gather3A_373 {strides = array<i32>} : memref<8x16x128xf32, #tpu.memory_space<vmem>>, vector<16xf32>,
      %gather3A_379 = tpu.vector_load_idx %arg8[%broadcast_in_dim3A_11, %get3A_354] : memref<8x4096xf32, #tpu.memory_space<vmem>>[vector<16xi32>, vector<16xi32>], vector<16xf32>,
      %swap3A_380 = arith.constant 4 : i32
      %swap3A_381 = arith.index_cast %swap3A_380 : i32 to index
      %swap3A_382 = arith.index_cast %scan3A_135 : i32 to index
      %swap3A_383 = arith.constant 64 : index
      %swap3A_384 = tpu.vector_load %arg10[%swap3A_381, %swap3A_382, %swap3A_383] {strides = array<i32>} : memref<8x16x128xf32, #tpu.memory_space<vmem>>, vector<16xf32>,
      tpu.vector_store %arg10[%swap3A_381, %swap3A_382, %swap3A_383], %gather3A_379 {strides = array<i32>} : memref<8x16x128xf32, #tpu.memory_space<vmem>>, vector<16xf32>,
      %gather3A_385 = tpu.vector_load_idx %arg8[%broadcast_in_dim3A_13, %get3A_354] : memref<8x4096xf32, #tpu.memory_space<vmem>>[vector<16xi32>, vector<16xi32>], vector<16xf32>,
      %swap3A_386 = arith.constant 5 : i32
      %swap3A_387 = arith.index_cast %swap3A_386 : i32 to index
      %swap3A_388 = arith.index_cast %scan3A_135 : i32 to index
      %swap3A_389 = arith.constant 64 : index
      %swap3A_390 = tpu.vector_load %arg10[%swap3A_387, %swap3A_388, %swap3A_389] {strides = array<i32>} : memref<8x16x128xf32, #tpu.memory_space<vmem>>, vector<16xf32>,
      tpu.vector_store %arg10[%swap3A_387, %swap3A_388, %swap3A_389], %gather3A_385 {strides = array<i32>} : memref<8x16x128xf32, #tpu.memory_space<vmem>>, vector<16xf32>,
      %gather3A_391 = tpu.vector_load_idx %arg8[%broadcast_in_dim3A_15, %get3A_354] : memref<8x4096xf32, #tpu.memory_space<vmem>>[vector<16xi32>, vector<16xi32>], vector<16xf32>,
      %swap3A_392 = arith.constant 6 : i32
      %swap3A_393 = arith.index_cast %swap3A_392 : i32 to index
      %swap3A_394 = arith.index_cast %scan3A_135 : i32 to index
      %swap3A_395 = arith.constant 64 : index
      %swap3A_396 = tpu.vector_load %arg10[%swap3A_393, %swap3A_394, %swap3A_395] {strides = array<i32>} : memref<8x16x128xf32, #tpu.memory_space<vmem>>, vector<16xf32>,
      tpu.vector_store %arg10[%swap3A_393, %swap3A_394, %swap3A_395], %gather3A_391 {strides = array<i32>} : memref<8x16x128xf32, #tpu.memory_space<vmem>>, vector<16xf32>,
      %gather3A_397 = tpu.vector_load_idx %arg8[%broadcast_in_dim3A_17, %get3A_354] : memref<8x4096xf32, #tpu.memory_space<vmem>>[vector<16xi32>, vector<16xi32>], vector<16xf32>,
      %swap3A_398 = arith.constant 7 : i32
      %swap3A_399 = arith.index_cast %swap3A_398 : i32 to index
      %swap3A_400 = arith.index_cast %scan3A_135 : i32 to index
      %swap3A_401 = arith.constant 64 : index
      %swap3A_402 = tpu.vector_load %arg10[%swap3A_399, %swap3A_400, %swap3A_401] {strides = array<i32>} : memref<8x16x128xf32, #tpu.memory_space<vmem>>, vector<16xf32>,
      tpu.vector_store %arg10[%swap3A_399, %swap3A_400, %swap3A_401], %gather3A_397 {strides = array<i32>} : memref<8x16x128xf32, #tpu.memory_space<vmem>>, vector<16xf32>,
      %mul3A_403 = arith.constant 128 : i32
      %mul3A_404 = arith.muli %scan3A_135, %mul3A_403 : i32
      %add3A_405 = arith.constant 80 : i32
      %add3A_406 = arith.addi %mul3A_404, %add3A_405 : i32
      %get3A_407 = arith.index_cast %add3A_406 : i32 to index
      %get3A_408 = tpu.vector_load %arg6[%get3A_407] {strides = array<i32>} : memref<2048xi32, #tpu.memory_space<vmem>>, vector<16xi32>,
      %gather3A_409 = tpu.vector_load_idx %arg8[%broadcast_in_dim3A_3, %get3A_408] : memref<8x4096xf32, #tpu.memory_space<vmem>>[vector<16xi32>, vector<16xi32>], vector<16xf32>,
      %swap3A_410 = arith.constant 0 : i32
      %swap3A_411 = arith.index_cast %swap3A_410 : i32 to index
      %swap3A_412 = arith.index_cast %scan3A_135 : i32 to index
      %swap3A_413 = arith.constant 80 : index
      %swap3A_414 = tpu.vector_load %arg10[%swap3A_411, %swap3A_412, %swap3A_413] {strides = array<i32>} : memref<8x16x128xf32, #tpu.memory_space<vmem>>, vector<16xf32>,
      tpu.vector_store %arg10[%swap3A_411, %swap3A_412, %swap3A_413], %gather3A_409 {strides = array<i32>} : memref<8x16x128xf32, #tpu.memory_space<vmem>>, vector<16xf32>,
      %gather3A_415 = tpu.vector_load_idx %arg8[%broadcast_in_dim3A_5, %get3A_408] : memref<8x4096xf32, #tpu.memory_space<vmem>>[vector<16xi32>, vector<16xi32>], vector<16xf32>,
      %swap3A_416 = arith.constant 1 : i32
      %swap3A_417 = arith.index_cast %swap3A_416 : i32 to index
      %swap3A_418 = arith.index_cast %scan3A_135 : i32 to index
      %swap3A_419 = arith.constant 80 : index
      %swap3A_420 = tpu.vector_load %arg10[%swap3A_417, %swap3A_418, %swap3A_419] {strides = array<i32>} : memref<8x16x128xf32, #tpu.memory_space<vmem>>, vector<16xf32>,
      tpu.vector_store %arg10[%swap3A_417, %swap3A_418, %swap3A_419], %gather3A_415 {strides = array<i32>} : memref<8x16x128xf32, #tpu.memory_space<vmem>>, vector<16xf32>,
      %gather3A_421 = tpu.vector_load_idx %arg8[%broadcast_in_dim3A_7, %get3A_408] : memref<8x4096xf32, #tpu.memory_space<vmem>>[vector<16xi32>, vector<16xi32>], vector<16xf32>,
      %swap3A_422 = arith.constant 2 : i32
      %swap3A_423 = arith.index_cast %swap3A_422 : i32 to index
      %swap3A_424 = arith.index_cast %scan3A_135 : i32 to index
      %swap3A_425 = arith.constant 80 : index
      %swap3A_426 = tpu.vector_load %arg10[%swap3A_423, %swap3A_424, %swap3A_425] {strides = array<i32>} : memref<8x16x128xf32, #tpu.memory_space<vmem>>, vector<16xf32>,
      tpu.vector_store %arg10[%swap3A_423, %swap3A_424, %swap3A_425], %gather3A_421 {strides = array<i32>} : memref<8x16x128xf32, #tpu.memory_space<vmem>>, vector<16xf32>,
      %gather3A_427 = tpu.vector_load_idx %arg8[%broadcast_in_dim3A_9, %get3A_408] : memref<8x4096xf32, #tpu.memory_space<vmem>>[vector<16xi32>, vector<16xi32>], vector<16xf32>,
      %swap3A_428 = arith.constant 3 : i32
      %swap3A_429 = arith.index_cast %swap3A_428 : i32 to index
      %swap3A_430 = arith.index_cast %scan3A_135 : i32 to index
      %swap3A_431 = arith.constant 80 : index
      %swap3A_432 = tpu.vector_load %arg10[%swap3A_429, %swap3A_430, %swap3A_431] {strides = array<i32>} : memref<8x16x128xf32, #tpu.memory_space<vmem>>, vector<16xf32>,
      tpu.vector_store %arg10[%swap3A_429, %swap3A_430, %swap3A_431], %gather3A_427 {strides = array<i32>} : memref<8x16x128xf32, #tpu.memory_space<vmem>>, vector<16xf32>,
      %gather3A_433 = tpu.vector_load_idx %arg8[%broadcast_in_dim3A_11, %get3A_408] : memref<8x4096xf32, #tpu.memory_space<vmem>>[vector<16xi32>, vector<16xi32>], vector<16xf32>,
      %swap3A_434 = arith.constant 4 : i32
      %swap3A_435 = arith.index_cast %swap3A_434 : i32 to index
      %swap3A_436 = arith.index_cast %scan3A_135 : i32 to index
      %swap3A_437 = arith.constant 80 : index
      %swap3A_438 = tpu.vector_load %arg10[%swap3A_435, %swap3A_436, %swap3A_437] {strides = array<i32>} : memref<8x16x128xf32, #tpu.memory_space<vmem>>, vector<16xf32>,
      tpu.vector_store %arg10[%swap3A_435, %swap3A_436, %swap3A_437], %gather3A_433 {strides = array<i32>} : memref<8x16x128xf32, #tpu.memory_space<vmem>>, vector<16xf32>,
      %gather3A_439 = tpu.vector_load_idx %arg8[%broadcast_in_dim3A_13, %get3A_408] : memref<8x4096xf32, #tpu.memory_space<vmem>>[vector<16xi32>, vector<16xi32>], vector<16xf32>,
      %swap3A_440 = arith.constant 5 : i32
      %swap3A_441 = arith.index_cast %swap3A_440 : i32 to index
      %swap3A_442 = arith.index_cast %scan3A_135 : i32 to index
      %swap3A_443 = arith.constant 80 : index
      %swap3A_444 = tpu.vector_load %arg10[%swap3A_441, %swap3A_442, %swap3A_443] {strides = array<i32>} : memref<8x16x128xf32, #tpu.memory_space<vmem>>, vector<16xf32>,
      tpu.vector_store %arg10[%swap3A_441, %swap3A_442, %swap3A_443], %gather3A_439 {strides = array<i32>} : memref<8x16x128xf32, #tpu.memory_space<vmem>>, vector<16xf32>,
      %gather3A_445 = tpu.vector_load_idx %arg8[%broadcast_in_dim3A_15, %get3A_408] : memref<8x4096xf32, #tpu.memory_space<vmem>>[vector<16xi32>, vector<16xi32>], vector<16xf32>,
      %swap3A_446 = arith.constant 6 : i32
      %swap3A_447 = arith.index_cast %swap3A_446 : i32 to index
      %swap3A_448 = arith.index_cast %scan3A_135 : i32 to index
      %swap3A_449 = arith.constant 80 : index
      %swap3A_450 = tpu.vector_load %arg10[%swap3A_447, %swap3A_448, %swap3A_449] {strides = array<i32>} : memref<8x16x128xf32, #tpu.memory_space<vmem>>, vector<16xf32>,
      tpu.vector_store %arg10[%swap3A_447, %swap3A_448, %swap3A_449], %gather3A_445 {strides = array<i32>} : memref<8x16x128xf32, #tpu.memory_space<vmem>>, vector<16xf32>,
      %gather3A_451 = tpu.vector_load_idx %arg8[%broadcast_in_dim3A_17, %get3A_408] : memref<8x4096xf32, #tpu.memory_space<vmem>>[vector<16xi32>, vector<16xi32>], vector<16xf32>,
      %swap3A_452 = arith.constant 7 : i32
      %swap3A_453 = arith.index_cast %swap3A_452 : i32 to index
      %swap3A_454 = arith.index_cast %scan3A_135 : i32 to index
      %swap3A_455 = arith.constant 80 : index
      %swap3A_456 = tpu.vector_load %arg10[%swap3A_453, %swap3A_454, %swap3A_455] {strides = array<i32>} : memref<8x16x128xf32, #tpu.memory_space<vmem>>, vector<16xf32>,
      tpu.vector_store %arg10[%swap3A_453, %swap3A_454, %swap3A_455], %gather3A_451 {strides = array<i32>} : memref<8x16x128xf32, #tpu.memory_space<vmem>>, vector<16xf32>,
      %mul3A_457 = arith.constant 128 : i32
      %mul3A_458 = arith.muli %scan3A_135, %mul3A_457 : i32
      %add3A_459 = arith.constant 96 : i32
      %add3A_460 = arith.addi %mul3A_458, %add3A_459 : i32
      %get3A_461 = arith.index_cast %add3A_460 : i32 to index
      %get3A_462 = tpu.vector_load %arg6[%get3A_461] {strides = array<i32>} : memref<2048xi32, #tpu.memory_space<vmem>>, vector<16xi32>,
      %gather3A_463 = tpu.vector_load_idx %arg8[%broadcast_in_dim3A_3, %get3A_462] : memref<8x4096xf32, #tpu.memory_space<vmem>>[vector<16xi32>, vector<16xi32>], vector<16xf32>,
      %swap3A_464 = arith.constant 0 : i32
      %swap3A_465 = arith.index_cast %swap3A_464 : i32 to index
      %swap3A_466 = arith.index_cast %scan3A_135 : i32 to index
      %swap3A_467 = arith.constant 96 : index
      %swap3A_468 = tpu.vector_load %arg10[%swap3A_465, %swap3A_466, %swap3A_467] {strides = array<i32>} : memref<8x16x128xf32, #tpu.memory_space<vmem>>, vector<16xf32>,
      tpu.vector_store %arg10[%swap3A_465, %swap3A_466, %swap3A_467], %gather3A_463 {strides = array<i32>} : memref<8x16x128xf32, #tpu.memory_space<vmem>>, vector<16xf32>,
      %gather3A_469 = tpu.vector_load_idx %arg8[%broadcast_in_dim3A_5, %get3A_462] : memref<8x4096xf32, #tpu.memory_space<vmem>>[vector<16xi32>, vector<16xi32>], vector<16xf32>,
      %swap3A_470 = arith.constant 1 : i32
      %swap3A_471 = arith.index_cast %swap3A_470 : i32 to index
      %swap3A_472 = arith.index_cast %scan3A_135 : i32 to index
      %swap3A_473 = arith.constant 96 : index
      %swap3A_474 = tpu.vector_load %arg10[%swap3A_471, %swap3A_472, %swap3A_473] {strides = array<i32>} : memref<8x16x128xf32, #tpu.memory_space<vmem>>, vector<16xf32>,
      tpu.vector_store %arg10[%swap3A_471, %swap3A_472, %swap3A_473], %gather3A_469 {strides = array<i32>} : memref<8x16x128xf32, #tpu.memory_space<vmem>>, vector<16xf32>,
      %gather3A_475 = tpu.vector_load_idx %arg8[%broadcast_in_dim3A_7, %get3A_462] : memref<8x4096xf32, #tpu.memory_space<vmem>>[vector<16xi32>, vector<16xi32>], vector<16xf32>,
      %swap3A_476 = arith.constant 2 : i32
      %swap3A_477 = arith.index_cast %swap3A_476 : i32 to index
      %swap3A_478 = arith.index_cast %scan3A_135 : i32 to index
      %swap3A_479 = arith.constant 96 : index
      %swap3A_480 = tpu.vector_load %arg10[%swap3A_477, %swap3A_478, %swap3A_479] {strides = array<i32>} : memref<8x16x128xf32, #tpu.memory_space<vmem>>, vector<16xf32>,
      tpu.vector_store %arg10[%swap3A_477, %swap3A_478, %swap3A_479], %gather3A_475 {strides = array<i32>} : memref<8x16x128xf32, #tpu.memory_space<vmem>>, vector<16xf32>,
      %gather3A_481 = tpu.vector_load_idx %arg8[%broadcast_in_dim3A_9, %get3A_462] : memref<8x4096xf32, #tpu.memory_space<vmem>>[vector<16xi32>, vector<16xi32>], vector<16xf32>,
      %swap3A_482 = arith.constant 3 : i32
      %swap3A_483 = arith.index_cast %swap3A_482 : i32 to index
      %swap3A_484 = arith.index_cast %scan3A_135 : i32 to index
      %swap3A_485 = arith.constant 96 : index
      %swap3A_486 = tpu.vector_load %arg10[%swap3A_483, %swap3A_484, %swap3A_485] {strides = array<i32>} : memref<8x16x128xf32, #tpu.memory_space<vmem>>, vector<16xf32>,
      tpu.vector_store %arg10[%swap3A_483, %swap3A_484, %swap3A_485], %gather3A_481 {strides = array<i32>} : memref<8x16x128xf32, #tpu.memory_space<vmem>>, vector<16xf32>,
      %gather3A_487 = tpu.vector_load_idx %arg8[%broadcast_in_dim3A_11, %get3A_462] : memref<8x4096xf32, #tpu.memory_space<vmem>>[vector<16xi32>, vector<16xi32>], vector<16xf32>,
      %swap3A_488 = arith.constant 4 : i32
      %swap3A_489 = arith.index_cast %swap3A_488 : i32 to index
      %swap3A_490 = arith.index_cast %scan3A_135 : i32 to index
      %swap3A_491 = arith.constant 96 : index
      %swap3A_492 = tpu.vector_load %arg10[%swap3A_489, %swap3A_490, %swap3A_491] {strides = array<i32>} : memref<8x16x128xf32, #tpu.memory_space<vmem>>, vector<16xf32>,
      tpu.vector_store %arg10[%swap3A_489, %swap3A_490, %swap3A_491], %gather3A_487 {strides = array<i32>} : memref<8x16x128xf32, #tpu.memory_space<vmem>>, vector<16xf32>,
      %gather3A_493 = tpu.vector_load_idx %arg8[%broadcast_in_dim3A_13, %get3A_462] : memref<8x4096xf32, #tpu.memory_space<vmem>>[vector<16xi32>, vector<16xi32>], vector<16xf32>,
      %swap3A_494 = arith.constant 5 : i32
      %swap3A_495 = arith.index_cast %swap3A_494 : i32 to index
      %swap3A_496 = arith.index_cast %scan3A_135 : i32 to index
      %swap3A_497 = arith.constant 96 : index
      %swap3A_498 = tpu.vector_load %arg10[%swap3A_495, %swap3A_496, %swap3A_497] {strides = array<i32>} : memref<8x16x128xf32, #tpu.memory_space<vmem>>, vector<16xf32>,
      tpu.vector_store %arg10[%swap3A_495, %swap3A_496, %swap3A_497], %gather3A_493 {strides = array<i32>} : memref<8x16x128xf32, #tpu.memory_space<vmem>>, vector<16xf32>,
      %gather3A_499 = tpu.vector_load_idx %arg8[%broadcast_in_dim3A_15, %get3A_462] : memref<8x4096xf32, #tpu.memory_space<vmem>>[vector<16xi32>, vector<16xi32>], vector<16xf32>,
      %swap3A_500 = arith.constant 6 : i32
      %swap3A_501 = arith.index_cast %swap3A_500 : i32 to index
      %swap3A_502 = arith.index_cast %scan3A_135 : i32 to index
      %swap3A_503 = arith.constant 96 : index
      %swap3A_504 = tpu.vector_load %arg10[%swap3A_501, %swap3A_502, %swap3A_503] {strides = array<i32>} : memref<8x16x128xf32, #tpu.memory_space<vmem>>, vector<16xf32>,
      tpu.vector_store %arg10[%swap3A_501, %swap3A_502, %swap3A_503], %gather3A_499 {strides = array<i32>} : memref<8x16x128xf32, #tpu.memory_space<vmem>>, vector<16xf32>,
      %gather3A_505 = tpu.vector_load_idx %arg8[%broadcast_in_dim3A_17, %get3A_462] : memref<8x4096xf32, #tpu.memory_space<vmem>>[vector<16xi32>, vector<16xi32>], vector<16xf32>,
      %swap3A_506 = arith.constant 7 : i32
      %swap3A_507 = arith.index_cast %swap3A_506 : i32 to index
      %swap3A_508 = arith.index_cast %scan3A_135 : i32 to index
      %swap3A_509 = arith.constant 96 : index
      %swap3A_510 = tpu.vector_load %arg10[%swap3A_507, %swap3A_508, %swap3A_509] {strides = array<i32>} : memref<8x16x128xf32, #tpu.memory_space<vmem>>, vector<16xf32>,
      tpu.vector_store %arg10[%swap3A_507, %swap3A_508, %swap3A_509], %gather3A_505 {strides = array<i32>} : memref<8x16x128xf32, #tpu.memory_space<vmem>>, vector<16xf32>,
      %mul3A_511 = arith.constant 128 : i32
      %mul3A_512 = arith.muli %scan3A_135, %mul3A_511 : i32
      %add3A_513 = arith.constant 112 : i32
      %add3A_514 = arith.addi %mul3A_512, %add3A_513 : i32
      %get3A_515 = arith.index_cast %add3A_514 : i32 to index
      %get3A_516 = tpu.vector_load %arg6[%get3A_515] {strides = array<i32>} : memref<2048xi32, #tpu.memory_space<vmem>>, vector<16xi32>,
      %gather3A_517 = tpu.vector_load_idx %arg8[%broadcast_in_dim3A_3, %get3A_516] : memref<8x4096xf32, #tpu.memory_space<vmem>>[vector<16xi32>, vector<16xi32>], vector<16xf32>,
      %swap3A_518 = arith.constant 0 : i32
      %swap3A_519 = arith.index_cast %swap3A_518 : i32 to index
      %swap3A_520 = arith.index_cast %scan3A_135 : i32 to index
      %swap3A_521 = arith.constant 112 : index
      %swap3A_522 = tpu.vector_load %arg10[%swap3A_519, %swap3A_520, %swap3A_521] {strides = array<i32>} : memref<8x16x128xf32, #tpu.memory_space<vmem>>, vector<16xf32>,
      tpu.vector_store %arg10[%swap3A_519, %swap3A_520, %swap3A_521], %gather3A_517 {strides = array<i32>} : memref<8x16x128xf32, #tpu.memory_space<vmem>>, vector<16xf32>,
      %gather3A_523 = tpu.vector_load_idx %arg8[%broadcast_in_dim3A_5, %get3A_516] : memref<8x4096xf32, #tpu.memory_space<vmem>>[vector<16xi32>, vector<16xi32>], vector<16xf32>,
      %swap3A_524 = arith.constant 1 : i32
      %swap3A_525 = arith.index_cast %swap3A_524 : i32 to index
      %swap3A_526 = arith.index_cast %scan3A_135 : i32 to index
      %swap3A_527 = arith.constant 112 : index
      %swap3A_528 = tpu.vector_load %arg10[%swap3A_525, %swap3A_526, %swap3A_527] {strides = array<i32>} : memref<8x16x128xf32, #tpu.memory_space<vmem>>, vector<16xf32>,
      tpu.vector_store %arg10[%swap3A_525, %swap3A_526, %swap3A_527], %gather3A_523 {strides = array<i32>} : memref<8x16x128xf32, #tpu.memory_space<vmem>>, vector<16xf32>,
      %gather3A_529 = tpu.vector_load_idx %arg8[%broadcast_in_dim3A_7, %get3A_516] : memref<8x4096xf32, #tpu.memory_space<vmem>>[vector<16xi32>, vector<16xi32>], vector<16xf32>,
      %swap3A_530 = arith.constant 2 : i32
      %swap3A_531 = arith.index_cast %swap3A_530 : i32 to index
      %swap3A_532 = arith.index_cast %scan3A_135 : i32 to index
      %swap3A_533 = arith.constant 112 : index
      %swap3A_534 = tpu.vector_load %arg10[%swap3A_531, %swap3A_532, %swap3A_533] {strides = array<i32>} : memref<8x16x128xf32, #tpu.memory_space<vmem>>, vector<16xf32>,
      tpu.vector_store %arg10[%swap3A_531, %swap3A_532, %swap3A_533], %gather3A_529 {strides = array<i32>} : memref<8x16x128xf32, #tpu.memory_space<vmem>>, vector<16xf32>,
      %gather3A_535 = tpu.vector_load_idx %arg8[%broadcast_in_dim3A_9, %get3A_516] : memref<8x4096xf32, #tpu.memory_space<vmem>>[vector<16xi32>, vector<16xi32>], vector<16xf32>,
      %swap3A_536 = arith.constant 3 : i32
      %swap3A_537 = arith.index_cast %swap3A_536 : i32 to index
      %swap3A_538 = arith.index_cast %scan3A_135 : i32 to index
      %swap3A_539 = arith.constant 112 : index
      %swap3A_540 = tpu.vector_load %arg10[%swap3A_537, %swap3A_538, %swap3A_539] {strides = array<i32>} : memref<8x16x128xf32, #tpu.memory_space<vmem>>, vector<16xf32>,
      tpu.vector_store %arg10[%swap3A_537, %swap3A_538, %swap3A_539], %gather3A_535 {strides = array<i32>} : memref<8x16x128xf32, #tpu.memory_space<vmem>>, vector<16xf32>,
      %gather3A_541 = tpu.vector_load_idx %arg8[%broadcast_in_dim3A_11, %get3A_516] : memref<8x4096xf32, #tpu.memory_space<vmem>>[vector<16xi32>, vector<16xi32>], vector<16xf32>,
      %swap3A_542 = arith.constant 4 : i32
      %swap3A_543 = arith.index_cast %swap3A_542 : i32 to index
      %swap3A_544 = arith.index_cast %scan3A_135 : i32 to index
      %swap3A_545 = arith.constant 112 : index
      %swap3A_546 = tpu.vector_load %arg10[%swap3A_543, %swap3A_544, %swap3A_545] {strides = array<i32>} : memref<8x16x128xf32, #tpu.memory_space<vmem>>, vector<16xf32>,
      tpu.vector_store %arg10[%swap3A_543, %swap3A_544, %swap3A_545], %gather3A_541 {strides = array<i32>} : memref<8x16x128xf32, #tpu.memory_space<vmem>>, vector<16xf32>,
      %gather3A_547 = tpu.vector_load_idx %arg8[%broadcast_in_dim3A_13, %get3A_516] : memref<8x4096xf32, #tpu.memory_space<vmem>>[vector<16xi32>, vector<16xi32>], vector<16xf32>,
      %swap3A_548 = arith.constant 5 : i32
      %swap3A_549 = arith.index_cast %swap3A_548 : i32 to index
      %swap3A_550 = arith.index_cast %scan3A_135 : i32 to index
      %swap3A_551 = arith.constant 112 : index
      %swap3A_552 = tpu.vector_load %arg10[%swap3A_549, %swap3A_550, %swap3A_551] {strides = array<i32>} : memref<8x16x128xf32, #tpu.memory_space<vmem>>, vector<16xf32>,
      tpu.vector_store %arg10[%swap3A_549, %swap3A_550, %swap3A_551], %gather3A_547 {strides = array<i32>} : memref<8x16x128xf32, #tpu.memory_space<vmem>>, vector<16xf32>,
      %gather3A_553 = tpu.vector_load_idx %arg8[%broadcast_in_dim3A_15, %get3A_516] : memref<8x4096xf32, #tpu.memory_space<vmem>>[vector<16xi32>, vector<16xi32>], vector<16xf32>,
      %swap3A_554 = arith.constant 6 : i32
      %swap3A_555 = arith.index_cast %swap3A_554 : i32 to index
      %swap3A_556 = arith.index_cast %scan3A_135 : i32 to index
      %swap3A_557 = arith.constant 112 : index
      %swap3A_558 = tpu.vector_load %arg10[%swap3A_555, %swap3A_556, %swap3A_557] {strides = array<i32>} : memref<8x16x128xf32, #tpu.memory_space<vmem>>, vector<16xf32>,
      tpu.vector_store %arg10[%swap3A_555, %swap3A_556, %swap3A_557], %gather3A_553 {strides = array<i32>} : memref<8x16x128xf32, #tpu.memory_space<vmem>>, vector<16xf32>,
      %gather3A_559 = tpu.vector_load_idx %arg8[%broadcast_in_dim3A_17, %get3A_516] : memref<8x4096xf32, #tpu.memory_space<vmem>>[vector<16xi32>, vector<16xi32>], vector<16xf32>,
      %swap3A_560 = arith.constant 7 : i32
      %swap3A_561 = arith.index_cast %swap3A_560 : i32 to index
      %swap3A_562 = arith.index_cast %scan3A_135 : i32 to index
      %swap3A_563 = arith.constant 112 : index
      %swap3A_564 = tpu.vector_load %arg10[%swap3A_561, %swap3A_562, %swap3A_563] {strides = array<i32>} : memref<8x16x128xf32, #tpu.memory_space<vmem>>, vector<16xf32>,
      tpu.vector_store %arg10[%swap3A_561, %swap3A_562, %swap3A_563], %gather3A_559 {strides = array<i32>} : memref<8x16x128xf32, #tpu.memory_space<vmem>>, vector<16xf32>,
    }
    %scan3A_89 = arith.constant 16 : i32
    %add3A_90 = arith.constant 16 : i32
    %add3A_91 = arith.addi %mul3A_2, %add3A_90 : i32
    %dma_start3A_92 = arith.constant 0 : i32
    %dma_start3A_93 = arith.constant 0 : i32
    %dma_start3A_94 = tpu.memref_slice %arg5[%add3A_91, %dma_start3A_92, %dma_start3A_93] : memref<1024x16x128xf32, #tpu.memory_space<hbm>> -> memref<8x16x128xf32, #tpu.memory_space<hbm>>
    %dma_start3A_95 = arith.constant 0 : i32
    %dma_start3A_96 = arith.constant 0 : i32
    %dma_start3A_97 = tpu.memref_slice %arg5[%add3A_91, %dma_start3A_95, %dma_start3A_96] : memref<1024x16x128xf32, #tpu.memory_space<hbm>> -> memref<8x16x128xf32, #tpu.memory_space<hbm>>
    tpu.enqueue_dma source(%arg10 : memref<8x16x128xf32, #tpu.memory_space<vmem>>) target(%dma_start3A_97 : memref<8x16x128xf32, #tpu.memory_space<hbm>>) target_semaphore(%arg14 : memref<!tpu.dma_semaphore, #tpu.memory_space<semaphore_mem>>)
    %dma_wait3A_98 = arith.constant 24 : i32
    %dma_wait3A_99 = tpu.memref_slice %arg7[%dma_wait3A_98] : memref<32xi32, #tpu.memory_space<vmem>> -> memref<8xi32, #tpu.memory_space<vmem>>
    %dma_wait3A_100 = arith.constant 0 : i32
    %dma_wait3A_101 = arith.constant 0 : i32
    %dma_wait3A_102 = tpu.memref_slice %arg4[%dma_wait3A_100, %dma_wait3A_101] : memref<4096x4096xf32, #tpu.memory_space<hbm>> -> memref<4096x4096xf32, #tpu.memory_space<hbm>>
    tpu.wait_indirect_dma semaphore(%arg13 : memref<!tpu.dma_semaphore, #tpu.memory_space<semaphore_mem>>) src(%dma_wait3A_102 : memref<4096x4096xf32, #tpu.memory_space<hbm>>) dst(%arg9 : memref<8x4096xf32, #tpu.memory_space<vmem>>)
    %dma_wait3A_103 = arith.constant 0 : i32
    %dma_wait3A_104 = arith.constant 0 : i32
    %dma_wait3A_105 = tpu.memref_slice %arg5[%add3A_61, %dma_wait3A_103, %dma_wait3A_104] : memref<1024x16x128xf32, #tpu.memory_space<hbm>> -> memref<8x16x128xf32, #tpu.memory_space<hbm>>
    %dma_wait3A_106 = arith.constant 0 : i32
    %dma_wait3A_107 = arith.constant 0 : i32
    %dma_wait3A_108 = tpu.memref_slice %arg5[%add3A_61, %dma_wait3A_106, %dma_wait3A_107] : memref<1024x16x128xf32, #tpu.memory_space<hbm>> -> memref<8x16x128xf32, #tpu.memory_space<hbm>>
    tpu.wait_dma2 semaphore(%arg15 : memref<!tpu.dma_semaphore, #tpu.memory_space<semaphore_mem>>) src(%arg11 : memref<8x16x128xf32, #tpu.memory_space<vmem>>) dst(%dma_wait3A_108 : memref<8x16x128xf32, #tpu.memory_space<hbm>>)
    %scan3A_109 = arith.constant 0 : i32
    %scan3A_110 = arith.constant 0 : i32
    %scan3A_111 = arith.constant 16 : i32
    %scan3A_112 = arith.addi %scan3A_110, %scan3A_111 : i32
    %scan3A_113 = arith.constant 1 : i32
    scf.for %scan3A_135 = %scan3A_110 to %scan3A_112 step %scan3A_113  : i32 {
      %mul3A_136 = arith.constant 128 : i32
      %mul3A_137 = arith.muli %scan3A_135, %mul3A_136 : i32
      %add3A_138 = arith.constant 0 : i32
      %add3A_139 = arith.addi %mul3A_137, %add3A_138 : i32
      %get3A = arith.index_cast %add3A_139 : i32 to index
      %get3A_140 = tpu.vector_load %arg6[%get3A] {strides = array<i32>} : memref<2048xi32, #tpu.memory_space<vmem>>, vector<16xi32>,
      %gather3A = tpu.vector_load_idx %arg9[%broadcast_in_dim3A_3, %get3A_140] : memref<8x4096xf32, #tpu.memory_space<vmem>>[vector<16xi32>, vector<16xi32>], vector<16xf32>,
      %swap3A = arith.constant 0 : i32
      %swap3A_141 = arith.index_cast %swap3A : i32 to index
      %swap3A_142 = arith.index_cast %scan3A_135 : i32 to index
      %swap3A_143 = arith.constant 0 : index
      %swap3A_144 = tpu.vector_load %arg11[%swap3A_141, %swap3A_142, %swap3A_143] {strides = array<i32>} : memref<8x16x128xf32, #tpu.memory_space<vmem>>, vector<16xf32>,
      tpu.vector_store %arg11[%swap3A_141, %swap3A_142, %swap3A_143], %gather3A {strides = array<i32>} : memref<8x16x128xf32, #tpu.memory_space<vmem>>, vector<16xf32>,
      %gather3A_145 = tpu.vector_load_idx %arg9[%broadcast_in_dim3A_5, %get3A_140] : memref<8x4096xf32, #tpu.memory_space<vmem>>[vector<16xi32>, vector<16xi32>], vector<16xf32>,
      %swap3A_146 = arith.constant 1 : i32
      %swap3A_147 = arith.index_cast %swap3A_146 : i32 to index
      %swap3A_148 = arith.index_cast %scan3A_135 : i32 to index
      %swap3A_149 = arith.constant 0 : index
      %swap3A_150 = tpu.vector_load %arg11[%swap3A_147, %swap3A_148, %swap3A_149] {strides = array<i32>} : memref<8x16x128xf32, #tpu.memory_space<vmem>>, vector<16xf32>,
      tpu.vector_store %arg11[%swap3A_147, %swap3A_148, %swap3A_149], %gather3A_145 {strides = array<i32>} : memref<8x16x128xf32, #tpu.memory_space<vmem>>, vector<16xf32>,
      %gather3A_151 = tpu.vector_load_idx %arg9[%broadcast_in_dim3A_7, %get3A_140] : memref<8x4096xf32, #tpu.memory_space<vmem>>[vector<16xi32>, vector<16xi32>], vector<16xf32>,
      %swap3A_152 = arith.constant 2 : i32
      %swap3A_153 = arith.index_cast %swap3A_152 : i32 to index
      %swap3A_154 = arith.index_cast %scan3A_135 : i32 to index
      %swap3A_155 = arith.constant 0 : index
      %swap3A_156 = tpu.vector_load %arg11[%swap3A_153, %swap3A_154, %swap3A_155] {strides = array<i32>} : memref<8x16x128xf32, #tpu.memory_space<vmem>>, vector<16xf32>,
      tpu.vector_store %arg11[%swap3A_153, %swap3A_154, %swap3A_155], %gather3A_151 {strides = array<i32>} : memref<8x16x128xf32, #tpu.memory_space<vmem>>, vector<16xf32>,
      %gather3A_157 = tpu.vector_load_idx %arg9[%broadcast_in_dim3A_9, %get3A_140] : memref<8x4096xf32, #tpu.memory_space<vmem>>[vector<16xi32>, vector<16xi32>], vector<16xf32>,
      %swap3A_158 = arith.constant 3 : i32
      %swap3A_159 = arith.index_cast %swap3A_158 : i32 to index
      %swap3A_160 = arith.index_cast %scan3A_135 : i32 to index
      %swap3A_161 = arith.constant 0 : index
      %swap3A_162 = tpu.vector_load %arg11[%swap3A_159, %swap3A_160, %swap3A_161] {strides = array<i32>} : memref<8x16x128xf32, #tpu.memory_space<vmem>>, vector<16xf32>,
      tpu.vector_store %arg11[%swap3A_159, %swap3A_160, %swap3A_161], %gather3A_157 {strides = array<i32>} : memref<8x16x128xf32, #tpu.memory_space<vmem>>, vector<16xf32>,
      %gather3A_163 = tpu.vector_load_idx %arg9[%broadcast_in_dim3A_11, %get3A_140] : memref<8x4096xf32, #tpu.memory_space<vmem>>[vector<16xi32>, vector<16xi32>], vector<16xf32>,
      %swap3A_164 = arith.constant 4 : i32
      %swap3A_165 = arith.index_cast %swap3A_164 : i32 to index
      %swap3A_166 = arith.index_cast %scan3A_135 : i32 to index
      %swap3A_167 = arith.constant 0 : index
      %swap3A_168 = tpu.vector_load %arg11[%swap3A_165, %swap3A_166, %swap3A_167] {strides = array<i32>} : memref<8x16x128xf32, #tpu.memory_space<vmem>>, vector<16xf32>,
      tpu.vector_store %arg11[%swap3A_165, %swap3A_166, %swap3A_167], %gather3A_163 {strides = array<i32>} : memref<8x16x128xf32, #tpu.memory_space<vmem>>, vector<16xf32>,
      %gather3A_169 = tpu.vector_load_idx %arg9[%broadcast_in_dim3A_13, %get3A_140] : memref<8x4096xf32, #tpu.memory_space<vmem>>[vector<16xi32>, vector<16xi32>], vector<16xf32>,
      %swap3A_170 = arith.constant 5 : i32
      %swap3A_171 = arith.index_cast %swap3A_170 : i32 to index
      %swap3A_172 = arith.index_cast %scan3A_135 : i32 to index
      %swap3A_173 = arith.constant 0 : index
      %swap3A_174 = tpu.vector_load %arg11[%swap3A_171, %swap3A_172, %swap3A_173] {strides = array<i32>} : memref<8x16x128xf32, #tpu.memory_space<vmem>>, vector<16xf32>,
      tpu.vector_store %arg11[%swap3A_171, %swap3A_172, %swap3A_173], %gather3A_169 {strides = array<i32>} : memref<8x16x128xf32, #tpu.memory_space<vmem>>, vector<16xf32>,
      %gather3A_175 = tpu.vector_load_idx %arg9[%broadcast_in_dim3A_15, %get3A_140] : memref<8x4096xf32, #tpu.memory_space<vmem>>[vector<16xi32>, vector<16xi32>], vector<16xf32>,
      %swap3A_176 = arith.constant 6 : i32
      %swap3A_177 = arith.index_cast %swap3A_176 : i32 to index
      %swap3A_178 = arith.index_cast %scan3A_135 : i32 to index
      %swap3A_179 = arith.constant 0 : index
      %swap3A_180 = tpu.vector_load %arg11[%swap3A_177, %swap3A_178, %swap3A_179] {strides = array<i32>} : memref<8x16x128xf32, #tpu.memory_space<vmem>>, vector<16xf32>,
      tpu.vector_store %arg11[%swap3A_177, %swap3A_178, %swap3A_179], %gather3A_175 {strides = array<i32>} : memref<8x16x128xf32, #tpu.memory_space<vmem>>, vector<16xf32>,
      %gather3A_181 = tpu.vector_load_idx %arg9[%broadcast_in_dim3A_17, %get3A_140] : memref<8x4096xf32, #tpu.memory_space<vmem>>[vector<16xi32>, vector<16xi32>], vector<16xf32>,
      %swap3A_182 = arith.constant 7 : i32
      %swap3A_183 = arith.index_cast %swap3A_182 : i32 to index
      %swap3A_184 = arith.index_cast %scan3A_135 : i32 to index
      %swap3A_185 = arith.constant 0 : index
      %swap3A_186 = tpu.vector_load %arg11[%swap3A_183, %swap3A_184, %swap3A_185] {strides = array<i32>} : memref<8x16x128xf32, #tpu.memory_space<vmem>>, vector<16xf32>,
      tpu.vector_store %arg11[%swap3A_183, %swap3A_184, %swap3A_185], %gather3A_181 {strides = array<i32>} : memref<8x16x128xf32, #tpu.memory_space<vmem>>, vector<16xf32>,
      %mul3A_187 = arith.constant 128 : i32
      %mul3A_188 = arith.muli %scan3A_135, %mul3A_187 : i32
      %add3A_189 = arith.constant 16 : i32
      %add3A_190 = arith.addi %mul3A_188, %add3A_189 : i32
      %get3A_191 = arith.index_cast %add3A_190 : i32 to index
      %get3A_192 = tpu.vector_load %arg6[%get3A_191] {strides = array<i32>} : memref<2048xi32, #tpu.memory_space<vmem>>, vector<16xi32>,
      %gather3A_193 = tpu.vector_load_idx %arg9[%broadcast_in_dim3A_3, %get3A_192] : memref<8x4096xf32, #tpu.memory_space<vmem>>[vector<16xi32>, vector<16xi32>], vector<16xf32>,
      %swap3A_194 = arith.constant 0 : i32
      %swap3A_195 = arith.index_cast %swap3A_194 : i32 to index
      %swap3A_196 = arith.index_cast %scan3A_135 : i32 to index
      %swap3A_197 = arith.constant 16 : index
      %swap3A_198 = tpu.vector_load %arg11[%swap3A_195, %swap3A_196, %swap3A_197] {strides = array<i32>} : memref<8x16x128xf32, #tpu.memory_space<vmem>>, vector<16xf32>,
      tpu.vector_store %arg11[%swap3A_195, %swap3A_196, %swap3A_197], %gather3A_193 {strides = array<i32>} : memref<8x16x128xf32, #tpu.memory_space<vmem>>, vector<16xf32>,
      %gather3A_199 = tpu.vector_load_idx %arg9[%broadcast_in_dim3A_5, %get3A_192] : memref<8x4096xf32, #tpu.memory_space<vmem>>[vector<16xi32>, vector<16xi32>], vector<16xf32>,
      %swap3A_200 = arith.constant 1 : i32
      %swap3A_201 = arith.index_cast %swap3A_200 : i32 to index
      %swap3A_202 = arith.index_cast %scan3A_135 : i32 to index
      %swap3A_203 = arith.constant 16 : index
      %swap3A_204 = tpu.vector_load %arg11[%swap3A_201, %swap3A_202, %swap3A_203] {strides = array<i32>} : memref<8x16x128xf32, #tpu.memory_space<vmem>>, vector<16xf32>,
      tpu.vector_store %arg11[%swap3A_201, %swap3A_202, %swap3A_203], %gather3A_199 {strides = array<i32>} : memref<8x16x128xf32, #tpu.memory_space<vmem>>, vector<16xf32>,
      %gather3A_205 = tpu.vector_load_idx %arg9[%broadcast_in_dim3A_7, %get3A_192] : memref<8x4096xf32, #tpu.memory_space<vmem>>[vector<16xi32>, vector<16xi32>], vector<16xf32>,
      %swap3A_206 = arith.constant 2 : i32
      %swap3A_207 = arith.index_cast %swap3A_206 : i32 to index
      %swap3A_208 = arith.index_cast %scan3A_135 : i32 to index
      %swap3A_209 = arith.constant 16 : index
      %swap3A_210 = tpu.vector_load %arg11[%swap3A_207, %swap3A_208, %swap3A_209] {strides = array<i32>} : memref<8x16x128xf32, #tpu.memory_space<vmem>>, vector<16xf32>,
      tpu.vector_store %arg11[%swap3A_207, %swap3A_208, %swap3A_209], %gather3A_205 {strides = array<i32>} : memref<8x16x128xf32, #tpu.memory_space<vmem>>, vector<16xf32>,
      %gather3A_211 = tpu.vector_load_idx %arg9[%broadcast_in_dim3A_9, %get3A_192] : memref<8x4096xf32, #tpu.memory_space<vmem>>[vector<16xi32>, vector<16xi32>], vector<16xf32>,
      %swap3A_212 = arith.constant 3 : i32
      %swap3A_213 = arith.index_cast %swap3A_212 : i32 to index
      %swap3A_214 = arith.index_cast %scan3A_135 : i32 to index
      %swap3A_215 = arith.constant 16 : index
      %swap3A_216 = tpu.vector_load %arg11[%swap3A_213, %swap3A_214, %swap3A_215] {strides = array<i32>} : memref<8x16x128xf32, #tpu.memory_space<vmem>>, vector<16xf32>,
      tpu.vector_store %arg11[%swap3A_213, %swap3A_214, %swap3A_215], %gather3A_211 {strides = array<i32>} : memref<8x16x128xf32, #tpu.memory_space<vmem>>, vector<16xf32>,
      %gather3A_217 = tpu.vector_load_idx %arg9[%broadcast_in_dim3A_11, %get3A_192] : memref<8x4096xf32, #tpu.memory_space<vmem>>[vector<16xi32>, vector<16xi32>], vector<16xf32>,
      %swap3A_218 = arith.constant 4 : i32
      %swap3A_219 = arith.index_cast %swap3A_218 : i32 to index
      %swap3A_220 = arith.index_cast %scan3A_135 : i32 to index
      %swap3A_221 = arith.constant 16 : index
      %swap3A_222 = tpu.vector_load %arg11[%swap3A_219, %swap3A_220, %swap3A_221] {strides = array<i32>} : memref<8x16x128xf32, #tpu.memory_space<vmem>>, vector<16xf32>,
      tpu.vector_store %arg11[%swap3A_219, %swap3A_220, %swap3A_221], %gather3A_217 {strides = array<i32>} : memref<8x16x128xf32, #tpu.memory_space<vmem>>, vector<16xf32>,
      %gather3A_223 = tpu.vector_load_idx %arg9[%broadcast_in_dim3A_13, %get3A_192] : memref<8x4096xf32, #tpu.memory_space<vmem>>[vector<16xi32>, vector<16xi32>], vector<16xf32>,
      %swap3A_224 = arith.constant 5 : i32
      %swap3A_225 = arith.index_cast %swap3A_224 : i32 to index
      %swap3A_226 = arith.index_cast %scan3A_135 : i32 to index
      %swap3A_227 = arith.constant 16 : index
      %swap3A_228 = tpu.vector_load %arg11[%swap3A_225, %swap3A_226, %swap3A_227] {strides = array<i32>} : memref<8x16x128xf32, #tpu.memory_space<vmem>>, vector<16xf32>,
      tpu.vector_store %arg11[%swap3A_225, %swap3A_226, %swap3A_227], %gather3A_223 {strides = array<i32>} : memref<8x16x128xf32, #tpu.memory_space<vmem>>, vector<16xf32>,
      %gather3A_229 = tpu.vector_load_idx %arg9[%broadcast_in_dim3A_15, %get3A_192] : memref<8x4096xf32, #tpu.memory_space<vmem>>[vector<16xi32>, vector<16xi32>], vector<16xf32>,
      %swap3A_230 = arith.constant 6 : i32
      %swap3A_231 = arith.index_cast %swap3A_230 : i32 to index
      %swap3A_232 = arith.index_cast %scan3A_135 : i32 to index
      %swap3A_233 = arith.constant 16 : index
      %swap3A_234 = tpu.vector_load %arg11[%swap3A_231, %swap3A_232, %swap3A_233] {strides = array<i32>} : memref<8x16x128xf32, #tpu.memory_space<vmem>>, vector<16xf32>,
      tpu.vector_store %arg11[%swap3A_231, %swap3A_232, %swap3A_233], %gather3A_229 {strides = array<i32>} : memref<8x16x128xf32, #tpu.memory_space<vmem>>, vector<16xf32>,
      %gather3A_235 = tpu.vector_load_idx %arg9[%broadcast_in_dim3A_17, %get3A_192] : memref<8x4096xf32, #tpu.memory_space<vmem>>[vector<16xi32>, vector<16xi32>], vector<16xf32>,
      %swap3A_236 = arith.constant 7 : i32
      %swap3A_237 = arith.index_cast %swap3A_236 : i32 to index
      %swap3A_238 = arith.index_cast %scan3A_135 : i32 to index
      %swap3A_239 = arith.constant 16 : index
      %swap3A_240 = tpu.vector_load %arg11[%swap3A_237, %swap3A_238, %swap3A_239] {strides = array<i32>} : memref<8x16x128xf32, #tpu.memory_space<vmem>>, vector<16xf32>,
      tpu.vector_store %arg11[%swap3A_237, %swap3A_238, %swap3A_239], %gather3A_235 {strides = array<i32>} : memref<8x16x128xf32, #tpu.memory_space<vmem>>, vector<16xf32>,
      %mul3A_241 = arith.constant 128 : i32
      %mul3A_242 = arith.muli %scan3A_135, %mul3A_241 : i32
      %add3A_243 = arith.constant 32 : i32
      %add3A_244 = arith.addi %mul3A_242, %add3A_243 : i32
      %get3A_245 = arith.index_cast %add3A_244 : i32 to index
      %get3A_246 = tpu.vector_load %arg6[%get3A_245] {strides = array<i32>} : memref<2048xi32, #tpu.memory_space<vmem>>, vector<16xi32>,
      %gather3A_247 = tpu.vector_load_idx %arg9[%broadcast_in_dim3A_3, %get3A_246] : memref<8x4096xf32, #tpu.memory_space<vmem>>[vector<16xi32>, vector<16xi32>], vector<16xf32>,
      %swap3A_248 = arith.constant 0 : i32
      %swap3A_249 = arith.index_cast %swap3A_248 : i32 to index
      %swap3A_250 = arith.index_cast %scan3A_135 : i32 to index
      %swap3A_251 = arith.constant 32 : index
      %swap3A_252 = tpu.vector_load %arg11[%swap3A_249, %swap3A_250, %swap3A_251] {strides = array<i32>} : memref<8x16x128xf32, #tpu.memory_space<vmem>>, vector<16xf32>,
      tpu.vector_store %arg11[%swap3A_249, %swap3A_250, %swap3A_251], %gather3A_247 {strides = array<i32>} : memref<8x16x128xf32, #tpu.memory_space<vmem>>, vector<16xf32>,
      %gather3A_253 = tpu.vector_load_idx %arg9[%broadcast_in_dim3A_5, %get3A_246] : memref<8x4096xf32, #tpu.memory_space<vmem>>[vector<16xi32>, vector<16xi32>], vector<16xf32>,
      %swap3A_254 = arith.constant 1 : i32
      %swap3A_255 = arith.index_cast %swap3A_254 : i32 to index
      %swap3A_256 = arith.index_cast %scan3A_135 : i32 to index
      %swap3A_257 = arith.constant 32 : index
      %swap3A_258 = tpu.vector_load %arg11[%swap3A_255, %swap3A_256, %swap3A_257] {strides = array<i32>} : memref<8x16x128xf32, #tpu.memory_space<vmem>>, vector<16xf32>,
      tpu.vector_store %arg11[%swap3A_255, %swap3A_256, %swap3A_257], %gather3A_253 {strides = array<i32>} : memref<8x16x128xf32, #tpu.memory_space<vmem>>, vector<16xf32>,
      %gather3A_259 = tpu.vector_load_idx %arg9[%broadcast_in_dim3A_7, %get3A_246] : memref<8x4096xf32, #tpu.memory_space<vmem>>[vector<16xi32>, vector<16xi32>], vector<16xf32>,
      %swap3A_260 = arith.constant 2 : i32
      %swap3A_261 = arith.index_cast %swap3A_260 : i32 to index
      %swap3A_262 = arith.index_cast %scan3A_135 : i32 to index
      %swap3A_263 = arith.constant 32 : index
      %swap3A_264 = tpu.vector_load %arg11[%swap3A_261, %swap3A_262, %swap3A_263] {strides = array<i32>} : memref<8x16x128xf32, #tpu.memory_space<vmem>>, vector<16xf32>,
      tpu.vector_store %arg11[%swap3A_261, %swap3A_262, %swap3A_263], %gather3A_259 {strides = array<i32>} : memref<8x16x128xf32, #tpu.memory_space<vmem>>, vector<16xf32>,
      %gather3A_265 = tpu.vector_load_idx %arg9[%broadcast_in_dim3A_9, %get3A_246] : memref<8x4096xf32, #tpu.memory_space<vmem>>[vector<16xi32>, vector<16xi32>], vector<16xf32>,
      %swap3A_266 = arith.constant 3 : i32
      %swap3A_267 = arith.index_cast %swap3A_266 : i32 to index
      %swap3A_268 = arith.index_cast %scan3A_135 : i32 to index
      %swap3A_269 = arith.constant 32 : index
      %swap3A_270 = tpu.vector_load %arg11[%swap3A_267, %swap3A_268, %swap3A_269] {strides = array<i32>} : memref<8x16x128xf32, #tpu.memory_space<vmem>>, vector<16xf32>,
      tpu.vector_store %arg11[%swap3A_267, %swap3A_268, %swap3A_269], %gather3A_265 {strides = array<i32>} : memref<8x16x128xf32, #tpu.memory_space<vmem>>, vector<16xf32>,
      %gather3A_271 = tpu.vector_load_idx %arg9[%broadcast_in_dim3A_11, %get3A_246] : memref<8x4096xf32, #tpu.memory_space<vmem>>[vector<16xi32>, vector<16xi32>], vector<16xf32>,
      %swap3A_272 = arith.constant 4 : i32
      %swap3A_273 = arith.index_cast %swap3A_272 : i32 to index
      %swap3A_274 = arith.index_cast %scan3A_135 : i32 to index
      %swap3A_275 = arith.constant 32 : index
      %swap3A_276 = tpu.vector_load %arg11[%swap3A_273, %swap3A_274, %swap3A_275] {strides = array<i32>} : memref<8x16x128xf32, #tpu.memory_space<vmem>>, vector<16xf32>,
      tpu.vector_store %arg11[%swap3A_273, %swap3A_274, %swap3A_275], %gather3A_271 {strides = array<i32>} : memref<8x16x128xf32, #tpu.memory_space<vmem>>, vector<16xf32>,
      %gather3A_277 = tpu.vector_load_idx %arg9[%broadcast_in_dim3A_13, %get3A_246] : memref<8x4096xf32, #tpu.memory_space<vmem>>[vector<16xi32>, vector<16xi32>], vector<16xf32>,
      %swap3A_278 = arith.constant 5 : i32
      %swap3A_279 = arith.index_cast %swap3A_278 : i32 to index
      %swap3A_280 = arith.index_cast %scan3A_135 : i32 to index
      %swap3A_281 = arith.constant 32 : index
      %swap3A_282 = tpu.vector_load %arg11[%swap3A_279, %swap3A_280, %swap3A_281] {strides = array<i32>} : memref<8x16x128xf32, #tpu.memory_space<vmem>>, vector<16xf32>,
      tpu.vector_store %arg11[%swap3A_279, %swap3A_280, %swap3A_281], %gather3A_277 {strides = array<i32>} : memref<8x16x128xf32, #tpu.memory_space<vmem>>, vector<16xf32>,
      %gather3A_283 = tpu.vector_load_idx %arg9[%broadcast_in_dim3A_15, %get3A_246] : memref<8x4096xf32, #tpu.memory_space<vmem>>[vector<16xi32>, vector<16xi32>], vector<16xf32>,
      %swap3A_284 = arith.constant 6 : i32
      %swap3A_285 = arith.index_cast %swap3A_284 : i32 to index
      %swap3A_286 = arith.index_cast %scan3A_135 : i32 to index
      %swap3A_287 = arith.constant 32 : index
      %swap3A_288 = tpu.vector_load %arg11[%swap3A_285, %swap3A_286, %swap3A_287] {strides = array<i32>} : memref<8x16x128xf32, #tpu.memory_space<vmem>>, vector<16xf32>,
      tpu.vector_store %arg11[%swap3A_285, %swap3A_286, %swap3A_287], %gather3A_283 {strides = array<i32>} : memref<8x16x128xf32, #tpu.memory_space<vmem>>, vector<16xf32>,
      %gather3A_289 = tpu.vector_load_idx %arg9[%broadcast_in_dim3A_17, %get3A_246] : memref<8x4096xf32, #tpu.memory_space<vmem>>[vector<16xi32>, vector<16xi32>], vector<16xf32>,
      %swap3A_290 = arith.constant 7 : i32
      %swap3A_291 = arith.index_cast %swap3A_290 : i32 to index
      %swap3A_292 = arith.index_cast %scan3A_135 : i32 to index
      %swap3A_293 = arith.constant 32 : index
      %swap3A_294 = tpu.vector_load %arg11[%swap3A_291, %swap3A_292, %swap3A_293] {strides = array<i32>} : memref<8x16x128xf32, #tpu.memory_space<vmem>>, vector<16xf32>,
      tpu.vector_store %arg11[%swap3A_291, %swap3A_292, %swap3A_293], %gather3A_289 {strides = array<i32>} : memref<8x16x128xf32, #tpu.memory_space<vmem>>, vector<16xf32>,
      %mul3A_295 = arith.constant 128 : i32
      %mul3A_296 = arith.muli %scan3A_135, %mul3A_295 : i32
      %add3A_297 = arith.constant 48 : i32
      %add3A_298 = arith.addi %mul3A_296, %add3A_297 : i32
      %get3A_299 = arith.index_cast %add3A_298 : i32 to index
      %get3A_300 = tpu.vector_load %arg6[%get3A_299] {strides = array<i32>} : memref<2048xi32, #tpu.memory_space<vmem>>, vector<16xi32>,
      %gather3A_301 = tpu.vector_load_idx %arg9[%broadcast_in_dim3A_3, %get3A_300] : memref<8x4096xf32, #tpu.memory_space<vmem>>[vector<16xi32>, vector<16xi32>], vector<16xf32>,
      %swap3A_302 = arith.constant 0 : i32
      %swap3A_303 = arith.index_cast %swap3A_302 : i32 to index
      %swap3A_304 = arith.index_cast %scan3A_135 : i32 to index
      %swap3A_305 = arith.constant 48 : index
      %swap3A_306 = tpu.vector_load %arg11[%swap3A_303, %swap3A_304, %swap3A_305] {strides = array<i32>} : memref<8x16x128xf32, #tpu.memory_space<vmem>>, vector<16xf32>,
      tpu.vector_store %arg11[%swap3A_303, %swap3A_304, %swap3A_305], %gather3A_301 {strides = array<i32>} : memref<8x16x128xf32, #tpu.memory_space<vmem>>, vector<16xf32>,
      %gather3A_307 = tpu.vector_load_idx %arg9[%broadcast_in_dim3A_5, %get3A_300] : memref<8x4096xf32, #tpu.memory_space<vmem>>[vector<16xi32>, vector<16xi32>], vector<16xf32>,
      %swap3A_308 = arith.constant 1 : i32
      %swap3A_309 = arith.index_cast %swap3A_308 : i32 to index
      %swap3A_310 = arith.index_cast %scan3A_135 : i32 to index
      %swap3A_311 = arith.constant 48 : index
      %swap3A_312 = tpu.vector_load %arg11[%swap3A_309, %swap3A_310, %swap3A_311] {strides = array<i32>} : memref<8x16x128xf32, #tpu.memory_space<vmem>>, vector<16xf32>,
      tpu.vector_store %arg11[%swap3A_309, %swap3A_310, %swap3A_311], %gather3A_307 {strides = array<i32>} : memref<8x16x128xf32, #tpu.memory_space<vmem>>, vector<16xf32>,
      %gather3A_313 = tpu.vector_load_idx %arg9[%broadcast_in_dim3A_7, %get3A_300] : memref<8x4096xf32, #tpu.memory_space<vmem>>[vector<16xi32>, vector<16xi32>], vector<16xf32>,
      %swap3A_314 = arith.constant 2 : i32
      %swap3A_315 = arith.index_cast %swap3A_314 : i32 to index
      %swap3A_316 = arith.index_cast %scan3A_135 : i32 to index
      %swap3A_317 = arith.constant 48 : index
      %swap3A_318 = tpu.vector_load %arg11[%swap3A_315, %swap3A_316, %swap3A_317] {strides = array<i32>} : memref<8x16x128xf32, #tpu.memory_space<vmem>>, vector<16xf32>,
      tpu.vector_store %arg11[%swap3A_315, %swap3A_316, %swap3A_317], %gather3A_313 {strides = array<i32>} : memref<8x16x128xf32, #tpu.memory_space<vmem>>, vector<16xf32>,
      %gather3A_319 = tpu.vector_load_idx %arg9[%broadcast_in_dim3A_9, %get3A_300] : memref<8x4096xf32, #tpu.memory_space<vmem>>[vector<16xi32>, vector<16xi32>], vector<16xf32>,
      %swap3A_320 = arith.constant 3 : i32
      %swap3A_321 = arith.index_cast %swap3A_320 : i32 to index
      %swap3A_322 = arith.index_cast %scan3A_135 : i32 to index
      %swap3A_323 = arith.constant 48 : index
      %swap3A_324 = tpu.vector_load %arg11[%swap3A_321, %swap3A_322, %swap3A_323] {strides = array<i32>} : memref<8x16x128xf32, #tpu.memory_space<vmem>>, vector<16xf32>,
      tpu.vector_store %arg11[%swap3A_321, %swap3A_322, %swap3A_323], %gather3A_319 {strides = array<i32>} : memref<8x16x128xf32, #tpu.memory_space<vmem>>, vector<16xf32>,
      %gather3A_325 = tpu.vector_load_idx %arg9[%broadcast_in_dim3A_11, %get3A_300] : memref<8x4096xf32, #tpu.memory_space<vmem>>[vector<16xi32>, vector<16xi32>], vector<16xf32>,
      %swap3A_326 = arith.constant 4 : i32
      %swap3A_327 = arith.index_cast %swap3A_326 : i32 to index
      %swap3A_328 = arith.index_cast %scan3A_135 : i32 to index
      %swap3A_329 = arith.constant 48 : index
      %swap3A_330 = tpu.vector_load %arg11[%swap3A_327, %swap3A_328, %swap3A_329] {strides = array<i32>} : memref<8x16x128xf32, #tpu.memory_space<vmem>>, vector<16xf32>,
      tpu.vector_store %arg11[%swap3A_327, %swap3A_328, %swap3A_329], %gather3A_325 {strides = array<i32>} : memref<8x16x128xf32, #tpu.memory_space<vmem>>, vector<16xf32>,
      %gather3A_331 = tpu.vector_load_idx %arg9[%broadcast_in_dim3A_13, %get3A_300] : memref<8x4096xf32, #tpu.memory_space<vmem>>[vector<16xi32>, vector<16xi32>], vector<16xf32>,
      %swap3A_332 = arith.constant 5 : i32
      %swap3A_333 = arith.index_cast %swap3A_332 : i32 to index
      %swap3A_334 = arith.index_cast %scan3A_135 : i32 to index
      %swap3A_335 = arith.constant 48 : index
      %swap3A_336 = tpu.vector_load %arg11[%swap3A_333, %swap3A_334, %swap3A_335] {strides = array<i32>} : memref<8x16x128xf32, #tpu.memory_space<vmem>>, vector<16xf32>,
      tpu.vector_store %arg11[%swap3A_333, %swap3A_334, %swap3A_335], %gather3A_331 {strides = array<i32>} : memref<8x16x128xf32, #tpu.memory_space<vmem>>, vector<16xf32>,
      %gather3A_337 = tpu.vector_load_idx %arg9[%broadcast_in_dim3A_15, %get3A_300] : memref<8x4096xf32, #tpu.memory_space<vmem>>[vector<16xi32>, vector<16xi32>], vector<16xf32>,
      %swap3A_338 = arith.constant 6 : i32
      %swap3A_339 = arith.index_cast %swap3A_338 : i32 to index
      %swap3A_340 = arith.index_cast %scan3A_135 : i32 to index
      %swap3A_341 = arith.constant 48 : index
      %swap3A_342 = tpu.vector_load %arg11[%swap3A_339, %swap3A_340, %swap3A_341] {strides = array<i32>} : memref<8x16x128xf32, #tpu.memory_space<vmem>>, vector<16xf32>,
      tpu.vector_store %arg11[%swap3A_339, %swap3A_340, %swap3A_341], %gather3A_337 {strides = array<i32>} : memref<8x16x128xf32, #tpu.memory_space<vmem>>, vector<16xf32>,
      %gather3A_343 = tpu.vector_load_idx %arg9[%broadcast_in_dim3A_17, %get3A_300] : memref<8x4096xf32, #tpu.memory_space<vmem>>[vector<16xi32>, vector<16xi32>], vector<16xf32>,
      %swap3A_344 = arith.constant 7 : i32
      %swap3A_345 = arith.index_cast %swap3A_344 : i32 to index
      %swap3A_346 = arith.index_cast %scan3A_135 : i32 to index
      %swap3A_347 = arith.constant 48 : index
      %swap3A_348 = tpu.vector_load %arg11[%swap3A_345, %swap3A_346, %swap3A_347] {strides = array<i32>} : memref<8x16x128xf32, #tpu.memory_space<vmem>>, vector<16xf32>,
      tpu.vector_store %arg11[%swap3A_345, %swap3A_346, %swap3A_347], %gather3A_343 {strides = array<i32>} : memref<8x16x128xf32, #tpu.memory_space<vmem>>, vector<16xf32>,
      %mul3A_349 = arith.constant 128 : i32
      %mul3A_350 = arith.muli %scan3A_135, %mul3A_349 : i32
      %add3A_351 = arith.constant 64 : i32
      %add3A_352 = arith.addi %mul3A_350, %add3A_351 : i32
      %get3A_353 = arith.index_cast %add3A_352 : i32 to index
      %get3A_354 = tpu.vector_load %arg6[%get3A_353] {strides = array<i32>} : memref<2048xi32, #tpu.memory_space<vmem>>, vector<16xi32>,
      %gather3A_355 = tpu.vector_load_idx %arg9[%broadcast_in_dim3A_3, %get3A_354] : memref<8x4096xf32, #tpu.memory_space<vmem>>[vector<16xi32>, vector<16xi32>], vector<16xf32>,
      %swap3A_356 = arith.constant 0 : i32
      %swap3A_357 = arith.index_cast %swap3A_356 : i32 to index
      %swap3A_358 = arith.index_cast %scan3A_135 : i32 to index
      %swap3A_359 = arith.constant 64 : index
      %swap3A_360 = tpu.vector_load %arg11[%swap3A_357, %swap3A_358, %swap3A_359] {strides = array<i32>} : memref<8x16x128xf32, #tpu.memory_space<vmem>>, vector<16xf32>,
      tpu.vector_store %arg11[%swap3A_357, %swap3A_358, %swap3A_359], %gather3A_355 {strides = array<i32>} : memref<8x16x128xf32, #tpu.memory_space<vmem>>, vector<16xf32>,
      %gather3A_361 = tpu.vector_load_idx %arg9[%broadcast_in_dim3A_5, %get3A_354] : memref<8x4096xf32, #tpu.memory_space<vmem>>[vector<16xi32>, vector<16xi32>], vector<16xf32>,
      %swap3A_362 = arith.constant 1 : i32
      %swap3A_363 = arith.index_cast %swap3A_362 : i32 to index
      %swap3A_364 = arith.index_cast %scan3A_135 : i32 to index
      %swap3A_365 = arith.constant 64 : index
      %swap3A_366 = tpu.vector_load %arg11[%swap3A_363, %swap3A_364, %swap3A_365] {strides = array<i32>} : memref<8x16x128xf32, #tpu.memory_space<vmem>>, vector<16xf32>,
      tpu.vector_store %arg11[%swap3A_363, %swap3A_364, %swap3A_365], %gather3A_361 {strides = array<i32>} : memref<8x16x128xf32, #tpu.memory_space<vmem>>, vector<16xf32>,
      %gather3A_367 = tpu.vector_load_idx %arg9[%broadcast_in_dim3A_7, %get3A_354] : memref<8x4096xf32, #tpu.memory_space<vmem>>[vector<16xi32>, vector<16xi32>], vector<16xf32>,
      %swap3A_368 = arith.constant 2 : i32
      %swap3A_369 = arith.index_cast %swap3A_368 : i32 to index
      %swap3A_370 = arith.index_cast %scan3A_135 : i32 to index
      %swap3A_371 = arith.constant 64 : index
      %swap3A_372 = tpu.vector_load %arg11[%swap3A_369, %swap3A_370, %swap3A_371] {strides = array<i32>} : memref<8x16x128xf32, #tpu.memory_space<vmem>>, vector<16xf32>,
      tpu.vector_store %arg11[%swap3A_369, %swap3A_370, %swap3A_371], %gather3A_367 {strides = array<i32>} : memref<8x16x128xf32, #tpu.memory_space<vmem>>, vector<16xf32>,
      %gather3A_373 = tpu.vector_load_idx %arg9[%broadcast_in_dim3A_9, %get3A_354] : memref<8x4096xf32, #tpu.memory_space<vmem>>[vector<16xi32>, vector<16xi32>], vector<16xf32>,
      %swap3A_374 = arith.constant 3 : i32
      %swap3A_375 = arith.index_cast %swap3A_374 : i32 to index
      %swap3A_376 = arith.index_cast %scan3A_135 : i32 to index
      %swap3A_377 = arith.constant 64 : index
      %swap3A_378 = tpu.vector_load %arg11[%swap3A_375, %swap3A_376, %swap3A_377] {strides = array<i32>} : memref<8x16x128xf32, #tpu.memory_space<vmem>>, vector<16xf32>,
      tpu.vector_store %arg11[%swap3A_375, %swap3A_376, %swap3A_377], %gather3A_373 {strides = array<i32>} : memref<8x16x128xf32, #tpu.memory_space<vmem>>, vector<16xf32>,
      %gather3A_379 = tpu.vector_load_idx %arg9[%broadcast_in_dim3A_11, %get3A_354] : memref<8x4096xf32, #tpu.memory_space<vmem>>[vector<16xi32>, vector<16xi32>], vector<16xf32>,
      %swap3A_380 = arith.constant 4 : i32
      %swap3A_381 = arith.index_cast %swap3A_380 : i32 to index
      %swap3A_382 = arith.index_cast %scan3A_135 : i32 to index
      %swap3A_383 = arith.constant 64 : index
      %swap3A_384 = tpu.vector_load %arg11[%swap3A_381, %swap3A_382, %swap3A_383] {strides = array<i32>} : memref<8x16x128xf32, #tpu.memory_space<vmem>>, vector<16xf32>,
      tpu.vector_store %arg11[%swap3A_381, %swap3A_382, %swap3A_383], %gather3A_379 {strides = array<i32>} : memref<8x16x128xf32, #tpu.memory_space<vmem>>, vector<16xf32>,
      %gather3A_385 = tpu.vector_load_idx %arg9[%broadcast_in_dim3A_13, %get3A_354] : memref<8x4096xf32, #tpu.memory_space<vmem>>[vector<16xi32>, vector<16xi32>], vector<16xf32>,
      %swap3A_386 = arith.constant 5 : i32
      %swap3A_387 = arith.index_cast %swap3A_386 : i32 to index
      %swap3A_388 = arith.index_cast %scan3A_135 : i32 to index
      %swap3A_389 = arith.constant 64 : index
      %swap3A_390 = tpu.vector_load %arg11[%swap3A_387, %swap3A_388, %swap3A_389] {strides = array<i32>} : memref<8x16x128xf32, #tpu.memory_space<vmem>>, vector<16xf32>,
      tpu.vector_store %arg11[%swap3A_387, %swap3A_388, %swap3A_389], %gather3A_385 {strides = array<i32>} : memref<8x16x128xf32, #tpu.memory_space<vmem>>, vector<16xf32>,
      %gather3A_391 = tpu.vector_load_idx %arg9[%broadcast_in_dim3A_15, %get3A_354] : memref<8x4096xf32, #tpu.memory_space<vmem>>[vector<16xi32>, vector<16xi32>], vector<16xf32>,
      %swap3A_392 = arith.constant 6 : i32
      %swap3A_393 = arith.index_cast %swap3A_392 : i32 to index
      %swap3A_394 = arith.index_cast %scan3A_135 : i32 to index
      %swap3A_395 = arith.constant 64 : index
      %swap3A_396 = tpu.vector_load %arg11[%swap3A_393, %swap3A_394, %swap3A_395] {strides = array<i32>} : memref<8x16x128xf32, #tpu.memory_space<vmem>>, vector<16xf32>,
      tpu.vector_store %arg11[%swap3A_393, %swap3A_394, %swap3A_395], %gather3A_391 {strides = array<i32>} : memref<8x16x128xf32, #tpu.memory_space<vmem>>, vector<16xf32>,
      %gather3A_397 = tpu.vector_load_idx %arg9[%broadcast_in_dim3A_17, %get3A_354] : memref<8x4096xf32, #tpu.memory_space<vmem>>[vector<16xi32>, vector<16xi32>], vector<16xf32>,
      %swap3A_398 = arith.constant 7 : i32
      %swap3A_399 = arith.index_cast %swap3A_398 : i32 to index
      %swap3A_400 = arith.index_cast %scan3A_135 : i32 to index
      %swap3A_401 = arith.constant 64 : index
      %swap3A_402 = tpu.vector_load %arg11[%swap3A_399, %swap3A_400, %swap3A_401] {strides = array<i32>} : memref<8x16x128xf32, #tpu.memory_space<vmem>>, vector<16xf32>,
      tpu.vector_store %arg11[%swap3A_399, %swap3A_400, %swap3A_401], %gather3A_397 {strides = array<i32>} : memref<8x16x128xf32, #tpu.memory_space<vmem>>, vector<16xf32>,
      %mul3A_403 = arith.constant 128 : i32
      %mul3A_404 = arith.muli %scan3A_135, %mul3A_403 : i32
      %add3A_405 = arith.constant 80 : i32
      %add3A_406 = arith.addi %mul3A_404, %add3A_405 : i32
      %get3A_407 = arith.index_cast %add3A_406 : i32 to index
      %get3A_408 = tpu.vector_load %arg6[%get3A_407] {strides = array<i32>} : memref<2048xi32, #tpu.memory_space<vmem>>, vector<16xi32>,
      %gather3A_409 = tpu.vector_load_idx %arg9[%broadcast_in_dim3A_3, %get3A_408] : memref<8x4096xf32, #tpu.memory_space<vmem>>[vector<16xi32>, vector<16xi32>], vector<16xf32>,
      %swap3A_410 = arith.constant 0 : i32
      %swap3A_411 = arith.index_cast %swap3A_410 : i32 to index
      %swap3A_412 = arith.index_cast %scan3A_135 : i32 to index
      %swap3A_413 = arith.constant 80 : index
      %swap3A_414 = tpu.vector_load %arg11[%swap3A_411, %swap3A_412, %swap3A_413] {strides = array<i32>} : memref<8x16x128xf32, #tpu.memory_space<vmem>>, vector<16xf32>,
      tpu.vector_store %arg11[%swap3A_411, %swap3A_412, %swap3A_413], %gather3A_409 {strides = array<i32>} : memref<8x16x128xf32, #tpu.memory_space<vmem>>, vector<16xf32>,
      %gather3A_415 = tpu.vector_load_idx %arg9[%broadcast_in_dim3A_5, %get3A_408] : memref<8x4096xf32, #tpu.memory_space<vmem>>[vector<16xi32>, vector<16xi32>], vector<16xf32>,
      %swap3A_416 = arith.constant 1 : i32
      %swap3A_417 = arith.index_cast %swap3A_416 : i32 to index
      %swap3A_418 = arith.index_cast %scan3A_135 : i32 to index
      %swap3A_419 = arith.constant 80 : index
      %swap3A_420 = tpu.vector_load %arg11[%swap3A_417, %swap3A_418, %swap3A_419] {strides = array<i32>} : memref<8x16x128xf32, #tpu.memory_space<vmem>>, vector<16xf32>,
      tpu.vector_store %arg11[%swap3A_417, %swap3A_418, %swap3A_419], %gather3A_415 {strides = array<i32>} : memref<8x16x128xf32, #tpu.memory_space<vmem>>, vector<16xf32>,
      %gather3A_421 = tpu.vector_load_idx %arg9[%broadcast_in_dim3A_7, %get3A_408] : memref<8x4096xf32, #tpu.memory_space<vmem>>[vector<16xi32>, vector<16xi32>], vector<16xf32>,
      %swap3A_422 = arith.constant 2 : i32
      %swap3A_423 = arith.index_cast %swap3A_422 : i32 to index
      %swap3A_424 = arith.index_cast %scan3A_135 : i32 to index
      %swap3A_425 = arith.constant 80 : index
      %swap3A_426 = tpu.vector_load %arg11[%swap3A_423, %swap3A_424, %swap3A_425] {strides = array<i32>} : memref<8x16x128xf32, #tpu.memory_space<vmem>>, vector<16xf32>,
      tpu.vector_store %arg11[%swap3A_423, %swap3A_424, %swap3A_425], %gather3A_421 {strides = array<i32>} : memref<8x16x128xf32, #tpu.memory_space<vmem>>, vector<16xf32>,
      %gather3A_427 = tpu.vector_load_idx %arg9[%broadcast_in_dim3A_9, %get3A_408] : memref<8x4096xf32, #tpu.memory_space<vmem>>[vector<16xi32>, vector<16xi32>], vector<16xf32>,
      %swap3A_428 = arith.constant 3 : i32
      %swap3A_429 = arith.index_cast %swap3A_428 : i32 to index
      %swap3A_430 = arith.index_cast %scan3A_135 : i32 to index
      %swap3A_431 = arith.constant 80 : index
      %swap3A_432 = tpu.vector_load %arg11[%swap3A_429, %swap3A_430, %swap3A_431] {strides = array<i32>} : memref<8x16x128xf32, #tpu.memory_space<vmem>>, vector<16xf32>,
      tpu.vector_store %arg11[%swap3A_429, %swap3A_430, %swap3A_431], %gather3A_427 {strides = array<i32>} : memref<8x16x128xf32, #tpu.memory_space<vmem>>, vector<16xf32>,
      %gather3A_433 = tpu.vector_load_idx %arg9[%broadcast_in_dim3A_11, %get3A_408] : memref<8x4096xf32, #tpu.memory_space<vmem>>[vector<16xi32>, vector<16xi32>], vector<16xf32>,
      %swap3A_434 = arith.constant 4 : i32
      %swap3A_435 = arith.index_cast %swap3A_434 : i32 to index
      %swap3A_436 = arith.index_cast %scan3A_135 : i32 to index
      %swap3A_437 = arith.constant 80 : index
      %swap3A_438 = tpu.vector_load %arg11[%swap3A_435, %swap3A_436, %swap3A_437] {strides = array<i32>} : memref<8x16x128xf32, #tpu.memory_space<vmem>>, vector<16xf32>,
      tpu.vector_store %arg11[%swap3A_435, %swap3A_436, %swap3A_437], %gather3A_433 {strides = array<i32>} : memref<8x16x128xf32, #tpu.memory_space<vmem>>, vector<16xf32>,
      %gather3A_439 = tpu.vector_load_idx %arg9[%broadcast_in_dim3A_13, %get3A_408] : memref<8x4096xf32, #tpu.memory_space<vmem>>[vector<16xi32>, vector<16xi32>], vector<16xf32>,
      %swap3A_440 = arith.constant 5 : i32
      %swap3A_441 = arith.index_cast %swap3A_440 : i32 to index
      %swap3A_442 = arith.index_cast %scan3A_135 : i32 to index
      %swap3A_443 = arith.constant 80 : index
      %swap3A_444 = tpu.vector_load %arg11[%swap3A_441, %swap3A_442, %swap3A_443] {strides = array<i32>} : memref<8x16x128xf32, #tpu.memory_space<vmem>>, vector<16xf32>,
      tpu.vector_store %arg11[%swap3A_441, %swap3A_442, %swap3A_443], %gather3A_439 {strides = array<i32>} : memref<8x16x128xf32, #tpu.memory_space<vmem>>, vector<16xf32>,
      %gather3A_445 = tpu.vector_load_idx %arg9[%broadcast_in_dim3A_15, %get3A_408] : memref<8x4096xf32, #tpu.memory_space<vmem>>[vector<16xi32>, vector<16xi32>], vector<16xf32>,
      %swap3A_446 = arith.constant 6 : i32
      %swap3A_447 = arith.index_cast %swap3A_446 : i32 to index
      %swap3A_448 = arith.index_cast %scan3A_135 : i32 to index
      %swap3A_449 = arith.constant 80 : index
      %swap3A_450 = tpu.vector_load %arg11[%swap3A_447, %swap3A_448, %swap3A_449] {strides = array<i32>} : memref<8x16x128xf32, #tpu.memory_space<vmem>>, vector<16xf32>,
      tpu.vector_store %arg11[%swap3A_447, %swap3A_448, %swap3A_449], %gather3A_445 {strides = array<i32>} : memref<8x16x128xf32, #tpu.memory_space<vmem>>, vector<16xf32>,
      %gather3A_451 = tpu.vector_load_idx %arg9[%broadcast_in_dim3A_17, %get3A_408] : memref<8x4096xf32, #tpu.memory_space<vmem>>[vector<16xi32>, vector<16xi32>], vector<16xf32>,
      %swap3A_452 = arith.constant 7 : i32
      %swap3A_453 = arith.index_cast %swap3A_452 : i32 to index
      %swap3A_454 = arith.index_cast %scan3A_135 : i32 to index
      %swap3A_455 = arith.constant 80 : index
      %swap3A_456 = tpu.vector_load %arg11[%swap3A_453, %swap3A_454, %swap3A_455] {strides = array<i32>} : memref<8x16x128xf32, #tpu.memory_space<vmem>>, vector<16xf32>,
      tpu.vector_store %arg11[%swap3A_453, %swap3A_454, %swap3A_455], %gather3A_451 {strides = array<i32>} : memref<8x16x128xf32, #tpu.memory_space<vmem>>, vector<16xf32>,
      %mul3A_457 = arith.constant 128 : i32
      %mul3A_458 = arith.muli %scan3A_135, %mul3A_457 : i32
      %add3A_459 = arith.constant 96 : i32
      %add3A_460 = arith.addi %mul3A_458, %add3A_459 : i32
      %get3A_461 = arith.index_cast %add3A_460 : i32 to index
      %get3A_462 = tpu.vector_load %arg6[%get3A_461] {strides = array<i32>} : memref<2048xi32, #tpu.memory_space<vmem>>, vector<16xi32>,
      %gather3A_463 = tpu.vector_load_idx %arg9[%broadcast_in_dim3A_3, %get3A_462] : memref<8x4096xf32, #tpu.memory_space<vmem>>[vector<16xi32>, vector<16xi32>], vector<16xf32>,
      %swap3A_464 = arith.constant 0 : i32
      %swap3A_465 = arith.index_cast %swap3A_464 : i32 to index
      %swap3A_466 = arith.index_cast %scan3A_135 : i32 to index
      %swap3A_467 = arith.constant 96 : index
      %swap3A_468 = tpu.vector_load %arg11[%swap3A_465, %swap3A_466, %swap3A_467] {strides = array<i32>} : memref<8x16x128xf32, #tpu.memory_space<vmem>>, vector<16xf32>,
      tpu.vector_store %arg11[%swap3A_465, %swap3A_466, %swap3A_467], %gather3A_463 {strides = array<i32>} : memref<8x16x128xf32, #tpu.memory_space<vmem>>, vector<16xf32>,
      %gather3A_469 = tpu.vector_load_idx %arg9[%broadcast_in_dim3A_5, %get3A_462] : memref<8x4096xf32, #tpu.memory_space<vmem>>[vector<16xi32>, vector<16xi32>], vector<16xf32>,
      %swap3A_470 = arith.constant 1 : i32
      %swap3A_471 = arith.index_cast %swap3A_470 : i32 to index
      %swap3A_472 = arith.index_cast %scan3A_135 : i32 to index
      %swap3A_473 = arith.constant 96 : index
      %swap3A_474 = tpu.vector_load %arg11[%swap3A_471, %swap3A_472, %swap3A_473] {strides = array<i32>} : memref<8x16x128xf32, #tpu.memory_space<vmem>>, vector<16xf32>,
      tpu.vector_store %arg11[%swap3A_471, %swap3A_472, %swap3A_473], %gather3A_469 {strides = array<i32>} : memref<8x16x128xf32, #tpu.memory_space<vmem>>, vector<16xf32>,
      %gather3A_475 = tpu.vector_load_idx %arg9[%broadcast_in_dim3A_7, %get3A_462] : memref<8x4096xf32, #tpu.memory_space<vmem>>[vector<16xi32>, vector<16xi32>], vector<16xf32>,
      %swap3A_476 = arith.constant 2 : i32
      %swap3A_477 = arith.index_cast %swap3A_476 : i32 to index
      %swap3A_478 = arith.index_cast %scan3A_135 : i32 to index
      %swap3A_479 = arith.constant 96 : index
      %swap3A_480 = tpu.vector_load %arg11[%swap3A_477, %swap3A_478, %swap3A_479] {strides = array<i32>} : memref<8x16x128xf32, #tpu.memory_space<vmem>>, vector<16xf32>,
      tpu.vector_store %arg11[%swap3A_477, %swap3A_478, %swap3A_479], %gather3A_475 {strides = array<i32>} : memref<8x16x128xf32, #tpu.memory_space<vmem>>, vector<16xf32>,
      %gather3A_481 = tpu.vector_load_idx %arg9[%broadcast_in_dim3A_9, %get3A_462] : memref<8x4096xf32, #tpu.memory_space<vmem>>[vector<16xi32>, vector<16xi32>], vector<16xf32>,
      %swap3A_482 = arith.constant 3 : i32
      %swap3A_483 = arith.index_cast %swap3A_482 : i32 to index
      %swap3A_484 = arith.index_cast %scan3A_135 : i32 to index
      %swap3A_485 = arith.constant 96 : index
      %swap3A_486 = tpu.vector_load %arg11[%swap3A_483, %swap3A_484, %swap3A_485] {strides = array<i32>} : memref<8x16x128xf32, #tpu.memory_space<vmem>>, vector<16xf32>,
      tpu.vector_store %arg11[%swap3A_483, %swap3A_484, %swap3A_485], %gather3A_481 {strides = array<i32>} : memref<8x16x128xf32, #tpu.memory_space<vmem>>, vector<16xf32>,
      %gather3A_487 = tpu.vector_load_idx %arg9[%broadcast_in_dim3A_11, %get3A_462] : memref<8x4096xf32, #tpu.memory_space<vmem>>[vector<16xi32>, vector<16xi32>], vector<16xf32>,
      %swap3A_488 = arith.constant 4 : i32
      %swap3A_489 = arith.index_cast %swap3A_488 : i32 to index
      %swap3A_490 = arith.index_cast %scan3A_135 : i32 to index
      %swap3A_491 = arith.constant 96 : index
      %swap3A_492 = tpu.vector_load %arg11[%swap3A_489, %swap3A_490, %swap3A_491] {strides = array<i32>} : memref<8x16x128xf32, #tpu.memory_space<vmem>>, vector<16xf32>,
      tpu.vector_store %arg11[%swap3A_489, %swap3A_490, %swap3A_491], %gather3A_487 {strides = array<i32>} : memref<8x16x128xf32, #tpu.memory_space<vmem>>, vector<16xf32>,
      %gather3A_493 = tpu.vector_load_idx %arg9[%broadcast_in_dim3A_13, %get3A_462] : memref<8x4096xf32, #tpu.memory_space<vmem>>[vector<16xi32>, vector<16xi32>], vector<16xf32>,
      %swap3A_494 = arith.constant 5 : i32
      %swap3A_495 = arith.index_cast %swap3A_494 : i32 to index
      %swap3A_496 = arith.index_cast %scan3A_135 : i32 to index
      %swap3A_497 = arith.constant 96 : index
      %swap3A_498 = tpu.vector_load %arg11[%swap3A_495, %swap3A_496, %swap3A_497] {strides = array<i32>} : memref<8x16x128xf32, #tpu.memory_space<vmem>>, vector<16xf32>,
      tpu.vector_store %arg11[%swap3A_495, %swap3A_496, %swap3A_497], %gather3A_493 {strides = array<i32>} : memref<8x16x128xf32, #tpu.memory_space<vmem>>, vector<16xf32>,
      %gather3A_499 = tpu.vector_load_idx %arg9[%broadcast_in_dim3A_15, %get3A_462] : memref<8x4096xf32, #tpu.memory_space<vmem>>[vector<16xi32>, vector<16xi32>], vector<16xf32>,
      %swap3A_500 = arith.constant 6 : i32
      %swap3A_501 = arith.index_cast %swap3A_500 : i32 to index
      %swap3A_502 = arith.index_cast %scan3A_135 : i32 to index
      %swap3A_503 = arith.constant 96 : index
      %swap3A_504 = tpu.vector_load %arg11[%swap3A_501, %swap3A_502, %swap3A_503] {strides = array<i32>} : memref<8x16x128xf32, #tpu.memory_space<vmem>>, vector<16xf32>,
      tpu.vector_store %arg11[%swap3A_501, %swap3A_502, %swap3A_503], %gather3A_499 {strides = array<i32>} : memref<8x16x128xf32, #tpu.memory_space<vmem>>, vector<16xf32>,
      %gather3A_505 = tpu.vector_load_idx %arg9[%broadcast_in_dim3A_17, %get3A_462] : memref<8x4096xf32, #tpu.memory_space<vmem>>[vector<16xi32>, vector<16xi32>], vector<16xf32>,
      %swap3A_506 = arith.constant 7 : i32
      %swap3A_507 = arith.index_cast %swap3A_506 : i32 to index
      %swap3A_508 = arith.index_cast %scan3A_135 : i32 to index
      %swap3A_509 = arith.constant 96 : index
      %swap3A_510 = tpu.vector_load %arg11[%swap3A_507, %swap3A_508, %swap3A_509] {strides = array<i32>} : memref<8x16x128xf32, #tpu.memory_space<vmem>>, vector<16xf32>,
      tpu.vector_store %arg11[%swap3A_507, %swap3A_508, %swap3A_509], %gather3A_505 {strides = array<i32>} : memref<8x16x128xf32, #tpu.memory_space<vmem>>, vector<16xf32>,
      %mul3A_511 = arith.constant 128 : i32
      %mul3A_512 = arith.muli %scan3A_135, %mul3A_511 : i32
      %add3A_513 = arith.constant 112 : i32
      %add3A_514 = arith.addi %mul3A_512, %add3A_513 : i32
      %get3A_515 = arith.index_cast %add3A_514 : i32 to index
      %get3A_516 = tpu.vector_load %arg6[%get3A_515] {strides = array<i32>} : memref<2048xi32, #tpu.memory_space<vmem>>, vector<16xi32>,
      %gather3A_517 = tpu.vector_load_idx %arg9[%broadcast_in_dim3A_3, %get3A_516] : memref<8x4096xf32, #tpu.memory_space<vmem>>[vector<16xi32>, vector<16xi32>], vector<16xf32>,
      %swap3A_518 = arith.constant 0 : i32
      %swap3A_519 = arith.index_cast %swap3A_518 : i32 to index
      %swap3A_520 = arith.index_cast %scan3A_135 : i32 to index
      %swap3A_521 = arith.constant 112 : index
      %swap3A_522 = tpu.vector_load %arg11[%swap3A_519, %swap3A_520, %swap3A_521] {strides = array<i32>} : memref<8x16x128xf32, #tpu.memory_space<vmem>>, vector<16xf32>,
      tpu.vector_store %arg11[%swap3A_519, %swap3A_520, %swap3A_521], %gather3A_517 {strides = array<i32>} : memref<8x16x128xf32, #tpu.memory_space<vmem>>, vector<16xf32>,
      %gather3A_523 = tpu.vector_load_idx %arg9[%broadcast_in_dim3A_5, %get3A_516] : memref<8x4096xf32, #tpu.memory_space<vmem>>[vector<16xi32>, vector<16xi32>], vector<16xf32>,
      %swap3A_524 = arith.constant 1 : i32
      %swap3A_525 = arith.index_cast %swap3A_524 : i32 to index
      %swap3A_526 = arith.index_cast %scan3A_135 : i32 to index
      %swap3A_527 = arith.constant 112 : index
      %swap3A_528 = tpu.vector_load %arg11[%swap3A_525, %swap3A_526, %swap3A_527] {strides = array<i32>} : memref<8x16x128xf32, #tpu.memory_space<vmem>>, vector<16xf32>,
      tpu.vector_store %arg11[%swap3A_525, %swap3A_526, %swap3A_527], %gather3A_523 {strides = array<i32>} : memref<8x16x128xf32, #tpu.memory_space<vmem>>, vector<16xf32>,
      %gather3A_529 = tpu.vector_load_idx %arg9[%broadcast_in_dim3A_7, %get3A_516] : memref<8x4096xf32, #tpu.memory_space<vmem>>[vector<16xi32>, vector<16xi32>], vector<16xf32>,
      %swap3A_530 = arith.constant 2 : i32
      %swap3A_531 = arith.index_cast %swap3A_530 : i32 to index
      %swap3A_532 = arith.index_cast %scan3A_135 : i32 to index
      %swap3A_533 = arith.constant 112 : index
      %swap3A_534 = tpu.vector_load %arg11[%swap3A_531, %swap3A_532, %swap3A_533] {strides = array<i32>} : memref<8x16x128xf32, #tpu.memory_space<vmem>>, vector<16xf32>,
      tpu.vector_store %arg11[%swap3A_531, %swap3A_532, %swap3A_533], %gather3A_529 {strides = array<i32>} : memref<8x16x128xf32, #tpu.memory_space<vmem>>, vector<16xf32>,
      %gather3A_535 = tpu.vector_load_idx %arg9[%broadcast_in_dim3A_9, %get3A_516] : memref<8x4096xf32, #tpu.memory_space<vmem>>[vector<16xi32>, vector<16xi32>], vector<16xf32>,
      %swap3A_536 = arith.constant 3 : i32
      %swap3A_537 = arith.index_cast %swap3A_536 : i32 to index
      %swap3A_538 = arith.index_cast %scan3A_135 : i32 to index
      %swap3A_539 = arith.constant 112 : index
      %swap3A_540 = tpu.vector_load %arg11[%swap3A_537, %swap3A_538, %swap3A_539] {strides = array<i32>} : memref<8x16x128xf32, #tpu.memory_space<vmem>>, vector<16xf32>,
      tpu.vector_store %arg11[%swap3A_537, %swap3A_538, %swap3A_539], %gather3A_535 {strides = array<i32>} : memref<8x16x128xf32, #tpu.memory_space<vmem>>, vector<16xf32>,
      %gather3A_541 = tpu.vector_load_idx %arg9[%broadcast_in_dim3A_11, %get3A_516] : memref<8x4096xf32, #tpu.memory_space<vmem>>[vector<16xi32>, vector<16xi32>], vector<16xf32>,
      %swap3A_542 = arith.constant 4 : i32
      %swap3A_543 = arith.index_cast %swap3A_542 : i32 to index
      %swap3A_544 = arith.index_cast %scan3A_135 : i32 to index
      %swap3A_545 = arith.constant 112 : index
      %swap3A_546 = tpu.vector_load %arg11[%swap3A_543, %swap3A_544, %swap3A_545] {strides = array<i32>} : memref<8x16x128xf32, #tpu.memory_space<vmem>>, vector<16xf32>,
      tpu.vector_store %arg11[%swap3A_543, %swap3A_544, %swap3A_545], %gather3A_541 {strides = array<i32>} : memref<8x16x128xf32, #tpu.memory_space<vmem>>, vector<16xf32>,
      %gather3A_547 = tpu.vector_load_idx %arg9[%broadcast_in_dim3A_13, %get3A_516] : memref<8x4096xf32, #tpu.memory_space<vmem>>[vector<16xi32>, vector<16xi32>], vector<16xf32>,
      %swap3A_548 = arith.constant 5 : i32
      %swap3A_549 = arith.index_cast %swap3A_548 : i32 to index
      %swap3A_550 = arith.index_cast %scan3A_135 : i32 to index
      %swap3A_551 = arith.constant 112 : index
      %swap3A_552 = tpu.vector_load %arg11[%swap3A_549, %swap3A_550, %swap3A_551] {strides = array<i32>} : memref<8x16x128xf32, #tpu.memory_space<vmem>>, vector<16xf32>,
      tpu.vector_store %arg11[%swap3A_549, %swap3A_550, %swap3A_551], %gather3A_547 {strides = array<i32>} : memref<8x16x128xf32, #tpu.memory_space<vmem>>, vector<16xf32>,
      %gather3A_553 = tpu.vector_load_idx %arg9[%broadcast_in_dim3A_15, %get3A_516] : memref<8x4096xf32, #tpu.memory_space<vmem>>[vector<16xi32>, vector<16xi32>], vector<16xf32>,
      %swap3A_554 = arith.constant 6 : i32
      %swap3A_555 = arith.index_cast %swap3A_554 : i32 to index
      %swap3A_556 = arith.index_cast %scan3A_135 : i32 to index
      %swap3A_557 = arith.constant 112 : index
      %swap3A_558 = tpu.vector_load %arg11[%swap3A_555, %swap3A_556, %swap3A_557] {strides = array<i32>} : memref<8x16x128xf32, #tpu.memory_space<vmem>>, vector<16xf32>,
      tpu.vector_store %arg11[%swap3A_555, %swap3A_556, %swap3A_557], %gather3A_553 {strides = array<i32>} : memref<8x16x128xf32, #tpu.memory_space<vmem>>, vector<16xf32>,
      %gather3A_559 = tpu.vector_load_idx %arg9[%broadcast_in_dim3A_17, %get3A_516] : memref<8x4096xf32, #tpu.memory_space<vmem>>[vector<16xi32>, vector<16xi32>], vector<16xf32>,
      %swap3A_560 = arith.constant 7 : i32
      %swap3A_561 = arith.index_cast %swap3A_560 : i32 to index
      %swap3A_562 = arith.index_cast %scan3A_135 : i32 to index
      %swap3A_563 = arith.constant 112 : index
      %swap3A_564 = tpu.vector_load %arg11[%swap3A_561, %swap3A_562, %swap3A_563] {strides = array<i32>} : memref<8x16x128xf32, #tpu.memory_space<vmem>>, vector<16xf32>,
      tpu.vector_store %arg11[%swap3A_561, %swap3A_562, %swap3A_563], %gather3A_559 {strides = array<i32>} : memref<8x16x128xf32, #tpu.memory_space<vmem>>, vector<16xf32>,
    }
    %scan3A_114 = arith.constant 16 : i32
    %add3A_115 = arith.constant 24 : i32
    %add3A_116 = arith.addi %mul3A_2, %add3A_115 : i32
    %dma_start3A_117 = arith.constant 0 : i32
    %dma_start3A_118 = arith.constant 0 : i32
    %dma_start3A_119 = tpu.memref_slice %arg5[%add3A_116, %dma_start3A_117, %dma_start3A_118] : memref<1024x16x128xf32, #tpu.memory_space<hbm>> -> memref<8x16x128xf32, #tpu.memory_space<hbm>>
    %dma_start3A_120 = arith.constant 0 : i32
    %dma_start3A_121 = arith.constant 0 : i32
    %dma_start3A_122 = tpu.memref_slice %arg5[%add3A_116, %dma_start3A_120, %dma_start3A_121] : memref<1024x16x128xf32, #tpu.memory_space<hbm>> -> memref<8x16x128xf32, #tpu.memory_space<hbm>>
    tpu.enqueue_dma source(%arg11 : memref<8x16x128xf32, #tpu.memory_space<vmem>>) target(%dma_start3A_122 : memref<8x16x128xf32, #tpu.memory_space<hbm>>) target_semaphore(%arg15 : memref<!tpu.dma_semaphore, #tpu.memory_space<semaphore_mem>>)
    %dma_wait3A_123 = arith.constant 0 : i32
    %dma_wait3A_124 = arith.constant 0 : i32
    %dma_wait3A_125 = tpu.memref_slice %arg5[%add3A_91, %dma_wait3A_123, %dma_wait3A_124] : memref<1024x16x128xf32, #tpu.memory_space<hbm>> -> memref<8x16x128xf32, #tpu.memory_space<hbm>>
    %dma_wait3A_126 = arith.constant 0 : i32
    %dma_wait3A_127 = arith.constant 0 : i32
    %dma_wait3A_128 = tpu.memref_slice %arg5[%add3A_91, %dma_wait3A_126, %dma_wait3A_127] : memref<1024x16x128xf32, #tpu.memory_space<hbm>> -> memref<8x16x128xf32, #tpu.memory_space<hbm>>
    tpu.wait_dma2 semaphore(%arg14 : memref<!tpu.dma_semaphore, #tpu.memory_space<semaphore_mem>>) src(%arg10 : memref<8x16x128xf32, #tpu.memory_space<vmem>>) dst(%dma_wait3A_128 : memref<8x16x128xf32, #tpu.memory_space<hbm>>)
    %dma_wait3A_129 = arith.constant 0 : i32
    %dma_wait3A_130 = arith.constant 0 : i32
    %dma_wait3A_131 = tpu.memref_slice %arg5[%add3A_116, %dma_wait3A_129, %dma_wait3A_130] : memref<1024x16x128xf32, #tpu.memory_space<hbm>> -> memref<8x16x128xf32, #tpu.memory_space<hbm>>
    %dma_wait3A_132 = arith.constant 0 : i32
    %dma_wait3A_133 = arith.constant 0 : i32
    %dma_wait3A_134 = tpu.memref_slice %arg5[%add3A_116, %dma_wait3A_132, %dma_wait3A_133] : memref<1024x16x128xf32, #tpu.memory_space<hbm>> -> memref<8x16x128xf32, #tpu.memory_space<hbm>>
    tpu.wait_dma2 semaphore(%arg15 : memref<!tpu.dma_semaphore, #tpu.memory_space<semaphore_mem>>) src(%arg11 : memref<8x16x128xf32, #tpu.memory_space<vmem>>) dst(%dma_wait3A_134 : memref<8x16x128xf32, #tpu.memory_space<hbm>>)
    return
  }
}

module attributes {stable_mosaic.version = 14 : i64} {
  func.func @_softmax_body(%arg0: i32, %arg1: memref<256x16x128xf32, #tpu.memory_space<vmem>>, %arg2: memref<256x2048xf32, #tpu.memory_space<vmem>>) attributes {dimension_semantics = [#tpu.dimension_semantics<arbitrary>], iteration_bounds = array<i64: 4>, scalar_prefetch = 0 : i64, scratch_operands = 0 : i64, tpu.core_type = #tpu.core_type<tc>, window_params = [{transform_indices = @transform_0, window_bounds = array<i64: 256, 16, 128>}, {transform_indices = @transform_1, window_bounds = array<i64: 256, 2048>}]} {
    %get3A = arith.constant 0 : index
    %get3A_0 = arith.constant 0 : index
    %get3A_1 = arith.constant 0 : index
    %get3A_2 = vector.load %arg1[%get3A, %get3A_0, %get3A_1] : memref<256x16x128xf32, #tpu.memory_space<vmem>>, vector<256x16x128xf32>
    %ne3A = arith.constant 0.000000e+00 : f32
    %ne3A_3 = vector.broadcast %ne3A : f32 to vector<256x16x128xf32>
    %ne3A_4 = arith.cmpf one, %get3A_2, %ne3A_3 : vector<256x16x128xf32>
    %jit3A = arith.constant 1.000000e+00 : f32
    %broadcast_in_dim3A = vector.broadcast %jit3A : f32 to vector<256x16x128xf32>
    %select_n3A = arith.select %ne3A_4, %get3A_2, %broadcast_in_dim3A : vector<256x16x128xi1>, vector<256x16x128xf32>
    %div3A = arith.constant 1.000000e+00 : f32
    %div3A_5 = vector.broadcast %div3A : f32 to vector<256x16x128xf32>
    %div3A_6 = arith.divf %div3A_5, %select_n3A : vector<256x16x128xf32>
    %jit3A_7 = arith.constant 9.99999997E-7 : f32
    %broadcast_in_dim3A_8 = vector.broadcast %jit3A_7 : f32 to vector<256x16x128xf32>
    %select_n3A_9 = arith.select %ne3A_4, %div3A_6, %broadcast_in_dim3A_8 : vector<256x16x128xi1>, vector<256x16x128xf32>
    %reduce_max3A = arith.constant dense<0xFF800000> : vector<256xf32>
    %reduce_max3A_10 = vector.multi_reduction <maximumf>, %select_n3A_9, %reduce_max3A [1, 2] : vector<256x16x128xf32> to vector<256xf32>
    %broadcast_in_dim3A_11 = vector.shape_cast %reduce_max3A_10 : vector<256xf32> to vector<256x1x1xf32>
    %sub3A = vector.broadcast %broadcast_in_dim3A_11 : vector<256x1x1xf32> to vector<256x16x128xf32>
    %sub3A_12 = arith.subf %select_n3A_9, %sub3A : vector<256x16x128xf32>
    %exp3A = math.exp %sub3A_12 : vector<256x16x128xf32>
    %reduce_sum3A = arith.constant dense<0.000000e+00> : vector<256xf32>
    %reduce_sum3A_13 = vector.multi_reduction <add>, %exp3A, %reduce_sum3A [1, 2] : vector<256x16x128xf32> to vector<256xf32>
    %broadcast_in_dim3A_14 = vector.shape_cast %reduce_sum3A_13 : vector<256xf32> to vector<256x1x1xf32>
    %div3A_15 = vector.broadcast %broadcast_in_dim3A_14 : vector<256x1x1xf32> to vector<256x16x128xf32>
    %div3A_16 = arith.divf %exp3A, %div3A_15 : vector<256x16x128xf32>
    %reshape3A = vector.shape_cast %div3A_16 : vector<256x16x128xf32> to vector<256x2048xf32>
    %swap3A = arith.constant 0 : index
    %swap3A_17 = arith.constant 0 : index
    %swap3A_18 = vector.load %arg2[%swap3A, %swap3A_17] : memref<256x2048xf32, #tpu.memory_space<vmem>>, vector<256x2048xf32>
    tpu.vector_store %arg2[%swap3A, %swap3A_17], %reshape3A {strides = array<i32>} : memref<256x2048xf32, #tpu.memory_space<vmem>>, vector<256x2048xf32>,
    return
  }
  func.func @transform_0(%arg0: i32) -> (i32, i32, i32) {
    %c0_i32 = arith.constant 0 : i32
    %c0_i32_0 = arith.constant 0 : i32
    %c0_i32_1 = arith.constant 0 : i32
    return %arg0, %c0_i32, %c0_i32_0 : i32, i32, i32
  }
  func.func @transform_1(%arg0: i32) -> (i32, i32) {
    %c0_i32 = arith.constant 0 : i32
    %c0_i32_0 = arith.constant 0 : i32
    return %arg0, %c0_i32 : i32, i32
  }
}

</mosaic_0001>

<sc_bundles>
// kernel: kernel.4.cloned.1.call-start
scs
__scs_entry_jumppad:
0x0: {  	(pc) =	sbr.rel $0x88, $3  }
0x1: {  	(tag) =	ssettag $0x0;
	lr =	simm.s32 $0x1  }
0x2: {  	[smem:$0x3F9E] =	sst lr;
	_ =	strace $0xD0000000  }
0x3: {  	_ = 	snop  }
0x4: {  	_ = 	snop  }
0x5: {  	_ = 	snop  }
0x6: {  	_ = 	snop  }
0x7: {  	_ = 	snop  }
__scs_overlays_trampoline_lowered:
0x8: {  	[smem:$0x3FAD] =	sst s0  }
0x9: {  	[smem:$0x3FAE] =	sst s1  }
0xa: {  	[smem:$0x3FAF] =	sst s2  }
0xb: {  	[smem:$0x3FB0] =	sst s3  }
0xc: {  	[smem:$0x3FB1] =	sst s4  }
0xd: {  	[smem:$0x3FB2] =	sst s5  }
0xe: {  	[smem:$0x3FB3] =	sst s6  }
0xf: {  	[smem:$0x3FB4] =	sst s7  }
0x10: {  	[smem:$0x3FB5] =	sst s8  }
0x11: {  	[smem:$0x3FB6] =	sst s9;
	s0 =	simm.s32 @!p0 $0x0  }
0x12: {  	s1 =	sld [smem:$0x3F9C];
	s0 =	simm.s32 @p0 $0x1  }
0x13: {  	[smem:$0x3FB7] =	sst s0;
	s0 =	simm.s32 @!p1 $0x0  }
0x14: {  	s2 =	sld [smem:$0x3F9B];
	s0 =	simm.s32 @p1 $0x1  }
0x15: {  	[smem:$0x3FB8] =	sst s0;
	s0 =	simm.s32 @!p2 $0x0  }
0x16: {  	s3 =	sld [smem:$0x3FDB];
	s0 =	simm.s32 @p2 $0x1  }
0x17: {  	s4 =	simm.s32 $0x1BF5;
	[smem:$0x3FBA] =	sst s0  }
0x18: {  	s0 =	sld [smem:$0x3F9D];
	_ =	swait.ge [sflag:s4], $0x0  }
0x19: {  	s7 =	sld [smem:$0x3F9E]  }
0x1a: {  	s8 =	sadd.s32 $0xFFFFE003, lr  }
0x1b: {  	s9 =	sadd.s32 $0xFFFFFEF7, lr;
	s5 =	simm.s32 $0xFFFFFFFF;
	p2 =	slt.u32 s8, $0xFFFFF086  }
0x1c: {  	p1 =	slt.u32 s9, $0xF7A;
	s5 =	simm.s32 @!p2 $0x0  }
0x1d: {  	s5 =	simm.s32 @p1 $0x1;
	p0 =	seq.s32 s7, s2  }
0x1e: {  	s7 =	smul.u32 @!p0 $0xF7A, s2;
	p2 =	seq.s32 @!p0 s5, $0x0  }
0x1f: {  	s9 =	smul.u32 $0xF7A, s1;
	s8 =	simm.s32 @!p0 $0x1BF5;
	p2 =	por !p2, p0  }
0x20: {  	[sflag:s8] =	ssyncset.s32 @!p0 $0xFFFFF086;
	s6 =	sadd.s32 @!p0 s3, s7;
	s7 =	simm.s32 @!p0 $0x108  }
0x21: {  	s3 =	sadd.s32 s3, s9;
	s6 =	sadd.s32 @!p0 $0x88, s6;
	s7 =	simm.s32 @p2 $0x1082  }
0x22: {  	[simem:s7], [sflag:s8] =	dma.local @!p0 [hbm:s6], $0xF7A  }
0x23: {  	s9 =	sor.u32 $0xD0000000, s2;
	s6 =	simm.s32 $0x108;
	_ =	swait.ge @!p0 [sflag:s8], $0x0  }
0x24: {  	s3 =	sadd.s32 $0x88, s3;
	s6 =	simm.s32 @!p1 $0x1082;
	[sflag:s4] =	ssyncset.s32 $0xFFFFF086  }
0x25: {  	[simem:s6], [sflag:s4] =	dma.local [hbm:s3], $0xF7A  }
0x26: {  	[smem:$0x3F9E] =	sst s1;
	(tag) =	ssettag s2;
	_ =	strace s9  }
0x27: {  	s1 =	sld [smem:$0x3FAE]  }
0x28: {  	s2 =	sld [smem:$0x3FAF]  }
0x29: {  	s4 =	sld [smem:$0x3FB1]  }
0x2a: {  	p0 =	seq.s32 s5, $0x0;
	s5 =	sld [smem:$0x3FB2]  }
0x2b: {  	s6 =	sld [smem:$0x3FB3]  }
0x2c: {  	s7 =	sld [smem:$0x3FB4]  }
0x2d: {  	s3 =	simm.s32 $0x108;
	s8 =	sld [smem:$0x3FB5]  }
0x2e: {  	s3 =	simm.s32 @!p0 $0x1082;
	s9 =	sld [smem:$0x3FB6]  }
0x2f: {  	lr =	sadd.s32 s0, s3;
	s0 =	sld [smem:$0x3FAD]  }
0x30: {  	s3 =	sld [smem:$0x3FB0]  }
0x31: {  	[smem:$0x3FB9] =	sst s10  }
0x32: {  	s10 =	sld [smem:$0x3FB7];
	_ =	sdelay $0x3  }
0x33: {  	p0 =	seq.s32 s10, $0x1;
	s10 =	sld [smem:$0x3FB9];
	_ =	sdelay $0x3  }
0x34: {  	[smem:$0x3FB9] =	sst s10  }
0x35: {  	s10 =	sld [smem:$0x3FB8];
	_ =	sdelay $0x3  }
0x36: {  	p1 =	seq.s32 s10, $0x1;
	s10 =	sld [smem:$0x3FB9];
	_ =	sdelay $0x3  }
0x37: {  	[smem:$0x3FB9] =	sst s10  }
0x38: {  	s10 =	sld [smem:$0x3FBA]  }
0x39: {  	_ = 	snop;
	(pc) =	sbr.ind lr, $3  }
0x3a: {  	_ = 	snop  }
0x3b: {  	_ = 	snop  }
0x3c: {  	p2 =	seq.s32 s10, $0x1;
	s10 =	sld [smem:$0x3FB9]  }
0x3d: {  	_ =	shalt  }
0x3e: {  	_ =	shalt  }
0x3f: {  	_ =	shalt  }
0x40: {  	_ =	shalt  }
0x41: {  	_ =	shalt  }
0x42: {  	_ =	shalt  }
0x43: {  	_ =	shalt  }
0x44: {  	_ =	shalt  }
0x45: {  	_ =	shalt  }
0x46: {  	_ =	shalt  }
0x47: {  	_ =	shalt  }
0x48: {  	_ =	shalt  }
0x49: {  	_ =	shalt  }
0x4a: {  	_ =	shalt  }
0x4b: {  	_ =	shalt  }
0x4c: {  	_ =	shalt  }
0x4d: {  	_ =	shalt  }
0x4e: {  	_ =	shalt  }
0x4f: {  	_ =	shalt  }
0x50: {  	_ =	shalt  }
0x51: {  	_ =	shalt  }
0x52: {  	_ =	shalt  }
0x53: {  	_ =	shalt  }
0x54: {  	_ =	shalt  }
0x55: {  	_ =	shalt  }
0x56: {  	_ =	shalt  }
0x57: {  	_ =	shalt  }
0x58: {  	_ =	shalt  }
0x59: {  	_ =	shalt  }
0x5a: {  	_ =	shalt  }
0x5b: {  	_ =	shalt  }
0x5c: {  	_ =	shalt  }
0x5d: {  	_ =	shalt  }
0x5e: {  	_ =	shalt  }
0x5f: {  	_ =	shalt  }
0x60: {  	_ =	shalt  }
0x61: {  	_ =	shalt  }
0x62: {  	_ =	shalt  }
0x63: {  	_ =	shalt  }
0x64: {  	_ =	shalt  }
0x65: {  	_ =	shalt  }
0x66: {  	_ =	shalt  }
0x67: {  	_ =	shalt  }
0x68: {  	_ =	shalt  }
0x69: {  	_ =	shalt  }
0x6a: {  	_ =	shalt  }
0x6b: {  	_ =	shalt  }
0x6c: {  	_ =	shalt  }
0x6d: {  	_ =	shalt  }
0x6e: {  	_ =	shalt  }
0x6f: {  	_ =	shalt  }
0x70: {  	_ =	shalt  }
0x71: {  	_ =	shalt  }
0x72: {  	_ =	shalt  }
0x73: {  	_ =	shalt  }
0x74: {  	_ =	shalt  }
0x75: {  	_ =	shalt  }
0x76: {  	_ =	shalt  }
0x77: {  	_ =	shalt  }
0x78: {  	_ =	shalt  }
0x79: {  	_ =	shalt  }
0x7a: {  	_ =	shalt  }
0x7b: {  	_ =	shalt  }
0x7c: {  	_ =	shalt  }
0x7d: {  	_ =	shalt  }
0x7e: {  	_ =	shalt  }
0x7f: {  	_ =	shalt  }
0x80: {  	_ =	shalt  }
0x81: {  	_ =	shalt  }
0x82: {  	_ =	shalt  }
0x83: {  	_ =	shalt  }
0x84: {  	_ =	shalt  }
0x85: {  	_ =	shalt  }
0x86: {  	_ =	shalt  }
0x87: {  	_ =	shalt  }
.Lfunc_end0:
.L_simem_size_0:
called_computation.1_lowered:
.L_overlay_start_0:
0x88: {  	s2 =	sld [smem:$0x3FD9]  }
0x89: {  	s3 =	sld [smem:$0x3FFE];
	_ =	sdelay $0x1  }
0x8a: {  	s1 =	srdreg.scid  }
0x8b: {  	s0 =	sand.u32 $0x1, s1  }
0x8c: {  	s17 =	sshll.u32 s0, $0xA;
	s2 =	sadd.s32 s3, s2  }
0x8d: {  	s2 =	sadd.s32 s2, s17  }
0x8e: {  	[smem:$0x3FC5] =	sst s2  }
0x8f: {  	_ = 	snop  }
0x90: {  	s2 =	sld [smem:$0x3FC9]  }
0x91: {  	s18 =	sld [smem:$0x3FC8]  }
0x92: {  	s4 =	sld [smem:$0x3FD0];
	(tm) =	ssettm $0x1  }
0x93: {  	s5 =	sld [smem:$0x3FFB];
	_ =	sdelay $0x3  }
0x94: {  	_ =	strace s5  }
0x95: {  	s5 =	sld [smem:$0x3FFC];
	_ =	sdelay $0x3  }
0x96: {  	_ =	strace s5  }
0x97: {  	s5 =	sld [smem:$0x3FFD];
	_ =	sdelay $0x3  }
0x98: {  	_ =	strace s5  }
0x99: {  	_ =	strace $0x8FFFFFFF  }
0x9a: {  	s19 =	sld [smem:$0x3FDB];
	_ =	sdelay $0x1  }
0x9b: {  	s6 =	simm.s32 $_scs_section_size  }
0x9c: {  	s7 =	simm.s32 $_size__tile_overlayer_lowered;
	s8 =	simm.s32 $_tile_overlayer_lowered  }
0x9d: {  	s22 =	simm.s32 $0x1BFF;
	s21 =	sshll.u32 s8, $0x1;
	s5 =	sadd.s32 s6, s19  }
0x9e: {  	s9 =	simm.s32 $0x0;
	s20 =	sshll.u32 s7, $0x1;
	s7 =	sadd.s32 s21, s5  }
0x9f: {  	[timem:s9], [sflag:s22] =	dma.local [hbm:s7], s20  }
0xa0: {  	_ =	swait.ge [sflag:s22], s20  }
0xa1: {  	s6 =	ssub.s32 $0x0, s20;
	[sflag:s22] =	ssyncset.done $0x0  }
0xa2: {  	[sflag:s22] =	ssyncadd.s32 s6;
	_ =	sdelay $0x1  }
0xa3: {  	s23 =	simm.s32 $0x1B8B  }
0xa4: {  	_ =	swait.ge [sflag:s23], $0x1  }
0xa5: {  	[sflag:s23] =	ssyncset.done $0x0  }
0xa6: {  	s25 =	simm.s32 $0x1B8E;
	s24 =	sld [smem:$0x3FFE];
	[sflag:s23] =	ssyncadd.s32 $0xFFFFFFFF  }
0xa7: {  	s26 =	simm.s32 $execute0_lowered;
	[smem:$0x3FD2] =	sst s25  }
0xa8: {  	s7 =	sshll.u32 s26, $0x1;
	_ =	strace $0x80000049;
	[dreg:$0x1] =	wrdreg $0xFFFFFFFF  }
0xa9: {  	s28 =	simm.s32 $_size_execute0_lowered;
	s5 =	sadd.s32 s5, s7;
	[dreg:$0x0] =	wrdreg $0x0  }
0xaa: {  	s7 =	sshll.u32 s28, $0x1;
	[dreg:$0x2] =	wrdreg s5  }
0xab: {  	[dreg:$0x3] =	wrdreg s7  }
0xac: {  	[dreg:$0x4] =	wrdreg $0xC0  }
0xad: {  	_ =	task [dreg:s9], $0x5FFFF  }
0xae: {  	[dreg:$0x1] =	wrdreg $0xFFFFFFFF  }
0xaf: {  	[dreg:$0x0] =	wrdreg $0x60  }
0xb0: {  	[dreg:$0x2] =	wrdreg s2  }
0xb1: {  	[dreg:$0x3] =	wrdreg s18  }
0xb2: {  	[dreg:$0x4] =	wrdreg s24  }
0xb3: {  	[dreg:$0x5] =	wrdreg s4  }
0xb4: {  	[dreg:$0x6] =	wrdreg $0x9  }
0xb5: {  	_ =	task.clear_ibuf [dreg:s9], $0x7FFFF;
	_ =	strace $0x90000049  }
0xb6: {  	s29 =	simm.s32 $0x9;
	_ =	strace $0x8000004B  }
0xb7: {  	_ =	swait.ge [sflag:s29], $0x1  }
0xb8: {  	[sflag:s29] =	ssyncadd.s32 $0xFFFFFFFF  }
0xb9: {  	_ =	strace $0x9000004B  }
0xba: {  	_ =	sfence  }
0xbb: {  	s30 =	sld [smem:$0x0];
	_ =	sdelay $0x2  }
0xbc: {  	s31 =	sshll.u32 s1, $0xD;
	s1 =	sshrl.u32 s1, $0x2  }
0xbd: {  	s3 =	sand.u32 $0x4000, s31;
	s1 =	sadd.s32 s1, s30  }
0xbe: {  	s0 =	sor.u32 s3, s0;
	s1 =	sshll.u32 s1, $0x11  }
0xbf: {  	s0 =	sor.u32 s1, s0  }
0xc0: {  	s0 =	sadd.s32 $0x8F2B, s0  }
0xc1: {  	[sflag:s0] =	ssyncadd.remote.s32 $0x1  }
0xc2: {  	_ =	sfence.sel $0xFFFF  }
0xc3: {  	[dreg:$0x0] =	wrdreg $0xFFFFFFFF;
	(pc) =	sbr.abs _section_cstart, $3  }
0xc4: {  	[dreg:$0x1] =	wrdreg $0xFFFFFFFF  }
0xc5: {  	_ =	task.clear_ibuf [dreg:s9], $0x2FFFF;
	_ =	strace $0x9FFFFFFF  }
0xc6: {  	(tm) =	ssettm $0x7FFFFFFF  }
0xc7: {  	_ =	shalt  }
tec
execute0_lowered:
.L_overlay_start_1:
0x0: {  	(tag) =	ssettag $0x1  }
0x1: {  	s1 =	rddreg [dreg:$0x0]  }
0x2: {  	s6 =	rddreg [dreg:$0x1]  }
0x3: {  	s4 =	rddreg [dreg:$0x2]  }
0x4: {  	s5 =	rddreg [dreg:$0x3]  }
0x5: {  	s0 =	rddreg [dreg:$0x4]  }
0x6: {  	s7 =	srdreg.scid;
	s3 =	simm.s32 $0x0;
	s2 =	stileid.u32  }
0x7: {  	s11 =	simm.s32 $0x5;
	s12 =	simm.s32 $0x800;
	s13 =	simm.s32 $0x8  }
0x8: {  	s14 =	simm.s32 $0x820;
	s15 =	simm.s32 $0x1;
	s16 =	simm.s32 $0x808  }
0x9: {  	s17 =	simm.s32 $0x8820;
	s18 =	simm.s32 $0x10820;
	s19 =	simm.s32 $0x2  }
0xa: {  	s20 =	simm.s32 $0x810;
	s21 =	simm.s32 $0x14820;
	s22 =	simm.s32 $0x818  }
0xb: {  	s23 =	simm.s32 $0x3;
	s24 =	simm.s32 $0x4;
	s25 =	simm.s32 $0x0  }
0xc: {  	s7 =	sand.u32 $0x1, s7;
	[smem:$0x7FF] =	sst s3;
	s8 =	sshll.u32 s2, $0x6  }
0xd: {  	s4 =	sadd.s32 $0xA00, s4;
	s9 =	sshll.u32 s7, $0x5;
	s7 =	ssub.s32 $0x2, s7  }
0xe: {  	_ =	strace $0x8000004A;
	s8 =	sor.u32 s9, s8;
	s10 =	sshrl.u32 s7, $0x1  }
0xf: {  	s9 =	sshll.u32 s8, $0x8;
	s8 =	sshrl.u32 s8, $0x3;
	s10 =	ssub.s32 s7, s10  }
0x10: {  	s5 =	sadd.s32 s5, s9;
	s6 =	sadd.s32 s6, s8;
	s10 =	smax.u32 s10, $0x1  }
0x11: {  	s7 =	sadd.s32 $0x800, s5;
	s8 =	sadd.s32 $0x1000, s5;
	s9 =	sadd.s32 $0x1800, s5  }
.LBB2_1:
0x12: {  	[tilespmem:s3], [sflag:$0x5] =	stream.linear.gather [hbm4b:s1+s3], $0x800, $0x38;
	[tilespmem:$0x18820] =	vst v63  }
0x13: {  	_ =	swait.ge [sflag:s11], $0x800  }
0x14: {  	[sflag:s11] =	ssyncset.done $0x0  }
0x15: {  	[sflag:s11] =	ssyncadd.s32 $0xFFFFF800  }
0x16: {  	[tilespmem:s12], [sflag:$0x5] =	stream.linear.gather [hbm4b:s6+s3], $0x20, $0x38;
	[tilespmem:$0x18820] =	vst v63  }
0x17: {  	_ =	swait.ge [sflag:s11], $0x20  }
0x18: {  	[sflag:s11] =	ssyncset.done $0x0  }
0x19: {  	[sflag:s11] =	ssyncadd.s32 $0xFFFFFFE0  }
0x1a: {  	[tilespmem:s14], [sflag:$0x1] =	stream.indirect.gather [hbm4b:s4+s13], $0x1000, s12, s13, $0xb8;
	[tilespmem:$0x18820] =	vst v63  }
0x1b: {  	_ =	swait.ge [sflag:s15], $0x8000  }
0x1c: {  	[sflag:s15] =	ssyncset.done $0x0  }
0x1d: {  	s26 =	simm.s32 $0x0;
	[sflag:s15] =	ssyncadd.s32 $0xFFFF8000  }
0x1e: {  	[tilespmem:s17], [sflag:$0x2] =	stream.indirect.gather [hbm4b:s4+s13], $0x1000, s16, s13, $0xb8;
	[tilespmem:$0x18820] =	vst v63  }
0x1f: {  	v0 =	vld [tilespmem:s26+$0x0];
	_ =	sdelay $0x7  }
0x20: {  	v1 =	vld.idx.msk [tilespmem:v0+s14+$0x0], $0xffff  }
0x21: {  	v2 =	vadd.s32 $0x1000, v0;
	_ =	sdelay $0x3  }
0x22: {  	[tilespmem:s26+$0x10820] =	vst v1  }
0x23: {  	v1 =	vld.idx.msk [tilespmem:v2+s14+$0x0], $0xffff  }
0x24: {  	v2 =	vadd.s32 $0x2000, v0;
	_ =	sdelay $0x3  }
0x25: {  	[tilespmem:s26+$0x11020] =	vst v1  }
0x26: {  	v1 =	vld.idx.msk [tilespmem:v2+s14+$0x0], $0xffff  }
0x27: {  	v2 =	vadd.s32 $0x3000, v0;
	_ =	sdelay $0x3  }
0x28: {  	[tilespmem:s26+$0x11820] =	vst v1  }
0x29: {  	v1 =	vld.idx.msk [tilespmem:v2+s14+$0x0], $0xffff  }
0x2a: {  	v2 =	vadd.s32 $0x4000, v0;
	_ =	sdelay $0x3  }
0x2b: {  	[tilespmem:s26+$0x12020] =	vst v1  }
0x2c: {  	v1 =	vld.idx.msk [tilespmem:v2+s14+$0x0], $0xffff  }
0x2d: {  	v2 =	vadd.s32 $0x5000, v0;
	_ =	sdelay $0x3  }
0x2e: {  	[tilespmem:s26+$0x12820] =	vst v1  }
0x2f: {  	v1 =	vld.idx.msk [tilespmem:v2+s14+$0x0], $0xffff  }
0x30: {  	v2 =	vadd.s32 $0x6000, v0;
	_ =	sdelay $0x3  }
0x31: {  	[tilespmem:s26+$0x13020] =	vst v1  }
0x32: {  	v1 =	vld.idx.msk [tilespmem:v2+s14+$0x0], $0xffff;
	_ =	sdelay $0x1  }
0x33: {  	v0 =	vadd.s32 $0x7000, v0;
	_ =	sdelay $0x2  }
0x34: {  	[tilespmem:s26+$0x13820] =	vst v1;
	v1 =	vld [tilespmem:s26+$0x10];
	_ =	sdelay $0x1  }
0x35: {  	v0 =	vld.idx.msk [tilespmem:v0+s14+$0x0], $0xffff;
	_ =	sdelay $0x4  }
0x36: {  	[tilespmem:s26+$0x14020] =	vst v0  }
0x37: {  	v0 =	vld.idx.msk [tilespmem:v1+s14+$0x0], $0xffff  }
0x38: {  	v2 =	vadd.s32 $0x1000, v1;
	_ =	sdelay $0x3  }
0x39: {  	[tilespmem:s26+$0x10830] =	vst v0  }
0x3a: {  	v0 =	vld.idx.msk [tilespmem:v2+s14+$0x0], $0xffff  }
0x3b: {  	v2 =	vadd.s32 $0x2000, v1;
	_ =	sdelay $0x3  }
0x3c: {  	[tilespmem:s26+$0x11030] =	vst v0  }
0x3d: {  	v0 =	vld.idx.msk [tilespmem:v2+s14+$0x0], $0xffff  }
0x3e: {  	v2 =	vadd.s32 $0x3000, v1;
	_ =	sdelay $0x3  }
0x3f: {  	[tilespmem:s26+$0x11830] =	vst v0  }
0x40: {  	v0 =	vld.idx.msk [tilespmem:v2+s14+$0x0], $0xffff  }
0x41: {  	v2 =	vadd.s32 $0x4000, v1;
	_ =	sdelay $0x3  }
0x42: {  	[tilespmem:s26+$0x12030] =	vst v0  }
0x43: {  	v0 =	vld.idx.msk [tilespmem:v2+s14+$0x0], $0xffff  }
0x44: {  	v2 =	vadd.s32 $0x5000, v1;
	_ =	sdelay $0x3  }
0x45: {  	[tilespmem:s26+$0x12830] =	vst v0  }
0x46: {  	v0 =	vld.idx.msk [tilespmem:v2+s14+$0x0], $0xffff  }
0x47: {  	v2 =	vadd.s32 $0x6000, v1;
	_ =	sdelay $0x3  }
0x48: {  	[tilespmem:s26+$0x13030] =	vst v0  }
0x49: {  	v0 =	vld.idx.msk [tilespmem:v2+s14+$0x0], $0xffff;
	_ =	sdelay $0x1  }
0x4a: {  	v1 =	vadd.s32 $0x7000, v1;
	_ =	sdelay $0x2  }
0x4b: {  	[tilespmem:s26+$0x13830] =	vst v0;
	v0 =	vld [tilespmem:s26+$0x20];
	_ =	sdelay $0x1  }
0x4c: {  	v1 =	vld.idx.msk [tilespmem:v1+s14+$0x0], $0xffff;
	_ =	sdelay $0x4  }
0x4d: {  	[tilespmem:s26+$0x14030] =	vst v1  }
0x4e: {  	v1 =	vld.idx.msk [tilespmem:v0+s14+$0x0], $0xffff  }
0x4f: {  	v2 =	vadd.s32 $0x1000, v0;
	_ =	sdelay $0x3  }
0x50: {  	[tilespmem:s26+$0x10840] =	vst v1  }
0x51: {  	v1 =	vld.idx.msk [tilespmem:v2+s14+$0x0], $0xffff  }
0x52: {  	v2 =	vadd.s32 $0x2000, v0;
	_ =	sdelay $0x3  }
0x53: {  	[tilespmem:s26+$0x11040] =	vst v1  }
0x54: {  	v1 =	vld.idx.msk [tilespmem:v2+s14+$0x0], $0xffff  }
0x55: {  	v2 =	vadd.s32 $0x3000, v0;
	_ =	sdelay $0x3  }
0x56: {  	[tilespmem:s26+$0x11840] =	vst v1  }
0x57: {  	v1 =	vld.idx.msk [tilespmem:v2+s14+$0x0], $0xffff  }
0x58: {  	v2 =	vadd.s32 $0x4000, v0;
	_ =	sdelay $0x3  }
0x59: {  	[tilespmem:s26+$0x12040] =	vst v1  }
0x5a: {  	v1 =	vld.idx.msk [tilespmem:v2+s14+$0x0], $0xffff  }
0x5b: {  	v2 =	vadd.s32 $0x5000, v0;
	_ =	sdelay $0x3  }
0x5c: {  	[tilespmem:s26+$0x12840] =	vst v1  }
0x5d: {  	v1 =	vld.idx.msk [tilespmem:v2+s14+$0x0], $0xffff  }
0x5e: {  	v2 =	vadd.s32 $0x6000, v0;
	_ =	sdelay $0x3  }
0x5f: {  	[tilespmem:s26+$0x13040] =	vst v1  }
0x60: {  	v1 =	vld.idx.msk [tilespmem:v2+s14+$0x0], $0xffff;
	_ =	sdelay $0x1  }
0x61: {  	v0 =	vadd.s32 $0x7000, v0;
	_ =	sdelay $0x2  }
0x62: {  	[tilespmem:s26+$0x13840] =	vst v1;
	v1 =	vld [tilespmem:s26+$0x30];
	_ =	sdelay $0x1  }
0x63: {  	v0 =	vld.idx.msk [tilespmem:v0+s14+$0x0], $0xffff;
	_ =	sdelay $0x4  }
0x64: {  	[tilespmem:s26+$0x14040] =	vst v0  }
0x65: {  	v0 =	vld.idx.msk [tilespmem:v1+s14+$0x0], $0xffff  }
0x66: {  	v2 =	vadd.s32 $0x1000, v1;
	_ =	sdelay $0x3  }
0x67: {  	[tilespmem:s26+$0x10850] =	vst v0  }
0x68: {  	v0 =	vld.idx.msk [tilespmem:v2+s14+$0x0], $0xffff  }
0x69: {  	v2 =	vadd.s32 $0x2000, v1;
	_ =	sdelay $0x3  }
0x6a: {  	[tilespmem:s26+$0x11050] =	vst v0  }
0x6b: {  	v0 =	vld.idx.msk [tilespmem:v2+s14+$0x0], $0xffff  }
0x6c: {  	v2 =	vadd.s32 $0x3000, v1;
	_ =	sdelay $0x3  }
0x6d: {  	[tilespmem:s26+$0x11850] =	vst v0  }
0x6e: {  	v0 =	vld.idx.msk [tilespmem:v2+s14+$0x0], $0xffff  }
0x6f: {  	v2 =	vadd.s32 $0x4000, v1;
	_ =	sdelay $0x3  }
0x70: {  	[tilespmem:s26+$0x12050] =	vst v0  }
0x71: {  	v0 =	vld.idx.msk [tilespmem:v2+s14+$0x0], $0xffff  }
0x72: {  	v2 =	vadd.s32 $0x5000, v1;
	_ =	sdelay $0x3  }
0x73: {  	[tilespmem:s26+$0x12850] =	vst v0  }
0x74: {  	v0 =	vld.idx.msk [tilespmem:v2+s14+$0x0], $0xffff  }
0x75: {  	v2 =	vadd.s32 $0x6000, v1;
	_ =	sdelay $0x3  }
0x76: {  	[tilespmem:s26+$0x13050] =	vst v0  }
0x77: {  	v0 =	vld.idx.msk [tilespmem:v2+s14+$0x0], $0xffff;
	_ =	sdelay $0x1  }
0x78: {  	v1 =	vadd.s32 $0x7000, v1;
	_ =	sdelay $0x2  }
0x79: {  	[tilespmem:s26+$0x13850] =	vst v0;
	v0 =	vld [tilespmem:s26+$0x40];
	_ =	sdelay $0x1  }
0x7a: {  	v1 =	vld.idx.msk [tilespmem:v1+s14+$0x0], $0xffff;
	_ =	sdelay $0x4  }
0x7b: {  	[tilespmem:s26+$0x14050] =	vst v1  }
0x7c: {  	v1 =	vld.idx.msk [tilespmem:v0+s14+$0x0], $0xffff  }
0x7d: {  	v2 =	vadd.s32 $0x1000, v0;
	_ =	sdelay $0x3  }
0x7e: {  	[tilespmem:s26+$0x10860] =	vst v1  }
0x7f: {  	v1 =	vld.idx.msk [tilespmem:v2+s14+$0x0], $0xffff  }
0x80: {  	v2 =	vadd.s32 $0x2000, v0;
	_ =	sdelay $0x3  }
0x81: {  	[tilespmem:s26+$0x11060] =	vst v1  }
0x82: {  	v1 =	vld.idx.msk [tilespmem:v2+s14+$0x0], $0xffff  }
0x83: {  	v2 =	vadd.s32 $0x3000, v0;
	_ =	sdelay $0x3  }
0x84: {  	[tilespmem:s26+$0x11860] =	vst v1  }
0x85: {  	v1 =	vld.idx.msk [tilespmem:v2+s14+$0x0], $0xffff  }
0x86: {  	v2 =	vadd.s32 $0x4000, v0;
	_ =	sdelay $0x3  }
0x87: {  	[tilespmem:s26+$0x12060] =	vst v1  }
0x88: {  	v1 =	vld.idx.msk [tilespmem:v2+s14+$0x0], $0xffff  }
0x89: {  	v2 =	vadd.s32 $0x5000, v0;
	_ =	sdelay $0x3  }
0x8a: {  	[tilespmem:s26+$0x12860] =	vst v1  }
0x8b: {  	v1 =	vld.idx.msk [tilespmem:v2+s14+$0x0], $0xffff  }
0x8c: {  	v2 =	vadd.s32 $0x6000, v0;
	_ =	sdelay $0x3  }
0x8d: {  	[tilespmem:s26+$0x13060] =	vst v1  }
0x8e: {  	v1 =	vld.idx.msk [tilespmem:v2+s14+$0x0], $0xffff;
	_ =	sdelay $0x1  }
0x8f: {  	v0 =	vadd.s32 $0x7000, v0;
	_ =	sdelay $0x2  }
0x90: {  	[tilespmem:s26+$0x13860] =	vst v1;
	v1 =	vld [tilespmem:s26+$0x50];
	_ =	sdelay $0x1  }
0x91: {  	v0 =	vld.idx.msk [tilespmem:v0+s14+$0x0], $0xffff;
	_ =	sdelay $0x4  }
0x92: {  	[tilespmem:s26+$0x14060] =	vst v0  }
0x93: {  	v0 =	vld.idx.msk [tilespmem:v1+s14+$0x0], $0xffff  }
0x94: {  	v2 =	vadd.s32 $0x1000, v1;
	_ =	sdelay $0x3  }
0x95: {  	[tilespmem:s26+$0x10870] =	vst v0  }
0x96: {  	v0 =	vld.idx.msk [tilespmem:v2+s14+$0x0], $0xffff  }
0x97: {  	v2 =	vadd.s32 $0x2000, v1;
	_ =	sdelay $0x3  }
0x98: {  	[tilespmem:s26+$0x11070] =	vst v0  }
0x99: {  	v0 =	vld.idx.msk [tilespmem:v2+s14+$0x0], $0xffff  }
0x9a: {  	v2 =	vadd.s32 $0x3000, v1;
	_ =	sdelay $0x3  }
0x9b: {  	[tilespmem:s26+$0x11870] =	vst v0  }
0x9c: {  	v0 =	vld.idx.msk [tilespmem:v2+s14+$0x0], $0xffff  }
0x9d: {  	v2 =	vadd.s32 $0x4000, v1;
	_ =	sdelay $0x3  }
0x9e: {  	[tilespmem:s26+$0x12070] =	vst v0  }
0x9f: {  	v0 =	vld.idx.msk [tilespmem:v2+s14+$0x0], $0xffff  }
0xa0: {  	v2 =	vadd.s32 $0x5000, v1;
	_ =	sdelay $0x3  }
0xa1: {  	[tilespmem:s26+$0x12870] =	vst v0  }
0xa2: {  	v0 =	vld.idx.msk [tilespmem:v2+s14+$0x0], $0xffff  }
0xa3: {  	v2 =	vadd.s32 $0x6000, v1;
	_ =	sdelay $0x3  }
0xa4: {  	[tilespmem:s26+$0x13070] =	vst v0  }
0xa5: {  	v0 =	vld.idx.msk [tilespmem:v2+s14+$0x0], $0xffff;
	_ =	sdelay $0x1  }
0xa6: {  	v1 =	vadd.s32 $0x7000, v1;
	_ =	sdelay $0x2  }
0xa7: {  	[tilespmem:s26+$0x13870] =	vst v0;
	v0 =	vld [tilespmem:s26+$0x60];
	_ =	sdelay $0x1  }
0xa8: {  	v1 =	vld.idx.msk [tilespmem:v1+s14+$0x0], $0xffff;
	_ =	sdelay $0x4  }
0xa9: {  	[tilespmem:s26+$0x14070] =	vst v1  }
0xaa: {  	v1 =	vld.idx.msk [tilespmem:v0+s14+$0x0], $0xffff  }
0xab: {  	v2 =	vadd.s32 $0x1000, v0;
	_ =	sdelay $0x3  }
0xac: {  	[tilespmem:s26+$0x10880] =	vst v1  }
0xad: {  	v1 =	vld.idx.msk [tilespmem:v2+s14+$0x0], $0xffff  }
0xae: {  	v2 =	vadd.s32 $0x2000, v0;
	_ =	sdelay $0x3  }
0xaf: {  	[tilespmem:s26+$0x11080] =	vst v1  }
0xb0: {  	v1 =	vld.idx.msk [tilespmem:v2+s14+$0x0], $0xffff  }
0xb1: {  	v2 =	vadd.s32 $0x3000, v0;
	_ =	sdelay $0x3  }
0xb2: {  	[tilespmem:s26+$0x11880] =	vst v1  }
0xb3: {  	v1 =	vld.idx.msk [tilespmem:v2+s14+$0x0], $0xffff  }
0xb4: {  	v2 =	vadd.s32 $0x4000, v0;
	_ =	sdelay $0x3  }
0xb5: {  	[tilespmem:s26+$0x12080] =	vst v1  }
0xb6: {  	v1 =	vld.idx.msk [tilespmem:v2+s14+$0x0], $0xffff  }
0xb7: {  	v2 =	vadd.s32 $0x5000, v0;
	_ =	sdelay $0x3  }
0xb8: {  	[tilespmem:s26+$0x12880] =	vst v1  }
0xb9: {  	v1 =	vld.idx.msk [tilespmem:v2+s14+$0x0], $0xffff  }
0xba: {  	v2 =	vadd.s32 $0x6000, v0;
	_ =	sdelay $0x3  }
0xbb: {  	[tilespmem:s26+$0x13080] =	vst v1  }
0xbc: {  	v1 =	vld.idx.msk [tilespmem:v2+s14+$0x0], $0xffff;
	_ =	sdelay $0x1  }
0xbd: {  	v0 =	vadd.s32 $0x7000, v0;
	_ =	sdelay $0x2  }
0xbe: {  	[tilespmem:s26+$0x13880] =	vst v1;
	v1 =	vld [tilespmem:s26+$0x70];
	_ =	sdelay $0x1  }
0xbf: {  	v0 =	vld.idx.msk [tilespmem:v0+s14+$0x0], $0xffff;
	_ =	sdelay $0x4  }
0xc0: {  	[tilespmem:s26+$0x14080] =	vst v0  }
0xc1: {  	v0 =	vld.idx.msk [tilespmem:v1+s14+$0x0], $0xffff  }
0xc2: {  	v2 =	vadd.s32 $0x1000, v1;
	_ =	sdelay $0x3  }
0xc3: {  	[tilespmem:s26+$0x10890] =	vst v0  }
0xc4: {  	v0 =	vld.idx.msk [tilespmem:v2+s14+$0x0], $0xffff  }
0xc5: {  	v2 =	vadd.s32 $0x2000, v1;
	_ =	sdelay $0x3  }
0xc6: {  	[tilespmem:s26+$0x11090] =	vst v0  }
0xc7: {  	v0 =	vld.idx.msk [tilespmem:v2+s14+$0x0], $0xffff  }
0xc8: {  	v2 =	vadd.s32 $0x3000, v1;
	_ =	sdelay $0x3  }
0xc9: {  	[tilespmem:s26+$0x11890] =	vst v0  }
0xca: {  	v0 =	vld.idx.msk [tilespmem:v2+s14+$0x0], $0xffff  }
0xcb: {  	v2 =	vadd.s32 $0x4000, v1;
	_ =	sdelay $0x3  }
0xcc: {  	[tilespmem:s26+$0x12090] =	vst v0  }
0xcd: {  	v0 =	vld.idx.msk [tilespmem:v2+s14+$0x0], $0xffff  }
0xce: {  	v2 =	vadd.s32 $0x5000, v1;
	_ =	sdelay $0x3  }
0xcf: {  	[tilespmem:s26+$0x12890] =	vst v0  }
0xd0: {  	v0 =	vld.idx.msk [tilespmem:v2+s14+$0x0], $0xffff  }
0xd1: {  	v2 =	vadd.s32 $0x6000, v1;
	_ =	sdelay $0x3  }
0xd2: {  	[tilespmem:s26+$0x13090] =	vst v0  }
0xd3: {  	v0 =	vld.idx.msk [tilespmem:v2+s14+$0x0], $0xffff  }
0xd4: {  	v1 =	vadd.s32 $0x7000, v1;
	_ =	sdelay $0x2  }
0xd5: {  	s29 =	simm.s32 $0x80;
	s28 =	simm.s32 $0x400  }
.LBB2_2:
0xd6: {  	p0 =	sne.s32 s28, $0x1E00;
	v2 =	vld [tilespmem:s29+$0x0];
	[tilespmem:s26+$0x13890] =	vst v0  }
0xd7: {  	v0 =	vld.idx.msk [tilespmem:v1+s14+$0x0], $0xffff;
	_ =	sdelay $0x5  }
0xd8: {  	[tilespmem:s26+$0x14090] =	vst v0;
	s26 =	smov.u32 s29  }
0xd9: {  	v0 =	vld.idx.msk [tilespmem:v2+s14+$0x0], $0xffff;
	_ =	sdelay $0x1  }
0xda: {  	v1 =	vadd.s32 $0x1000, v2;
	_ =	sdelay $0x3  }
0xdb: {  	[tilespmem:s26+$0x10820] =	vst v0  }
0xdc: {  	v0 =	vld.idx.msk [tilespmem:v1+s14+$0x0], $0xffff;
	_ =	sdelay $0x1  }
0xdd: {  	v1 =	vadd.s32 $0x2000, v2;
	_ =	sdelay $0x3  }
0xde: {  	[tilespmem:s26+$0x11020] =	vst v0  }
0xdf: {  	v0 =	vld.idx.msk [tilespmem:v1+s14+$0x0], $0xffff;
	_ =	sdelay $0x1  }
0xe0: {  	v1 =	vadd.s32 $0x3000, v2;
	_ =	sdelay $0x3  }
0xe1: {  	[tilespmem:s26+$0x11820] =	vst v0  }
0xe2: {  	v0 =	vld.idx.msk [tilespmem:v1+s14+$0x0], $0xffff;
	_ =	sdelay $0x1  }
0xe3: {  	v1 =	vadd.s32 $0x4000, v2;
	_ =	sdelay $0x3  }
0xe4: {  	[tilespmem:s26+$0x12020] =	vst v0  }
0xe5: {  	v0 =	vld.idx.msk [tilespmem:v1+s14+$0x0], $0xffff;
	_ =	sdelay $0x1  }
0xe6: {  	v1 =	vadd.s32 $0x5000, v2;
	_ =	sdelay $0x3  }
0xe7: {  	[tilespmem:s26+$0x12820] =	vst v0  }
0xe8: {  	v0 =	vld.idx.msk [tilespmem:v1+s14+$0x0], $0xffff;
	_ =	sdelay $0x1  }
0xe9: {  	v1 =	vadd.s32 $0x6000, v2;
	_ =	sdelay $0x3  }
0xea: {  	[tilespmem:s26+$0x13020] =	vst v0  }
0xeb: {  	v0 =	vld.idx.msk [tilespmem:v1+s14+$0x0], $0xffff;
	_ =	sdelay $0x1  }
0xec: {  	v1 =	vadd.s32 $0x7000, v2;
	_ =	sdelay $0x3  }
0xed: {  	[tilespmem:s26+$0x13820] =	vst v0;
	v0 =	vld [tilespmem:s26+$0x10]  }
0xee: {  	v1 =	vld.idx.msk [tilespmem:v1+s14+$0x0], $0xffff;
	_ =	sdelay $0x5  }
0xef: {  	[tilespmem:s26+$0x14020] =	vst v1  }
0xf0: {  	v1 =	vld.idx.msk [tilespmem:v0+s14+$0x0], $0xffff;
	_ =	sdelay $0x1  }
0xf1: {  	v2 =	vadd.s32 $0x1000, v0;
	_ =	sdelay $0x3  }
0xf2: {  	[tilespmem:s26+$0x10830] =	vst v1  }
0xf3: {  	v1 =	vld.idx.msk [tilespmem:v2+s14+$0x0], $0xffff;
	_ =	sdelay $0x1  }
0xf4: {  	v2 =	vadd.s32 $0x2000, v0;
	_ =	sdelay $0x3  }
0xf5: {  	[tilespmem:s26+$0x11030] =	vst v1  }
0xf6: {  	v1 =	vld.idx.msk [tilespmem:v2+s14+$0x0], $0xffff;
	_ =	sdelay $0x1  }
0xf7: {  	v2 =	vadd.s32 $0x3000, v0;
	_ =	sdelay $0x3  }
0xf8: {  	[tilespmem:s26+$0x11830] =	vst v1  }
0xf9: {  	v1 =	vld.idx.msk [tilespmem:v2+s14+$0x0], $0xffff;
	_ =	sdelay $0x1  }
0xfa: {  	v2 =	vadd.s32 $0x4000, v0;
	_ =	sdelay $0x3  }
0xfb: {  	[tilespmem:s26+$0x12030] =	vst v1  }
0xfc: {  	v1 =	vld.idx.msk [tilespmem:v2+s14+$0x0], $0xffff;
	_ =	sdelay $0x1  }
0xfd: {  	v2 =	vadd.s32 $0x5000, v0;
	_ =	sdelay $0x3  }
0xfe: {  	[tilespmem:s26+$0x12830] =	vst v1  }
0xff: {  	v1 =	vld.idx.msk [tilespmem:v2+s14+$0x0], $0xffff;
	_ =	sdelay $0x1  }
0x100: {  	v2 =	vadd.s32 $0x6000, v0;
	_ =	sdelay $0x3  }
0x101: {  	[tilespmem:s26+$0x13030] =	vst v1  }
0x102: {  	v1 =	vld.idx.msk [tilespmem:v2+s14+$0x0], $0xffff;
	_ =	sdelay $0x1  }
0x103: {  	v0 =	vadd.s32 $0x7000, v0;
	_ =	sdelay $0x3  }
0x104: {  	[tilespmem:s26+$0x13830] =	vst v1;
	v1 =	vld [tilespmem:s26+$0x20]  }
0x105: {  	v0 =	vld.idx.msk [tilespmem:v0+s14+$0x0], $0xffff;
	_ =	sdelay $0x5  }
0x106: {  	[tilespmem:s26+$0x14030] =	vst v0  }
0x107: {  	v0 =	vld.idx.msk [tilespmem:v1+s14+$0x0], $0xffff;
	_ =	sdelay $0x1  }
0x108: {  	v2 =	vadd.s32 $0x1000, v1;
	_ =	sdelay $0x3  }
0x109: {  	[tilespmem:s26+$0x10840] =	vst v0  }
0x10a: {  	v0 =	vld.idx.msk [tilespmem:v2+s14+$0x0], $0xffff;
	_ =	sdelay $0x1  }
0x10b: {  	v2 =	vadd.s32 $0x2000, v1;
	_ =	sdelay $0x3  }
0x10c: {  	[tilespmem:s26+$0x11040] =	vst v0  }
0x10d: {  	v0 =	vld.idx.msk [tilespmem:v2+s14+$0x0], $0xffff;
	_ =	sdelay $0x1  }
0x10e: {  	v2 =	vadd.s32 $0x3000, v1;
	_ =	sdelay $0x3  }
0x10f: {  	[tilespmem:s26+$0x11840] =	vst v0  }
0x110: {  	v0 =	vld.idx.msk [tilespmem:v2+s14+$0x0], $0xffff;
	_ =	sdelay $0x1  }
0x111: {  	v2 =	vadd.s32 $0x4000, v1;
	_ =	sdelay $0x3  }
0x112: {  	[tilespmem:s26+$0x12040] =	vst v0  }
0x113: {  	v0 =	vld.idx.msk [tilespmem:v2+s14+$0x0], $0xffff;
	_ =	sdelay $0x1  }
0x114: {  	v2 =	vadd.s32 $0x5000, v1;
	_ =	sdelay $0x3  }
0x115: {  	[tilespmem:s26+$0x12840] =	vst v0  }
0x116: {  	v0 =	vld.idx.msk [tilespmem:v2+s14+$0x0], $0xffff;
	_ =	sdelay $0x1  }
0x117: {  	v2 =	vadd.s32 $0x6000, v1;
	_ =	sdelay $0x3  }
0x118: {  	[tilespmem:s26+$0x13040] =	vst v0  }
0x119: {  	v0 =	vld.idx.msk [tilespmem:v2+s14+$0x0], $0xffff;
	_ =	sdelay $0x1  }
0x11a: {  	v1 =	vadd.s32 $0x7000, v1;
	_ =	sdelay $0x3  }
0x11b: {  	[tilespmem:s26+$0x13840] =	vst v0;
	v0 =	vld [tilespmem:s26+$0x30]  }
0x11c: {  	v1 =	vld.idx.msk [tilespmem:v1+s14+$0x0], $0xffff;
	_ =	sdelay $0x5  }
0x11d: {  	[tilespmem:s26+$0x14040] =	vst v1  }
0x11e: {  	v1 =	vld.idx.msk [tilespmem:v0+s14+$0x0], $0xffff;
	_ =	sdelay $0x1  }
0x11f: {  	v2 =	vadd.s32 $0x1000, v0;
	_ =	sdelay $0x3  }
0x120: {  	[tilespmem:s26+$0x10850] =	vst v1  }
0x121: {  	v1 =	vld.idx.msk [tilespmem:v2+s14+$0x0], $0xffff;
	_ =	sdelay $0x1  }
0x122: {  	v2 =	vadd.s32 $0x2000, v0;
	_ =	sdelay $0x3  }
0x123: {  	[tilespmem:s26+$0x11050] =	vst v1  }
0x124: {  	v1 =	vld.idx.msk [tilespmem:v2+s14+$0x0], $0xffff;
	_ =	sdelay $0x1  }
0x125: {  	v2 =	vadd.s32 $0x3000, v0;
	_ =	sdelay $0x3  }
0x126: {  	[tilespmem:s26+$0x11850] =	vst v1  }
0x127: {  	v1 =	vld.idx.msk [tilespmem:v2+s14+$0x0], $0xffff;
	_ =	sdelay $0x1  }
0x128: {  	v2 =	vadd.s32 $0x4000, v0;
	_ =	sdelay $0x3  }
0x129: {  	[tilespmem:s26+$0x12050] =	vst v1  }
0x12a: {  	v1 =	vld.idx.msk [tilespmem:v2+s14+$0x0], $0xffff;
	_ =	sdelay $0x1  }
0x12b: {  	v2 =	vadd.s32 $0x5000, v0;
	_ =	sdelay $0x3  }
0x12c: {  	[tilespmem:s26+$0x12850] =	vst v1  }
0x12d: {  	v1 =	vld.idx.msk [tilespmem:v2+s14+$0x0], $0xffff;
	_ =	sdelay $0x1  }
0x12e: {  	v2 =	vadd.s32 $0x6000, v0;
	_ =	sdelay $0x3  }
0x12f: {  	[tilespmem:s26+$0x13050] =	vst v1  }
0x130: {  	v1 =	vld.idx.msk [tilespmem:v2+s14+$0x0], $0xffff;
	_ =	sdelay $0x1  }
0x131: {  	v0 =	vadd.s32 $0x7000, v0;
	_ =	sdelay $0x3  }
0x132: {  	[tilespmem:s26+$0x13850] =	vst v1;
	v1 =	vld [tilespmem:s26+$0x40]  }
0x133: {  	v0 =	vld.idx.msk [tilespmem:v0+s14+$0x0], $0xffff;
	_ =	sdelay $0x5  }
0x134: {  	[tilespmem:s26+$0x14050] =	vst v0  }
0x135: {  	v0 =	vld.idx.msk [tilespmem:v1+s14+$0x0], $0xffff;
	_ =	sdelay $0x1  }
0x136: {  	v2 =	vadd.s32 $0x1000, v1;
	_ =	sdelay $0x3  }
0x137: {  	[tilespmem:s26+$0x10860] =	vst v0  }
0x138: {  	v0 =	vld.idx.msk [tilespmem:v2+s14+$0x0], $0xffff;
	_ =	sdelay $0x1  }
0x139: {  	v2 =	vadd.s32 $0x2000, v1;
	_ =	sdelay $0x3  }
0x13a: {  	[tilespmem:s26+$0x11060] =	vst v0  }
0x13b: {  	v0 =	vld.idx.msk [tilespmem:v2+s14+$0x0], $0xffff;
	_ =	sdelay $0x1  }
0x13c: {  	v2 =	vadd.s32 $0x3000, v1;
	_ =	sdelay $0x3  }
0x13d: {  	[tilespmem:s26+$0x11860] =	vst v0  }
0x13e: {  	v0 =	vld.idx.msk [tilespmem:v2+s14+$0x0], $0xffff;
	_ =	sdelay $0x1  }
0x13f: {  	v2 =	vadd.s32 $0x4000, v1;
	_ =	sdelay $0x3  }
0x140: {  	[tilespmem:s26+$0x12060] =	vst v0  }
0x141: {  	v0 =	vld.idx.msk [tilespmem:v2+s14+$0x0], $0xffff;
	_ =	sdelay $0x1  }
0x142: {  	v2 =	vadd.s32 $0x5000, v1;
	_ =	sdelay $0x3  }
0x143: {  	[tilespmem:s26+$0x12860] =	vst v0  }
0x144: {  	v0 =	vld.idx.msk [tilespmem:v2+s14+$0x0], $0xffff;
	_ =	sdelay $0x1  }
0x145: {  	v2 =	vadd.s32 $0x6000, v1;
	_ =	sdelay $0x3  }
0x146: {  	[tilespmem:s26+$0x13060] =	vst v0  }
0x147: {  	v0 =	vld.idx.msk [tilespmem:v2+s14+$0x0], $0xffff;
	_ =	sdelay $0x1  }
0x148: {  	v1 =	vadd.s32 $0x7000, v1;
	_ =	sdelay $0x3  }
0x149: {  	[tilespmem:s26+$0x13860] =	vst v0;
	v0 =	vld [tilespmem:s26+$0x50]  }
0x14a: {  	v1 =	vld.idx.msk [tilespmem:v1+s14+$0x0], $0xffff;
	_ =	sdelay $0x5  }
0x14b: {  	[tilespmem:s26+$0x14060] =	vst v1  }
0x14c: {  	v1 =	vld.idx.msk [tilespmem:v0+s14+$0x0], $0xffff;
	_ =	sdelay $0x1  }
0x14d: {  	v2 =	vadd.s32 $0x1000, v0;
	_ =	sdelay $0x3  }
0x14e: {  	[tilespmem:s26+$0x10870] =	vst v1  }
0x14f: {  	v1 =	vld.idx.msk [tilespmem:v2+s14+$0x0], $0xffff;
	_ =	sdelay $0x1  }
0x150: {  	v2 =	vadd.s32 $0x2000, v0;
	_ =	sdelay $0x3  }
0x151: {  	[tilespmem:s26+$0x11070] =	vst v1  }
0x152: {  	v1 =	vld.idx.msk [tilespmem:v2+s14+$0x0], $0xffff;
	_ =	sdelay $0x1  }
0x153: {  	v2 =	vadd.s32 $0x3000, v0;
	_ =	sdelay $0x3  }
0x154: {  	[tilespmem:s26+$0x11870] =	vst v1  }
0x155: {  	v1 =	vld.idx.msk [tilespmem:v2+s14+$0x0], $0xffff;
	_ =	sdelay $0x1  }
0x156: {  	v2 =	vadd.s32 $0x4000, v0;
	_ =	sdelay $0x3  }
0x157: {  	[tilespmem:s26+$0x12070] =	vst v1  }
0x158: {  	v1 =	vld.idx.msk [tilespmem:v2+s14+$0x0], $0xffff;
	_ =	sdelay $0x1  }
0x159: {  	v2 =	vadd.s32 $0x5000, v0;
	_ =	sdelay $0x3  }
0x15a: {  	[tilespmem:s26+$0x12870] =	vst v1  }
0x15b: {  	v1 =	vld.idx.msk [tilespmem:v2+s14+$0x0], $0xffff;
	_ =	sdelay $0x1  }
0x15c: {  	v2 =	vadd.s32 $0x6000, v0;
	_ =	sdelay $0x3  }
0x15d: {  	[tilespmem:s26+$0x13070] =	vst v1  }
0x15e: {  	v1 =	vld.idx.msk [tilespmem:v2+s14+$0x0], $0xffff;
	_ =	sdelay $0x1  }
0x15f: {  	v0 =	vadd.s32 $0x7000, v0;
	_ =	sdelay $0x3  }
0x160: {  	[tilespmem:s26+$0x13870] =	vst v1;
	v1 =	vld [tilespmem:s26+$0x60]  }
0x161: {  	v0 =	vld.idx.msk [tilespmem:v0+s14+$0x0], $0xffff;
	_ =	sdelay $0x5  }
0x162: {  	[tilespmem:s26+$0x14070] =	vst v0  }
0x163: {  	v0 =	vld.idx.msk [tilespmem:v1+s14+$0x0], $0xffff;
	_ =	sdelay $0x1  }
0x164: {  	v2 =	vadd.s32 $0x1000, v1;
	_ =	sdelay $0x3  }
0x165: {  	[tilespmem:s26+$0x10880] =	vst v0  }
0x166: {  	v0 =	vld.idx.msk [tilespmem:v2+s14+$0x0], $0xffff;
	_ =	sdelay $0x1  }
0x167: {  	v2 =	vadd.s32 $0x2000, v1;
	_ =	sdelay $0x3  }
0x168: {  	[tilespmem:s26+$0x11080] =	vst v0  }
0x169: {  	v0 =	vld.idx.msk [tilespmem:v2+s14+$0x0], $0xffff;
	_ =	sdelay $0x1  }
0x16a: {  	v2 =	vadd.s32 $0x3000, v1;
	_ =	sdelay $0x3  }
0x16b: {  	[tilespmem:s26+$0x11880] =	vst v0  }
0x16c: {  	v0 =	vld.idx.msk [tilespmem:v2+s14+$0x0], $0xffff;
	_ =	sdelay $0x1  }
0x16d: {  	v2 =	vadd.s32 $0x4000, v1;
	_ =	sdelay $0x3  }
0x16e: {  	[tilespmem:s26+$0x12080] =	vst v0  }
0x16f: {  	v0 =	vld.idx.msk [tilespmem:v2+s14+$0x0], $0xffff;
	_ =	sdelay $0x1  }
0x170: {  	v2 =	vadd.s32 $0x5000, v1;
	_ =	sdelay $0x3  }
0x171: {  	[tilespmem:s26+$0x12880] =	vst v0  }
0x172: {  	v0 =	vld.idx.msk [tilespmem:v2+s14+$0x0], $0xffff;
	_ =	sdelay $0x1  }
0x173: {  	v2 =	vadd.s32 $0x6000, v1;
	_ =	sdelay $0x3  }
0x174: {  	[tilespmem:s26+$0x13080] =	vst v0  }
0x175: {  	v0 =	vld.idx.msk [tilespmem:v2+s14+$0x0], $0xffff;
	_ =	sdelay $0x1  }
0x176: {  	v1 =	vadd.s32 $0x7000, v1;
	_ =	sdelay $0x3  }
0x177: {  	[tilespmem:s26+$0x13880] =	vst v0;
	v2 =	vld [tilespmem:s26+$0x70]  }
0x178: {  	v0 =	vld.idx.msk [tilespmem:v1+s14+$0x0], $0xffff;
	_ =	sdelay $0x5  }
0x179: {  	[tilespmem:s26+$0x14080] =	vst v0  }
0x17a: {  	v0 =	vld.idx.msk [tilespmem:v2+s14+$0x0], $0xffff;
	_ =	sdelay $0x1  }
0x17b: {  	v1 =	vadd.s32 $0x1000, v2;
	_ =	sdelay $0x3  }
0x17c: {  	[tilespmem:s26+$0x10890] =	vst v0  }
0x17d: {  	v0 =	vld.idx.msk [tilespmem:v1+s14+$0x0], $0xffff;
	_ =	sdelay $0x1  }
0x17e: {  	v1 =	vadd.s32 $0x2000, v2;
	_ =	sdelay $0x3  }
0x17f: {  	[tilespmem:s26+$0x11090] =	vst v0  }
0x180: {  	v0 =	vld.idx.msk [tilespmem:v1+s14+$0x0], $0xffff;
	_ =	sdelay $0x1  }
0x181: {  	v1 =	vadd.s32 $0x3000, v2;
	_ =	sdelay $0x3  }
0x182: {  	[tilespmem:s26+$0x11890] =	vst v0  }
0x183: {  	v0 =	vld.idx.msk [tilespmem:v1+s14+$0x0], $0xffff;
	_ =	sdelay $0x1  }
0x184: {  	v1 =	vadd.s32 $0x4000, v2;
	_ =	sdelay $0x3  }
0x185: {  	[tilespmem:s26+$0x12090] =	vst v0  }
0x186: {  	v0 =	vld.idx.msk [tilespmem:v1+s14+$0x0], $0xffff;
	_ =	sdelay $0x1  }
0x187: {  	v1 =	vadd.s32 $0x5000, v2;
	_ =	sdelay $0x3  }
0x188: {  	[tilespmem:s26+$0x12890] =	vst v0  }
0x189: {  	v0 =	vld.idx.msk [tilespmem:v1+s14+$0x0], $0xffff;
	_ =	sdelay $0x1  }
0x18a: {  	v1 =	vadd.s32 $0x6000, v2;
	_ =	sdelay $0x3  }
0x18b: {  	[tilespmem:s26+$0x13090] =	vst v0  }
0x18c: {  	v0 =	vld.idx.msk [tilespmem:v1+s14+$0x0], $0xffff  }
.Ltmp0:
0x18d: {  	(pc) =	sbr.rel @p0 .LBB2_2-.Ltmp0, $2  }
0x18e: {  	v1 =	vadd.s32 $0x7000, v2;
	_ =	sdelay $0x2  }
0x18f: {  	s29 =	sshra.s32 s28, $0x2;
	s28 =	sadd.s32 $0x200, s28  }
0x190: {  	_ =	sdelay $0x1  }
0x191: {  	v2 =	vld [tilespmem:s29+$0x0]  }
0x192: {  	[tilespmem:s26+$0x13890] =	vst v0  }
0x193: {  	v0 =	vld.idx.msk [tilespmem:v1+s14+$0x0], $0xffff;
	_ =	sdelay $0x4  }
0x194: {  	[tilespmem:s26+$0x14090] =	vst v0  }
0x195: {  	v0 =	vld.idx.msk [tilespmem:v2+s14+$0x0], $0xffff  }
0x196: {  	v1 =	vadd.s32 $0x1000, v2;
	_ =	sdelay $0x3  }
0x197: {  	[tilespmem:s29+$0x10820] =	vst v0  }
0x198: {  	v0 =	vld.idx.msk [tilespmem:v1+s14+$0x0], $0xffff  }
0x199: {  	v1 =	vadd.s32 $0x2000, v2;
	_ =	sdelay $0x3  }
0x19a: {  	[tilespmem:s29+$0x11020] =	vst v0  }
0x19b: {  	v0 =	vld.idx.msk [tilespmem:v1+s14+$0x0], $0xffff  }
0x19c: {  	v1 =	vadd.s32 $0x3000, v2;
	_ =	sdelay $0x3  }
0x19d: {  	[tilespmem:s29+$0x11820] =	vst v0  }
0x19e: {  	v0 =	vld.idx.msk [tilespmem:v1+s14+$0x0], $0xffff  }
0x19f: {  	v1 =	vadd.s32 $0x4000, v2;
	_ =	sdelay $0x3  }
0x1a0: {  	[tilespmem:s29+$0x12020] =	vst v0  }
0x1a1: {  	v0 =	vld.idx.msk [tilespmem:v1+s14+$0x0], $0xffff  }
0x1a2: {  	v1 =	vadd.s32 $0x5000, v2;
	_ =	sdelay $0x3  }
0x1a3: {  	[tilespmem:s29+$0x12820] =	vst v0  }
0x1a4: {  	v0 =	vld.idx.msk [tilespmem:v1+s14+$0x0], $0xffff  }
0x1a5: {  	v1 =	vadd.s32 $0x6000, v2;
	_ =	sdelay $0x3  }
0x1a6: {  	[tilespmem:s29+$0x13020] =	vst v0  }
0x1a7: {  	v0 =	vld.idx.msk [tilespmem:v1+s14+$0x0], $0xffff;
	_ =	sdelay $0x1  }
0x1a8: {  	v1 =	vadd.s32 $0x7000, v2;
	_ =	sdelay $0x2  }
0x1a9: {  	[tilespmem:s29+$0x13820] =	vst v0;
	v0 =	vld [tilespmem:s29+$0x10];
	_ =	sdelay $0x1  }
0x1aa: {  	v1 =	vld.idx.msk [tilespmem:v1+s14+$0x0], $0xffff;
	_ =	sdelay $0x4  }
0x1ab: {  	[tilespmem:s29+$0x14020] =	vst v1  }
0x1ac: {  	v1 =	vld.idx.msk [tilespmem:v0+s14+$0x0], $0xffff  }
0x1ad: {  	v2 =	vadd.s32 $0x1000, v0;
	_ =	sdelay $0x3  }
0x1ae: {  	[tilespmem:s29+$0x10830] =	vst v1  }
0x1af: {  	v1 =	vld.idx.msk [tilespmem:v2+s14+$0x0], $0xffff  }
0x1b0: {  	v2 =	vadd.s32 $0x2000, v0;
	_ =	sdelay $0x3  }
0x1b1: {  	[tilespmem:s29+$0x11030] =	vst v1  }
0x1b2: {  	v1 =	vld.idx.msk [tilespmem:v2+s14+$0x0], $0xffff  }
0x1b3: {  	v2 =	vadd.s32 $0x3000, v0;
	_ =	sdelay $0x3  }
0x1b4: {  	[tilespmem:s29+$0x11830] =	vst v1  }
0x1b5: {  	v1 =	vld.idx.msk [tilespmem:v2+s14+$0x0], $0xffff  }
0x1b6: {  	v2 =	vadd.s32 $0x4000, v0;
	_ =	sdelay $0x3  }
0x1b7: {  	[tilespmem:s29+$0x12030] =	vst v1  }
0x1b8: {  	v1 =	vld.idx.msk [tilespmem:v2+s14+$0x0], $0xffff  }
0x1b9: {  	v2 =	vadd.s32 $0x5000, v0;
	_ =	sdelay $0x3  }
0x1ba: {  	[tilespmem:s29+$0x12830] =	vst v1  }
0x1bb: {  	v1 =	vld.idx.msk [tilespmem:v2+s14+$0x0], $0xffff  }
0x1bc: {  	v2 =	vadd.s32 $0x6000, v0;
	_ =	sdelay $0x3  }
0x1bd: {  	[tilespmem:s29+$0x13030] =	vst v1  }
0x1be: {  	v1 =	vld.idx.msk [tilespmem:v2+s14+$0x0], $0xffff;
	_ =	sdelay $0x1  }
0x1bf: {  	v0 =	vadd.s32 $0x7000, v0;
	_ =	sdelay $0x2  }
0x1c0: {  	[tilespmem:s29+$0x13830] =	vst v1;
	v1 =	vld [tilespmem:s29+$0x20];
	_ =	sdelay $0x1  }
0x1c1: {  	v0 =	vld.idx.msk [tilespmem:v0+s14+$0x0], $0xffff;
	_ =	sdelay $0x4  }
0x1c2: {  	[tilespmem:s29+$0x14030] =	vst v0  }
0x1c3: {  	v0 =	vld.idx.msk [tilespmem:v1+s14+$0x0], $0xffff  }
0x1c4: {  	v2 =	vadd.s32 $0x1000, v1;
	_ =	sdelay $0x3  }
0x1c5: {  	[tilespmem:s29+$0x10840] =	vst v0  }
0x1c6: {  	v0 =	vld.idx.msk [tilespmem:v2+s14+$0x0], $0xffff  }
0x1c7: {  	v2 =	vadd.s32 $0x2000, v1;
	_ =	sdelay $0x3  }
0x1c8: {  	[tilespmem:s29+$0x11040] =	vst v0  }
0x1c9: {  	v0 =	vld.idx.msk [tilespmem:v2+s14+$0x0], $0xffff  }
0x1ca: {  	v2 =	vadd.s32 $0x3000, v1;
	_ =	sdelay $0x3  }
0x1cb: {  	[tilespmem:s29+$0x11840] =	vst v0  }
0x1cc: {  	v0 =	vld.idx.msk [tilespmem:v2+s14+$0x0], $0xffff  }
0x1cd: {  	v2 =	vadd.s32 $0x4000, v1;
	_ =	sdelay $0x3  }
0x1ce: {  	[tilespmem:s29+$0x12040] =	vst v0  }
0x1cf: {  	v0 =	vld.idx.msk [tilespmem:v2+s14+$0x0], $0xffff  }
0x1d0: {  	v2 =	vadd.s32 $0x5000, v1;
	_ =	sdelay $0x3  }
0x1d1: {  	[tilespmem:s29+$0x12840] =	vst v0  }
0x1d2: {  	v0 =	vld.idx.msk [tilespmem:v2+s14+$0x0], $0xffff  }
0x1d3: {  	v2 =	vadd.s32 $0x6000, v1;
	_ =	sdelay $0x3  }
0x1d4: {  	[tilespmem:s29+$0x13040] =	vst v0  }
0x1d5: {  	v0 =	vld.idx.msk [tilespmem:v2+s14+$0x0], $0xffff;
	_ =	sdelay $0x1  }
0x1d6: {  	v1 =	vadd.s32 $0x7000, v1;
	_ =	sdelay $0x2  }
0x1d7: {  	[tilespmem:s29+$0x13840] =	vst v0;
	v0 =	vld [tilespmem:s29+$0x30];
	_ =	sdelay $0x1  }
0x1d8: {  	v1 =	vld.idx.msk [tilespmem:v1+s14+$0x0], $0xffff;
	_ =	sdelay $0x4  }
0x1d9: {  	[tilespmem:s29+$0x14040] =	vst v1  }
0x1da: {  	v1 =	vld.idx.msk [tilespmem:v0+s14+$0x0], $0xffff  }
0x1db: {  	v2 =	vadd.s32 $0x1000, v0;
	_ =	sdelay $0x3  }
0x1dc: {  	[tilespmem:s29+$0x10850] =	vst v1  }
0x1dd: {  	v1 =	vld.idx.msk [tilespmem:v2+s14+$0x0], $0xffff  }
0x1de: {  	v2 =	vadd.s32 $0x2000, v0;
	_ =	sdelay $0x3  }
0x1df: {  	[tilespmem:s29+$0x11050] =	vst v1  }
0x1e0: {  	v1 =	vld.idx.msk [tilespmem:v2+s14+$0x0], $0xffff  }
0x1e1: {  	v2 =	vadd.s32 $0x3000, v0;
	_ =	sdelay $0x3  }
0x1e2: {  	[tilespmem:s29+$0x11850] =	vst v1  }
0x1e3: {  	v1 =	vld.idx.msk [tilespmem:v2+s14+$0x0], $0xffff  }
0x1e4: {  	v2 =	vadd.s32 $0x4000, v0;
	_ =	sdelay $0x3  }
0x1e5: {  	[tilespmem:s29+$0x12050] =	vst v1  }
0x1e6: {  	v1 =	vld.idx.msk [tilespmem:v2+s14+$0x0], $0xffff  }
0x1e7: {  	v2 =	vadd.s32 $0x5000, v0;
	_ =	sdelay $0x3  }
0x1e8: {  	[tilespmem:s29+$0x12850] =	vst v1  }
0x1e9: {  	v1 =	vld.idx.msk [tilespmem:v2+s14+$0x0], $0xffff  }
0x1ea: {  	v2 =	vadd.s32 $0x6000, v0;
	_ =	sdelay $0x3  }
0x1eb: {  	[tilespmem:s29+$0x13050] =	vst v1  }
0x1ec: {  	v1 =	vld.idx.msk [tilespmem:v2+s14+$0x0], $0xffff;
	_ =	sdelay $0x1  }
0x1ed: {  	v0 =	vadd.s32 $0x7000, v0;
	_ =	sdelay $0x2  }
0x1ee: {  	[tilespmem:s29+$0x13850] =	vst v1;
	v1 =	vld [tilespmem:s29+$0x40];
	_ =	sdelay $0x1  }
0x1ef: {  	v0 =	vld.idx.msk [tilespmem:v0+s14+$0x0], $0xffff;
	_ =	sdelay $0x4  }
0x1f0: {  	[tilespmem:s29+$0x14050] =	vst v0  }
0x1f1: {  	v0 =	vld.idx.msk [tilespmem:v1+s14+$0x0], $0xffff  }
0x1f2: {  	v2 =	vadd.s32 $0x1000, v1;
	_ =	sdelay $0x3  }
0x1f3: {  	[tilespmem:s29+$0x10860] =	vst v0  }
0x1f4: {  	v0 =	vld.idx.msk [tilespmem:v2+s14+$0x0], $0xffff  }
0x1f5: {  	v2 =	vadd.s32 $0x2000, v1;
	_ =	sdelay $0x3  }
0x1f6: {  	[tilespmem:s29+$0x11060] =	vst v0  }
0x1f7: {  	v0 =	vld.idx.msk [tilespmem:v2+s14+$0x0], $0xffff  }
0x1f8: {  	v2 =	vadd.s32 $0x3000, v1;
	_ =	sdelay $0x3  }
0x1f9: {  	[tilespmem:s29+$0x11860] =	vst v0  }
0x1fa: {  	v0 =	vld.idx.msk [tilespmem:v2+s14+$0x0], $0xffff  }
0x1fb: {  	v2 =	vadd.s32 $0x4000, v1;
	_ =	sdelay $0x3  }
0x1fc: {  	[tilespmem:s29+$0x12060] =	vst v0  }
0x1fd: {  	v0 =	vld.idx.msk [tilespmem:v2+s14+$0x0], $0xffff  }
0x1fe: {  	v2 =	vadd.s32 $0x5000, v1;
	_ =	sdelay $0x3  }
0x1ff: {  	[tilespmem:s29+$0x12860] =	vst v0  }
0x200: {  	v0 =	vld.idx.msk [tilespmem:v2+s14+$0x0], $0xffff  }
0x201: {  	v2 =	vadd.s32 $0x6000, v1;
	_ =	sdelay $0x3  }
0x202: {  	[tilespmem:s29+$0x13060] =	vst v0  }
0x203: {  	v0 =	vld.idx.msk [tilespmem:v2+s14+$0x0], $0xffff;
	_ =	sdelay $0x1  }
0x204: {  	v1 =	vadd.s32 $0x7000, v1;
	_ =	sdelay $0x2  }
0x205: {  	[tilespmem:s29+$0x13860] =	vst v0;
	v0 =	vld [tilespmem:s29+$0x50];
	_ =	sdelay $0x1  }
0x206: {  	v1 =	vld.idx.msk [tilespmem:v1+s14+$0x0], $0xffff;
	_ =	sdelay $0x4  }
0x207: {  	[tilespmem:s29+$0x14060] =	vst v1  }
0x208: {  	v1 =	vld.idx.msk [tilespmem:v0+s14+$0x0], $0xffff  }
0x209: {  	v2 =	vadd.s32 $0x1000, v0;
	_ =	sdelay $0x3  }
0x20a: {  	[tilespmem:s29+$0x10870] =	vst v1  }
0x20b: {  	v1 =	vld.idx.msk [tilespmem:v2+s14+$0x0], $0xffff  }
0x20c: {  	v2 =	vadd.s32 $0x2000, v0;
	_ =	sdelay $0x3  }
0x20d: {  	[tilespmem:s29+$0x11070] =	vst v1  }
0x20e: {  	v1 =	vld.idx.msk [tilespmem:v2+s14+$0x0], $0xffff  }
0x20f: {  	v2 =	vadd.s32 $0x3000, v0;
	_ =	sdelay $0x3  }
0x210: {  	[tilespmem:s29+$0x11870] =	vst v1  }
0x211: {  	v1 =	vld.idx.msk [tilespmem:v2+s14+$0x0], $0xffff  }
0x212: {  	v2 =	vadd.s32 $0x4000, v0;
	_ =	sdelay $0x3  }
0x213: {  	[tilespmem:s29+$0x12070] =	vst v1  }
0x214: {  	v1 =	vld.idx.msk [tilespmem:v2+s14+$0x0], $0xffff  }
0x215: {  	v2 =	vadd.s32 $0x5000, v0;
	_ =	sdelay $0x3  }
0x216: {  	[tilespmem:s29+$0x12870] =	vst v1  }
0x217: {  	v1 =	vld.idx.msk [tilespmem:v2+s14+$0x0], $0xffff  }
0x218: {  	v2 =	vadd.s32 $0x6000, v0;
	_ =	sdelay $0x3  }
0x219: {  	[tilespmem:s29+$0x13070] =	vst v1  }
0x21a: {  	v1 =	vld.idx.msk [tilespmem:v2+s14+$0x0], $0xffff;
	_ =	sdelay $0x1  }
0x21b: {  	v0 =	vadd.s32 $0x7000, v0;
	_ =	sdelay $0x2  }
0x21c: {  	[tilespmem:s29+$0x13870] =	vst v1;
	v1 =	vld [tilespmem:s29+$0x60];
	_ =	sdelay $0x1  }
0x21d: {  	v0 =	vld.idx.msk [tilespmem:v0+s14+$0x0], $0xffff;
	_ =	sdelay $0x4  }
0x21e: {  	[tilespmem:s29+$0x14070] =	vst v0  }
0x21f: {  	v0 =	vld.idx.msk [tilespmem:v1+s14+$0x0], $0xffff  }
0x220: {  	v2 =	vadd.s32 $0x1000, v1;
	_ =	sdelay $0x3  }
0x221: {  	[tilespmem:s29+$0x10880] =	vst v0  }
0x222: {  	v0 =	vld.idx.msk [tilespmem:v2+s14+$0x0], $0xffff  }
0x223: {  	v2 =	vadd.s32 $0x2000, v1;
	_ =	sdelay $0x3  }
0x224: {  	[tilespmem:s29+$0x11080] =	vst v0  }
0x225: {  	v0 =	vld.idx.msk [tilespmem:v2+s14+$0x0], $0xffff  }
0x226: {  	v2 =	vadd.s32 $0x3000, v1;
	_ =	sdelay $0x3  }
0x227: {  	[tilespmem:s29+$0x11880] =	vst v0  }
0x228: {  	v0 =	vld.idx.msk [tilespmem:v2+s14+$0x0], $0xffff  }
0x229: {  	v2 =	vadd.s32 $0x4000, v1;
	_ =	sdelay $0x3  }
0x22a: {  	[tilespmem:s29+$0x12080] =	vst v0  }
0x22b: {  	v0 =	vld.idx.msk [tilespmem:v2+s14+$0x0], $0xffff  }
0x22c: {  	v2 =	vadd.s32 $0x5000, v1;
	_ =	sdelay $0x3  }
0x22d: {  	[tilespmem:s29+$0x12880] =	vst v0  }
0x22e: {  	v0 =	vld.idx.msk [tilespmem:v2+s14+$0x0], $0xffff  }
0x22f: {  	v2 =	vadd.s32 $0x6000, v1;
	_ =	sdelay $0x3  }
0x230: {  	[tilespmem:s29+$0x13080] =	vst v0  }
0x231: {  	v0 =	vld.idx.msk [tilespmem:v2+s14+$0x0], $0xffff;
	_ =	sdelay $0x1  }
0x232: {  	v1 =	vadd.s32 $0x7000, v1;
	_ =	sdelay $0x2  }
0x233: {  	[tilespmem:s29+$0x13880] =	vst v0;
	v0 =	vld [tilespmem:s29+$0x70];
	_ =	sdelay $0x1  }
0x234: {  	v1 =	vld.idx.msk [tilespmem:v1+s14+$0x0], $0xffff;
	_ =	sdelay $0x4  }
0x235: {  	[tilespmem:s29+$0x14080] =	vst v1  }
0x236: {  	v1 =	vld.idx.msk [tilespmem:v0+s14+$0x0], $0xffff  }
0x237: {  	v2 =	vadd.s32 $0x1000, v0;
	_ =	sdelay $0x3  }
0x238: {  	[tilespmem:s29+$0x10890] =	vst v1  }
0x239: {  	v1 =	vld.idx.msk [tilespmem:v2+s14+$0x0], $0xffff  }
0x23a: {  	v2 =	vadd.s32 $0x2000, v0;
	_ =	sdelay $0x3  }
0x23b: {  	[tilespmem:s29+$0x11090] =	vst v1  }
0x23c: {  	v1 =	vld.idx.msk [tilespmem:v2+s14+$0x0], $0xffff  }
0x23d: {  	v2 =	vadd.s32 $0x3000, v0;
	_ =	sdelay $0x3  }
0x23e: {  	[tilespmem:s29+$0x11890] =	vst v1  }
0x23f: {  	v1 =	vld.idx.msk [tilespmem:v2+s14+$0x0], $0xffff  }
0x240: {  	v2 =	vadd.s32 $0x4000, v0;
	_ =	sdelay $0x3  }
0x241: {  	[tilespmem:s29+$0x12090] =	vst v1  }
0x242: {  	v1 =	vld.idx.msk [tilespmem:v2+s14+$0x0], $0xffff  }
0x243: {  	v2 =	vadd.s32 $0x5000, v0;
	_ =	sdelay $0x3  }
0x244: {  	[tilespmem:s29+$0x12890] =	vst v1  }
0x245: {  	v1 =	vld.idx.msk [tilespmem:v2+s14+$0x0], $0xffff  }
0x246: {  	v2 =	vadd.s32 $0x6000, v0;
	_ =	sdelay $0x3  }
0x247: {  	[tilespmem:s29+$0x13090] =	vst v1  }
0x248: {  	v1 =	vld.idx.msk [tilespmem:v2+s14+$0x0], $0xffff  }
0x249: {  	v0 =	vadd.s32 $0x7000, v0;
	_ =	sdelay $0x3  }
0x24a: {  	[tilespmem:s29+$0x13890] =	vst v1  }
0x24b: {  	v0 =	vld.idx.msk [tilespmem:v0+s14+$0x0], $0xffff;
	_ =	sdelay $0x4  }
0x24c: {  	s31 =	simm.s32 $0x0;
	[tilespmem:s29+$0x14090] =	vst v0  }
0x24d: {  	[hbm4b:s5+s31] =	stream.linear.scatter [tilespmem:s18], [sflag:$0x3], $0x4000, $0x38;
	[tilespmem:$0x18820] =	vst v63  }
0x24e: {  	_ =	swait.ge [sflag:s19], $0x8000  }
0x24f: {  	[sflag:s19] =	ssyncset.done $0x0  }
0x250: {  	s26 =	simm.s32 $0x0;
	[sflag:s19] =	ssyncadd.s32 $0xFFFF8000  }
0x251: {  	[tilespmem:s14], [sflag:$0x1] =	stream.indirect.gather [hbm4b:s4+s13], $0x1000, s20, s13, $0xb8;
	[tilespmem:$0x18820] =	vst v63  }
0x252: {  	v0 =	vld [tilespmem:s26+$0x0];
	_ =	sdelay $0x7  }
0x253: {  	v1 =	vld.idx.msk [tilespmem:v0+s17+$0x0], $0xffff  }
0x254: {  	v2 =	vadd.s32 $0x1000, v0;
	_ =	sdelay $0x3  }
0x255: {  	[tilespmem:s26+$0x14820] =	vst v1  }
0x256: {  	v1 =	vld.idx.msk [tilespmem:v2+s17+$0x0], $0xffff  }
0x257: {  	v2 =	vadd.s32 $0x2000, v0;
	_ =	sdelay $0x3  }
0x258: {  	[tilespmem:s26+$0x15020] =	vst v1  }
0x259: {  	v1 =	vld.idx.msk [tilespmem:v2+s17+$0x0], $0xffff  }
0x25a: {  	v2 =	vadd.s32 $0x3000, v0;
	_ =	sdelay $0x3  }
0x25b: {  	[tilespmem:s26+$0x15820] =	vst v1  }
0x25c: {  	v1 =	vld.idx.msk [tilespmem:v2+s17+$0x0], $0xffff  }
0x25d: {  	v2 =	vadd.s32 $0x4000, v0;
	_ =	sdelay $0x3  }
0x25e: {  	[tilespmem:s26+$0x16020] =	vst v1  }
0x25f: {  	v1 =	vld.idx.msk [tilespmem:v2+s17+$0x0], $0xffff  }
0x260: {  	v2 =	vadd.s32 $0x5000, v0;
	_ =	sdelay $0x3  }
0x261: {  	[tilespmem:s26+$0x16820] =	vst v1  }
0x262: {  	v1 =	vld.idx.msk [tilespmem:v2+s17+$0x0], $0xffff  }
0x263: {  	v2 =	vadd.s32 $0x6000, v0;
	_ =	sdelay $0x3  }
0x264: {  	[tilespmem:s26+$0x17020] =	vst v1  }
0x265: {  	v1 =	vld.idx.msk [tilespmem:v2+s17+$0x0], $0xffff;
	_ =	sdelay $0x1  }
0x266: {  	v0 =	vadd.s32 $0x7000, v0;
	_ =	sdelay $0x2  }
0x267: {  	[tilespmem:s26+$0x17820] =	vst v1;
	v1 =	vld [tilespmem:s26+$0x10];
	_ =	sdelay $0x1  }
0x268: {  	v0 =	vld.idx.msk [tilespmem:v0+s17+$0x0], $0xffff;
	_ =	sdelay $0x4  }
0x269: {  	[tilespmem:s26+$0x18020] =	vst v0  }
0x26a: {  	v0 =	vld.idx.msk [tilespmem:v1+s17+$0x0], $0xffff  }
0x26b: {  	v2 =	vadd.s32 $0x1000, v1;
	_ =	sdelay $0x3  }
0x26c: {  	[tilespmem:s26+$0x14830] =	vst v0  }
0x26d: {  	v0 =	vld.idx.msk [tilespmem:v2+s17+$0x0], $0xffff  }
0x26e: {  	v2 =	vadd.s32 $0x2000, v1;
	_ =	sdelay $0x3  }
0x26f: {  	[tilespmem:s26+$0x15030] =	vst v0  }
0x270: {  	v0 =	vld.idx.msk [tilespmem:v2+s17+$0x0], $0xffff  }
0x271: {  	v2 =	vadd.s32 $0x3000, v1;
	_ =	sdelay $0x3  }
0x272: {  	[tilespmem:s26+$0x15830] =	vst v0  }
0x273: {  	v0 =	vld.idx.msk [tilespmem:v2+s17+$0x0], $0xffff  }
0x274: {  	v2 =	vadd.s32 $0x4000, v1;
	_ =	sdelay $0x3  }
0x275: {  	[tilespmem:s26+$0x16030] =	vst v0  }
0x276: {  	v0 =	vld.idx.msk [tilespmem:v2+s17+$0x0], $0xffff  }
0x277: {  	v2 =	vadd.s32 $0x5000, v1;
	_ =	sdelay $0x3  }
0x278: {  	[tilespmem:s26+$0x16830] =	vst v0  }
0x279: {  	v0 =	vld.idx.msk [tilespmem:v2+s17+$0x0], $0xffff  }
0x27a: {  	v2 =	vadd.s32 $0x6000, v1;
	_ =	sdelay $0x3  }
0x27b: {  	[tilespmem:s26+$0x17030] =	vst v0  }
0x27c: {  	v0 =	vld.idx.msk [tilespmem:v2+s17+$0x0], $0xffff;
	_ =	sdelay $0x1  }
0x27d: {  	v1 =	vadd.s32 $0x7000, v1;
	_ =	sdelay $0x2  }
0x27e: {  	[tilespmem:s26+$0x17830] =	vst v0;
	v0 =	vld [tilespmem:s26+$0x20];
	_ =	sdelay $0x1  }
0x27f: {  	v1 =	vld.idx.msk [tilespmem:v1+s17+$0x0], $0xffff;
	_ =	sdelay $0x4  }
0x280: {  	[tilespmem:s26+$0x18030] =	vst v1  }
0x281: {  	v1 =	vld.idx.msk [tilespmem:v0+s17+$0x0], $0xffff  }
0x282: {  	v2 =	vadd.s32 $0x1000, v0;
	_ =	sdelay $0x3  }
0x283: {  	[tilespmem:s26+$0x14840] =	vst v1  }
0x284: {  	v1 =	vld.idx.msk [tilespmem:v2+s17+$0x0], $0xffff  }
0x285: {  	v2 =	vadd.s32 $0x2000, v0;
	_ =	sdelay $0x3  }
0x286: {  	[tilespmem:s26+$0x15040] =	vst v1  }
0x287: {  	v1 =	vld.idx.msk [tilespmem:v2+s17+$0x0], $0xffff  }
0x288: {  	v2 =	vadd.s32 $0x3000, v0;
	_ =	sdelay $0x3  }
0x289: {  	[tilespmem:s26+$0x15840] =	vst v1  }
0x28a: {  	v1 =	vld.idx.msk [tilespmem:v2+s17+$0x0], $0xffff  }
0x28b: {  	v2 =	vadd.s32 $0x4000, v0;
	_ =	sdelay $0x3  }
0x28c: {  	[tilespmem:s26+$0x16040] =	vst v1  }
0x28d: {  	v1 =	vld.idx.msk [tilespmem:v2+s17+$0x0], $0xffff  }
0x28e: {  	v2 =	vadd.s32 $0x5000, v0;
	_ =	sdelay $0x3  }
0x28f: {  	[tilespmem:s26+$0x16840] =	vst v1  }
0x290: {  	v1 =	vld.idx.msk [tilespmem:v2+s17+$0x0], $0xffff  }
0x291: {  	v2 =	vadd.s32 $0x6000, v0;
	_ =	sdelay $0x3  }
0x292: {  	[tilespmem:s26+$0x17040] =	vst v1  }
0x293: {  	v1 =	vld.idx.msk [tilespmem:v2+s17+$0x0], $0xffff;
	_ =	sdelay $0x1  }
0x294: {  	v0 =	vadd.s32 $0x7000, v0;
	_ =	sdelay $0x2  }
0x295: {  	[tilespmem:s26+$0x17840] =	vst v1;
	v1 =	vld [tilespmem:s26+$0x30];
	_ =	sdelay $0x1  }
0x296: {  	v0 =	vld.idx.msk [tilespmem:v0+s17+$0x0], $0xffff;
	_ =	sdelay $0x4  }
0x297: {  	[tilespmem:s26+$0x18040] =	vst v0  }
0x298: {  	v0 =	vld.idx.msk [tilespmem:v1+s17+$0x0], $0xffff  }
0x299: {  	v2 =	vadd.s32 $0x1000, v1;
	_ =	sdelay $0x3  }
0x29a: {  	[tilespmem:s26+$0x14850] =	vst v0  }
0x29b: {  	v0 =	vld.idx.msk [tilespmem:v2+s17+$0x0], $0xffff  }
0x29c: {  	v2 =	vadd.s32 $0x2000, v1;
	_ =	sdelay $0x3  }
0x29d: {  	[tilespmem:s26+$0x15050] =	vst v0  }
0x29e: {  	v0 =	vld.idx.msk [tilespmem:v2+s17+$0x0], $0xffff  }
0x29f: {  	v2 =	vadd.s32 $0x3000, v1;
	_ =	sdelay $0x3  }
0x2a0: {  	[tilespmem:s26+$0x15850] =	vst v0  }
0x2a1: {  	v0 =	vld.idx.msk [tilespmem:v2+s17+$0x0], $0xffff  }
0x2a2: {  	v2 =	vadd.s32 $0x4000, v1;
	_ =	sdelay $0x3  }
0x2a3: {  	[tilespmem:s26+$0x16050] =	vst v0  }
0x2a4: {  	v0 =	vld.idx.msk [tilespmem:v2+s17+$0x0], $0xffff  }
0x2a5: {  	v2 =	vadd.s32 $0x5000, v1;
	_ =	sdelay $0x3  }
0x2a6: {  	[tilespmem:s26+$0x16850] =	vst v0  }
0x2a7: {  	v0 =	vld.idx.msk [tilespmem:v2+s17+$0x0], $0xffff  }
0x2a8: {  	v2 =	vadd.s32 $0x6000, v1;
	_ =	sdelay $0x3  }
0x2a9: {  	[tilespmem:s26+$0x17050] =	vst v0  }
0x2aa: {  	v0 =	vld.idx.msk [tilespmem:v2+s17+$0x0], $0xffff;
	_ =	sdelay $0x1  }
0x2ab: {  	v1 =	vadd.s32 $0x7000, v1;
	_ =	sdelay $0x2  }
0x2ac: {  	[tilespmem:s26+$0x17850] =	vst v0;
	v0 =	vld [tilespmem:s26+$0x40];
	_ =	sdelay $0x1  }
0x2ad: {  	v1 =	vld.idx.msk [tilespmem:v1+s17+$0x0], $0xffff;
	_ =	sdelay $0x4  }
0x2ae: {  	[tilespmem:s26+$0x18050] =	vst v1  }
0x2af: {  	v1 =	vld.idx.msk [tilespmem:v0+s17+$0x0], $0xffff  }
0x2b0: {  	v2 =	vadd.s32 $0x1000, v0;
	_ =	sdelay $0x3  }
0x2b1: {  	[tilespmem:s26+$0x14860] =	vst v1  }
0x2b2: {  	v1 =	vld.idx.msk [tilespmem:v2+s17+$0x0], $0xffff  }
0x2b3: {  	v2 =	vadd.s32 $0x2000, v0;
	_ =	sdelay $0x3  }
0x2b4: {  	[tilespmem:s26+$0x15060] =	vst v1  }
0x2b5: {  	v1 =	vld.idx.msk [tilespmem:v2+s17+$0x0], $0xffff  }
0x2b6: {  	v2 =	vadd.s32 $0x3000, v0;
	_ =	sdelay $0x3  }
0x2b7: {  	[tilespmem:s26+$0x15860] =	vst v1  }
0x2b8: {  	v1 =	vld.idx.msk [tilespmem:v2+s17+$0x0], $0xffff  }
0x2b9: {  	v2 =	vadd.s32 $0x4000, v0;
	_ =	sdelay $0x3  }
0x2ba: {  	[tilespmem:s26+$0x16060] =	vst v1  }
0x2bb: {  	v1 =	vld.idx.msk [tilespmem:v2+s17+$0x0], $0xffff  }
0x2bc: {  	v2 =	vadd.s32 $0x5000, v0;
	_ =	sdelay $0x3  }
0x2bd: {  	[tilespmem:s26+$0x16860] =	vst v1  }
0x2be: {  	v1 =	vld.idx.msk [tilespmem:v2+s17+$0x0], $0xffff  }
0x2bf: {  	v2 =	vadd.s32 $0x6000, v0;
	_ =	sdelay $0x3  }
0x2c0: {  	[tilespmem:s26+$0x17060] =	vst v1  }
0x2c1: {  	v1 =	vld.idx.msk [tilespmem:v2+s17+$0x0], $0xffff;
	_ =	sdelay $0x1  }
0x2c2: {  	v0 =	vadd.s32 $0x7000, v0;
	_ =	sdelay $0x2  }
0x2c3: {  	[tilespmem:s26+$0x17860] =	vst v1;
	v1 =	vld [tilespmem:s26+$0x50];
	_ =	sdelay $0x1  }
0x2c4: {  	v0 =	vld.idx.msk [tilespmem:v0+s17+$0x0], $0xffff;
	_ =	sdelay $0x4  }
0x2c5: {  	[tilespmem:s26+$0x18060] =	vst v0  }
0x2c6: {  	v0 =	vld.idx.msk [tilespmem:v1+s17+$0x0], $0xffff  }
0x2c7: {  	v2 =	vadd.s32 $0x1000, v1;
	_ =	sdelay $0x3  }
0x2c8: {  	[tilespmem:s26+$0x14870] =	vst v0  }
0x2c9: {  	v0 =	vld.idx.msk [tilespmem:v2+s17+$0x0], $0xffff  }
0x2ca: {  	v2 =	vadd.s32 $0x2000, v1;
	_ =	sdelay $0x3  }
0x2cb: {  	[tilespmem:s26+$0x15070] =	vst v0  }
0x2cc: {  	v0 =	vld.idx.msk [tilespmem:v2+s17+$0x0], $0xffff  }
0x2cd: {  	v2 =	vadd.s32 $0x3000, v1;
	_ =	sdelay $0x3  }
0x2ce: {  	[tilespmem:s26+$0x15870] =	vst v0  }
0x2cf: {  	v0 =	vld.idx.msk [tilespmem:v2+s17+$0x0], $0xffff  }
0x2d0: {  	v2 =	vadd.s32 $0x4000, v1;
	_ =	sdelay $0x3  }
0x2d1: {  	[tilespmem:s26+$0x16070] =	vst v0  }
0x2d2: {  	v0 =	vld.idx.msk [tilespmem:v2+s17+$0x0], $0xffff  }
0x2d3: {  	v2 =	vadd.s32 $0x5000, v1;
	_ =	sdelay $0x3  }
0x2d4: {  	[tilespmem:s26+$0x16870] =	vst v0  }
0x2d5: {  	v0 =	vld.idx.msk [tilespmem:v2+s17+$0x0], $0xffff  }
0x2d6: {  	v2 =	vadd.s32 $0x6000, v1;
	_ =	sdelay $0x3  }
0x2d7: {  	[tilespmem:s26+$0x17070] =	vst v0  }
0x2d8: {  	v0 =	vld.idx.msk [tilespmem:v2+s17+$0x0], $0xffff;
	_ =	sdelay $0x1  }
0x2d9: {  	v1 =	vadd.s32 $0x7000, v1;
	_ =	sdelay $0x2  }
0x2da: {  	[tilespmem:s26+$0x17870] =	vst v0;
	v0 =	vld [tilespmem:s26+$0x60];
	_ =	sdelay $0x1  }
0x2db: {  	v1 =	vld.idx.msk [tilespmem:v1+s17+$0x0], $0xffff;
	_ =	sdelay $0x4  }
0x2dc: {  	[tilespmem:s26+$0x18070] =	vst v1  }
0x2dd: {  	v1 =	vld.idx.msk [tilespmem:v0+s17+$0x0], $0xffff  }
0x2de: {  	v2 =	vadd.s32 $0x1000, v0;
	_ =	sdelay $0x3  }
0x2df: {  	[tilespmem:s26+$0x14880] =	vst v1  }
0x2e0: {  	v1 =	vld.idx.msk [tilespmem:v2+s17+$0x0], $0xffff  }
0x2e1: {  	v2 =	vadd.s32 $0x2000, v0;
	_ =	sdelay $0x3  }
0x2e2: {  	[tilespmem:s26+$0x15080] =	vst v1  }
0x2e3: {  	v1 =	vld.idx.msk [tilespmem:v2+s17+$0x0], $0xffff  }
0x2e4: {  	v2 =	vadd.s32 $0x3000, v0;
	_ =	sdelay $0x3  }
0x2e5: {  	[tilespmem:s26+$0x15880] =	vst v1  }
0x2e6: {  	v1 =	vld.idx.msk [tilespmem:v2+s17+$0x0], $0xffff  }
0x2e7: {  	v2 =	vadd.s32 $0x4000, v0;
	_ =	sdelay $0x3  }
0x2e8: {  	[tilespmem:s26+$0x16080] =	vst v1  }
0x2e9: {  	v1 =	vld.idx.msk [tilespmem:v2+s17+$0x0], $0xffff  }
0x2ea: {  	v2 =	vadd.s32 $0x5000, v0;
	_ =	sdelay $0x3  }
0x2eb: {  	[tilespmem:s26+$0x16880] =	vst v1  }
0x2ec: {  	v1 =	vld.idx.msk [tilespmem:v2+s17+$0x0], $0xffff  }
0x2ed: {  	v2 =	vadd.s32 $0x6000, v0;
	_ =	sdelay $0x3  }
0x2ee: {  	[tilespmem:s26+$0x17080] =	vst v1  }
0x2ef: {  	v1 =	vld.idx.msk [tilespmem:v2+s17+$0x0], $0xffff;
	_ =	sdelay $0x1  }
0x2f0: {  	v0 =	vadd.s32 $0x7000, v0;
	_ =	sdelay $0x2  }
0x2f1: {  	[tilespmem:s26+$0x17880] =	vst v1;
	v1 =	vld [tilespmem:s26+$0x70];
	_ =	sdelay $0x1  }
0x2f2: {  	v0 =	vld.idx.msk [tilespmem:v0+s17+$0x0], $0xffff;
	_ =	sdelay $0x4  }
0x2f3: {  	[tilespmem:s26+$0x18080] =	vst v0  }
0x2f4: {  	v0 =	vld.idx.msk [tilespmem:v1+s17+$0x0], $0xffff  }
0x2f5: {  	v2 =	vadd.s32 $0x1000, v1;
	_ =	sdelay $0x3  }
0x2f6: {  	[tilespmem:s26+$0x14890] =	vst v0  }
0x2f7: {  	v0 =	vld.idx.msk [tilespmem:v2+s17+$0x0], $0xffff  }
0x2f8: {  	v2 =	vadd.s32 $0x2000, v1;
	_ =	sdelay $0x3  }
0x2f9: {  	[tilespmem:s26+$0x15090] =	vst v0  }
0x2fa: {  	v0 =	vld.idx.msk [tilespmem:v2+s17+$0x0], $0xffff  }
0x2fb: {  	v2 =	vadd.s32 $0x3000, v1;
	_ =	sdelay $0x3  }
0x2fc: {  	[tilespmem:s26+$0x15890] =	vst v0  }
0x2fd: {  	v0 =	vld.idx.msk [tilespmem:v2+s17+$0x0], $0xffff  }
0x2fe: {  	v2 =	vadd.s32 $0x4000, v1;
	_ =	sdelay $0x3  }
0x2ff: {  	[tilespmem:s26+$0x16090] =	vst v0  }
0x300: {  	v0 =	vld.idx.msk [tilespmem:v2+s17+$0x0], $0xffff  }
0x301: {  	v2 =	vadd.s32 $0x5000, v1;
	_ =	sdelay $0x3  }
0x302: {  	[tilespmem:s26+$0x16890] =	vst v0  }
0x303: {  	v0 =	vld.idx.msk [tilespmem:v2+s17+$0x0], $0xffff  }
0x304: {  	v2 =	vadd.s32 $0x6000, v1;
	_ =	sdelay $0x3  }
0x305: {  	[tilespmem:s26+$0x17090] =	vst v0  }
0x306: {  	v0 =	vld.idx.msk [tilespmem:v2+s17+$0x0], $0xffff  }
0x307: {  	v1 =	vadd.s32 $0x7000, v1;
	_ =	sdelay $0x2  }
0x308: {  	s28 =	simm.s32 $0x400;
	s29 =	simm.s32 $0x80  }
.LBB2_4:
0x309: {  	p0 =	sne.s32 s28, $0x1E00;
	v2 =	vld [tilespmem:s29+$0x0];
	[tilespmem:s26+$0x17890] =	vst v0  }
0x30a: {  	v0 =	vld.idx.msk [tilespmem:v1+s17+$0x0], $0xffff;
	_ =	sdelay $0x5  }
0x30b: {  	[tilespmem:s26+$0x18090] =	vst v0;
	s26 =	smov.u32 s29  }
0x30c: {  	v0 =	vld.idx.msk [tilespmem:v2+s17+$0x0], $0xffff;
	_ =	sdelay $0x1  }
0x30d: {  	v1 =	vadd.s32 $0x1000, v2;
	_ =	sdelay $0x3  }
0x30e: {  	[tilespmem:s26+$0x14820] =	vst v0  }
0x30f: {  	v0 =	vld.idx.msk [tilespmem:v1+s17+$0x0], $0xffff;
	_ =	sdelay $0x1  }
0x310: {  	v1 =	vadd.s32 $0x2000, v2;
	_ =	sdelay $0x3  }
0x311: {  	[tilespmem:s26+$0x15020] =	vst v0  }
0x312: {  	v0 =	vld.idx.msk [tilespmem:v1+s17+$0x0], $0xffff;
	_ =	sdelay $0x1  }
0x313: {  	v1 =	vadd.s32 $0x3000, v2;
	_ =	sdelay $0x3  }
0x314: {  	[tilespmem:s26+$0x15820] =	vst v0  }
0x315: {  	v0 =	vld.idx.msk [tilespmem:v1+s17+$0x0], $0xffff;
	_ =	sdelay $0x1  }
0x316: {  	v1 =	vadd.s32 $0x4000, v2;
	_ =	sdelay $0x3  }
0x317: {  	[tilespmem:s26+$0x16020] =	vst v0  }
0x318: {  	v0 =	vld.idx.msk [tilespmem:v1+s17+$0x0], $0xffff;
	_ =	sdelay $0x1  }
0x319: {  	v1 =	vadd.s32 $0x5000, v2;
	_ =	sdelay $0x3  }
0x31a: {  	[tilespmem:s26+$0x16820] =	vst v0  }
0x31b: {  	v0 =	vld.idx.msk [tilespmem:v1+s17+$0x0], $0xffff;
	_ =	sdelay $0x1  }
0x31c: {  	v1 =	vadd.s32 $0x6000, v2;
	_ =	sdelay $0x3  }
0x31d: {  	[tilespmem:s26+$0x17020] =	vst v0  }
0x31e: {  	v0 =	vld.idx.msk [tilespmem:v1+s17+$0x0], $0xffff;
	_ =	sdelay $0x1  }
0x31f: {  	v1 =	vadd.s32 $0x7000, v2;
	_ =	sdelay $0x3  }
0x320: {  	[tilespmem:s26+$0x17820] =	vst v0;
	v0 =	vld [tilespmem:s26+$0x10]  }
0x321: {  	v1 =	vld.idx.msk [tilespmem:v1+s17+$0x0], $0xffff;
	_ =	sdelay $0x5  }
0x322: {  	[tilespmem:s26+$0x18020] =	vst v1  }
0x323: {  	v1 =	vld.idx.msk [tilespmem:v0+s17+$0x0], $0xffff;
	_ =	sdelay $0x1  }
0x324: {  	v2 =	vadd.s32 $0x1000, v0;
	_ =	sdelay $0x3  }
0x325: {  	[tilespmem:s26+$0x14830] =	vst v1  }
0x326: {  	v1 =	vld.idx.msk [tilespmem:v2+s17+$0x0], $0xffff;
	_ =	sdelay $0x1  }
0x327: {  	v2 =	vadd.s32 $0x2000, v0;
	_ =	sdelay $0x3  }
0x328: {  	[tilespmem:s26+$0x15030] =	vst v1  }
0x329: {  	v1 =	vld.idx.msk [tilespmem:v2+s17+$0x0], $0xffff;
	_ =	sdelay $0x1  }
0x32a: {  	v2 =	vadd.s32 $0x3000, v0;
	_ =	sdelay $0x3  }
0x32b: {  	[tilespmem:s26+$0x15830] =	vst v1  }
0x32c: {  	v1 =	vld.idx.msk [tilespmem:v2+s17+$0x0], $0xffff;
	_ =	sdelay $0x1  }
0x32d: {  	v2 =	vadd.s32 $0x4000, v0;
	_ =	sdelay $0x3  }
0x32e: {  	[tilespmem:s26+$0x16030] =	vst v1  }
0x32f: {  	v1 =	vld.idx.msk [tilespmem:v2+s17+$0x0], $0xffff;
	_ =	sdelay $0x1  }
0x330: {  	v2 =	vadd.s32 $0x5000, v0;
	_ =	sdelay $0x3  }
0x331: {  	[tilespmem:s26+$0x16830] =	vst v1  }
0x332: {  	v1 =	vld.idx.msk [tilespmem:v2+s17+$0x0], $0xffff;
	_ =	sdelay $0x1  }
0x333: {  	v2 =	vadd.s32 $0x6000, v0;
	_ =	sdelay $0x3  }
0x334: {  	[tilespmem:s26+$0x17030] =	vst v1  }
0x335: {  	v1 =	vld.idx.msk [tilespmem:v2+s17+$0x0], $0xffff;
	_ =	sdelay $0x1  }
0x336: {  	v0 =	vadd.s32 $0x7000, v0;
	_ =	sdelay $0x3  }
0x337: {  	[tilespmem:s26+$0x17830] =	vst v1;
	v1 =	vld [tilespmem:s26+$0x20]  }
0x338: {  	v0 =	vld.idx.msk [tilespmem:v0+s17+$0x0], $0xffff;
	_ =	sdelay $0x5  }
0x339: {  	[tilespmem:s26+$0x18030] =	vst v0  }
0x33a: {  	v0 =	vld.idx.msk [tilespmem:v1+s17+$0x0], $0xffff;
	_ =	sdelay $0x1  }
0x33b: {  	v2 =	vadd.s32 $0x1000, v1;
	_ =	sdelay $0x3  }
0x33c: {  	[tilespmem:s26+$0x14840] =	vst v0  }
0x33d: {  	v0 =	vld.idx.msk [tilespmem:v2+s17+$0x0], $0xffff;
	_ =	sdelay $0x1  }
0x33e: {  	v2 =	vadd.s32 $0x2000, v1;
	_ =	sdelay $0x3  }
0x33f: {  	[tilespmem:s26+$0x15040] =	vst v0  }
0x340: {  	v0 =	vld.idx.msk [tilespmem:v2+s17+$0x0], $0xffff;
	_ =	sdelay $0x1  }
0x341: {  	v2 =	vadd.s32 $0x3000, v1;
	_ =	sdelay $0x3  }
0x342: {  	[tilespmem:s26+$0x15840] =	vst v0  }
0x343: {  	v0 =	vld.idx.msk [tilespmem:v2+s17+$0x0], $0xffff;
	_ =	sdelay $0x1  }
0x344: {  	v2 =	vadd.s32 $0x4000, v1;
	_ =	sdelay $0x3  }
0x345: {  	[tilespmem:s26+$0x16040] =	vst v0  }
0x346: {  	v0 =	vld.idx.msk [tilespmem:v2+s17+$0x0], $0xffff;
	_ =	sdelay $0x1  }
0x347: {  	v2 =	vadd.s32 $0x5000, v1;
	_ =	sdelay $0x3  }
0x348: {  	[tilespmem:s26+$0x16840] =	vst v0  }
0x349: {  	v0 =	vld.idx.msk [tilespmem:v2+s17+$0x0], $0xffff;
	_ =	sdelay $0x1  }
0x34a: {  	v2 =	vadd.s32 $0x6000, v1;
	_ =	sdelay $0x3  }
0x34b: {  	[tilespmem:s26+$0x17040] =	vst v0  }
0x34c: {  	v0 =	vld.idx.msk [tilespmem:v2+s17+$0x0], $0xffff;
	_ =	sdelay $0x1  }
0x34d: {  	v1 =	vadd.s32 $0x7000, v1;
	_ =	sdelay $0x3  }
0x34e: {  	[tilespmem:s26+$0x17840] =	vst v0;
	v0 =	vld [tilespmem:s26+$0x30]  }
0x34f: {  	v1 =	vld.idx.msk [tilespmem:v1+s17+$0x0], $0xffff;
	_ =	sdelay $0x5  }
0x350: {  	[tilespmem:s26+$0x18040] =	vst v1  }
0x351: {  	v1 =	vld.idx.msk [tilespmem:v0+s17+$0x0], $0xffff;
	_ =	sdelay $0x1  }
0x352: {  	v2 =	vadd.s32 $0x1000, v0;
	_ =	sdelay $0x3  }
0x353: {  	[tilespmem:s26+$0x14850] =	vst v1  }
0x354: {  	v1 =	vld.idx.msk [tilespmem:v2+s17+$0x0], $0xffff;
	_ =	sdelay $0x1  }
0x355: {  	v2 =	vadd.s32 $0x2000, v0;
	_ =	sdelay $0x3  }
0x356: {  	[tilespmem:s26+$0x15050] =	vst v1  }
0x357: {  	v1 =	vld.idx.msk [tilespmem:v2+s17+$0x0], $0xffff;
	_ =	sdelay $0x1  }
0x358: {  	v2 =	vadd.s32 $0x3000, v0;
	_ =	sdelay $0x3  }
0x359: {  	[tilespmem:s26+$0x15850] =	vst v1  }
0x35a: {  	v1 =	vld.idx.msk [tilespmem:v2+s17+$0x0], $0xffff;
	_ =	sdelay $0x1  }
0x35b: {  	v2 =	vadd.s32 $0x4000, v0;
	_ =	sdelay $0x3  }
0x35c: {  	[tilespmem:s26+$0x16050] =	vst v1  }
0x35d: {  	v1 =	vld.idx.msk [tilespmem:v2+s17+$0x0], $0xffff;
	_ =	sdelay $0x1  }
0x35e: {  	v2 =	vadd.s32 $0x5000, v0;
	_ =	sdelay $0x3  }
0x35f: {  	[tilespmem:s26+$0x16850] =	vst v1  }
0x360: {  	v1 =	vld.idx.msk [tilespmem:v2+s17+$0x0], $0xffff;
	_ =	sdelay $0x1  }
0x361: {  	v2 =	vadd.s32 $0x6000, v0;
	_ =	sdelay $0x3  }
0x362: {  	[tilespmem:s26+$0x17050] =	vst v1  }
0x363: {  	v1 =	vld.idx.msk [tilespmem:v2+s17+$0x0], $0xffff;
	_ =	sdelay $0x1  }
0x364: {  	v0 =	vadd.s32 $0x7000, v0;
	_ =	sdelay $0x3  }
0x365: {  	[tilespmem:s26+$0x17850] =	vst v1;
	v1 =	vld [tilespmem:s26+$0x40]  }
0x366: {  	v0 =	vld.idx.msk [tilespmem:v0+s17+$0x0], $0xffff;
	_ =	sdelay $0x5  }
0x367: {  	[tilespmem:s26+$0x18050] =	vst v0  }
0x368: {  	v0 =	vld.idx.msk [tilespmem:v1+s17+$0x0], $0xffff;
	_ =	sdelay $0x1  }
0x369: {  	v2 =	vadd.s32 $0x1000, v1;
	_ =	sdelay $0x3  }
0x36a: {  	[tilespmem:s26+$0x14860] =	vst v0  }
0x36b: {  	v0 =	vld.idx.msk [tilespmem:v2+s17+$0x0], $0xffff;
	_ =	sdelay $0x1  }
0x36c: {  	v2 =	vadd.s32 $0x2000, v1;
	_ =	sdelay $0x3  }
0x36d: {  	[tilespmem:s26+$0x15060] =	vst v0  }
0x36e: {  	v0 =	vld.idx.msk [tilespmem:v2+s17+$0x0], $0xffff;
	_ =	sdelay $0x1  }
0x36f: {  	v2 =	vadd.s32 $0x3000, v1;
	_ =	sdelay $0x3  }
0x370: {  	[tilespmem:s26+$0x15860] =	vst v0  }
0x371: {  	v0 =	vld.idx.msk [tilespmem:v2+s17+$0x0], $0xffff;
	_ =	sdelay $0x1  }
0x372: {  	v2 =	vadd.s32 $0x4000, v1;
	_ =	sdelay $0x3  }
0x373: {  	[tilespmem:s26+$0x16060] =	vst v0  }
0x374: {  	v0 =	vld.idx.msk [tilespmem:v2+s17+$0x0], $0xffff;
	_ =	sdelay $0x1  }
0x375: {  	v2 =	vadd.s32 $0x5000, v1;
	_ =	sdelay $0x3  }
0x376: {  	[tilespmem:s26+$0x16860] =	vst v0  }
0x377: {  	v0 =	vld.idx.msk [tilespmem:v2+s17+$0x0], $0xffff;
	_ =	sdelay $0x1  }
0x378: {  	v2 =	vadd.s32 $0x6000, v1;
	_ =	sdelay $0x3  }
0x379: {  	[tilespmem:s26+$0x17060] =	vst v0  }
0x37a: {  	v0 =	vld.idx.msk [tilespmem:v2+s17+$0x0], $0xffff;
	_ =	sdelay $0x1  }
0x37b: {  	v1 =	vadd.s32 $0x7000, v1;
	_ =	sdelay $0x3  }
0x37c: {  	[tilespmem:s26+$0x17860] =	vst v0;
	v0 =	vld [tilespmem:s26+$0x50]  }
0x37d: {  	v1 =	vld.idx.msk [tilespmem:v1+s17+$0x0], $0xffff;
	_ =	sdelay $0x5  }
0x37e: {  	[tilespmem:s26+$0x18060] =	vst v1  }
0x37f: {  	v1 =	vld.idx.msk [tilespmem:v0+s17+$0x0], $0xffff;
	_ =	sdelay $0x1  }
0x380: {  	v2 =	vadd.s32 $0x1000, v0;
	_ =	sdelay $0x3  }
0x381: {  	[tilespmem:s26+$0x14870] =	vst v1  }
0x382: {  	v1 =	vld.idx.msk [tilespmem:v2+s17+$0x0], $0xffff;
	_ =	sdelay $0x1  }
0x383: {  	v2 =	vadd.s32 $0x2000, v0;
	_ =	sdelay $0x3  }
0x384: {  	[tilespmem:s26+$0x15070] =	vst v1  }
0x385: {  	v1 =	vld.idx.msk [tilespmem:v2+s17+$0x0], $0xffff;
	_ =	sdelay $0x1  }
0x386: {  	v2 =	vadd.s32 $0x3000, v0;
	_ =	sdelay $0x3  }
0x387: {  	[tilespmem:s26+$0x15870] =	vst v1  }
0x388: {  	v1 =	vld.idx.msk [tilespmem:v2+s17+$0x0], $0xffff;
	_ =	sdelay $0x1  }
0x389: {  	v2 =	vadd.s32 $0x4000, v0;
	_ =	sdelay $0x3  }
0x38a: {  	[tilespmem:s26+$0x16070] =	vst v1  }
0x38b: {  	v1 =	vld.idx.msk [tilespmem:v2+s17+$0x0], $0xffff;
	_ =	sdelay $0x1  }
0x38c: {  	v2 =	vadd.s32 $0x5000, v0;
	_ =	sdelay $0x3  }
0x38d: {  	[tilespmem:s26+$0x16870] =	vst v1  }
0x38e: {  	v1 =	vld.idx.msk [tilespmem:v2+s17+$0x0], $0xffff;
	_ =	sdelay $0x1  }
0x38f: {  	v2 =	vadd.s32 $0x6000, v0;
	_ =	sdelay $0x3  }
0x390: {  	[tilespmem:s26+$0x17070] =	vst v1  }
0x391: {  	v1 =	vld.idx.msk [tilespmem:v2+s17+$0x0], $0xffff;
	_ =	sdelay $0x1  }
0x392: {  	v0 =	vadd.s32 $0x7000, v0;
	_ =	sdelay $0x3  }
0x393: {  	[tilespmem:s26+$0x17870] =	vst v1;
	v1 =	vld [tilespmem:s26+$0x60]  }
0x394: {  	v0 =	vld.idx.msk [tilespmem:v0+s17+$0x0], $0xffff;
	_ =	sdelay $0x5  }
0x395: {  	[tilespmem:s26+$0x18070] =	vst v0  }
0x396: {  	v0 =	vld.idx.msk [tilespmem:v1+s17+$0x0], $0xffff;
	_ =	sdelay $0x1  }
0x397: {  	v2 =	vadd.s32 $0x1000, v1;
	_ =	sdelay $0x3  }
0x398: {  	[tilespmem:s26+$0x14880] =	vst v0  }
0x399: {  	v0 =	vld.idx.msk [tilespmem:v2+s17+$0x0], $0xffff;
	_ =	sdelay $0x1  }
0x39a: {  	v2 =	vadd.s32 $0x2000, v1;
	_ =	sdelay $0x3  }
0x39b: {  	[tilespmem:s26+$0x15080] =	vst v0  }
0x39c: {  	v0 =	vld.idx.msk [tilespmem:v2+s17+$0x0], $0xffff;
	_ =	sdelay $0x1  }
0x39d: {  	v2 =	vadd.s32 $0x3000, v1;
	_ =	sdelay $0x3  }
0x39e: {  	[tilespmem:s26+$0x15880] =	vst v0  }
0x39f: {  	v0 =	vld.idx.msk [tilespmem:v2+s17+$0x0], $0xffff;
	_ =	sdelay $0x1  }
0x3a0: {  	v2 =	vadd.s32 $0x4000, v1;
	_ =	sdelay $0x3  }
0x3a1: {  	[tilespmem:s26+$0x16080] =	vst v0  }
0x3a2: {  	v0 =	vld.idx.msk [tilespmem:v2+s17+$0x0], $0xffff;
	_ =	sdelay $0x1  }
0x3a3: {  	v2 =	vadd.s32 $0x5000, v1;
	_ =	sdelay $0x3  }
0x3a4: {  	[tilespmem:s26+$0x16880] =	vst v0  }
0x3a5: {  	v0 =	vld.idx.msk [tilespmem:v2+s17+$0x0], $0xffff;
	_ =	sdelay $0x1  }
0x3a6: {  	v2 =	vadd.s32 $0x6000, v1;
	_ =	sdelay $0x3  }
0x3a7: {  	[tilespmem:s26+$0x17080] =	vst v0  }
0x3a8: {  	v0 =	vld.idx.msk [tilespmem:v2+s17+$0x0], $0xffff;
	_ =	sdelay $0x1  }
0x3a9: {  	v1 =	vadd.s32 $0x7000, v1;
	_ =	sdelay $0x3  }
0x3aa: {  	[tilespmem:s26+$0x17880] =	vst v0;
	v2 =	vld [tilespmem:s26+$0x70]  }
0x3ab: {  	v0 =	vld.idx.msk [tilespmem:v1+s17+$0x0], $0xffff;
	_ =	sdelay $0x5  }
0x3ac: {  	[tilespmem:s26+$0x18080] =	vst v0  }
0x3ad: {  	v0 =	vld.idx.msk [tilespmem:v2+s17+$0x0], $0xffff;
	_ =	sdelay $0x1  }
0x3ae: {  	v1 =	vadd.s32 $0x1000, v2;
	_ =	sdelay $0x3  }
0x3af: {  	[tilespmem:s26+$0x14890] =	vst v0  }
0x3b0: {  	v0 =	vld.idx.msk [tilespmem:v1+s17+$0x0], $0xffff;
	_ =	sdelay $0x1  }
0x3b1: {  	v1 =	vadd.s32 $0x2000, v2;
	_ =	sdelay $0x3  }
0x3b2: {  	[tilespmem:s26+$0x15090] =	vst v0  }
0x3b3: {  	v0 =	vld.idx.msk [tilespmem:v1+s17+$0x0], $0xffff;
	_ =	sdelay $0x1  }
0x3b4: {  	v1 =	vadd.s32 $0x3000, v2;
	_ =	sdelay $0x3  }
0x3b5: {  	[tilespmem:s26+$0x15890] =	vst v0  }
0x3b6: {  	v0 =	vld.idx.msk [tilespmem:v1+s17+$0x0], $0xffff;
	_ =	sdelay $0x1  }
0x3b7: {  	v1 =	vadd.s32 $0x4000, v2;
	_ =	sdelay $0x3  }
0x3b8: {  	[tilespmem:s26+$0x16090] =	vst v0  }
0x3b9: {  	v0 =	vld.idx.msk [tilespmem:v1+s17+$0x0], $0xffff;
	_ =	sdelay $0x1  }
0x3ba: {  	v1 =	vadd.s32 $0x5000, v2;
	_ =	sdelay $0x3  }
0x3bb: {  	[tilespmem:s26+$0x16890] =	vst v0  }
0x3bc: {  	v0 =	vld.idx.msk [tilespmem:v1+s17+$0x0], $0xffff;
	_ =	sdelay $0x1  }
0x3bd: {  	v1 =	vadd.s32 $0x6000, v2;
	_ =	sdelay $0x3  }
0x3be: {  	[tilespmem:s26+$0x17090] =	vst v0  }
0x3bf: {  	v0 =	vld.idx.msk [tilespmem:v1+s17+$0x0], $0xffff  }
.Ltmp1:
0x3c0: {  	(pc) =	sbr.rel @p0 .LBB2_4-.Ltmp1, $2  }
0x3c1: {  	v1 =	vadd.s32 $0x7000, v2;
	_ =	sdelay $0x2  }
0x3c2: {  	s29 =	sshra.s32 s28, $0x2;
	s28 =	sadd.s32 $0x200, s28  }
0x3c3: {  	_ =	sdelay $0x1  }
0x3c4: {  	v2 =	vld [tilespmem:s29+$0x0]  }
0x3c5: {  	[tilespmem:s26+$0x17890] =	vst v0  }
0x3c6: {  	v0 =	vld.idx.msk [tilespmem:v1+s17+$0x0], $0xffff;
	_ =	sdelay $0x4  }
0x3c7: {  	[tilespmem:s26+$0x18090] =	vst v0  }
0x3c8: {  	v0 =	vld.idx.msk [tilespmem:v2+s17+$0x0], $0xffff  }
0x3c9: {  	v1 =	vadd.s32 $0x1000, v2;
	_ =	sdelay $0x3  }
0x3ca: {  	[tilespmem:s29+$0x14820] =	vst v0  }
0x3cb: {  	v0 =	vld.idx.msk [tilespmem:v1+s17+$0x0], $0xffff  }
0x3cc: {  	v1 =	vadd.s32 $0x2000, v2;
	_ =	sdelay $0x3  }
0x3cd: {  	[tilespmem:s29+$0x15020] =	vst v0  }
0x3ce: {  	v0 =	vld.idx.msk [tilespmem:v1+s17+$0x0], $0xffff  }
0x3cf: {  	v1 =	vadd.s32 $0x3000, v2;
	_ =	sdelay $0x3  }
0x3d0: {  	[tilespmem:s29+$0x15820] =	vst v0  }
0x3d1: {  	v0 =	vld.idx.msk [tilespmem:v1+s17+$0x0], $0xffff  }
0x3d2: {  	v1 =	vadd.s32 $0x4000, v2;
	_ =	sdelay $0x3  }
0x3d3: {  	[tilespmem:s29+$0x16020] =	vst v0  }
0x3d4: {  	v0 =	vld.idx.msk [tilespmem:v1+s17+$0x0], $0xffff  }
0x3d5: {  	v1 =	vadd.s32 $0x5000, v2;
	_ =	sdelay $0x3  }
0x3d6: {  	[tilespmem:s29+$0x16820] =	vst v0  }
0x3d7: {  	v0 =	vld.idx.msk [tilespmem:v1+s17+$0x0], $0xffff  }
0x3d8: {  	v1 =	vadd.s32 $0x6000, v2;
	_ =	sdelay $0x3  }
0x3d9: {  	[tilespmem:s29+$0x17020] =	vst v0  }
0x3da: {  	v0 =	vld.idx.msk [tilespmem:v1+s17+$0x0], $0xffff;
	_ =	sdelay $0x1  }
0x3db: {  	v1 =	vadd.s32 $0x7000, v2;
	_ =	sdelay $0x2  }
0x3dc: {  	[tilespmem:s29+$0x17820] =	vst v0;
	v0 =	vld [tilespmem:s29+$0x10];
	_ =	sdelay $0x1  }
0x3dd: {  	v1 =	vld.idx.msk [tilespmem:v1+s17+$0x0], $0xffff;
	_ =	sdelay $0x4  }
0x3de: {  	[tilespmem:s29+$0x18020] =	vst v1  }
0x3df: {  	v1 =	vld.idx.msk [tilespmem:v0+s17+$0x0], $0xffff  }
0x3e0: {  	v2 =	vadd.s32 $0x1000, v0;
	_ =	sdelay $0x3  }
0x3e1: {  	[tilespmem:s29+$0x14830] =	vst v1  }
0x3e2: {  	v1 =	vld.idx.msk [tilespmem:v2+s17+$0x0], $0xffff  }
0x3e3: {  	v2 =	vadd.s32 $0x2000, v0;
	_ =	sdelay $0x3  }
0x3e4: {  	[tilespmem:s29+$0x15030] =	vst v1  }
0x3e5: {  	v1 =	vld.idx.msk [tilespmem:v2+s17+$0x0], $0xffff  }
0x3e6: {  	v2 =	vadd.s32 $0x3000, v0;
	_ =	sdelay $0x3  }
0x3e7: {  	[tilespmem:s29+$0x15830] =	vst v1  }
0x3e8: {  	v1 =	vld.idx.msk [tilespmem:v2+s17+$0x0], $0xffff  }
0x3e9: {  	v2 =	vadd.s32 $0x4000, v0;
	_ =	sdelay $0x3  }
0x3ea: {  	[tilespmem:s29+$0x16030] =	vst v1  }
0x3eb: {  	v1 =	vld.idx.msk [tilespmem:v2+s17+$0x0], $0xffff  }
0x3ec: {  	v2 =	vadd.s32 $0x5000, v0;
	_ =	sdelay $0x3  }
0x3ed: {  	[tilespmem:s29+$0x16830] =	vst v1  }
0x3ee: {  	v1 =	vld.idx.msk [tilespmem:v2+s17+$0x0], $0xffff  }
0x3ef: {  	v2 =	vadd.s32 $0x6000, v0;
	_ =	sdelay $0x3  }
0x3f0: {  	[tilespmem:s29+$0x17030] =	vst v1  }
0x3f1: {  	v1 =	vld.idx.msk [tilespmem:v2+s17+$0x0], $0xffff;
	_ =	sdelay $0x1  }
0x3f2: {  	v0 =	vadd.s32 $0x7000, v0;
	_ =	sdelay $0x2  }
0x3f3: {  	[tilespmem:s29+$0x17830] =	vst v1;
	v1 =	vld [tilespmem:s29+$0x20];
	_ =	sdelay $0x1  }
0x3f4: {  	v0 =	vld.idx.msk [tilespmem:v0+s17+$0x0], $0xffff;
	_ =	sdelay $0x4  }
0x3f5: {  	[tilespmem:s29+$0x18030] =	vst v0  }
0x3f6: {  	v0 =	vld.idx.msk [tilespmem:v1+s17+$0x0], $0xffff  }
0x3f7: {  	v2 =	vadd.s32 $0x1000, v1;
	_ =	sdelay $0x3  }
0x3f8: {  	[tilespmem:s29+$0x14840] =	vst v0  }
0x3f9: {  	v0 =	vld.idx.msk [tilespmem:v2+s17+$0x0], $0xffff  }
0x3fa: {  	v2 =	vadd.s32 $0x2000, v1;
	_ =	sdelay $0x3  }
0x3fb: {  	[tilespmem:s29+$0x15040] =	vst v0  }
0x3fc: {  	v0 =	vld.idx.msk [tilespmem:v2+s17+$0x0], $0xffff  }
0x3fd: {  	v2 =	vadd.s32 $0x3000, v1;
	_ =	sdelay $0x3  }
0x3fe: {  	[tilespmem:s29+$0x15840] =	vst v0  }
0x3ff: {  	v0 =	vld.idx.msk [tilespmem:v2+s17+$0x0], $0xffff  }
0x400: {  	v2 =	vadd.s32 $0x4000, v1;
	_ =	sdelay $0x3  }
0x401: {  	[tilespmem:s29+$0x16040] =	vst v0  }
0x402: {  	v0 =	vld.idx.msk [tilespmem:v2+s17+$0x0], $0xffff  }
0x403: {  	v2 =	vadd.s32 $0x5000, v1;
	_ =	sdelay $0x3  }
0x404: {  	[tilespmem:s29+$0x16840] =	vst v0  }
0x405: {  	v0 =	vld.idx.msk [tilespmem:v2+s17+$0x0], $0xffff  }
0x406: {  	v2 =	vadd.s32 $0x6000, v1;
	_ =	sdelay $0x3  }
0x407: {  	[tilespmem:s29+$0x17040] =	vst v0  }
0x408: {  	v0 =	vld.idx.msk [tilespmem:v2+s17+$0x0], $0xffff;
	_ =	sdelay $0x1  }
0x409: {  	v1 =	vadd.s32 $0x7000, v1;
	_ =	sdelay $0x2  }
0x40a: {  	[tilespmem:s29+$0x17840] =	vst v0;
	v0 =	vld [tilespmem:s29+$0x30];
	_ =	sdelay $0x1  }
0x40b: {  	v1 =	vld.idx.msk [tilespmem:v1+s17+$0x0], $0xffff;
	_ =	sdelay $0x4  }
0x40c: {  	[tilespmem:s29+$0x18040] =	vst v1  }
0x40d: {  	v1 =	vld.idx.msk [tilespmem:v0+s17+$0x0], $0xffff  }
0x40e: {  	v2 =	vadd.s32 $0x1000, v0;
	_ =	sdelay $0x3  }
0x40f: {  	[tilespmem:s29+$0x14850] =	vst v1  }
0x410: {  	v1 =	vld.idx.msk [tilespmem:v2+s17+$0x0], $0xffff  }
0x411: {  	v2 =	vadd.s32 $0x2000, v0;
	_ =	sdelay $0x3  }
0x412: {  	[tilespmem:s29+$0x15050] =	vst v1  }
0x413: {  	v1 =	vld.idx.msk [tilespmem:v2+s17+$0x0], $0xffff  }
0x414: {  	v2 =	vadd.s32 $0x3000, v0;
	_ =	sdelay $0x3  }
0x415: {  	[tilespmem:s29+$0x15850] =	vst v1  }
0x416: {  	v1 =	vld.idx.msk [tilespmem:v2+s17+$0x0], $0xffff  }
0x417: {  	v2 =	vadd.s32 $0x4000, v0;
	_ =	sdelay $0x3  }
0x418: {  	[tilespmem:s29+$0x16050] =	vst v1  }
0x419: {  	v1 =	vld.idx.msk [tilespmem:v2+s17+$0x0], $0xffff  }
0x41a: {  	v2 =	vadd.s32 $0x5000, v0;
	_ =	sdelay $0x3  }
0x41b: {  	[tilespmem:s29+$0x16850] =	vst v1  }
0x41c: {  	v1 =	vld.idx.msk [tilespmem:v2+s17+$0x0], $0xffff  }
0x41d: {  	v2 =	vadd.s32 $0x6000, v0;
	_ =	sdelay $0x3  }
0x41e: {  	[tilespmem:s29+$0x17050] =	vst v1  }
0x41f: {  	v1 =	vld.idx.msk [tilespmem:v2+s17+$0x0], $0xffff;
	_ =	sdelay $0x1  }
0x420: {  	v0 =	vadd.s32 $0x7000, v0;
	_ =	sdelay $0x2  }
0x421: {  	[tilespmem:s29+$0x17850] =	vst v1;
	v1 =	vld [tilespmem:s29+$0x40];
	_ =	sdelay $0x1  }
0x422: {  	v0 =	vld.idx.msk [tilespmem:v0+s17+$0x0], $0xffff;
	_ =	sdelay $0x4  }
0x423: {  	[tilespmem:s29+$0x18050] =	vst v0  }
0x424: {  	v0 =	vld.idx.msk [tilespmem:v1+s17+$0x0], $0xffff  }
0x425: {  	v2 =	vadd.s32 $0x1000, v1;
	_ =	sdelay $0x3  }
0x426: {  	[tilespmem:s29+$0x14860] =	vst v0  }
0x427: {  	v0 =	vld.idx.msk [tilespmem:v2+s17+$0x0], $0xffff  }
0x428: {  	v2 =	vadd.s32 $0x2000, v1;
	_ =	sdelay $0x3  }
0x429: {  	[tilespmem:s29+$0x15060] =	vst v0  }
0x42a: {  	v0 =	vld.idx.msk [tilespmem:v2+s17+$0x0], $0xffff  }
0x42b: {  	v2 =	vadd.s32 $0x3000, v1;
	_ =	sdelay $0x3  }
0x42c: {  	[tilespmem:s29+$0x15860] =	vst v0  }
0x42d: {  	v0 =	vld.idx.msk [tilespmem:v2+s17+$0x0], $0xffff  }
0x42e: {  	v2 =	vadd.s32 $0x4000, v1;
	_ =	sdelay $0x3  }
0x42f: {  	[tilespmem:s29+$0x16060] =	vst v0  }
0x430: {  	v0 =	vld.idx.msk [tilespmem:v2+s17+$0x0], $0xffff  }
0x431: {  	v2 =	vadd.s32 $0x5000, v1;
	_ =	sdelay $0x3  }
0x432: {  	[tilespmem:s29+$0x16860] =	vst v0  }
0x433: {  	v0 =	vld.idx.msk [tilespmem:v2+s17+$0x0], $0xffff  }
0x434: {  	v2 =	vadd.s32 $0x6000, v1;
	_ =	sdelay $0x3  }
0x435: {  	[tilespmem:s29+$0x17060] =	vst v0  }
0x436: {  	v0 =	vld.idx.msk [tilespmem:v2+s17+$0x0], $0xffff;
	_ =	sdelay $0x1  }
0x437: {  	v1 =	vadd.s32 $0x7000, v1;
	_ =	sdelay $0x2  }
0x438: {  	[tilespmem:s29+$0x17860] =	vst v0;
	v0 =	vld [tilespmem:s29+$0x50];
	_ =	sdelay $0x1  }
0x439: {  	v1 =	vld.idx.msk [tilespmem:v1+s17+$0x0], $0xffff;
	_ =	sdelay $0x4  }
0x43a: {  	[tilespmem:s29+$0x18060] =	vst v1  }
0x43b: {  	v1 =	vld.idx.msk [tilespmem:v0+s17+$0x0], $0xffff  }
0x43c: {  	v2 =	vadd.s32 $0x1000, v0;
	_ =	sdelay $0x3  }
0x43d: {  	[tilespmem:s29+$0x14870] =	vst v1  }
0x43e: {  	v1 =	vld.idx.msk [tilespmem:v2+s17+$0x0], $0xffff  }
0x43f: {  	v2 =	vadd.s32 $0x2000, v0;
	_ =	sdelay $0x3  }
0x440: {  	[tilespmem:s29+$0x15070] =	vst v1  }
0x441: {  	v1 =	vld.idx.msk [tilespmem:v2+s17+$0x0], $0xffff  }
0x442: {  	v2 =	vadd.s32 $0x3000, v0;
	_ =	sdelay $0x3  }
0x443: {  	[tilespmem:s29+$0x15870] =	vst v1  }
0x444: {  	v1 =	vld.idx.msk [tilespmem:v2+s17+$0x0], $0xffff  }
0x445: {  	v2 =	vadd.s32 $0x4000, v0;
	_ =	sdelay $0x3  }
0x446: {  	[tilespmem:s29+$0x16070] =	vst v1  }
0x447: {  	v1 =	vld.idx.msk [tilespmem:v2+s17+$0x0], $0xffff  }
0x448: {  	v2 =	vadd.s32 $0x5000, v0;
	_ =	sdelay $0x3  }
0x449: {  	[tilespmem:s29+$0x16870] =	vst v1  }
0x44a: {  	v1 =	vld.idx.msk [tilespmem:v2+s17+$0x0], $0xffff  }
0x44b: {  	v2 =	vadd.s32 $0x6000, v0;
	_ =	sdelay $0x3  }
0x44c: {  	[tilespmem:s29+$0x17070] =	vst v1  }
0x44d: {  	v1 =	vld.idx.msk [tilespmem:v2+s17+$0x0], $0xffff;
	_ =	sdelay $0x1  }
0x44e: {  	v0 =	vadd.s32 $0x7000, v0;
	_ =	sdelay $0x2  }
0x44f: {  	[tilespmem:s29+$0x17870] =	vst v1;
	v1 =	vld [tilespmem:s29+$0x60];
	_ =	sdelay $0x1  }
0x450: {  	v0 =	vld.idx.msk [tilespmem:v0+s17+$0x0], $0xffff;
	_ =	sdelay $0x4  }
0x451: {  	[tilespmem:s29+$0x18070] =	vst v0  }
0x452: {  	v0 =	vld.idx.msk [tilespmem:v1+s17+$0x0], $0xffff  }
0x453: {  	v2 =	vadd.s32 $0x1000, v1;
	_ =	sdelay $0x3  }
0x454: {  	[tilespmem:s29+$0x14880] =	vst v0  }
0x455: {  	v0 =	vld.idx.msk [tilespmem:v2+s17+$0x0], $0xffff  }
0x456: {  	v2 =	vadd.s32 $0x2000, v1;
	_ =	sdelay $0x3  }
0x457: {  	[tilespmem:s29+$0x15080] =	vst v0  }
0x458: {  	v0 =	vld.idx.msk [tilespmem:v2+s17+$0x0], $0xffff  }
0x459: {  	v2 =	vadd.s32 $0x3000, v1;
	_ =	sdelay $0x3  }
0x45a: {  	[tilespmem:s29+$0x15880] =	vst v0  }
0x45b: {  	v0 =	vld.idx.msk [tilespmem:v2+s17+$0x0], $0xffff  }
0x45c: {  	v2 =	vadd.s32 $0x4000, v1;
	_ =	sdelay $0x3  }
0x45d: {  	[tilespmem:s29+$0x16080] =	vst v0  }
0x45e: {  	v0 =	vld.idx.msk [tilespmem:v2+s17+$0x0], $0xffff  }
0x45f: {  	v2 =	vadd.s32 $0x5000, v1;
	_ =	sdelay $0x3  }
0x460: {  	[tilespmem:s29+$0x16880] =	vst v0  }
0x461: {  	v0 =	vld.idx.msk [tilespmem:v2+s17+$0x0], $0xffff  }
0x462: {  	v2 =	vadd.s32 $0x6000, v1;
	_ =	sdelay $0x3  }
0x463: {  	[tilespmem:s29+$0x17080] =	vst v0  }
0x464: {  	v0 =	vld.idx.msk [tilespmem:v2+s17+$0x0], $0xffff;
	_ =	sdelay $0x1  }
0x465: {  	v1 =	vadd.s32 $0x7000, v1;
	_ =	sdelay $0x2  }
0x466: {  	[tilespmem:s29+$0x17880] =	vst v0;
	v0 =	vld [tilespmem:s29+$0x70];
	_ =	sdelay $0x1  }
0x467: {  	v1 =	vld.idx.msk [tilespmem:v1+s17+$0x0], $0xffff;
	_ =	sdelay $0x4  }
0x468: {  	[tilespmem:s29+$0x18080] =	vst v1  }
0x469: {  	v1 =	vld.idx.msk [tilespmem:v0+s17+$0x0], $0xffff  }
0x46a: {  	v2 =	vadd.s32 $0x1000, v0;
	_ =	sdelay $0x3  }
0x46b: {  	[tilespmem:s29+$0x14890] =	vst v1  }
0x46c: {  	v1 =	vld.idx.msk [tilespmem:v2+s17+$0x0], $0xffff  }
0x46d: {  	v2 =	vadd.s32 $0x2000, v0;
	_ =	sdelay $0x3  }
0x46e: {  	[tilespmem:s29+$0x15090] =	vst v1  }
0x46f: {  	v1 =	vld.idx.msk [tilespmem:v2+s17+$0x0], $0xffff  }
0x470: {  	v2 =	vadd.s32 $0x3000, v0;
	_ =	sdelay $0x3  }
0x471: {  	[tilespmem:s29+$0x15890] =	vst v1  }
0x472: {  	v1 =	vld.idx.msk [tilespmem:v2+s17+$0x0], $0xffff  }
0x473: {  	v2 =	vadd.s32 $0x4000, v0;
	_ =	sdelay $0x3  }
0x474: {  	[tilespmem:s29+$0x16090] =	vst v1  }
0x475: {  	v1 =	vld.idx.msk [tilespmem:v2+s17+$0x0], $0xffff  }
0x476: {  	v2 =	vadd.s32 $0x5000, v0;
	_ =	sdelay $0x3  }
0x477: {  	[tilespmem:s29+$0x16890] =	vst v1  }
0x478: {  	v1 =	vld.idx.msk [tilespmem:v2+s17+$0x0], $0xffff  }
0x479: {  	v2 =	vadd.s32 $0x6000, v0;
	_ =	sdelay $0x3  }
0x47a: {  	[tilespmem:s29+$0x17090] =	vst v1  }
0x47b: {  	v1 =	vld.idx.msk [tilespmem:v2+s17+$0x0], $0xffff  }
0x47c: {  	v0 =	vadd.s32 $0x7000, v0;
	_ =	sdelay $0x3  }
0x47d: {  	[tilespmem:s29+$0x17890] =	vst v1  }
0x47e: {  	v0 =	vld.idx.msk [tilespmem:v0+s17+$0x0], $0xffff;
	_ =	sdelay $0x4  }
0x47f: {  	s31 =	simm.s32 $0x0;
	[tilespmem:s29+$0x18090] =	vst v0  }
0x480: {  	[hbm4b:s7+s31] =	stream.linear.scatter [tilespmem:s21], [sflag:$0x4], $0x4000, $0x38;
	[tilespmem:$0x18820] =	vst v63  }
0x481: {  	_ =	swait.ge [sflag:s15], $0x8000  }
0x482: {  	[sflag:s15] =	ssyncset.done $0x0  }
0x483: {  	[sflag:s15] =	ssyncadd.s32 $0xFFFF8000  }
0x484: {  	[tilespmem:s17], [sflag:$0x2] =	stream.indirect.gather [hbm4b:s4+s13], $0x1000, s22, s13, $0xb8;
	[tilespmem:$0x18820] =	vst v63  }
0x485: {  	_ =	swait.ge [sflag:s23], $0x4000  }
0x486: {  	[sflag:s23] =	ssyncset.done $0x0  }
0x487: {  	s26 =	simm.s32 $0x0;
	[sflag:s23] =	ssyncadd.s32 $0xFFFFC000  }
0x488: {  	v0 =	vld [tilespmem:s26+$0x0];
	_ =	sdelay $0x7  }
0x489: {  	v1 =	vld.idx.msk [tilespmem:v0+s14+$0x0], $0xffff  }
0x48a: {  	v2 =	vadd.s32 $0x1000, v0;
	_ =	sdelay $0x3  }
0x48b: {  	[tilespmem:s26+$0x10820] =	vst v1  }
0x48c: {  	v1 =	vld.idx.msk [tilespmem:v2+s14+$0x0], $0xffff  }
0x48d: {  	v2 =	vadd.s32 $0x2000, v0;
	_ =	sdelay $0x3  }
0x48e: {  	[tilespmem:s26+$0x11020] =	vst v1  }
0x48f: {  	v1 =	vld.idx.msk [tilespmem:v2+s14+$0x0], $0xffff  }
0x490: {  	v2 =	vadd.s32 $0x3000, v0;
	_ =	sdelay $0x3  }
0x491: {  	[tilespmem:s26+$0x11820] =	vst v1  }
0x492: {  	v1 =	vld.idx.msk [tilespmem:v2+s14+$0x0], $0xffff  }
0x493: {  	v2 =	vadd.s32 $0x4000, v0;
	_ =	sdelay $0x3  }
0x494: {  	[tilespmem:s26+$0x12020] =	vst v1  }
0x495: {  	v1 =	vld.idx.msk [tilespmem:v2+s14+$0x0], $0xffff  }
0x496: {  	v2 =	vadd.s32 $0x5000, v0;
	_ =	sdelay $0x3  }
0x497: {  	[tilespmem:s26+$0x12820] =	vst v1  }
0x498: {  	v1 =	vld.idx.msk [tilespmem:v2+s14+$0x0], $0xffff  }
0x499: {  	v2 =	vadd.s32 $0x6000, v0;
	_ =	sdelay $0x3  }
0x49a: {  	[tilespmem:s26+$0x13020] =	vst v1  }
0x49b: {  	v1 =	vld.idx.msk [tilespmem:v2+s14+$0x0], $0xffff;
	_ =	sdelay $0x1  }
0x49c: {  	v0 =	vadd.s32 $0x7000, v0;
	_ =	sdelay $0x2  }
0x49d: {  	[tilespmem:s26+$0x13820] =	vst v1;
	v1 =	vld [tilespmem:s26+$0x10];
	_ =	sdelay $0x1  }
0x49e: {  	v0 =	vld.idx.msk [tilespmem:v0+s14+$0x0], $0xffff;
	_ =	sdelay $0x4  }
0x49f: {  	[tilespmem:s26+$0x14020] =	vst v0  }
0x4a0: {  	v0 =	vld.idx.msk [tilespmem:v1+s14+$0x0], $0xffff  }
0x4a1: {  	v2 =	vadd.s32 $0x1000, v1;
	_ =	sdelay $0x3  }
0x4a2: {  	[tilespmem:s26+$0x10830] =	vst v0  }
0x4a3: {  	v0 =	vld.idx.msk [tilespmem:v2+s14+$0x0], $0xffff  }
0x4a4: {  	v2 =	vadd.s32 $0x2000, v1;
	_ =	sdelay $0x3  }
0x4a5: {  	[tilespmem:s26+$0x11030] =	vst v0  }
0x4a6: {  	v0 =	vld.idx.msk [tilespmem:v2+s14+$0x0], $0xffff  }
0x4a7: {  	v2 =	vadd.s32 $0x3000, v1;
	_ =	sdelay $0x3  }
0x4a8: {  	[tilespmem:s26+$0x11830] =	vst v0  }
0x4a9: {  	v0 =	vld.idx.msk [tilespmem:v2+s14+$0x0], $0xffff  }
0x4aa: {  	v2 =	vadd.s32 $0x4000, v1;
	_ =	sdelay $0x3  }
0x4ab: {  	[tilespmem:s26+$0x12030] =	vst v0  }
0x4ac: {  	v0 =	vld.idx.msk [tilespmem:v2+s14+$0x0], $0xffff  }
0x4ad: {  	v2 =	vadd.s32 $0x5000, v1;
	_ =	sdelay $0x3  }
0x4ae: {  	[tilespmem:s26+$0x12830] =	vst v0  }
0x4af: {  	v0 =	vld.idx.msk [tilespmem:v2+s14+$0x0], $0xffff  }
0x4b0: {  	v2 =	vadd.s32 $0x6000, v1;
	_ =	sdelay $0x3  }
0x4b1: {  	[tilespmem:s26+$0x13030] =	vst v0  }
0x4b2: {  	v0 =	vld.idx.msk [tilespmem:v2+s14+$0x0], $0xffff;
	_ =	sdelay $0x1  }
0x4b3: {  	v1 =	vadd.s32 $0x7000, v1;
	_ =	sdelay $0x2  }
0x4b4: {  	[tilespmem:s26+$0x13830] =	vst v0;
	v0 =	vld [tilespmem:s26+$0x20];
	_ =	sdelay $0x1  }
0x4b5: {  	v1 =	vld.idx.msk [tilespmem:v1+s14+$0x0], $0xffff;
	_ =	sdelay $0x4  }
0x4b6: {  	[tilespmem:s26+$0x14030] =	vst v1  }
0x4b7: {  	v1 =	vld.idx.msk [tilespmem:v0+s14+$0x0], $0xffff  }
0x4b8: {  	v2 =	vadd.s32 $0x1000, v0;
	_ =	sdelay $0x3  }
0x4b9: {  	[tilespmem:s26+$0x10840] =	vst v1  }
0x4ba: {  	v1 =	vld.idx.msk [tilespmem:v2+s14+$0x0], $0xffff  }
0x4bb: {  	v2 =	vadd.s32 $0x2000, v0;
	_ =	sdelay $0x3  }
0x4bc: {  	[tilespmem:s26+$0x11040] =	vst v1  }
0x4bd: {  	v1 =	vld.idx.msk [tilespmem:v2+s14+$0x0], $0xffff  }
0x4be: {  	v2 =	vadd.s32 $0x3000, v0;
	_ =	sdelay $0x3  }
0x4bf: {  	[tilespmem:s26+$0x11840] =	vst v1  }
0x4c0: {  	v1 =	vld.idx.msk [tilespmem:v2+s14+$0x0], $0xffff  }
0x4c1: {  	v2 =	vadd.s32 $0x4000, v0;
	_ =	sdelay $0x3  }
0x4c2: {  	[tilespmem:s26+$0x12040] =	vst v1  }
0x4c3: {  	v1 =	vld.idx.msk [tilespmem:v2+s14+$0x0], $0xffff  }
0x4c4: {  	v2 =	vadd.s32 $0x5000, v0;
	_ =	sdelay $0x3  }
0x4c5: {  	[tilespmem:s26+$0x12840] =	vst v1  }
0x4c6: {  	v1 =	vld.idx.msk [tilespmem:v2+s14+$0x0], $0xffff  }
0x4c7: {  	v2 =	vadd.s32 $0x6000, v0;
	_ =	sdelay $0x3  }
0x4c8: {  	[tilespmem:s26+$0x13040] =	vst v1  }
0x4c9: {  	v1 =	vld.idx.msk [tilespmem:v2+s14+$0x0], $0xffff;
	_ =	sdelay $0x1  }
0x4ca: {  	v0 =	vadd.s32 $0x7000, v0;
	_ =	sdelay $0x2  }
0x4cb: {  	[tilespmem:s26+$0x13840] =	vst v1;
	v1 =	vld [tilespmem:s26+$0x30];
	_ =	sdelay $0x1  }
0x4cc: {  	v0 =	vld.idx.msk [tilespmem:v0+s14+$0x0], $0xffff;
	_ =	sdelay $0x4  }
0x4cd: {  	[tilespmem:s26+$0x14040] =	vst v0  }
0x4ce: {  	v0 =	vld.idx.msk [tilespmem:v1+s14+$0x0], $0xffff  }
0x4cf: {  	v2 =	vadd.s32 $0x1000, v1;
	_ =	sdelay $0x3  }
0x4d0: {  	[tilespmem:s26+$0x10850] =	vst v0  }
0x4d1: {  	v0 =	vld.idx.msk [tilespmem:v2+s14+$0x0], $0xffff  }
0x4d2: {  	v2 =	vadd.s32 $0x2000, v1;
	_ =	sdelay $0x3  }
0x4d3: {  	[tilespmem:s26+$0x11050] =	vst v0  }
0x4d4: {  	v0 =	vld.idx.msk [tilespmem:v2+s14+$0x0], $0xffff  }
0x4d5: {  	v2 =	vadd.s32 $0x3000, v1;
	_ =	sdelay $0x3  }
0x4d6: {  	[tilespmem:s26+$0x11850] =	vst v0  }
0x4d7: {  	v0 =	vld.idx.msk [tilespmem:v2+s14+$0x0], $0xffff  }
0x4d8: {  	v2 =	vadd.s32 $0x4000, v1;
	_ =	sdelay $0x3  }
0x4d9: {  	[tilespmem:s26+$0x12050] =	vst v0  }
0x4da: {  	v0 =	vld.idx.msk [tilespmem:v2+s14+$0x0], $0xffff  }
0x4db: {  	v2 =	vadd.s32 $0x5000, v1;
	_ =	sdelay $0x3  }
0x4dc: {  	[tilespmem:s26+$0x12850] =	vst v0  }
0x4dd: {  	v0 =	vld.idx.msk [tilespmem:v2+s14+$0x0], $0xffff  }
0x4de: {  	v2 =	vadd.s32 $0x6000, v1;
	_ =	sdelay $0x3  }
0x4df: {  	[tilespmem:s26+$0x13050] =	vst v0  }
0x4e0: {  	v0 =	vld.idx.msk [tilespmem:v2+s14+$0x0], $0xffff;
	_ =	sdelay $0x1  }
0x4e1: {  	v1 =	vadd.s32 $0x7000, v1;
	_ =	sdelay $0x2  }
0x4e2: {  	[tilespmem:s26+$0x13850] =	vst v0;
	v0 =	vld [tilespmem:s26+$0x40];
	_ =	sdelay $0x1  }
0x4e3: {  	v1 =	vld.idx.msk [tilespmem:v1+s14+$0x0], $0xffff;
	_ =	sdelay $0x4  }
0x4e4: {  	[tilespmem:s26+$0x14050] =	vst v1  }
0x4e5: {  	v1 =	vld.idx.msk [tilespmem:v0+s14+$0x0], $0xffff  }
0x4e6: {  	v2 =	vadd.s32 $0x1000, v0;
	_ =	sdelay $0x3  }
0x4e7: {  	[tilespmem:s26+$0x10860] =	vst v1  }
0x4e8: {  	v1 =	vld.idx.msk [tilespmem:v2+s14+$0x0], $0xffff  }
0x4e9: {  	v2 =	vadd.s32 $0x2000, v0;
	_ =	sdelay $0x3  }
0x4ea: {  	[tilespmem:s26+$0x11060] =	vst v1  }
0x4eb: {  	v1 =	vld.idx.msk [tilespmem:v2+s14+$0x0], $0xffff  }
0x4ec: {  	v2 =	vadd.s32 $0x3000, v0;
	_ =	sdelay $0x3  }
0x4ed: {  	[tilespmem:s26+$0x11860] =	vst v1  }
0x4ee: {  	v1 =	vld.idx.msk [tilespmem:v2+s14+$0x0], $0xffff  }
0x4ef: {  	v2 =	vadd.s32 $0x4000, v0;
	_ =	sdelay $0x3  }
0x4f0: {  	[tilespmem:s26+$0x12060] =	vst v1  }
0x4f1: {  	v1 =	vld.idx.msk [tilespmem:v2+s14+$0x0], $0xffff  }
0x4f2: {  	v2 =	vadd.s32 $0x5000, v0;
	_ =	sdelay $0x3  }
0x4f3: {  	[tilespmem:s26+$0x12860] =	vst v1  }
0x4f4: {  	v1 =	vld.idx.msk [tilespmem:v2+s14+$0x0], $0xffff  }
0x4f5: {  	v2 =	vadd.s32 $0x6000, v0;
	_ =	sdelay $0x3  }
0x4f6: {  	[tilespmem:s26+$0x13060] =	vst v1  }
0x4f7: {  	v1 =	vld.idx.msk [tilespmem:v2+s14+$0x0], $0xffff;
	_ =	sdelay $0x1  }
0x4f8: {  	v0 =	vadd.s32 $0x7000, v0;
	_ =	sdelay $0x2  }
0x4f9: {  	[tilespmem:s26+$0x13860] =	vst v1;
	v1 =	vld [tilespmem:s26+$0x50];
	_ =	sdelay $0x1  }
0x4fa: {  	v0 =	vld.idx.msk [tilespmem:v0+s14+$0x0], $0xffff;
	_ =	sdelay $0x4  }
0x4fb: {  	[tilespmem:s26+$0x14060] =	vst v0  }
0x4fc: {  	v0 =	vld.idx.msk [tilespmem:v1+s14+$0x0], $0xffff  }
0x4fd: {  	v2 =	vadd.s32 $0x1000, v1;
	_ =	sdelay $0x3  }
0x4fe: {  	[tilespmem:s26+$0x10870] =	vst v0  }
0x4ff: {  	v0 =	vld.idx.msk [tilespmem:v2+s14+$0x0], $0xffff  }
0x500: {  	v2 =	vadd.s32 $0x2000, v1;
	_ =	sdelay $0x3  }
0x501: {  	[tilespmem:s26+$0x11070] =	vst v0  }
0x502: {  	v0 =	vld.idx.msk [tilespmem:v2+s14+$0x0], $0xffff  }
0x503: {  	v2 =	vadd.s32 $0x3000, v1;
	_ =	sdelay $0x3  }
0x504: {  	[tilespmem:s26+$0x11870] =	vst v0  }
0x505: {  	v0 =	vld.idx.msk [tilespmem:v2+s14+$0x0], $0xffff  }
0x506: {  	v2 =	vadd.s32 $0x4000, v1;
	_ =	sdelay $0x3  }
0x507: {  	[tilespmem:s26+$0x12070] =	vst v0  }
0x508: {  	v0 =	vld.idx.msk [tilespmem:v2+s14+$0x0], $0xffff  }
0x509: {  	v2 =	vadd.s32 $0x5000, v1;
	_ =	sdelay $0x3  }
0x50a: {  	[tilespmem:s26+$0x12870] =	vst v0  }
0x50b: {  	v0 =	vld.idx.msk [tilespmem:v2+s14+$0x0], $0xffff  }
0x50c: {  	v2 =	vadd.s32 $0x6000, v1;
	_ =	sdelay $0x3  }
0x50d: {  	[tilespmem:s26+$0x13070] =	vst v0  }
0x50e: {  	v0 =	vld.idx.msk [tilespmem:v2+s14+$0x0], $0xffff;
	_ =	sdelay $0x1  }
0x50f: {  	v1 =	vadd.s32 $0x7000, v1;
	_ =	sdelay $0x2  }
0x510: {  	[tilespmem:s26+$0x13870] =	vst v0;
	v0 =	vld [tilespmem:s26+$0x60];
	_ =	sdelay $0x1  }
0x511: {  	v1 =	vld.idx.msk [tilespmem:v1+s14+$0x0], $0xffff;
	_ =	sdelay $0x4  }
0x512: {  	[tilespmem:s26+$0x14070] =	vst v1  }
0x513: {  	v1 =	vld.idx.msk [tilespmem:v0+s14+$0x0], $0xffff  }
0x514: {  	v2 =	vadd.s32 $0x1000, v0;
	_ =	sdelay $0x3  }
0x515: {  	[tilespmem:s26+$0x10880] =	vst v1  }
0x516: {  	v1 =	vld.idx.msk [tilespmem:v2+s14+$0x0], $0xffff  }
0x517: {  	v2 =	vadd.s32 $0x2000, v0;
	_ =	sdelay $0x3  }
0x518: {  	[tilespmem:s26+$0x11080] =	vst v1  }
0x519: {  	v1 =	vld.idx.msk [tilespmem:v2+s14+$0x0], $0xffff  }
0x51a: {  	v2 =	vadd.s32 $0x3000, v0;
	_ =	sdelay $0x3  }
0x51b: {  	[tilespmem:s26+$0x11880] =	vst v1  }
0x51c: {  	v1 =	vld.idx.msk [tilespmem:v2+s14+$0x0], $0xffff  }
0x51d: {  	v2 =	vadd.s32 $0x4000, v0;
	_ =	sdelay $0x3  }
0x51e: {  	[tilespmem:s26+$0x12080] =	vst v1  }
0x51f: {  	v1 =	vld.idx.msk [tilespmem:v2+s14+$0x0], $0xffff  }
0x520: {  	v2 =	vadd.s32 $0x5000, v0;
	_ =	sdelay $0x3  }
0x521: {  	[tilespmem:s26+$0x12880] =	vst v1  }
0x522: {  	v1 =	vld.idx.msk [tilespmem:v2+s14+$0x0], $0xffff  }
0x523: {  	v2 =	vadd.s32 $0x6000, v0;
	_ =	sdelay $0x3  }
0x524: {  	[tilespmem:s26+$0x13080] =	vst v1  }
0x525: {  	v1 =	vld.idx.msk [tilespmem:v2+s14+$0x0], $0xffff;
	_ =	sdelay $0x1  }
0x526: {  	v0 =	vadd.s32 $0x7000, v0;
	_ =	sdelay $0x2  }
0x527: {  	[tilespmem:s26+$0x13880] =	vst v1;
	v1 =	vld [tilespmem:s26+$0x70];
	_ =	sdelay $0x1  }
0x528: {  	v0 =	vld.idx.msk [tilespmem:v0+s14+$0x0], $0xffff;
	_ =	sdelay $0x4  }
0x529: {  	[tilespmem:s26+$0x14080] =	vst v0  }
0x52a: {  	v0 =	vld.idx.msk [tilespmem:v1+s14+$0x0], $0xffff  }
0x52b: {  	v2 =	vadd.s32 $0x1000, v1;
	_ =	sdelay $0x3  }
0x52c: {  	[tilespmem:s26+$0x10890] =	vst v0  }
0x52d: {  	v0 =	vld.idx.msk [tilespmem:v2+s14+$0x0], $0xffff  }
0x52e: {  	v2 =	vadd.s32 $0x2000, v1;
	_ =	sdelay $0x3  }
0x52f: {  	[tilespmem:s26+$0x11090] =	vst v0  }
0x530: {  	v0 =	vld.idx.msk [tilespmem:v2+s14+$0x0], $0xffff  }
0x531: {  	v2 =	vadd.s32 $0x3000, v1;
	_ =	sdelay $0x3  }
0x532: {  	[tilespmem:s26+$0x11890] =	vst v0  }
0x533: {  	v0 =	vld.idx.msk [tilespmem:v2+s14+$0x0], $0xffff  }
0x534: {  	v2 =	vadd.s32 $0x4000, v1;
	_ =	sdelay $0x3  }
0x535: {  	[tilespmem:s26+$0x12090] =	vst v0  }
0x536: {  	v0 =	vld.idx.msk [tilespmem:v2+s14+$0x0], $0xffff  }
0x537: {  	v2 =	vadd.s32 $0x5000, v1;
	_ =	sdelay $0x3  }
0x538: {  	[tilespmem:s26+$0x12890] =	vst v0  }
0x539: {  	v0 =	vld.idx.msk [tilespmem:v2+s14+$0x0], $0xffff  }
0x53a: {  	v2 =	vadd.s32 $0x6000, v1;
	_ =	sdelay $0x3  }
0x53b: {  	[tilespmem:s26+$0x13090] =	vst v0  }
0x53c: {  	v0 =	vld.idx.msk [tilespmem:v2+s14+$0x0], $0xffff  }
0x53d: {  	v1 =	vadd.s32 $0x7000, v1;
	_ =	sdelay $0x2  }
0x53e: {  	s28 =	simm.s32 $0x400;
	s29 =	simm.s32 $0x80  }
.LBB2_6:
0x53f: {  	p0 =	sne.s32 s28, $0x1E00;
	v2 =	vld [tilespmem:s29+$0x0];
	[tilespmem:s26+$0x13890] =	vst v0  }
0x540: {  	v0 =	vld.idx.msk [tilespmem:v1+s14+$0x0], $0xffff;
	_ =	sdelay $0x5  }
0x541: {  	[tilespmem:s26+$0x14090] =	vst v0;
	s26 =	smov.u32 s29  }
0x542: {  	v0 =	vld.idx.msk [tilespmem:v2+s14+$0x0], $0xffff;
	_ =	sdelay $0x1  }
0x543: {  	v1 =	vadd.s32 $0x1000, v2;
	_ =	sdelay $0x3  }
0x544: {  	[tilespmem:s26+$0x10820] =	vst v0  }
0x545: {  	v0 =	vld.idx.msk [tilespmem:v1+s14+$0x0], $0xffff;
	_ =	sdelay $0x1  }
0x546: {  	v1 =	vadd.s32 $0x2000, v2;
	_ =	sdelay $0x3  }
0x547: {  	[tilespmem:s26+$0x11020] =	vst v0  }
0x548: {  	v0 =	vld.idx.msk [tilespmem:v1+s14+$0x0], $0xffff;
	_ =	sdelay $0x1  }
0x549: {  	v1 =	vadd.s32 $0x3000, v2;
	_ =	sdelay $0x3  }
0x54a: {  	[tilespmem:s26+$0x11820] =	vst v0  }
0x54b: {  	v0 =	vld.idx.msk [tilespmem:v1+s14+$0x0], $0xffff;
	_ =	sdelay $0x1  }
0x54c: {  	v1 =	vadd.s32 $0x4000, v2;
	_ =	sdelay $0x3  }
0x54d: {  	[tilespmem:s26+$0x12020] =	vst v0  }
0x54e: {  	v0 =	vld.idx.msk [tilespmem:v1+s14+$0x0], $0xffff;
	_ =	sdelay $0x1  }
0x54f: {  	v1 =	vadd.s32 $0x5000, v2;
	_ =	sdelay $0x3  }
0x550: {  	[tilespmem:s26+$0x12820] =	vst v0  }
0x551: {  	v0 =	vld.idx.msk [tilespmem:v1+s14+$0x0], $0xffff;
	_ =	sdelay $0x1  }
0x552: {  	v1 =	vadd.s32 $0x6000, v2;
	_ =	sdelay $0x3  }
0x553: {  	[tilespmem:s26+$0x13020] =	vst v0  }
0x554: {  	v0 =	vld.idx.msk [tilespmem:v1+s14+$0x0], $0xffff;
	_ =	sdelay $0x1  }
0x555: {  	v1 =	vadd.s32 $0x7000, v2;
	_ =	sdelay $0x3  }
0x556: {  	[tilespmem:s26+$0x13820] =	vst v0;
	v0 =	vld [tilespmem:s26+$0x10]  }
0x557: {  	v1 =	vld.idx.msk [tilespmem:v1+s14+$0x0], $0xffff;
	_ =	sdelay $0x5  }
0x558: {  	[tilespmem:s26+$0x14020] =	vst v1  }
0x559: {  	v1 =	vld.idx.msk [tilespmem:v0+s14+$0x0], $0xffff;
	_ =	sdelay $0x1  }
0x55a: {  	v2 =	vadd.s32 $0x1000, v0;
	_ =	sdelay $0x3  }
0x55b: {  	[tilespmem:s26+$0x10830] =	vst v1  }
0x55c: {  	v1 =	vld.idx.msk [tilespmem:v2+s14+$0x0], $0xffff;
	_ =	sdelay $0x1  }
0x55d: {  	v2 =	vadd.s32 $0x2000, v0;
	_ =	sdelay $0x3  }
0x55e: {  	[tilespmem:s26+$0x11030] =	vst v1  }
0x55f: {  	v1 =	vld.idx.msk [tilespmem:v2+s14+$0x0], $0xffff;
	_ =	sdelay $0x1  }
0x560: {  	v2 =	vadd.s32 $0x3000, v0;
	_ =	sdelay $0x3  }
0x561: {  	[tilespmem:s26+$0x11830] =	vst v1  }
0x562: {  	v1 =	vld.idx.msk [tilespmem:v2+s14+$0x0], $0xffff;
	_ =	sdelay $0x1  }
0x563: {  	v2 =	vadd.s32 $0x4000, v0;
	_ =	sdelay $0x3  }
0x564: {  	[tilespmem:s26+$0x12030] =	vst v1  }
0x565: {  	v1 =	vld.idx.msk [tilespmem:v2+s14+$0x0], $0xffff;
	_ =	sdelay $0x1  }
0x566: {  	v2 =	vadd.s32 $0x5000, v0;
	_ =	sdelay $0x3  }
0x567: {  	[tilespmem:s26+$0x12830] =	vst v1  }
0x568: {  	v1 =	vld.idx.msk [tilespmem:v2+s14+$0x0], $0xffff;
	_ =	sdelay $0x1  }
0x569: {  	v2 =	vadd.s32 $0x6000, v0;
	_ =	sdelay $0x3  }
0x56a: {  	[tilespmem:s26+$0x13030] =	vst v1  }
0x56b: {  	v1 =	vld.idx.msk [tilespmem:v2+s14+$0x0], $0xffff;
	_ =	sdelay $0x1  }
0x56c: {  	v0 =	vadd.s32 $0x7000, v0;
	_ =	sdelay $0x3  }
0x56d: {  	[tilespmem:s26+$0x13830] =	vst v1;
	v1 =	vld [tilespmem:s26+$0x20]  }
0x56e: {  	v0 =	vld.idx.msk [tilespmem:v0+s14+$0x0], $0xffff;
	_ =	sdelay $0x5  }
0x56f: {  	[tilespmem:s26+$0x14030] =	vst v0  }
0x570: {  	v0 =	vld.idx.msk [tilespmem:v1+s14+$0x0], $0xffff;
	_ =	sdelay $0x1  }
0x571: {  	v2 =	vadd.s32 $0x1000, v1;
	_ =	sdelay $0x3  }
0x572: {  	[tilespmem:s26+$0x10840] =	vst v0  }
0x573: {  	v0 =	vld.idx.msk [tilespmem:v2+s14+$0x0], $0xffff;
	_ =	sdelay $0x1  }
0x574: {  	v2 =	vadd.s32 $0x2000, v1;
	_ =	sdelay $0x3  }
0x575: {  	[tilespmem:s26+$0x11040] =	vst v0  }
0x576: {  	v0 =	vld.idx.msk [tilespmem:v2+s14+$0x0], $0xffff;
	_ =	sdelay $0x1  }
0x577: {  	v2 =	vadd.s32 $0x3000, v1;
	_ =	sdelay $0x3  }
0x578: {  	[tilespmem:s26+$0x11840] =	vst v0  }
0x579: {  	v0 =	vld.idx.msk [tilespmem:v2+s14+$0x0], $0xffff;
	_ =	sdelay $0x1  }
0x57a: {  	v2 =	vadd.s32 $0x4000, v1;
	_ =	sdelay $0x3  }
0x57b: {  	[tilespmem:s26+$0x12040] =	vst v0  }
0x57c: {  	v0 =	vld.idx.msk [tilespmem:v2+s14+$0x0], $0xffff;
	_ =	sdelay $0x1  }
0x57d: {  	v2 =	vadd.s32 $0x5000, v1;
	_ =	sdelay $0x3  }
0x57e: {  	[tilespmem:s26+$0x12840] =	vst v0  }
0x57f: {  	v0 =	vld.idx.msk [tilespmem:v2+s14+$0x0], $0xffff;
	_ =	sdelay $0x1  }
0x580: {  	v2 =	vadd.s32 $0x6000, v1;
	_ =	sdelay $0x3  }
0x581: {  	[tilespmem:s26+$0x13040] =	vst v0  }
0x582: {  	v0 =	vld.idx.msk [tilespmem:v2+s14+$0x0], $0xffff;
	_ =	sdelay $0x1  }
0x583: {  	v1 =	vadd.s32 $0x7000, v1;
	_ =	sdelay $0x3  }
0x584: {  	[tilespmem:s26+$0x13840] =	vst v0;
	v0 =	vld [tilespmem:s26+$0x30]  }
0x585: {  	v1 =	vld.idx.msk [tilespmem:v1+s14+$0x0], $0xffff;
	_ =	sdelay $0x5  }
0x586: {  	[tilespmem:s26+$0x14040] =	vst v1  }
0x587: {  	v1 =	vld.idx.msk [tilespmem:v0+s14+$0x0], $0xffff;
	_ =	sdelay $0x1  }
0x588: {  	v2 =	vadd.s32 $0x1000, v0;
	_ =	sdelay $0x3  }
0x589: {  	[tilespmem:s26+$0x10850] =	vst v1  }
0x58a: {  	v1 =	vld.idx.msk [tilespmem:v2+s14+$0x0], $0xffff;
	_ =	sdelay $0x1  }
0x58b: {  	v2 =	vadd.s32 $0x2000, v0;
	_ =	sdelay $0x3  }
0x58c: {  	[tilespmem:s26+$0x11050] =	vst v1  }
0x58d: {  	v1 =	vld.idx.msk [tilespmem:v2+s14+$0x0], $0xffff;
	_ =	sdelay $0x1  }
0x58e: {  	v2 =	vadd.s32 $0x3000, v0;
	_ =	sdelay $0x3  }
0x58f: {  	[tilespmem:s26+$0x11850] =	vst v1  }
0x590: {  	v1 =	vld.idx.msk [tilespmem:v2+s14+$0x0], $0xffff;
	_ =	sdelay $0x1  }
0x591: {  	v2 =	vadd.s32 $0x4000, v0;
	_ =	sdelay $0x3  }
0x592: {  	[tilespmem:s26+$0x12050] =	vst v1  }
0x593: {  	v1 =	vld.idx.msk [tilespmem:v2+s14+$0x0], $0xffff;
	_ =	sdelay $0x1  }
0x594: {  	v2 =	vadd.s32 $0x5000, v0;
	_ =	sdelay $0x3  }
0x595: {  	[tilespmem:s26+$0x12850] =	vst v1  }
0x596: {  	v1 =	vld.idx.msk [tilespmem:v2+s14+$0x0], $0xffff;
	_ =	sdelay $0x1  }
0x597: {  	v2 =	vadd.s32 $0x6000, v0;
	_ =	sdelay $0x3  }
0x598: {  	[tilespmem:s26+$0x13050] =	vst v1  }
0x599: {  	v1 =	vld.idx.msk [tilespmem:v2+s14+$0x0], $0xffff;
	_ =	sdelay $0x1  }
0x59a: {  	v0 =	vadd.s32 $0x7000, v0;
	_ =	sdelay $0x3  }
0x59b: {  	[tilespmem:s26+$0x13850] =	vst v1;
	v1 =	vld [tilespmem:s26+$0x40]  }
0x59c: {  	v0 =	vld.idx.msk [tilespmem:v0+s14+$0x0], $0xffff;
	_ =	sdelay $0x5  }
0x59d: {  	[tilespmem:s26+$0x14050] =	vst v0  }
0x59e: {  	v0 =	vld.idx.msk [tilespmem:v1+s14+$0x0], $0xffff;
	_ =	sdelay $0x1  }
0x59f: {  	v2 =	vadd.s32 $0x1000, v1;
	_ =	sdelay $0x3  }
0x5a0: {  	[tilespmem:s26+$0x10860] =	vst v0  }
0x5a1: {  	v0 =	vld.idx.msk [tilespmem:v2+s14+$0x0], $0xffff;
	_ =	sdelay $0x1  }
0x5a2: {  	v2 =	vadd.s32 $0x2000, v1;
	_ =	sdelay $0x3  }
0x5a3: {  	[tilespmem:s26+$0x11060] =	vst v0  }
0x5a4: {  	v0 =	vld.idx.msk [tilespmem:v2+s14+$0x0], $0xffff;
	_ =	sdelay $0x1  }
0x5a5: {  	v2 =	vadd.s32 $0x3000, v1;
	_ =	sdelay $0x3  }
0x5a6: {  	[tilespmem:s26+$0x11860] =	vst v0  }
0x5a7: {  	v0 =	vld.idx.msk [tilespmem:v2+s14+$0x0], $0xffff;
	_ =	sdelay $0x1  }
0x5a8: {  	v2 =	vadd.s32 $0x4000, v1;
	_ =	sdelay $0x3  }
0x5a9: {  	[tilespmem:s26+$0x12060] =	vst v0  }
0x5aa: {  	v0 =	vld.idx.msk [tilespmem:v2+s14+$0x0], $0xffff;
	_ =	sdelay $0x1  }
0x5ab: {  	v2 =	vadd.s32 $0x5000, v1;
	_ =	sdelay $0x3  }
0x5ac: {  	[tilespmem:s26+$0x12860] =	vst v0  }
0x5ad: {  	v0 =	vld.idx.msk [tilespmem:v2+s14+$0x0], $0xffff;
	_ =	sdelay $0x1  }
0x5ae: {  	v2 =	vadd.s32 $0x6000, v1;
	_ =	sdelay $0x3  }
0x5af: {  	[tilespmem:s26+$0x13060] =	vst v0  }
0x5b0: {  	v0 =	vld.idx.msk [tilespmem:v2+s14+$0x0], $0xffff;
	_ =	sdelay $0x1  }
0x5b1: {  	v1 =	vadd.s32 $0x7000, v1;
	_ =	sdelay $0x3  }
0x5b2: {  	[tilespmem:s26+$0x13860] =	vst v0;
	v0 =	vld [tilespmem:s26+$0x50]  }
0x5b3: {  	v1 =	vld.idx.msk [tilespmem:v1+s14+$0x0], $0xffff;
	_ =	sdelay $0x5  }
0x5b4: {  	[tilespmem:s26+$0x14060] =	vst v1  }
0x5b5: {  	v1 =	vld.idx.msk [tilespmem:v0+s14+$0x0], $0xffff;
	_ =	sdelay $0x1  }
0x5b6: {  	v2 =	vadd.s32 $0x1000, v0;
	_ =	sdelay $0x3  }
0x5b7: {  	[tilespmem:s26+$0x10870] =	vst v1  }
0x5b8: {  	v1 =	vld.idx.msk [tilespmem:v2+s14+$0x0], $0xffff;
	_ =	sdelay $0x1  }
0x5b9: {  	v2 =	vadd.s32 $0x2000, v0;
	_ =	sdelay $0x3  }
0x5ba: {  	[tilespmem:s26+$0x11070] =	vst v1  }
0x5bb: {  	v1 =	vld.idx.msk [tilespmem:v2+s14+$0x0], $0xffff;
	_ =	sdelay $0x1  }
0x5bc: {  	v2 =	vadd.s32 $0x3000, v0;
	_ =	sdelay $0x3  }
0x5bd: {  	[tilespmem:s26+$0x11870] =	vst v1  }
0x5be: {  	v1 =	vld.idx.msk [tilespmem:v2+s14+$0x0], $0xffff;
	_ =	sdelay $0x1  }
0x5bf: {  	v2 =	vadd.s32 $0x4000, v0;
	_ =	sdelay $0x3  }
0x5c0: {  	[tilespmem:s26+$0x12070] =	vst v1  }
0x5c1: {  	v1 =	vld.idx.msk [tilespmem:v2+s14+$0x0], $0xffff;
	_ =	sdelay $0x1  }
0x5c2: {  	v2 =	vadd.s32 $0x5000, v0;
	_ =	sdelay $0x3  }
0x5c3: {  	[tilespmem:s26+$0x12870] =	vst v1  }
0x5c4: {  	v1 =	vld.idx.msk [tilespmem:v2+s14+$0x0], $0xffff;
	_ =	sdelay $0x1  }
0x5c5: {  	v2 =	vadd.s32 $0x6000, v0;
	_ =	sdelay $0x3  }
0x5c6: {  	[tilespmem:s26+$0x13070] =	vst v1  }
0x5c7: {  	v1 =	vld.idx.msk [tilespmem:v2+s14+$0x0], $0xffff;
	_ =	sdelay $0x1  }
0x5c8: {  	v0 =	vadd.s32 $0x7000, v0;
	_ =	sdelay $0x3  }
0x5c9: {  	[tilespmem:s26+$0x13870] =	vst v1;
	v1 =	vld [tilespmem:s26+$0x60]  }
0x5ca: {  	v0 =	vld.idx.msk [tilespmem:v0+s14+$0x0], $0xffff;
	_ =	sdelay $0x5  }
0x5cb: {  	[tilespmem:s26+$0x14070] =	vst v0  }
0x5cc: {  	v0 =	vld.idx.msk [tilespmem:v1+s14+$0x0], $0xffff;
	_ =	sdelay $0x1  }
0x5cd: {  	v2 =	vadd.s32 $0x1000, v1;
	_ =	sdelay $0x3  }
0x5ce: {  	[tilespmem:s26+$0x10880] =	vst v0  }
0x5cf: {  	v0 =	vld.idx.msk [tilespmem:v2+s14+$0x0], $0xffff;
	_ =	sdelay $0x1  }
0x5d0: {  	v2 =	vadd.s32 $0x2000, v1;
	_ =	sdelay $0x3  }
0x5d1: {  	[tilespmem:s26+$0x11080] =	vst v0  }
0x5d2: {  	v0 =	vld.idx.msk [tilespmem:v2+s14+$0x0], $0xffff;
	_ =	sdelay $0x1  }
0x5d3: {  	v2 =	vadd.s32 $0x3000, v1;
	_ =	sdelay $0x3  }
0x5d4: {  	[tilespmem:s26+$0x11880] =	vst v0  }
0x5d5: {  	v0 =	vld.idx.msk [tilespmem:v2+s14+$0x0], $0xffff;
	_ =	sdelay $0x1  }
0x5d6: {  	v2 =	vadd.s32 $0x4000, v1;
	_ =	sdelay $0x3  }
0x5d7: {  	[tilespmem:s26+$0x12080] =	vst v0  }
0x5d8: {  	v0 =	vld.idx.msk [tilespmem:v2+s14+$0x0], $0xffff;
	_ =	sdelay $0x1  }
0x5d9: {  	v2 =	vadd.s32 $0x5000, v1;
	_ =	sdelay $0x3  }
0x5da: {  	[tilespmem:s26+$0x12880] =	vst v0  }
0x5db: {  	v0 =	vld.idx.msk [tilespmem:v2+s14+$0x0], $0xffff;
	_ =	sdelay $0x1  }
0x5dc: {  	v2 =	vadd.s32 $0x6000, v1;
	_ =	sdelay $0x3  }
0x5dd: {  	[tilespmem:s26+$0x13080] =	vst v0  }
0x5de: {  	v0 =	vld.idx.msk [tilespmem:v2+s14+$0x0], $0xffff;
	_ =	sdelay $0x1  }
0x5df: {  	v1 =	vadd.s32 $0x7000, v1;
	_ =	sdelay $0x3  }
0x5e0: {  	[tilespmem:s26+$0x13880] =	vst v0;
	v2 =	vld [tilespmem:s26+$0x70]  }
0x5e1: {  	v0 =	vld.idx.msk [tilespmem:v1+s14+$0x0], $0xffff;
	_ =	sdelay $0x5  }
0x5e2: {  	[tilespmem:s26+$0x14080] =	vst v0  }
0x5e3: {  	v0 =	vld.idx.msk [tilespmem:v2+s14+$0x0], $0xffff;
	_ =	sdelay $0x1  }
0x5e4: {  	v1 =	vadd.s32 $0x1000, v2;
	_ =	sdelay $0x3  }
0x5e5: {  	[tilespmem:s26+$0x10890] =	vst v0  }
0x5e6: {  	v0 =	vld.idx.msk [tilespmem:v1+s14+$0x0], $0xffff;
	_ =	sdelay $0x1  }
0x5e7: {  	v1 =	vadd.s32 $0x2000, v2;
	_ =	sdelay $0x3  }
0x5e8: {  	[tilespmem:s26+$0x11090] =	vst v0  }
0x5e9: {  	v0 =	vld.idx.msk [tilespmem:v1+s14+$0x0], $0xffff;
	_ =	sdelay $0x1  }
0x5ea: {  	v1 =	vadd.s32 $0x3000, v2;
	_ =	sdelay $0x3  }
0x5eb: {  	[tilespmem:s26+$0x11890] =	vst v0  }
0x5ec: {  	v0 =	vld.idx.msk [tilespmem:v1+s14+$0x0], $0xffff;
	_ =	sdelay $0x1  }
0x5ed: {  	v1 =	vadd.s32 $0x4000, v2;
	_ =	sdelay $0x3  }
0x5ee: {  	[tilespmem:s26+$0x12090] =	vst v0  }
0x5ef: {  	v0 =	vld.idx.msk [tilespmem:v1+s14+$0x0], $0xffff;
	_ =	sdelay $0x1  }
0x5f0: {  	v1 =	vadd.s32 $0x5000, v2;
	_ =	sdelay $0x3  }
0x5f1: {  	[tilespmem:s26+$0x12890] =	vst v0  }
0x5f2: {  	v0 =	vld.idx.msk [tilespmem:v1+s14+$0x0], $0xffff;
	_ =	sdelay $0x1  }
0x5f3: {  	v1 =	vadd.s32 $0x6000, v2;
	_ =	sdelay $0x3  }
0x5f4: {  	[tilespmem:s26+$0x13090] =	vst v0  }
0x5f5: {  	v0 =	vld.idx.msk [tilespmem:v1+s14+$0x0], $0xffff  }
.Ltmp2:
0x5f6: {  	(pc) =	sbr.rel @p0 .LBB2_6-.Ltmp2, $2  }
0x5f7: {  	v1 =	vadd.s32 $0x7000, v2;
	_ =	sdelay $0x2  }
0x5f8: {  	s29 =	sshra.s32 s28, $0x2;
	s28 =	sadd.s32 $0x200, s28  }
0x5f9: {  	_ =	sdelay $0x1  }
0x5fa: {  	v2 =	vld [tilespmem:s29+$0x0]  }
0x5fb: {  	[tilespmem:s26+$0x13890] =	vst v0  }
0x5fc: {  	v0 =	vld.idx.msk [tilespmem:v1+s14+$0x0], $0xffff;
	_ =	sdelay $0x4  }
0x5fd: {  	[tilespmem:s26+$0x14090] =	vst v0  }
0x5fe: {  	v0 =	vld.idx.msk [tilespmem:v2+s14+$0x0], $0xffff  }
0x5ff: {  	v1 =	vadd.s32 $0x1000, v2;
	_ =	sdelay $0x3  }
0x600: {  	[tilespmem:s29+$0x10820] =	vst v0  }
0x601: {  	v0 =	vld.idx.msk [tilespmem:v1+s14+$0x0], $0xffff  }
0x602: {  	v1 =	vadd.s32 $0x2000, v2;
	_ =	sdelay $0x3  }
0x603: {  	[tilespmem:s29+$0x11020] =	vst v0  }
0x604: {  	v0 =	vld.idx.msk [tilespmem:v1+s14+$0x0], $0xffff  }
0x605: {  	v1 =	vadd.s32 $0x3000, v2;
	_ =	sdelay $0x3  }
0x606: {  	[tilespmem:s29+$0x11820] =	vst v0  }
0x607: {  	v0 =	vld.idx.msk [tilespmem:v1+s14+$0x0], $0xffff  }
0x608: {  	v1 =	vadd.s32 $0x4000, v2;
	_ =	sdelay $0x3  }
0x609: {  	[tilespmem:s29+$0x12020] =	vst v0  }
0x60a: {  	v0 =	vld.idx.msk [tilespmem:v1+s14+$0x0], $0xffff  }
0x60b: {  	v1 =	vadd.s32 $0x5000, v2;
	_ =	sdelay $0x3  }
0x60c: {  	[tilespmem:s29+$0x12820] =	vst v0  }
0x60d: {  	v0 =	vld.idx.msk [tilespmem:v1+s14+$0x0], $0xffff  }
0x60e: {  	v1 =	vadd.s32 $0x6000, v2;
	_ =	sdelay $0x3  }
0x60f: {  	[tilespmem:s29+$0x13020] =	vst v0  }
0x610: {  	v0 =	vld.idx.msk [tilespmem:v1+s14+$0x0], $0xffff;
	_ =	sdelay $0x1  }
0x611: {  	v1 =	vadd.s32 $0x7000, v2;
	_ =	sdelay $0x2  }
0x612: {  	[tilespmem:s29+$0x13820] =	vst v0;
	v0 =	vld [tilespmem:s29+$0x10];
	_ =	sdelay $0x1  }
0x613: {  	v1 =	vld.idx.msk [tilespmem:v1+s14+$0x0], $0xffff;
	_ =	sdelay $0x4  }
0x614: {  	[tilespmem:s29+$0x14020] =	vst v1  }
0x615: {  	v1 =	vld.idx.msk [tilespmem:v0+s14+$0x0], $0xffff  }
0x616: {  	v2 =	vadd.s32 $0x1000, v0;
	_ =	sdelay $0x3  }
0x617: {  	[tilespmem:s29+$0x10830] =	vst v1  }
0x618: {  	v1 =	vld.idx.msk [tilespmem:v2+s14+$0x0], $0xffff  }
0x619: {  	v2 =	vadd.s32 $0x2000, v0;
	_ =	sdelay $0x3  }
0x61a: {  	[tilespmem:s29+$0x11030] =	vst v1  }
0x61b: {  	v1 =	vld.idx.msk [tilespmem:v2+s14+$0x0], $0xffff  }
0x61c: {  	v2 =	vadd.s32 $0x3000, v0;
	_ =	sdelay $0x3  }
0x61d: {  	[tilespmem:s29+$0x11830] =	vst v1  }
0x61e: {  	v1 =	vld.idx.msk [tilespmem:v2+s14+$0x0], $0xffff  }
0x61f: {  	v2 =	vadd.s32 $0x4000, v0;
	_ =	sdelay $0x3  }
0x620: {  	[tilespmem:s29+$0x12030] =	vst v1  }
0x621: {  	v1 =	vld.idx.msk [tilespmem:v2+s14+$0x0], $0xffff  }
0x622: {  	v2 =	vadd.s32 $0x5000, v0;
	_ =	sdelay $0x3  }
0x623: {  	[tilespmem:s29+$0x12830] =	vst v1  }
0x624: {  	v1 =	vld.idx.msk [tilespmem:v2+s14+$0x0], $0xffff  }
0x625: {  	v2 =	vadd.s32 $0x6000, v0;
	_ =	sdelay $0x3  }
0x626: {  	[tilespmem:s29+$0x13030] =	vst v1  }
0x627: {  	v1 =	vld.idx.msk [tilespmem:v2+s14+$0x0], $0xffff;
	_ =	sdelay $0x1  }
0x628: {  	v0 =	vadd.s32 $0x7000, v0;
	_ =	sdelay $0x2  }
0x629: {  	[tilespmem:s29+$0x13830] =	vst v1;
	v1 =	vld [tilespmem:s29+$0x20];
	_ =	sdelay $0x1  }
0x62a: {  	v0 =	vld.idx.msk [tilespmem:v0+s14+$0x0], $0xffff;
	_ =	sdelay $0x4  }
0x62b: {  	[tilespmem:s29+$0x14030] =	vst v0  }
0x62c: {  	v0 =	vld.idx.msk [tilespmem:v1+s14+$0x0], $0xffff  }
0x62d: {  	v2 =	vadd.s32 $0x1000, v1;
	_ =	sdelay $0x3  }
0x62e: {  	[tilespmem:s29+$0x10840] =	vst v0  }
0x62f: {  	v0 =	vld.idx.msk [tilespmem:v2+s14+$0x0], $0xffff  }
0x630: {  	v2 =	vadd.s32 $0x2000, v1;
	_ =	sdelay $0x3  }
0x631: {  	[tilespmem:s29+$0x11040] =	vst v0  }
0x632: {  	v0 =	vld.idx.msk [tilespmem:v2+s14+$0x0], $0xffff  }
0x633: {  	v2 =	vadd.s32 $0x3000, v1;
	_ =	sdelay $0x3  }
0x634: {  	[tilespmem:s29+$0x11840] =	vst v0  }
0x635: {  	v0 =	vld.idx.msk [tilespmem:v2+s14+$0x0], $0xffff  }
0x636: {  	v2 =	vadd.s32 $0x4000, v1;
	_ =	sdelay $0x3  }
0x637: {  	[tilespmem:s29+$0x12040] =	vst v0  }
0x638: {  	v0 =	vld.idx.msk [tilespmem:v2+s14+$0x0], $0xffff  }
0x639: {  	v2 =	vadd.s32 $0x5000, v1;
	_ =	sdelay $0x3  }
0x63a: {  	[tilespmem:s29+$0x12840] =	vst v0  }
0x63b: {  	v0 =	vld.idx.msk [tilespmem:v2+s14+$0x0], $0xffff  }
0x63c: {  	v2 =	vadd.s32 $0x6000, v1;
	_ =	sdelay $0x3  }
0x63d: {  	[tilespmem:s29+$0x13040] =	vst v0  }
0x63e: {  	v0 =	vld.idx.msk [tilespmem:v2+s14+$0x0], $0xffff;
	_ =	sdelay $0x1  }
0x63f: {  	v1 =	vadd.s32 $0x7000, v1;
	_ =	sdelay $0x2  }
0x640: {  	[tilespmem:s29+$0x13840] =	vst v0;
	v0 =	vld [tilespmem:s29+$0x30];
	_ =	sdelay $0x1  }
0x641: {  	v1 =	vld.idx.msk [tilespmem:v1+s14+$0x0], $0xffff;
	_ =	sdelay $0x4  }
0x642: {  	[tilespmem:s29+$0x14040] =	vst v1  }
0x643: {  	v1 =	vld.idx.msk [tilespmem:v0+s14+$0x0], $0xffff  }
0x644: {  	v2 =	vadd.s32 $0x1000, v0;
	_ =	sdelay $0x3  }
0x645: {  	[tilespmem:s29+$0x10850] =	vst v1  }
0x646: {  	v1 =	vld.idx.msk [tilespmem:v2+s14+$0x0], $0xffff  }
0x647: {  	v2 =	vadd.s32 $0x2000, v0;
	_ =	sdelay $0x3  }
0x648: {  	[tilespmem:s29+$0x11050] =	vst v1  }
0x649: {  	v1 =	vld.idx.msk [tilespmem:v2+s14+$0x0], $0xffff  }
0x64a: {  	v2 =	vadd.s32 $0x3000, v0;
	_ =	sdelay $0x3  }
0x64b: {  	[tilespmem:s29+$0x11850] =	vst v1  }
0x64c: {  	v1 =	vld.idx.msk [tilespmem:v2+s14+$0x0], $0xffff  }
0x64d: {  	v2 =	vadd.s32 $0x4000, v0;
	_ =	sdelay $0x3  }
0x64e: {  	[tilespmem:s29+$0x12050] =	vst v1  }
0x64f: {  	v1 =	vld.idx.msk [tilespmem:v2+s14+$0x0], $0xffff  }
0x650: {  	v2 =	vadd.s32 $0x5000, v0;
	_ =	sdelay $0x3  }
0x651: {  	[tilespmem:s29+$0x12850] =	vst v1  }
0x652: {  	v1 =	vld.idx.msk [tilespmem:v2+s14+$0x0], $0xffff  }
0x653: {  	v2 =	vadd.s32 $0x6000, v0;
	_ =	sdelay $0x3  }
0x654: {  	[tilespmem:s29+$0x13050] =	vst v1  }
0x655: {  	v1 =	vld.idx.msk [tilespmem:v2+s14+$0x0], $0xffff;
	_ =	sdelay $0x1  }
0x656: {  	v0 =	vadd.s32 $0x7000, v0;
	_ =	sdelay $0x2  }
0x657: {  	[tilespmem:s29+$0x13850] =	vst v1;
	v1 =	vld [tilespmem:s29+$0x40];
	_ =	sdelay $0x1  }
0x658: {  	v0 =	vld.idx.msk [tilespmem:v0+s14+$0x0], $0xffff;
	_ =	sdelay $0x4  }
0x659: {  	[tilespmem:s29+$0x14050] =	vst v0  }
0x65a: {  	v0 =	vld.idx.msk [tilespmem:v1+s14+$0x0], $0xffff  }
0x65b: {  	v2 =	vadd.s32 $0x1000, v1;
	_ =	sdelay $0x3  }
0x65c: {  	[tilespmem:s29+$0x10860] =	vst v0  }
0x65d: {  	v0 =	vld.idx.msk [tilespmem:v2+s14+$0x0], $0xffff  }
0x65e: {  	v2 =	vadd.s32 $0x2000, v1;
	_ =	sdelay $0x3  }
0x65f: {  	[tilespmem:s29+$0x11060] =	vst v0  }
0x660: {  	v0 =	vld.idx.msk [tilespmem:v2+s14+$0x0], $0xffff  }
0x661: {  	v2 =	vadd.s32 $0x3000, v1;
	_ =	sdelay $0x3  }
0x662: {  	[tilespmem:s29+$0x11860] =	vst v0  }
0x663: {  	v0 =	vld.idx.msk [tilespmem:v2+s14+$0x0], $0xffff  }
0x664: {  	v2 =	vadd.s32 $0x4000, v1;
	_ =	sdelay $0x3  }
0x665: {  	[tilespmem:s29+$0x12060] =	vst v0  }
0x666: {  	v0 =	vld.idx.msk [tilespmem:v2+s14+$0x0], $0xffff  }
0x667: {  	v2 =	vadd.s32 $0x5000, v1;
	_ =	sdelay $0x3  }
0x668: {  	[tilespmem:s29+$0x12860] =	vst v0  }
0x669: {  	v0 =	vld.idx.msk [tilespmem:v2+s14+$0x0], $0xffff  }
0x66a: {  	v2 =	vadd.s32 $0x6000, v1;
	_ =	sdelay $0x3  }
0x66b: {  	[tilespmem:s29+$0x13060] =	vst v0  }
0x66c: {  	v0 =	vld.idx.msk [tilespmem:v2+s14+$0x0], $0xffff;
	_ =	sdelay $0x1  }
0x66d: {  	v1 =	vadd.s32 $0x7000, v1;
	_ =	sdelay $0x2  }
0x66e: {  	[tilespmem:s29+$0x13860] =	vst v0;
	v0 =	vld [tilespmem:s29+$0x50];
	_ =	sdelay $0x1  }
0x66f: {  	v1 =	vld.idx.msk [tilespmem:v1+s14+$0x0], $0xffff;
	_ =	sdelay $0x4  }
0x670: {  	[tilespmem:s29+$0x14060] =	vst v1  }
0x671: {  	v1 =	vld.idx.msk [tilespmem:v0+s14+$0x0], $0xffff  }
0x672: {  	v2 =	vadd.s32 $0x1000, v0;
	_ =	sdelay $0x3  }
0x673: {  	[tilespmem:s29+$0x10870] =	vst v1  }
0x674: {  	v1 =	vld.idx.msk [tilespmem:v2+s14+$0x0], $0xffff  }
0x675: {  	v2 =	vadd.s32 $0x2000, v0;
	_ =	sdelay $0x3  }
0x676: {  	[tilespmem:s29+$0x11070] =	vst v1  }
0x677: {  	v1 =	vld.idx.msk [tilespmem:v2+s14+$0x0], $0xffff  }
0x678: {  	v2 =	vadd.s32 $0x3000, v0;
	_ =	sdelay $0x3  }
0x679: {  	[tilespmem:s29+$0x11870] =	vst v1  }
0x67a: {  	v1 =	vld.idx.msk [tilespmem:v2+s14+$0x0], $0xffff  }
0x67b: {  	v2 =	vadd.s32 $0x4000, v0;
	_ =	sdelay $0x3  }
0x67c: {  	[tilespmem:s29+$0x12070] =	vst v1  }
0x67d: {  	v1 =	vld.idx.msk [tilespmem:v2+s14+$0x0], $0xffff  }
0x67e: {  	v2 =	vadd.s32 $0x5000, v0;
	_ =	sdelay $0x3  }
0x67f: {  	[tilespmem:s29+$0x12870] =	vst v1  }
0x680: {  	v1 =	vld.idx.msk [tilespmem:v2+s14+$0x0], $0xffff  }
0x681: {  	v2 =	vadd.s32 $0x6000, v0;
	_ =	sdelay $0x3  }
0x682: {  	[tilespmem:s29+$0x13070] =	vst v1  }
0x683: {  	v1 =	vld.idx.msk [tilespmem:v2+s14+$0x0], $0xffff;
	_ =	sdelay $0x1  }
0x684: {  	v0 =	vadd.s32 $0x7000, v0;
	_ =	sdelay $0x2  }
0x685: {  	[tilespmem:s29+$0x13870] =	vst v1;
	v1 =	vld [tilespmem:s29+$0x60];
	_ =	sdelay $0x1  }
0x686: {  	v0 =	vld.idx.msk [tilespmem:v0+s14+$0x0], $0xffff;
	_ =	sdelay $0x4  }
0x687: {  	[tilespmem:s29+$0x14070] =	vst v0  }
0x688: {  	v0 =	vld.idx.msk [tilespmem:v1+s14+$0x0], $0xffff  }
0x689: {  	v2 =	vadd.s32 $0x1000, v1;
	_ =	sdelay $0x3  }
0x68a: {  	[tilespmem:s29+$0x10880] =	vst v0  }
0x68b: {  	v0 =	vld.idx.msk [tilespmem:v2+s14+$0x0], $0xffff  }
0x68c: {  	v2 =	vadd.s32 $0x2000, v1;
	_ =	sdelay $0x3  }
0x68d: {  	[tilespmem:s29+$0x11080] =	vst v0  }
0x68e: {  	v0 =	vld.idx.msk [tilespmem:v2+s14+$0x0], $0xffff  }
0x68f: {  	v2 =	vadd.s32 $0x3000, v1;
	_ =	sdelay $0x3  }
0x690: {  	[tilespmem:s29+$0x11880] =	vst v0  }
0x691: {  	v0 =	vld.idx.msk [tilespmem:v2+s14+$0x0], $0xffff  }
0x692: {  	v2 =	vadd.s32 $0x4000, v1;
	_ =	sdelay $0x3  }
0x693: {  	[tilespmem:s29+$0x12080] =	vst v0  }
0x694: {  	v0 =	vld.idx.msk [tilespmem:v2+s14+$0x0], $0xffff  }
0x695: {  	v2 =	vadd.s32 $0x5000, v1;
	_ =	sdelay $0x3  }
0x696: {  	[tilespmem:s29+$0x12880] =	vst v0  }
0x697: {  	v0 =	vld.idx.msk [tilespmem:v2+s14+$0x0], $0xffff  }
0x698: {  	v2 =	vadd.s32 $0x6000, v1;
	_ =	sdelay $0x3  }
0x699: {  	[tilespmem:s29+$0x13080] =	vst v0  }
0x69a: {  	v0 =	vld.idx.msk [tilespmem:v2+s14+$0x0], $0xffff;
	_ =	sdelay $0x1  }
0x69b: {  	v1 =	vadd.s32 $0x7000, v1;
	_ =	sdelay $0x2  }
0x69c: {  	[tilespmem:s29+$0x13880] =	vst v0;
	v0 =	vld [tilespmem:s29+$0x70];
	_ =	sdelay $0x1  }
0x69d: {  	v1 =	vld.idx.msk [tilespmem:v1+s14+$0x0], $0xffff;
	_ =	sdelay $0x4  }
0x69e: {  	[tilespmem:s29+$0x14080] =	vst v1  }
0x69f: {  	v1 =	vld.idx.msk [tilespmem:v0+s14+$0x0], $0xffff  }
0x6a0: {  	v2 =	vadd.s32 $0x1000, v0;
	_ =	sdelay $0x3  }
0x6a1: {  	[tilespmem:s29+$0x10890] =	vst v1  }
0x6a2: {  	v1 =	vld.idx.msk [tilespmem:v2+s14+$0x0], $0xffff  }
0x6a3: {  	v2 =	vadd.s32 $0x2000, v0;
	_ =	sdelay $0x3  }
0x6a4: {  	[tilespmem:s29+$0x11090] =	vst v1  }
0x6a5: {  	v1 =	vld.idx.msk [tilespmem:v2+s14+$0x0], $0xffff  }
0x6a6: {  	v2 =	vadd.s32 $0x3000, v0;
	_ =	sdelay $0x3  }
0x6a7: {  	[tilespmem:s29+$0x11890] =	vst v1  }
0x6a8: {  	v1 =	vld.idx.msk [tilespmem:v2+s14+$0x0], $0xffff  }
0x6a9: {  	v2 =	vadd.s32 $0x4000, v0;
	_ =	sdelay $0x3  }
0x6aa: {  	[tilespmem:s29+$0x12090] =	vst v1  }
0x6ab: {  	v1 =	vld.idx.msk [tilespmem:v2+s14+$0x0], $0xffff  }
0x6ac: {  	v2 =	vadd.s32 $0x5000, v0;
	_ =	sdelay $0x3  }
0x6ad: {  	[tilespmem:s29+$0x12890] =	vst v1  }
0x6ae: {  	v1 =	vld.idx.msk [tilespmem:v2+s14+$0x0], $0xffff  }
0x6af: {  	v2 =	vadd.s32 $0x6000, v0;
	_ =	sdelay $0x3  }
0x6b0: {  	[tilespmem:s29+$0x13090] =	vst v1  }
0x6b1: {  	v1 =	vld.idx.msk [tilespmem:v2+s14+$0x0], $0xffff  }
0x6b2: {  	v0 =	vadd.s32 $0x7000, v0;
	_ =	sdelay $0x3  }
0x6b3: {  	[tilespmem:s29+$0x13890] =	vst v1  }
0x6b4: {  	v0 =	vld.idx.msk [tilespmem:v0+s14+$0x0], $0xffff;
	_ =	sdelay $0x4  }
0x6b5: {  	s31 =	simm.s32 $0x0;
	[tilespmem:s29+$0x14090] =	vst v0  }
0x6b6: {  	[hbm4b:s8+s31] =	stream.linear.scatter [tilespmem:s18], [sflag:$0x3], $0x4000, $0x38;
	[tilespmem:$0x18820] =	vst v63  }
0x6b7: {  	_ =	swait.ge [sflag:s19], $0x8000  }
0x6b8: {  	[sflag:s19] =	ssyncset.done $0x0  }
0x6b9: {  	[sflag:s19] =	ssyncadd.s32 $0xFFFF8000  }
0x6ba: {  	_ =	swait.ge [sflag:s24], $0x4000  }
0x6bb: {  	[sflag:s24] =	ssyncset.done $0x0  }
0x6bc: {  	s26 =	simm.s32 $0x0;
	[sflag:s24] =	ssyncadd.s32 $0xFFFFC000  }
0x6bd: {  	v0 =	vld [tilespmem:s26+$0x0];
	_ =	sdelay $0x7  }
0x6be: {  	v1 =	vld.idx.msk [tilespmem:v0+s17+$0x0], $0xffff  }
0x6bf: {  	v2 =	vadd.s32 $0x1000, v0;
	_ =	sdelay $0x3  }
0x6c0: {  	[tilespmem:s26+$0x14820] =	vst v1  }
0x6c1: {  	v1 =	vld.idx.msk [tilespmem:v2+s17+$0x0], $0xffff  }
0x6c2: {  	v2 =	vadd.s32 $0x2000, v0;
	_ =	sdelay $0x3  }
0x6c3: {  	[tilespmem:s26+$0x15020] =	vst v1  }
0x6c4: {  	v1 =	vld.idx.msk [tilespmem:v2+s17+$0x0], $0xffff  }
0x6c5: {  	v2 =	vadd.s32 $0x3000, v0;
	_ =	sdelay $0x3  }
0x6c6: {  	[tilespmem:s26+$0x15820] =	vst v1  }
0x6c7: {  	v1 =	vld.idx.msk [tilespmem:v2+s17+$0x0], $0xffff  }
0x6c8: {  	v2 =	vadd.s32 $0x4000, v0;
	_ =	sdelay $0x3  }
0x6c9: {  	[tilespmem:s26+$0x16020] =	vst v1  }
0x6ca: {  	v1 =	vld.idx.msk [tilespmem:v2+s17+$0x0], $0xffff  }
0x6cb: {  	v2 =	vadd.s32 $0x5000, v0;
	_ =	sdelay $0x3  }
0x6cc: {  	[tilespmem:s26+$0x16820] =	vst v1  }
0x6cd: {  	v1 =	vld.idx.msk [tilespmem:v2+s17+$0x0], $0xffff  }
0x6ce: {  	v2 =	vadd.s32 $0x6000, v0;
	_ =	sdelay $0x3  }
0x6cf: {  	[tilespmem:s26+$0x17020] =	vst v1  }
0x6d0: {  	v1 =	vld.idx.msk [tilespmem:v2+s17+$0x0], $0xffff;
	_ =	sdelay $0x1  }
0x6d1: {  	v0 =	vadd.s32 $0x7000, v0;
	_ =	sdelay $0x2  }
0x6d2: {  	[tilespmem:s26+$0x17820] =	vst v1;
	v1 =	vld [tilespmem:s26+$0x10];
	_ =	sdelay $0x1  }
0x6d3: {  	v0 =	vld.idx.msk [tilespmem:v0+s17+$0x0], $0xffff;
	_ =	sdelay $0x4  }
0x6d4: {  	[tilespmem:s26+$0x18020] =	vst v0  }
0x6d5: {  	v0 =	vld.idx.msk [tilespmem:v1+s17+$0x0], $0xffff  }
0x6d6: {  	v2 =	vadd.s32 $0x1000, v1;
	_ =	sdelay $0x3  }
0x6d7: {  	[tilespmem:s26+$0x14830] =	vst v0  }
0x6d8: {  	v0 =	vld.idx.msk [tilespmem:v2+s17+$0x0], $0xffff  }
0x6d9: {  	v2 =	vadd.s32 $0x2000, v1;
	_ =	sdelay $0x3  }
0x6da: {  	[tilespmem:s26+$0x15030] =	vst v0  }
0x6db: {  	v0 =	vld.idx.msk [tilespmem:v2+s17+$0x0], $0xffff  }
0x6dc: {  	v2 =	vadd.s32 $0x3000, v1;
	_ =	sdelay $0x3  }
0x6dd: {  	[tilespmem:s26+$0x15830] =	vst v0  }
0x6de: {  	v0 =	vld.idx.msk [tilespmem:v2+s17+$0x0], $0xffff  }
0x6df: {  	v2 =	vadd.s32 $0x4000, v1;
	_ =	sdelay $0x3  }
0x6e0: {  	[tilespmem:s26+$0x16030] =	vst v0  }
0x6e1: {  	v0 =	vld.idx.msk [tilespmem:v2+s17+$0x0], $0xffff  }
0x6e2: {  	v2 =	vadd.s32 $0x5000, v1;
	_ =	sdelay $0x3  }
0x6e3: {  	[tilespmem:s26+$0x16830] =	vst v0  }
0x6e4: {  	v0 =	vld.idx.msk [tilespmem:v2+s17+$0x0], $0xffff  }
0x6e5: {  	v2 =	vadd.s32 $0x6000, v1;
	_ =	sdelay $0x3  }
0x6e6: {  	[tilespmem:s26+$0x17030] =	vst v0  }
0x6e7: {  	v0 =	vld.idx.msk [tilespmem:v2+s17+$0x0], $0xffff;
	_ =	sdelay $0x1  }
0x6e8: {  	v1 =	vadd.s32 $0x7000, v1;
	_ =	sdelay $0x2  }
0x6e9: {  	[tilespmem:s26+$0x17830] =	vst v0;
	v0 =	vld [tilespmem:s26+$0x20];
	_ =	sdelay $0x1  }
0x6ea: {  	v1 =	vld.idx.msk [tilespmem:v1+s17+$0x0], $0xffff;
	_ =	sdelay $0x4  }
0x6eb: {  	[tilespmem:s26+$0x18030] =	vst v1  }
0x6ec: {  	v1 =	vld.idx.msk [tilespmem:v0+s17+$0x0], $0xffff  }
0x6ed: {  	v2 =	vadd.s32 $0x1000, v0;
	_ =	sdelay $0x3  }
0x6ee: {  	[tilespmem:s26+$0x14840] =	vst v1  }
0x6ef: {  	v1 =	vld.idx.msk [tilespmem:v2+s17+$0x0], $0xffff  }
0x6f0: {  	v2 =	vadd.s32 $0x2000, v0;
	_ =	sdelay $0x3  }
0x6f1: {  	[tilespmem:s26+$0x15040] =	vst v1  }
0x6f2: {  	v1 =	vld.idx.msk [tilespmem:v2+s17+$0x0], $0xffff  }
0x6f3: {  	v2 =	vadd.s32 $0x3000, v0;
	_ =	sdelay $0x3  }
0x6f4: {  	[tilespmem:s26+$0x15840] =	vst v1  }
0x6f5: {  	v1 =	vld.idx.msk [tilespmem:v2+s17+$0x0], $0xffff  }
0x6f6: {  	v2 =	vadd.s32 $0x4000, v0;
	_ =	sdelay $0x3  }
0x6f7: {  	[tilespmem:s26+$0x16040] =	vst v1  }
0x6f8: {  	v1 =	vld.idx.msk [tilespmem:v2+s17+$0x0], $0xffff  }
0x6f9: {  	v2 =	vadd.s32 $0x5000, v0;
	_ =	sdelay $0x3  }
0x6fa: {  	[tilespmem:s26+$0x16840] =	vst v1  }
0x6fb: {  	v1 =	vld.idx.msk [tilespmem:v2+s17+$0x0], $0xffff  }
0x6fc: {  	v2 =	vadd.s32 $0x6000, v0;
	_ =	sdelay $0x3  }
0x6fd: {  	[tilespmem:s26+$0x17040] =	vst v1  }
0x6fe: {  	v1 =	vld.idx.msk [tilespmem:v2+s17+$0x0], $0xffff;
	_ =	sdelay $0x1  }
0x6ff: {  	v0 =	vadd.s32 $0x7000, v0;
	_ =	sdelay $0x2  }
0x700: {  	[tilespmem:s26+$0x17840] =	vst v1;
	v1 =	vld [tilespmem:s26+$0x30];
	_ =	sdelay $0x1  }
0x701: {  	v0 =	vld.idx.msk [tilespmem:v0+s17+$0x0], $0xffff;
	_ =	sdelay $0x4  }
0x702: {  	[tilespmem:s26+$0x18040] =	vst v0  }
0x703: {  	v0 =	vld.idx.msk [tilespmem:v1+s17+$0x0], $0xffff  }
0x704: {  	v2 =	vadd.s32 $0x1000, v1;
	_ =	sdelay $0x3  }
0x705: {  	[tilespmem:s26+$0x14850] =	vst v0  }
0x706: {  	v0 =	vld.idx.msk [tilespmem:v2+s17+$0x0], $0xffff  }
0x707: {  	v2 =	vadd.s32 $0x2000, v1;
	_ =	sdelay $0x3  }
0x708: {  	[tilespmem:s26+$0x15050] =	vst v0  }
0x709: {  	v0 =	vld.idx.msk [tilespmem:v2+s17+$0x0], $0xffff  }
0x70a: {  	v2 =	vadd.s32 $0x3000, v1;
	_ =	sdelay $0x3  }
0x70b: {  	[tilespmem:s26+$0x15850] =	vst v0  }
0x70c: {  	v0 =	vld.idx.msk [tilespmem:v2+s17+$0x0], $0xffff  }
0x70d: {  	v2 =	vadd.s32 $0x4000, v1;
	_ =	sdelay $0x3  }
0x70e: {  	[tilespmem:s26+$0x16050] =	vst v0  }
0x70f: {  	v0 =	vld.idx.msk [tilespmem:v2+s17+$0x0], $0xffff  }
0x710: {  	v2 =	vadd.s32 $0x5000, v1;
	_ =	sdelay $0x3  }
0x711: {  	[tilespmem:s26+$0x16850] =	vst v0  }
0x712: {  	v0 =	vld.idx.msk [tilespmem:v2+s17+$0x0], $0xffff  }
0x713: {  	v2 =	vadd.s32 $0x6000, v1;
	_ =	sdelay $0x3  }
0x714: {  	[tilespmem:s26+$0x17050] =	vst v0  }
0x715: {  	v0 =	vld.idx.msk [tilespmem:v2+s17+$0x0], $0xffff;
	_ =	sdelay $0x1  }
0x716: {  	v1 =	vadd.s32 $0x7000, v1;
	_ =	sdelay $0x2  }
0x717: {  	[tilespmem:s26+$0x17850] =	vst v0;
	v0 =	vld [tilespmem:s26+$0x40];
	_ =	sdelay $0x1  }
0x718: {  	v1 =	vld.idx.msk [tilespmem:v1+s17+$0x0], $0xffff;
	_ =	sdelay $0x4  }
0x719: {  	[tilespmem:s26+$0x18050] =	vst v1  }
0x71a: {  	v1 =	vld.idx.msk [tilespmem:v0+s17+$0x0], $0xffff  }
0x71b: {  	v2 =	vadd.s32 $0x1000, v0;
	_ =	sdelay $0x3  }
0x71c: {  	[tilespmem:s26+$0x14860] =	vst v1  }
0x71d: {  	v1 =	vld.idx.msk [tilespmem:v2+s17+$0x0], $0xffff  }
0x71e: {  	v2 =	vadd.s32 $0x2000, v0;
	_ =	sdelay $0x3  }
0x71f: {  	[tilespmem:s26+$0x15060] =	vst v1  }
0x720: {  	v1 =	vld.idx.msk [tilespmem:v2+s17+$0x0], $0xffff  }
0x721: {  	v2 =	vadd.s32 $0x3000, v0;
	_ =	sdelay $0x3  }
0x722: {  	[tilespmem:s26+$0x15860] =	vst v1  }
0x723: {  	v1 =	vld.idx.msk [tilespmem:v2+s17+$0x0], $0xffff  }
0x724: {  	v2 =	vadd.s32 $0x4000, v0;
	_ =	sdelay $0x3  }
0x725: {  	[tilespmem:s26+$0x16060] =	vst v1  }
0x726: {  	v1 =	vld.idx.msk [tilespmem:v2+s17+$0x0], $0xffff  }
0x727: {  	v2 =	vadd.s32 $0x5000, v0;
	_ =	sdelay $0x3  }
0x728: {  	[tilespmem:s26+$0x16860] =	vst v1  }
0x729: {  	v1 =	vld.idx.msk [tilespmem:v2+s17+$0x0], $0xffff  }
0x72a: {  	v2 =	vadd.s32 $0x6000, v0;
	_ =	sdelay $0x3  }
0x72b: {  	[tilespmem:s26+$0x17060] =	vst v1  }
0x72c: {  	v1 =	vld.idx.msk [tilespmem:v2+s17+$0x0], $0xffff;
	_ =	sdelay $0x1  }
0x72d: {  	v0 =	vadd.s32 $0x7000, v0;
	_ =	sdelay $0x2  }
0x72e: {  	[tilespmem:s26+$0x17860] =	vst v1;
	v1 =	vld [tilespmem:s26+$0x50];
	_ =	sdelay $0x1  }
0x72f: {  	v0 =	vld.idx.msk [tilespmem:v0+s17+$0x0], $0xffff;
	_ =	sdelay $0x4  }
0x730: {  	[tilespmem:s26+$0x18060] =	vst v0  }
0x731: {  	v0 =	vld.idx.msk [tilespmem:v1+s17+$0x0], $0xffff  }
0x732: {  	v2 =	vadd.s32 $0x1000, v1;
	_ =	sdelay $0x3  }
0x733: {  	[tilespmem:s26+$0x14870] =	vst v0  }
0x734: {  	v0 =	vld.idx.msk [tilespmem:v2+s17+$0x0], $0xffff  }
0x735: {  	v2 =	vadd.s32 $0x2000, v1;
	_ =	sdelay $0x3  }
0x736: {  	[tilespmem:s26+$0x15070] =	vst v0  }
0x737: {  	v0 =	vld.idx.msk [tilespmem:v2+s17+$0x0], $0xffff  }
0x738: {  	v2 =	vadd.s32 $0x3000, v1;
	_ =	sdelay $0x3  }
0x739: {  	[tilespmem:s26+$0x15870] =	vst v0  }
0x73a: {  	v0 =	vld.idx.msk [tilespmem:v2+s17+$0x0], $0xffff  }
0x73b: {  	v2 =	vadd.s32 $0x4000, v1;
	_ =	sdelay $0x3  }
0x73c: {  	[tilespmem:s26+$0x16070] =	vst v0  }
0x73d: {  	v0 =	vld.idx.msk [tilespmem:v2+s17+$0x0], $0xffff  }
0x73e: {  	v2 =	vadd.s32 $0x5000, v1;
	_ =	sdelay $0x3  }
0x73f: {  	[tilespmem:s26+$0x16870] =	vst v0  }
0x740: {  	v0 =	vld.idx.msk [tilespmem:v2+s17+$0x0], $0xffff  }
0x741: {  	v2 =	vadd.s32 $0x6000, v1;
	_ =	sdelay $0x3  }
0x742: {  	[tilespmem:s26+$0x17070] =	vst v0  }
0x743: {  	v0 =	vld.idx.msk [tilespmem:v2+s17+$0x0], $0xffff;
	_ =	sdelay $0x1  }
0x744: {  	v1 =	vadd.s32 $0x7000, v1;
	_ =	sdelay $0x2  }
0x745: {  	[tilespmem:s26+$0x17870] =	vst v0;
	v0 =	vld [tilespmem:s26+$0x60];
	_ =	sdelay $0x1  }
0x746: {  	v1 =	vld.idx.msk [tilespmem:v1+s17+$0x0], $0xffff;
	_ =	sdelay $0x4  }
0x747: {  	[tilespmem:s26+$0x18070] =	vst v1  }
0x748: {  	v1 =	vld.idx.msk [tilespmem:v0+s17+$0x0], $0xffff  }
0x749: {  	v2 =	vadd.s32 $0x1000, v0;
	_ =	sdelay $0x3  }
0x74a: {  	[tilespmem:s26+$0x14880] =	vst v1  }
0x74b: {  	v1 =	vld.idx.msk [tilespmem:v2+s17+$0x0], $0xffff  }
0x74c: {  	v2 =	vadd.s32 $0x2000, v0;
	_ =	sdelay $0x3  }
0x74d: {  	[tilespmem:s26+$0x15080] =	vst v1  }
0x74e: {  	v1 =	vld.idx.msk [tilespmem:v2+s17+$0x0], $0xffff  }
0x74f: {  	v2 =	vadd.s32 $0x3000, v0;
	_ =	sdelay $0x3  }
0x750: {  	[tilespmem:s26+$0x15880] =	vst v1  }
0x751: {  	v1 =	vld.idx.msk [tilespmem:v2+s17+$0x0], $0xffff  }
0x752: {  	v2 =	vadd.s32 $0x4000, v0;
	_ =	sdelay $0x3  }
0x753: {  	[tilespmem:s26+$0x16080] =	vst v1  }
0x754: {  	v1 =	vld.idx.msk [tilespmem:v2+s17+$0x0], $0xffff  }
0x755: {  	v2 =	vadd.s32 $0x5000, v0;
	_ =	sdelay $0x3  }
0x756: {  	[tilespmem:s26+$0x16880] =	vst v1  }
0x757: {  	v1 =	vld.idx.msk [tilespmem:v2+s17+$0x0], $0xffff  }
0x758: {  	v2 =	vadd.s32 $0x6000, v0;
	_ =	sdelay $0x3  }
0x759: {  	[tilespmem:s26+$0x17080] =	vst v1  }
0x75a: {  	v1 =	vld.idx.msk [tilespmem:v2+s17+$0x0], $0xffff;
	_ =	sdelay $0x1  }
0x75b: {  	v0 =	vadd.s32 $0x7000, v0;
	_ =	sdelay $0x2  }
0x75c: {  	[tilespmem:s26+$0x17880] =	vst v1;
	v1 =	vld [tilespmem:s26+$0x70];
	_ =	sdelay $0x1  }
0x75d: {  	v0 =	vld.idx.msk [tilespmem:v0+s17+$0x0], $0xffff;
	_ =	sdelay $0x4  }
0x75e: {  	[tilespmem:s26+$0x18080] =	vst v0  }
0x75f: {  	v0 =	vld.idx.msk [tilespmem:v1+s17+$0x0], $0xffff  }
0x760: {  	v2 =	vadd.s32 $0x1000, v1;
	_ =	sdelay $0x3  }
0x761: {  	[tilespmem:s26+$0x14890] =	vst v0  }
0x762: {  	v0 =	vld.idx.msk [tilespmem:v2+s17+$0x0], $0xffff  }
0x763: {  	v2 =	vadd.s32 $0x2000, v1;
	_ =	sdelay $0x3  }
0x764: {  	[tilespmem:s26+$0x15090] =	vst v0  }
0x765: {  	v0 =	vld.idx.msk [tilespmem:v2+s17+$0x0], $0xffff  }
0x766: {  	v2 =	vadd.s32 $0x3000, v1;
	_ =	sdelay $0x3  }
0x767: {  	[tilespmem:s26+$0x15890] =	vst v0  }
0x768: {  	v0 =	vld.idx.msk [tilespmem:v2+s17+$0x0], $0xffff  }
0x769: {  	v2 =	vadd.s32 $0x4000, v1;
	_ =	sdelay $0x3  }
0x76a: {  	[tilespmem:s26+$0x16090] =	vst v0  }
0x76b: {  	v0 =	vld.idx.msk [tilespmem:v2+s17+$0x0], $0xffff  }
0x76c: {  	v2 =	vadd.s32 $0x5000, v1;
	_ =	sdelay $0x3  }
0x76d: {  	[tilespmem:s26+$0x16890] =	vst v0  }
0x76e: {  	v0 =	vld.idx.msk [tilespmem:v2+s17+$0x0], $0xffff  }
0x76f: {  	v2 =	vadd.s32 $0x6000, v1;
	_ =	sdelay $0x3  }
0x770: {  	[tilespmem:s26+$0x17090] =	vst v0  }
0x771: {  	v0 =	vld.idx.msk [tilespmem:v2+s17+$0x0], $0xffff  }
0x772: {  	v1 =	vadd.s32 $0x7000, v1;
	_ =	sdelay $0x2  }
0x773: {  	s28 =	simm.s32 $0x400;
	s29 =	simm.s32 $0x80  }
.LBB2_8:
0x774: {  	p0 =	sne.s32 s28, $0x1E00;
	v2 =	vld [tilespmem:s29+$0x0];
	[tilespmem:s26+$0x17890] =	vst v0  }
0x775: {  	v0 =	vld.idx.msk [tilespmem:v1+s17+$0x0], $0xffff;
	_ =	sdelay $0x5  }
0x776: {  	[tilespmem:s26+$0x18090] =	vst v0;
	s26 =	smov.u32 s29  }
0x777: {  	v0 =	vld.idx.msk [tilespmem:v2+s17+$0x0], $0xffff;
	_ =	sdelay $0x1  }
0x778: {  	v1 =	vadd.s32 $0x1000, v2;
	_ =	sdelay $0x3  }
0x779: {  	[tilespmem:s26+$0x14820] =	vst v0  }
0x77a: {  	v0 =	vld.idx.msk [tilespmem:v1+s17+$0x0], $0xffff;
	_ =	sdelay $0x1  }
0x77b: {  	v1 =	vadd.s32 $0x2000, v2;
	_ =	sdelay $0x3  }
0x77c: {  	[tilespmem:s26+$0x15020] =	vst v0  }
0x77d: {  	v0 =	vld.idx.msk [tilespmem:v1+s17+$0x0], $0xffff;
	_ =	sdelay $0x1  }
0x77e: {  	v1 =	vadd.s32 $0x3000, v2;
	_ =	sdelay $0x3  }
0x77f: {  	[tilespmem:s26+$0x15820] =	vst v0  }
0x780: {  	v0 =	vld.idx.msk [tilespmem:v1+s17+$0x0], $0xffff;
	_ =	sdelay $0x1  }
0x781: {  	v1 =	vadd.s32 $0x4000, v2;
	_ =	sdelay $0x3  }
0x782: {  	[tilespmem:s26+$0x16020] =	vst v0  }
0x783: {  	v0 =	vld.idx.msk [tilespmem:v1+s17+$0x0], $0xffff;
	_ =	sdelay $0x1  }
0x784: {  	v1 =	vadd.s32 $0x5000, v2;
	_ =	sdelay $0x3  }
0x785: {  	[tilespmem:s26+$0x16820] =	vst v0  }
0x786: {  	v0 =	vld.idx.msk [tilespmem:v1+s17+$0x0], $0xffff;
	_ =	sdelay $0x1  }
0x787: {  	v1 =	vadd.s32 $0x6000, v2;
	_ =	sdelay $0x3  }
0x788: {  	[tilespmem:s26+$0x17020] =	vst v0  }
0x789: {  	v0 =	vld.idx.msk [tilespmem:v1+s17+$0x0], $0xffff;
	_ =	sdelay $0x1  }
0x78a: {  	v1 =	vadd.s32 $0x7000, v2;
	_ =	sdelay $0x3  }
0x78b: {  	[tilespmem:s26+$0x17820] =	vst v0;
	v0 =	vld [tilespmem:s26+$0x10]  }
0x78c: {  	v1 =	vld.idx.msk [tilespmem:v1+s17+$0x0], $0xffff;
	_ =	sdelay $0x5  }
0x78d: {  	[tilespmem:s26+$0x18020] =	vst v1  }
0x78e: {  	v1 =	vld.idx.msk [tilespmem:v0+s17+$0x0], $0xffff;
	_ =	sdelay $0x1  }
0x78f: {  	v2 =	vadd.s32 $0x1000, v0;
	_ =	sdelay $0x3  }
0x790: {  	[tilespmem:s26+$0x14830] =	vst v1  }
0x791: {  	v1 =	vld.idx.msk [tilespmem:v2+s17+$0x0], $0xffff;
	_ =	sdelay $0x1  }
0x792: {  	v2 =	vadd.s32 $0x2000, v0;
	_ =	sdelay $0x3  }
0x793: {  	[tilespmem:s26+$0x15030] =	vst v1  }
0x794: {  	v1 =	vld.idx.msk [tilespmem:v2+s17+$0x0], $0xffff;
	_ =	sdelay $0x1  }
0x795: {  	v2 =	vadd.s32 $0x3000, v0;
	_ =	sdelay $0x3  }
0x796: {  	[tilespmem:s26+$0x15830] =	vst v1  }
0x797: {  	v1 =	vld.idx.msk [tilespmem:v2+s17+$0x0], $0xffff;
	_ =	sdelay $0x1  }
0x798: {  	v2 =	vadd.s32 $0x4000, v0;
	_ =	sdelay $0x3  }
0x799: {  	[tilespmem:s26+$0x16030] =	vst v1  }
0x79a: {  	v1 =	vld.idx.msk [tilespmem:v2+s17+$0x0], $0xffff;
	_ =	sdelay $0x1  }
0x79b: {  	v2 =	vadd.s32 $0x5000, v0;
	_ =	sdelay $0x3  }
0x79c: {  	[tilespmem:s26+$0x16830] =	vst v1  }
0x79d: {  	v1 =	vld.idx.msk [tilespmem:v2+s17+$0x0], $0xffff;
	_ =	sdelay $0x1  }
0x79e: {  	v2 =	vadd.s32 $0x6000, v0;
	_ =	sdelay $0x3  }
0x79f: {  	[tilespmem:s26+$0x17030] =	vst v1  }
0x7a0: {  	v1 =	vld.idx.msk [tilespmem:v2+s17+$0x0], $0xffff;
	_ =	sdelay $0x1  }
0x7a1: {  	v0 =	vadd.s32 $0x7000, v0;
	_ =	sdelay $0x3  }
0x7a2: {  	[tilespmem:s26+$0x17830] =	vst v1;
	v1 =	vld [tilespmem:s26+$0x20]  }
0x7a3: {  	v0 =	vld.idx.msk [tilespmem:v0+s17+$0x0], $0xffff;
	_ =	sdelay $0x5  }
0x7a4: {  	[tilespmem:s26+$0x18030] =	vst v0  }
0x7a5: {  	v0 =	vld.idx.msk [tilespmem:v1+s17+$0x0], $0xffff;
	_ =	sdelay $0x1  }
0x7a6: {  	v2 =	vadd.s32 $0x1000, v1;
	_ =	sdelay $0x3  }
0x7a7: {  	[tilespmem:s26+$0x14840] =	vst v0  }
0x7a8: {  	v0 =	vld.idx.msk [tilespmem:v2+s17+$0x0], $0xffff;
	_ =	sdelay $0x1  }
0x7a9: {  	v2 =	vadd.s32 $0x2000, v1;
	_ =	sdelay $0x3  }
0x7aa: {  	[tilespmem:s26+$0x15040] =	vst v0  }
0x7ab: {  	v0 =	vld.idx.msk [tilespmem:v2+s17+$0x0], $0xffff;
	_ =	sdelay $0x1  }
0x7ac: {  	v2 =	vadd.s32 $0x3000, v1;
	_ =	sdelay $0x3  }
0x7ad: {  	[tilespmem:s26+$0x15840] =	vst v0  }
0x7ae: {  	v0 =	vld.idx.msk [tilespmem:v2+s17+$0x0], $0xffff;
	_ =	sdelay $0x1  }
0x7af: {  	v2 =	vadd.s32 $0x4000, v1;
	_ =	sdelay $0x3  }
0x7b0: {  	[tilespmem:s26+$0x16040] =	vst v0  }
0x7b1: {  	v0 =	vld.idx.msk [tilespmem:v2+s17+$0x0], $0xffff;
	_ =	sdelay $0x1  }
0x7b2: {  	v2 =	vadd.s32 $0x5000, v1;
	_ =	sdelay $0x3  }
0x7b3: {  	[tilespmem:s26+$0x16840] =	vst v0  }
0x7b4: {  	v0 =	vld.idx.msk [tilespmem:v2+s17+$0x0], $0xffff;
	_ =	sdelay $0x1  }
0x7b5: {  	v2 =	vadd.s32 $0x6000, v1;
	_ =	sdelay $0x3  }
0x7b6: {  	[tilespmem:s26+$0x17040] =	vst v0  }
0x7b7: {  	v0 =	vld.idx.msk [tilespmem:v2+s17+$0x0], $0xffff;
	_ =	sdelay $0x1  }
0x7b8: {  	v1 =	vadd.s32 $0x7000, v1;
	_ =	sdelay $0x3  }
0x7b9: {  	[tilespmem:s26+$0x17840] =	vst v0;
	v0 =	vld [tilespmem:s26+$0x30]  }
0x7ba: {  	v1 =	vld.idx.msk [tilespmem:v1+s17+$0x0], $0xffff;
	_ =	sdelay $0x5  }
0x7bb: {  	[tilespmem:s26+$0x18040] =	vst v1  }
0x7bc: {  	v1 =	vld.idx.msk [tilespmem:v0+s17+$0x0], $0xffff;
	_ =	sdelay $0x1  }
0x7bd: {  	v2 =	vadd.s32 $0x1000, v0;
	_ =	sdelay $0x3  }
0x7be: {  	[tilespmem:s26+$0x14850] =	vst v1  }
0x7bf: {  	v1 =	vld.idx.msk [tilespmem:v2+s17+$0x0], $0xffff;
	_ =	sdelay $0x1  }
0x7c0: {  	v2 =	vadd.s32 $0x2000, v0;
	_ =	sdelay $0x3  }
0x7c1: {  	[tilespmem:s26+$0x15050] =	vst v1  }
0x7c2: {  	v1 =	vld.idx.msk [tilespmem:v2+s17+$0x0], $0xffff;
	_ =	sdelay $0x1  }
0x7c3: {  	v2 =	vadd.s32 $0x3000, v0;
	_ =	sdelay $0x3  }
0x7c4: {  	[tilespmem:s26+$0x15850] =	vst v1  }
0x7c5: {  	v1 =	vld.idx.msk [tilespmem:v2+s17+$0x0], $0xffff;
	_ =	sdelay $0x1  }
0x7c6: {  	v2 =	vadd.s32 $0x4000, v0;
	_ =	sdelay $0x3  }
0x7c7: {  	[tilespmem:s26+$0x16050] =	vst v1  }
0x7c8: {  	v1 =	vld.idx.msk [tilespmem:v2+s17+$0x0], $0xffff;
	_ =	sdelay $0x1  }
0x7c9: {  	v2 =	vadd.s32 $0x5000, v0;
	_ =	sdelay $0x3  }
0x7ca: {  	[tilespmem:s26+$0x16850] =	vst v1  }
0x7cb: {  	v1 =	vld.idx.msk [tilespmem:v2+s17+$0x0], $0xffff;
	_ =	sdelay $0x1  }
0x7cc: {  	v2 =	vadd.s32 $0x6000, v0;
	_ =	sdelay $0x3  }
0x7cd: {  	[tilespmem:s26+$0x17050] =	vst v1  }
0x7ce: {  	v1 =	vld.idx.msk [tilespmem:v2+s17+$0x0], $0xffff;
	_ =	sdelay $0x1  }
0x7cf: {  	v0 =	vadd.s32 $0x7000, v0;
	_ =	sdelay $0x3  }
0x7d0: {  	[tilespmem:s26+$0x17850] =	vst v1;
	v1 =	vld [tilespmem:s26+$0x40]  }
0x7d1: {  	v0 =	vld.idx.msk [tilespmem:v0+s17+$0x0], $0xffff;
	_ =	sdelay $0x5  }
0x7d2: {  	[tilespmem:s26+$0x18050] =	vst v0  }
0x7d3: {  	v0 =	vld.idx.msk [tilespmem:v1+s17+$0x0], $0xffff;
	_ =	sdelay $0x1  }
0x7d4: {  	v2 =	vadd.s32 $0x1000, v1;
	_ =	sdelay $0x3  }
0x7d5: {  	[tilespmem:s26+$0x14860] =	vst v0  }
0x7d6: {  	v0 =	vld.idx.msk [tilespmem:v2+s17+$0x0], $0xffff;
	_ =	sdelay $0x1  }
0x7d7: {  	v2 =	vadd.s32 $0x2000, v1;
	_ =	sdelay $0x3  }
0x7d8: {  	[tilespmem:s26+$0x15060] =	vst v0  }
0x7d9: {  	v0 =	vld.idx.msk [tilespmem:v2+s17+$0x0], $0xffff;
	_ =	sdelay $0x1  }
0x7da: {  	v2 =	vadd.s32 $0x3000, v1;
	_ =	sdelay $0x3  }
0x7db: {  	[tilespmem:s26+$0x15860] =	vst v0  }
0x7dc: {  	v0 =	vld.idx.msk [tilespmem:v2+s17+$0x0], $0xffff;
	_ =	sdelay $0x1  }
0x7dd: {  	v2 =	vadd.s32 $0x4000, v1;
	_ =	sdelay $0x3  }
0x7de: {  	[tilespmem:s26+$0x16060] =	vst v0  }
0x7df: {  	v0 =	vld.idx.msk [tilespmem:v2+s17+$0x0], $0xffff;
	_ =	sdelay $0x1  }
0x7e0: {  	v2 =	vadd.s32 $0x5000, v1;
	_ =	sdelay $0x3  }
0x7e1: {  	[tilespmem:s26+$0x16860] =	vst v0  }
0x7e2: {  	v0 =	vld.idx.msk [tilespmem:v2+s17+$0x0], $0xffff;
	_ =	sdelay $0x1  }
0x7e3: {  	v2 =	vadd.s32 $0x6000, v1;
	_ =	sdelay $0x3  }
0x7e4: {  	[tilespmem:s26+$0x17060] =	vst v0  }
0x7e5: {  	v0 =	vld.idx.msk [tilespmem:v2+s17+$0x0], $0xffff;
	_ =	sdelay $0x1  }
0x7e6: {  	v1 =	vadd.s32 $0x7000, v1;
	_ =	sdelay $0x3  }
0x7e7: {  	[tilespmem:s26+$0x17860] =	vst v0;
	v0 =	vld [tilespmem:s26+$0x50]  }
0x7e8: {  	v1 =	vld.idx.msk [tilespmem:v1+s17+$0x0], $0xffff;
	_ =	sdelay $0x5  }
0x7e9: {  	[tilespmem:s26+$0x18060] =	vst v1  }
0x7ea: {  	v1 =	vld.idx.msk [tilespmem:v0+s17+$0x0], $0xffff;
	_ =	sdelay $0x1  }
0x7eb: {  	v2 =	vadd.s32 $0x1000, v0;
	_ =	sdelay $0x3  }
0x7ec: {  	[tilespmem:s26+$0x14870] =	vst v1  }
0x7ed: {  	v1 =	vld.idx.msk [tilespmem:v2+s17+$0x0], $0xffff;
	_ =	sdelay $0x1  }
0x7ee: {  	v2 =	vadd.s32 $0x2000, v0;
	_ =	sdelay $0x3  }
0x7ef: {  	[tilespmem:s26+$0x15070] =	vst v1  }
0x7f0: {  	v1 =	vld.idx.msk [tilespmem:v2+s17+$0x0], $0xffff;
	_ =	sdelay $0x1  }
0x7f1: {  	v2 =	vadd.s32 $0x3000, v0;
	_ =	sdelay $0x3  }
0x7f2: {  	[tilespmem:s26+$0x15870] =	vst v1  }
0x7f3: {  	v1 =	vld.idx.msk [tilespmem:v2+s17+$0x0], $0xffff;
	_ =	sdelay $0x1  }
0x7f4: {  	v2 =	vadd.s32 $0x4000, v0;
	_ =	sdelay $0x3  }
0x7f5: {  	[tilespmem:s26+$0x16070] =	vst v1  }
0x7f6: {  	v1 =	vld.idx.msk [tilespmem:v2+s17+$0x0], $0xffff;
	_ =	sdelay $0x1  }
0x7f7: {  	v2 =	vadd.s32 $0x5000, v0;
	_ =	sdelay $0x3  }
0x7f8: {  	[tilespmem:s26+$0x16870] =	vst v1  }
0x7f9: {  	v1 =	vld.idx.msk [tilespmem:v2+s17+$0x0], $0xffff;
	_ =	sdelay $0x1  }
0x7fa: {  	v2 =	vadd.s32 $0x6000, v0;
	_ =	sdelay $0x3  }
0x7fb: {  	[tilespmem:s26+$0x17070] =	vst v1  }
0x7fc: {  	v1 =	vld.idx.msk [tilespmem:v2+s17+$0x0], $0xffff;
	_ =	sdelay $0x1  }
0x7fd: {  	v0 =	vadd.s32 $0x7000, v0;
	_ =	sdelay $0x3  }
0x7fe: {  	[tilespmem:s26+$0x17870] =	vst v1;
	v1 =	vld [tilespmem:s26+$0x60]  }
0x7ff: {  	v0 =	vld.idx.msk [tilespmem:v0+s17+$0x0], $0xffff;
	_ =	sdelay $0x5  }
0x800: {  	[tilespmem:s26+$0x18070] =	vst v0  }
0x801: {  	v0 =	vld.idx.msk [tilespmem:v1+s17+$0x0], $0xffff;
	_ =	sdelay $0x1  }
0x802: {  	v2 =	vadd.s32 $0x1000, v1;
	_ =	sdelay $0x3  }
0x803: {  	[tilespmem:s26+$0x14880] =	vst v0  }
0x804: {  	v0 =	vld.idx.msk [tilespmem:v2+s17+$0x0], $0xffff;
	_ =	sdelay $0x1  }
0x805: {  	v2 =	vadd.s32 $0x2000, v1;
	_ =	sdelay $0x3  }
0x806: {  	[tilespmem:s26+$0x15080] =	vst v0  }
0x807: {  	v0 =	vld.idx.msk [tilespmem:v2+s17+$0x0], $0xffff;
	_ =	sdelay $0x1  }
0x808: {  	v2 =	vadd.s32 $0x3000, v1;
	_ =	sdelay $0x3  }
0x809: {  	[tilespmem:s26+$0x15880] =	vst v0  }
0x80a: {  	v0 =	vld.idx.msk [tilespmem:v2+s17+$0x0], $0xffff;
	_ =	sdelay $0x1  }
0x80b: {  	v2 =	vadd.s32 $0x4000, v1;
	_ =	sdelay $0x3  }
0x80c: {  	[tilespmem:s26+$0x16080] =	vst v0  }
0x80d: {  	v0 =	vld.idx.msk [tilespmem:v2+s17+$0x0], $0xffff;
	_ =	sdelay $0x1  }
0x80e: {  	v2 =	vadd.s32 $0x5000, v1;
	_ =	sdelay $0x3  }
0x80f: {  	[tilespmem:s26+$0x16880] =	vst v0  }
0x810: {  	v0 =	vld.idx.msk [tilespmem:v2+s17+$0x0], $0xffff;
	_ =	sdelay $0x1  }
0x811: {  	v2 =	vadd.s32 $0x6000, v1;
	_ =	sdelay $0x3  }
0x812: {  	[tilespmem:s26+$0x17080] =	vst v0  }
0x813: {  	v0 =	vld.idx.msk [tilespmem:v2+s17+$0x0], $0xffff;
	_ =	sdelay $0x1  }
0x814: {  	v1 =	vadd.s32 $0x7000, v1;
	_ =	sdelay $0x3  }
0x815: {  	[tilespmem:s26+$0x17880] =	vst v0;
	v2 =	vld [tilespmem:s26+$0x70]  }
0x816: {  	v0 =	vld.idx.msk [tilespmem:v1+s17+$0x0], $0xffff;
	_ =	sdelay $0x5  }
0x817: {  	[tilespmem:s26+$0x18080] =	vst v0  }
0x818: {  	v0 =	vld.idx.msk [tilespmem:v2+s17+$0x0], $0xffff;
	_ =	sdelay $0x1  }
0x819: {  	v1 =	vadd.s32 $0x1000, v2;
	_ =	sdelay $0x3  }
0x81a: {  	[tilespmem:s26+$0x14890] =	vst v0  }
0x81b: {  	v0 =	vld.idx.msk [tilespmem:v1+s17+$0x0], $0xffff;
	_ =	sdelay $0x1  }
0x81c: {  	v1 =	vadd.s32 $0x2000, v2;
	_ =	sdelay $0x3  }
0x81d: {  	[tilespmem:s26+$0x15090] =	vst v0  }
0x81e: {  	v0 =	vld.idx.msk [tilespmem:v1+s17+$0x0], $0xffff;
	_ =	sdelay $0x1  }
0x81f: {  	v1 =	vadd.s32 $0x3000, v2;
	_ =	sdelay $0x3  }
0x820: {  	[tilespmem:s26+$0x15890] =	vst v0  }
0x821: {  	v0 =	vld.idx.msk [tilespmem:v1+s17+$0x0], $0xffff;
	_ =	sdelay $0x1  }
0x822: {  	v1 =	vadd.s32 $0x4000, v2;
	_ =	sdelay $0x3  }
0x823: {  	[tilespmem:s26+$0x16090] =	vst v0  }
0x824: {  	v0 =	vld.idx.msk [tilespmem:v1+s17+$0x0], $0xffff;
	_ =	sdelay $0x1  }
0x825: {  	v1 =	vadd.s32 $0x5000, v2;
	_ =	sdelay $0x3  }
0x826: {  	[tilespmem:s26+$0x16890] =	vst v0  }
0x827: {  	v0 =	vld.idx.msk [tilespmem:v1+s17+$0x0], $0xffff;
	_ =	sdelay $0x1  }
0x828: {  	v1 =	vadd.s32 $0x6000, v2;
	_ =	sdelay $0x3  }
0x829: {  	[tilespmem:s26+$0x17090] =	vst v0  }
0x82a: {  	v0 =	vld.idx.msk [tilespmem:v1+s17+$0x0], $0xffff  }
.Ltmp3:
0x82b: {  	(pc) =	sbr.rel @p0 .LBB2_8-.Ltmp3, $2  }
0x82c: {  	v1 =	vadd.s32 $0x7000, v2;
	_ =	sdelay $0x2  }
0x82d: {  	s29 =	sshra.s32 s28, $0x2;
	s28 =	sadd.s32 $0x200, s28  }
0x82e: {  	_ =	sdelay $0x1  }
0x82f: {  	v2 =	vld [tilespmem:s29+$0x0]  }
0x830: {  	[tilespmem:s26+$0x17890] =	vst v0  }
0x831: {  	v0 =	vld.idx.msk [tilespmem:v1+s17+$0x0], $0xffff;
	_ =	sdelay $0x4  }
0x832: {  	[tilespmem:s26+$0x18090] =	vst v0  }
0x833: {  	v0 =	vld.idx.msk [tilespmem:v2+s17+$0x0], $0xffff  }
0x834: {  	v8 =	vadd.s32 $0x1000, v2;
	_ =	sdelay $0x3  }
0x835: {  	[tilespmem:s29+$0x14820] =	vst v0  }
0x836: {  	v0 =	vld.idx.msk [tilespmem:v8+s17+$0x0], $0xffff  }
0x837: {  	v9 =	vadd.s32 $0x2000, v2;
	_ =	sdelay $0x3  }
0x838: {  	[tilespmem:s29+$0x15020] =	vst v0  }
0x839: {  	v0 =	vld.idx.msk [tilespmem:v9+s17+$0x0], $0xffff  }
0x83a: {  	v10 =	vadd.s32 $0x3000, v2;
	_ =	sdelay $0x3  }
0x83b: {  	[tilespmem:s29+$0x15820] =	vst v0  }
0x83c: {  	v0 =	vld.idx.msk [tilespmem:v10+s17+$0x0], $0xffff  }
0x83d: {  	v11 =	vadd.s32 $0x4000, v2;
	_ =	sdelay $0x3  }
0x83e: {  	[tilespmem:s29+$0x16020] =	vst v0  }
0x83f: {  	v0 =	vld.idx.msk [tilespmem:v11+s17+$0x0], $0xffff  }
0x840: {  	v12 =	vadd.s32 $0x5000, v2;
	_ =	sdelay $0x3  }
0x841: {  	[tilespmem:s29+$0x16820] =	vst v0  }
0x842: {  	v0 =	vld.idx.msk [tilespmem:v12+s17+$0x0], $0xffff  }
0x843: {  	v13 =	vadd.s32 $0x6000, v2;
	_ =	sdelay $0x3  }
0x844: {  	[tilespmem:s29+$0x17020] =	vst v0  }
0x845: {  	v0 =	vld.idx.msk [tilespmem:v13+s17+$0x0], $0xffff  }
0x846: {  	v14 =	vadd.s32 $0x7000, v2;
	_ =	sdelay $0x2  }
0x847: {  	v15 =	vld [tilespmem:s29+$0x10]  }
0x848: {  	[tilespmem:s29+$0x17820] =	vst v0  }
0x849: {  	v1 =	vld.idx.msk [tilespmem:v14+s17+$0x0], $0xffff;
	_ =	sdelay $0x4  }
0x84a: {  	[tilespmem:s29+$0x18020] =	vst v1  }
0x84b: {  	v1 =	vld.idx.msk [tilespmem:v15+s17+$0x0], $0xffff  }
0x84c: {  	v16 =	vadd.s32 $0x1000, v15;
	_ =	sdelay $0x3  }
0x84d: {  	[tilespmem:s29+$0x14830] =	vst v1  }
0x84e: {  	v1 =	vld.idx.msk [tilespmem:v16+s17+$0x0], $0xffff  }
0x84f: {  	v17 =	vadd.s32 $0x2000, v15;
	_ =	sdelay $0x3  }
0x850: {  	[tilespmem:s29+$0x15030] =	vst v1  }
0x851: {  	v1 =	vld.idx.msk [tilespmem:v17+s17+$0x0], $0xffff  }
0x852: {  	v18 =	vadd.s32 $0x3000, v15;
	_ =	sdelay $0x3  }
0x853: {  	[tilespmem:s29+$0x15830] =	vst v1  }
0x854: {  	v1 =	vld.idx.msk [tilespmem:v18+s17+$0x0], $0xffff  }
0x855: {  	v19 =	vadd.s32 $0x4000, v15;
	_ =	sdelay $0x3  }
0x856: {  	[tilespmem:s29+$0x16030] =	vst v1  }
0x857: {  	v1 =	vld.idx.msk [tilespmem:v19+s17+$0x0], $0xffff  }
0x858: {  	v20 =	vadd.s32 $0x5000, v15;
	_ =	sdelay $0x3  }
0x859: {  	[tilespmem:s29+$0x16830] =	vst v1  }
0x85a: {  	v1 =	vld.idx.msk [tilespmem:v20+s17+$0x0], $0xffff  }
0x85b: {  	v21 =	vadd.s32 $0x6000, v15;
	_ =	sdelay $0x3  }
0x85c: {  	[tilespmem:s29+$0x17030] =	vst v1  }
0x85d: {  	v1 =	vld.idx.msk [tilespmem:v21+s17+$0x0], $0xffff  }
0x85e: {  	v0 =	vadd.s32 $0x7000, v15;
	_ =	sdelay $0x2  }
0x85f: {  	v22 =	vld [tilespmem:s29+$0x20]  }
0x860: {  	[tilespmem:s29+$0x17830] =	vst v1  }
0x861: {  	v0 =	vld.idx.msk [tilespmem:v0+s17+$0x0], $0xffff;
	_ =	sdelay $0x4  }
0x862: {  	[tilespmem:s29+$0x18030] =	vst v0  }
0x863: {  	v0 =	vld.idx.msk [tilespmem:v22+s17+$0x0], $0xffff  }
0x864: {  	v23 =	vadd.s32 $0x1000, v22;
	_ =	sdelay $0x3  }
0x865: {  	[tilespmem:s29+$0x14840] =	vst v0  }
0x866: {  	v0 =	vld.idx.msk [tilespmem:v23+s17+$0x0], $0xffff  }
0x867: {  	v24 =	vadd.s32 $0x2000, v22;
	_ =	sdelay $0x3  }
0x868: {  	[tilespmem:s29+$0x15040] =	vst v0  }
0x869: {  	v0 =	vld.idx.msk [tilespmem:v24+s17+$0x0], $0xffff  }
0x86a: {  	v25 =	vadd.s32 $0x3000, v22;
	_ =	sdelay $0x3  }
0x86b: {  	[tilespmem:s29+$0x15840] =	vst v0  }
0x86c: {  	v0 =	vld.idx.msk [tilespmem:v25+s17+$0x0], $0xffff  }
0x86d: {  	v26 =	vadd.s32 $0x4000, v22;
	_ =	sdelay $0x3  }
0x86e: {  	[tilespmem:s29+$0x16040] =	vst v0  }
0x86f: {  	v0 =	vld.idx.msk [tilespmem:v26+s17+$0x0], $0xffff  }
0x870: {  	v27 =	vadd.s32 $0x5000, v22;
	_ =	sdelay $0x3  }
0x871: {  	[tilespmem:s29+$0x16840] =	vst v0  }
0x872: {  	v0 =	vld.idx.msk [tilespmem:v27+s17+$0x0], $0xffff  }
0x873: {  	v28 =	vadd.s32 $0x6000, v22;
	_ =	sdelay $0x3  }
0x874: {  	[tilespmem:s29+$0x17040] =	vst v0  }
0x875: {  	v0 =	vld.idx.msk [tilespmem:v28+s17+$0x0], $0xffff  }
0x876: {  	v1 =	vadd.s32 $0x7000, v22;
	_ =	sdelay $0x2  }
0x877: {  	v29 =	vld [tilespmem:s29+$0x30]  }
0x878: {  	[tilespmem:s29+$0x17840] =	vst v0  }
0x879: {  	v1 =	vld.idx.msk [tilespmem:v1+s17+$0x0], $0xffff;
	_ =	sdelay $0x4  }
0x87a: {  	[tilespmem:s29+$0x18040] =	vst v1  }
0x87b: {  	v1 =	vld.idx.msk [tilespmem:v29+s17+$0x0], $0xffff  }
0x87c: {  	v30 =	vadd.s32 $0x1000, v29;
	_ =	sdelay $0x3  }
0x87d: {  	[tilespmem:s29+$0x14850] =	vst v1  }
0x87e: {  	v1 =	vld.idx.msk [tilespmem:v30+s17+$0x0], $0xffff  }
0x87f: {  	v31 =	vadd.s32 $0x2000, v29;
	_ =	sdelay $0x3  }
0x880: {  	[tilespmem:s29+$0x15050] =	vst v1  }
0x881: {  	v1 =	vld.idx.msk [tilespmem:v31+s17+$0x0], $0xffff  }
0x882: {  	v32 =	vadd.s32 $0x3000, v29;
	_ =	sdelay $0x3  }
0x883: {  	[tilespmem:s29+$0x15850] =	vst v1  }
0x884: {  	v1 =	vld.idx.msk [tilespmem:v32+s17+$0x0], $0xffff  }
0x885: {  	v33 =	vadd.s32 $0x4000, v29;
	_ =	sdelay $0x3  }
0x886: {  	[tilespmem:s29+$0x16050] =	vst v1  }
0x887: {  	v1 =	vld.idx.msk [tilespmem:v33+s17+$0x0], $0xffff  }
0x888: {  	v34 =	vadd.s32 $0x5000, v29;
	_ =	sdelay $0x3  }
0x889: {  	[tilespmem:s29+$0x16850] =	vst v1  }
0x88a: {  	v1 =	vld.idx.msk [tilespmem:v34+s17+$0x0], $0xffff  }
0x88b: {  	v35 =	vadd.s32 $0x6000, v29;
	_ =	sdelay $0x3  }
0x88c: {  	[tilespmem:s29+$0x17050] =	vst v1  }
0x88d: {  	v1 =	vld.idx.msk [tilespmem:v35+s17+$0x0], $0xffff  }
0x88e: {  	v0 =	vadd.s32 $0x7000, v29;
	_ =	sdelay $0x2  }
0x88f: {  	v36 =	vld [tilespmem:s29+$0x40]  }
0x890: {  	[tilespmem:s29+$0x17850] =	vst v1  }
0x891: {  	v0 =	vld.idx.msk [tilespmem:v0+s17+$0x0], $0xffff;
	_ =	sdelay $0x4  }
0x892: {  	[tilespmem:s29+$0x18050] =	vst v0  }
0x893: {  	v0 =	vld.idx.msk [tilespmem:v36+s17+$0x0], $0xffff  }
0x894: {  	v37 =	vadd.s32 $0x1000, v36;
	_ =	sdelay $0x3  }
0x895: {  	[tilespmem:s29+$0x14860] =	vst v0  }
0x896: {  	v0 =	vld.idx.msk [tilespmem:v37+s17+$0x0], $0xffff  }
0x897: {  	v38 =	vadd.s32 $0x2000, v36;
	_ =	sdelay $0x3  }
0x898: {  	[tilespmem:s29+$0x15060] =	vst v0  }
0x899: {  	v0 =	vld.idx.msk [tilespmem:v38+s17+$0x0], $0xffff  }
0x89a: {  	v39 =	vadd.s32 $0x3000, v36;
	_ =	sdelay $0x3  }
0x89b: {  	[tilespmem:s29+$0x15860] =	vst v0  }
0x89c: {  	v0 =	vld.idx.msk [tilespmem:v39+s17+$0x0], $0xffff  }
0x89d: {  	v40 =	vadd.s32 $0x4000, v36;
	_ =	sdelay $0x3  }
0x89e: {  	[tilespmem:s29+$0x16060] =	vst v0  }
0x89f: {  	v0 =	vld.idx.msk [tilespmem:v40+s17+$0x0], $0xffff  }
0x8a0: {  	v41 =	vadd.s32 $0x5000, v36;
	_ =	sdelay $0x3  }
0x8a1: {  	[tilespmem:s29+$0x16860] =	vst v0  }
0x8a2: {  	v0 =	vld.idx.msk [tilespmem:v41+s17+$0x0], $0xffff  }
0x8a3: {  	v42 =	vadd.s32 $0x6000, v36;
	_ =	sdelay $0x3  }
0x8a4: {  	[tilespmem:s29+$0x17060] =	vst v0  }
0x8a5: {  	v0 =	vld.idx.msk [tilespmem:v42+s17+$0x0], $0xffff  }
0x8a6: {  	v1 =	vadd.s32 $0x7000, v36;
	_ =	sdelay $0x2  }
0x8a7: {  	v43 =	vld [tilespmem:s29+$0x50]  }
0x8a8: {  	[tilespmem:s29+$0x17860] =	vst v0  }
0x8a9: {  	v1 =	vld.idx.msk [tilespmem:v1+s17+$0x0], $0xffff;
	_ =	sdelay $0x4  }
0x8aa: {  	[tilespmem:s29+$0x18060] =	vst v1  }
0x8ab: {  	v1 =	vld.idx.msk [tilespmem:v43+s17+$0x0], $0xffff  }
0x8ac: {  	v44 =	vadd.s32 $0x1000, v43;
	_ =	sdelay $0x3  }
0x8ad: {  	[tilespmem:s29+$0x14870] =	vst v1  }
0x8ae: {  	v1 =	vld.idx.msk [tilespmem:v44+s17+$0x0], $0xffff  }
0x8af: {  	v45 =	vadd.s32 $0x2000, v43;
	_ =	sdelay $0x3  }
0x8b0: {  	[tilespmem:s29+$0x15070] =	vst v1  }
0x8b1: {  	v1 =	vld.idx.msk [tilespmem:v45+s17+$0x0], $0xffff  }
0x8b2: {  	v46 =	vadd.s32 $0x3000, v43;
	_ =	sdelay $0x3  }
0x8b3: {  	[tilespmem:s29+$0x15870] =	vst v1  }
0x8b4: {  	v1 =	vld.idx.msk [tilespmem:v46+s17+$0x0], $0xffff  }
0x8b5: {  	v47 =	vadd.s32 $0x4000, v43;
	_ =	sdelay $0x3  }
0x8b6: {  	[tilespmem:s29+$0x16070] =	vst v1  }
0x8b7: {  	v1 =	vld.idx.msk [tilespmem:v47+s17+$0x0], $0xffff  }
0x8b8: {  	v48 =	vadd.s32 $0x5000, v43;
	_ =	sdelay $0x3  }
0x8b9: {  	[tilespmem:s29+$0x16870] =	vst v1  }
0x8ba: {  	v1 =	vld.idx.msk [tilespmem:v48+s17+$0x0], $0xffff  }
0x8bb: {  	v49 =	vadd.s32 $0x6000, v43;
	_ =	sdelay $0x3  }
0x8bc: {  	[tilespmem:s29+$0x17070] =	vst v1  }
0x8bd: {  	v1 =	vld.idx.msk [tilespmem:v49+s17+$0x0], $0xffff  }
0x8be: {  	v0 =	vadd.s32 $0x7000, v43;
	_ =	sdelay $0x2  }
0x8bf: {  	v50 =	vld [tilespmem:s29+$0x60]  }
0x8c0: {  	[tilespmem:s29+$0x17870] =	vst v1  }
0x8c1: {  	v0 =	vld.idx.msk [tilespmem:v0+s17+$0x0], $0xffff;
	_ =	sdelay $0x4  }
0x8c2: {  	[tilespmem:s29+$0x18070] =	vst v0  }
0x8c3: {  	v0 =	vld.idx.msk [tilespmem:v50+s17+$0x0], $0xffff  }
0x8c4: {  	v51 =	vadd.s32 $0x1000, v50;
	_ =	sdelay $0x3  }
0x8c5: {  	[tilespmem:s29+$0x14880] =	vst v0  }
0x8c6: {  	v0 =	vld.idx.msk [tilespmem:v51+s17+$0x0], $0xffff  }
0x8c7: {  	v52 =	vadd.s32 $0x2000, v50;
	_ =	sdelay $0x3  }
0x8c8: {  	[tilespmem:s29+$0x15080] =	vst v0  }
0x8c9: {  	v0 =	vld.idx.msk [tilespmem:v52+s17+$0x0], $0xffff  }
0x8ca: {  	v53 =	vadd.s32 $0x3000, v50;
	_ =	sdelay $0x3  }
0x8cb: {  	[tilespmem:s29+$0x15880] =	vst v0  }
0x8cc: {  	v0 =	vld.idx.msk [tilespmem:v53+s17+$0x0], $0xffff  }
0x8cd: {  	v54 =	vadd.s32 $0x4000, v50;
	_ =	sdelay $0x3  }
0x8ce: {  	[tilespmem:s29+$0x16080] =	vst v0  }
0x8cf: {  	v0 =	vld.idx.msk [tilespmem:v54+s17+$0x0], $0xffff  }
0x8d0: {  	v55 =	vadd.s32 $0x5000, v50;
	_ =	sdelay $0x3  }
0x8d1: {  	[tilespmem:s29+$0x16880] =	vst v0  }
0x8d2: {  	v0 =	vld.idx.msk [tilespmem:v55+s17+$0x0], $0xffff  }
0x8d3: {  	v56 =	vadd.s32 $0x6000, v50;
	_ =	sdelay $0x3  }
0x8d4: {  	[tilespmem:s29+$0x17080] =	vst v0  }
0x8d5: {  	v0 =	vld.idx.msk [tilespmem:v56+s17+$0x0], $0xffff  }
0x8d6: {  	v1 =	vadd.s32 $0x7000, v50;
	_ =	sdelay $0x2  }
0x8d7: {  	v57 =	vld [tilespmem:s29+$0x70]  }
0x8d8: {  	[tilespmem:s29+$0x17880] =	vst v0  }
0x8d9: {  	v1 =	vld.idx.msk [tilespmem:v1+s17+$0x0], $0xffff;
	_ =	sdelay $0x4  }
0x8da: {  	[tilespmem:s29+$0x18080] =	vst v1  }
0x8db: {  	v1 =	vld.idx.msk [tilespmem:v57+s17+$0x0], $0xffff  }
0x8dc: {  	v58 =	vadd.s32 $0x1000, v57;
	_ =	sdelay $0x3  }
0x8dd: {  	[tilespmem:s29+$0x14890] =	vst v1  }
0x8de: {  	v1 =	vld.idx.msk [tilespmem:v58+s17+$0x0], $0xffff  }
0x8df: {  	v59 =	vadd.s32 $0x2000, v57;
	_ =	sdelay $0x3  }
0x8e0: {  	[tilespmem:s29+$0x15090] =	vst v1  }
0x8e1: {  	v1 =	vld.idx.msk [tilespmem:v59+s17+$0x0], $0xffff  }
0x8e2: {  	v60 =	vadd.s32 $0x3000, v57;
	_ =	sdelay $0x3  }
0x8e3: {  	[tilespmem:s29+$0x15890] =	vst v1  }
0x8e4: {  	v1 =	vld.idx.msk [tilespmem:v60+s17+$0x0], $0xffff  }
0x8e5: {  	v61 =	vadd.s32 $0x4000, v57;
	_ =	sdelay $0x3  }
0x8e6: {  	[tilespmem:s29+$0x16090] =	vst v1  }
0x8e7: {  	v1 =	vld.idx.msk [tilespmem:v61+s17+$0x0], $0xffff  }
0x8e8: {  	v62 =	vadd.s32 $0x5000, v57;
	_ =	sdelay $0x3  }
0x8e9: {  	[tilespmem:s29+$0x16890] =	vst v1  }
0x8ea: {  	v1 =	vld.idx.msk [tilespmem:v62+s17+$0x0], $0xffff  }
0x8eb: {  	v63 =	vadd.s32 $0x6000, v57;
	_ =	sdelay $0x3  }
0x8ec: {  	[tilespmem:s29+$0x17090] =	vst v1  }
0x8ed: {  	v1 =	vld.idx.msk [tilespmem:v63+s17+$0x0], $0xffff  }
0x8ee: {  	v0 =	vadd.s32 $0x7000, v57;
	_ =	sdelay $0x3  }
0x8ef: {  	[tilespmem:s29+$0x17890] =	vst v1  }
0x8f0: {  	v0 =	vld.idx.msk [tilespmem:v0+s17+$0x0], $0xffff;
	_ =	sdelay $0x4  }
0x8f1: {  	s25 =	sadd.s32 $0x1, s25;
	[tilespmem:s29+$0x18090] =	vst v0  }
0x8f2: {  	[hbm4b:s9+s3] =	stream.linear.scatter [tilespmem:s21], [sflag:$0x4], $0x4000, $0x38;
	[tilespmem:$0x18820] =	vst v63  }
0x8f3: {  	p0 =	sne.s32 s25, s10;
	_ =	swait.ge [sflag:s23], $0x4000  }
.Ltmp4:
0x8f4: {  	[sflag:s23] =	ssyncset.done $0x0;
	(pc) =	sbr.rel @p0 .LBB2_1-.Ltmp4, $4  }
0x8f5: {  	[sflag:s23] =	ssyncadd.s32 $0xFFFFC000  }
0x8f6: {  	_ =	swait.ge [sflag:s24], $0x4000  }
0x8f7: {  	[sflag:s24] =	ssyncset.done $0x0  }
0x8f8: {  	[sflag:s24] =	ssyncadd.s32 $0xFFFFC000  }
0x8f9: {  	_ =	sfence.sel $0x180000  }
0x8fa: {  	[bflag:$0x0] =	sbarrier.arrive $0xFFFF  }
0x8fb: {  	p0 =	sne.s32 s2, $0x0;
	_ =	strace $0x9000004A  }
0x8fc: {  	s0 =	sadd.s32 @!p0 $0x100000, s0;
	[bflag:$0x2] =	sbarrier.arrive $0xFFFF  }
0x8fd: {  	[sflag:s0] =	ssyncadd.tile.s32 @!p0 $0x1;
	_ =	shalt  }
.Lfunc_end2:
_tile_overlayer_lowered:
.L_overlay_start_2:
0x8fe: {  	(tag) =	ssettag $0x2  }
0x8ff: {  	s0 =	rddreg [dreg:$0x0];
	s2 =	stileid.u32  }
0x900: {  	s1 =	rddreg [dreg:$0x1];
	p0 =	sne.s32 s2, $0x0  }
0x901: {  	s3 =	rddreg [dreg:$0x2];
	[bflag:$0x3] =	sbarrier.arrive $0xFFFF;
	s2 =	simm.s32 @!p0 $0x1C05  }
0x902: {  	[timem:s3], [sflag:s2] =	dma.local @!p0 [hbm:s0], s1  }
0x903: {  	s0 =	simm.s32 @!p0 $0x5  }
0x904: {  	_ =	swait.ge @!p0 [sflag:s0], s1  }
0x905: {  	s1 =	ssub.s32 @!p0 $0x0, s1;
	[sflag:s0] =	ssyncset.done @!p0 $0x0  }
0x906: {  	[sflag:s0] =	ssyncadd.s32 @!p0 s1  }
0x907: {  	[bflag:$0x3] =	sbarrier.arrive $0xFFFF  }
0x908: {  	_ =	shalt  }

// kernel: sparse-core-data-format-call.cloned.1.call-start
scs
called_computation_lowered:
.L_overlay_start_0:
0x0: {  	s2 =	sld [smem:$0x3FD9]  }
0x1: {  	s3 =	sld [smem:$0x3FFE];
	_ =	sdelay $0x1  }
0x2: {  	s1 =	srdreg.scid  }
0x3: {  	s0 =	sand.u32 $0x1, s1  }
0x4: {  	s18 =	sshll.u32 s0, $0xA;
	s2 =	sadd.s32 s3, s2  }
0x5: {  	s2 =	sadd.s32 s2, s18  }
0x6: {  	[smem:$0x3FC5] =	sst s2  }
0x7: {  	_ = 	snop  }
0x8: {  	s2 =	sld [smem:$0x3FC7];
	(tm) =	ssettm $0x1  }
0x9: {  	s19 =	sld [smem:$0x3FFB];
	_ =	sdelay $0x3  }
0xa: {  	_ =	strace s19  }
0xb: {  	s3 =	sld [smem:$0x3FFC];
	_ =	sdelay $0x3  }
0xc: {  	_ =	strace s3  }
0xd: {  	s3 =	sld [smem:$0x3FFD];
	_ =	sdelay $0x3  }
0xe: {  	_ =	strace s3  }
0xf: {  	_ =	strace $0x8FFFFFFF  }
0x10: {  	s20 =	sld [smem:$0x3FDB];
	_ =	sdelay $0x1  }
0x11: {  	s4 =	simm.s32 $_scs_section_size  }
0x12: {  	s5 =	simm.s32 $_size__tile_overlayer_lowered;
	s6 =	simm.s32 $_tile_overlayer_lowered  }
0x13: {  	s23 =	simm.s32 $0x1BFF;
	s22 =	sshll.u32 s6, $0x1;
	s3 =	sadd.s32 s4, s20  }
0x14: {  	s7 =	simm.s32 $0x0;
	s21 =	sshll.u32 s5, $0x1;
	s5 =	sadd.s32 s22, s3  }
0x15: {  	[timem:s7], [sflag:s23] =	dma.local [hbm:s5], s21  }
0x16: {  	_ =	swait.ge [sflag:s23], s21  }
0x17: {  	s4 =	ssub.s32 $0x0, s21;
	[sflag:s23] =	ssyncset.done $0x0  }
0x18: {  	[sflag:s23] =	ssyncadd.s32 s4;
	_ =	sdelay $0x1  }
0x19: {  	s24 =	simm.s32 $0x1B8B  }
0x1a: {  	_ =	swait.ge [sflag:s24], $0x1  }
0x1b: {  	[sflag:s24] =	ssyncset.done $0x0  }
0x1c: {  	s26 =	simm.s32 $0x1B8E;
	s25 =	sld [smem:$0x3FFE];
	[sflag:s24] =	ssyncadd.s32 $0xFFFFFFFF  }
0x1d: {  	s27 =	simm.s32 $execute0_lowered;
	[smem:$0x3FD2] =	sst s26  }
0x1e: {  	s5 =	sshll.u32 s27, $0x1;
	_ =	strace $0x80000046;
	[dreg:$0x1] =	wrdreg $0xFFFFFFFF  }
0x1f: {  	s28 =	simm.s32 $_size_execute0_lowered;
	s3 =	sadd.s32 s3, s5;
	[dreg:$0x0] =	wrdreg $0x0  }
0x20: {  	s5 =	sshll.u32 s28, $0x1;
	[dreg:$0x2] =	wrdreg s3  }
0x21: {  	[dreg:$0x3] =	wrdreg s5  }
0x22: {  	[dreg:$0x4] =	wrdreg $0xC0  }
0x23: {  	_ =	task [dreg:s7], $0x5FFFF  }
0x24: {  	[dreg:$0x1] =	wrdreg $0xFFFFFFFF  }
0x25: {  	[dreg:$0x0] =	wrdreg $0x60  }
0x26: {  	[dreg:$0x2] =	wrdreg s2  }
0x27: {  	[dreg:$0x3] =	wrdreg s25  }
0x28: {  	[dreg:$0x4] =	wrdreg $0x9  }
0x29: {  	_ =	task.clear_ibuf [dreg:s7], $0x5FFFF;
	_ =	strace $0x90000046  }
0x2a: {  	s29 =	simm.s32 $0x9;
	_ =	strace $0x80000048  }
0x2b: {  	_ =	swait.ge [sflag:s29], $0x1  }
0x2c: {  	[sflag:s29] =	ssyncadd.s32 $0xFFFFFFFF  }
0x2d: {  	_ =	strace $0x90000048  }
0x2e: {  	_ =	sfence  }
0x2f: {  	s30 =	sld [smem:$0x0];
	_ =	sdelay $0x2  }
0x30: {  	s31 =	sshll.u32 s1, $0xD;
	s1 =	sshrl.u32 s1, $0x2  }
0x31: {  	s3 =	sand.u32 $0x4000, s31;
	s1 =	sadd.s32 s1, s30  }
0x32: {  	s0 =	sor.u32 s3, s0;
	s1 =	sshll.u32 s1, $0x11  }
0x33: {  	s0 =	sor.u32 s1, s0  }
0x34: {  	s0 =	sadd.s32 $0x8F2B, s0  }
0x35: {  	[sflag:s0] =	ssyncadd.remote.s32 $0x1  }
0x36: {  	_ =	sfence.sel $0xFFFF  }
0x37: {  	[dreg:$0x0] =	wrdreg $0xFFFFFFFF;
	(pc) =	sbr.abs _section_cstart, $3  }
0x38: {  	[dreg:$0x1] =	wrdreg $0xFFFFFFFF  }
0x39: {  	_ =	task.clear_ibuf [dreg:s7], $0x2FFFF;
	_ =	strace $0x9FFFFFFF  }
0x3a: {  	(tm) =	ssettm $0x7FFFFFFF  }
0x3b: {  	_ =	shalt  }
tec
execute0_lowered:
.L_overlay_start_1:
0x0: {  	(tag) =	ssettag $0x1  }
0x1: {  	s2 =	rddreg [dreg:$0x0]  }
0x2: {  	s1 =	rddreg [dreg:$0x1]  }
0x3: {  	s0 =	rddreg [dreg:$0x2];
	_ =	strace $0x80000047;
	s4 =	srdreg.scid  }
0x4: {  	s6 =	simm.s32 $0x2;
	s11 =	simm.s32 $0x0;
	p0 =	por $0x0, $0x0  }
.Ltmp0:
0x5: {  	s7 =	simm.s32 $0x1000;
	s12 =	simm.s32 $0x0;
	(pc) =	sbr.rel .LBB1_1-.Ltmp0, $4  }
0x6: {  	s9 =	simm.s32 $0x0;
	s3 =	sadd.s32 $0xA00, s1;
	s5 =	sshll.u32 s4, $0x4  }
0x7: {  	s1 =	stileid.u32;
	s4 =	simm.s32 $0x1;
	s5 =	sand.u32 $0x10, s5  }
0x8: {  	s8 =	simm.s32 $0x0;
	[sflag:s4] =	ssyncpa.u1 $0x0;
	s5 =	sor.u32 s1, s5  }
0x9: {  	[sflag:s6] =	ssyncpa.u1 $0x0;
	s6 =	simm.s32 $0x800;
	s10 =	smov.u32 s5  }
.LBB1_7:
0xa: {  	s13 =	sadd.s32 $0x10, s9  }
0xb: {  	s11 =	sadd.s32 $0x20, s10;
	s15 =	smov.u32 s10;
	p2 =	sgt.s32 s13, $0x1F  }
0xc: {  	p1 =	slt.u32 s8, $0x2;
	s15 =	smov.u32 @p2 s11  }
0xd: {  	s8 =	sadd.s32 $0x1, s8;
	s13 =	simm.s32 @p2 $0x0;
	p2 =	sgt.s32 s15, $0x1FF  }
0xe: {  	s15 =	smov.u32 @p2 s5;
	p2 =	sne.s32 s8, $0x22  }
.Ltmp1:
0xf: {  	_ = 	snop;
	(pc) =	sbr.rel @!p2 .LBB1_8-.Ltmp1, $4  }
0x10: {  	s14 =	simm.s32 @!p1 $0x2  }
0x11: {  	s12 =	smov.u32 s10;
	_ =	swait.ge @!p1 [sflag:s14], $0x4000  }
0x12: {  	p0 =	por !p0, !p0;
	s11 =	smov.u32 s9;
	[sflag:s14] =	ssyncset.done @!p1 $0x0  }
0x13: {  	s9 =	smov.u32 s13;
	[sflag:s14] =	ssyncadd.s32 @!p1 $0xFFFFC000;
	s10 =	smov.u32 s15  }
.LBB1_1:
0x14: {  	p1 =	sgt.u32 s8, $0x1F  }
0x15: {  	s13 =	sxor.u32 @!p1 $0xFFFFFFFF, s8;
	s14 =	sshll.u32 @!p1 s10, $0xC  }
0x16: {  	s15 =	sshll.u32 @!p1 s9, $0x7;
	s13 =	sshll.u32 @!p1 s13, $0xE;
	s14 =	sadd.s32 @!p1 s2, s14  }
0x17: {  	s13 =	sand.u32 @!p1 $0x4000, s13;
	s14 =	sadd.s32 @!p1 s15, s14;
	s15 =	simm.s32 @!p1 $0x0  }
0x18: {  	[tilespmem:s13], [sflag:$0x1] =	stream.linear.gather @!p1 [hbm4b:s14+s15], $0x4000, $0x38;
	[tilespmem:$0x10000] =	vst v63  }
0x19: {  	p1 =	seq.s32 s8, $0x0  }
0x1a: {  	p2 =	seq.s32 @!p1 s8, $0x21  }
0x1b: {  	p1 =	por p1, p2  }
.Ltmp2:
0x1c: {  	_ = 	snop;
	(pc) =	sbr.rel @p1 .LBB1_7-.Ltmp2, $1  }
0x1d: {  	_ =	sdelay $0x3  }
0x1e: {  	s13 =	simm.s32 $0x1;
	_ =	swait.ge [sflag:s4], $0x4000;
	s16 =	sshll.u32 s8, $0xE  }
0x1f: {  	s13 =	simm.s32 @!p0 $0x0;
	[sflag:s4] =	ssyncset.done $0x0;
	s31 =	sand.u32 $0x4000, s16  }
0x20: {  	s16 =	simm.s32 $0x0;
	s14 =	sshll.u32 s13, $0xE;
	[sflag:s4] =	ssyncadd.s32 $0xFFFFC000  }
0x21: {  	s13 =	sor.u32 $0x8040, s14;
	s15 =	sor.u32 $0x40, s14;
	s14 =	sor.u32 $0x8000, s31  }
.LBB1_3:
0x22: {  	v0 =	vmov s15;
	_ =	sdelay $0x3  }
0x23: {  	s18 =	simm.s32 $0x0  }
0x24: {  	v6 =	vld.idx.msk [tilespmem:v0+s18+$0x30 ss:$0x1], $0xffff  }
0x25: {  	v7 =	vld.idx.msk [tilespmem:v0+s18+$0xFFFFFFC0 ss:$0x1], $0xffff  }
0x26: {  	v5 =	vld.idx.msk [tilespmem:v0+s18+$0xFFFFFFD0 ss:$0x1], $0xffff  }
0x27: {  	v4 =	vld.idx.msk [tilespmem:v0+s18+$0xFFFFFFE0 ss:$0x1], $0xffff  }
0x28: {  	v3 =	vld.idx.msk [tilespmem:v0+s18+$0xFFFFFFF0 ss:$0x1], $0xffff  }
0x29: {  	v1 =	vld.idx.msk [tilespmem:v0+s18+$0x0 ss:$0x1], $0xffff  }
0x2a: {  	v2 =	vld.idx.msk [tilespmem:v0+s18+$0x10 ss:$0x1], $0xffff;
	[tilespmem:s13+$0x30] =	vst v6  }
0x2b: {  	s17 =	simm.s32 $0x80;
	s19 =	simm.s32 $0x400;
	[tilespmem:s13+$0xFFFFFFC0] =	vst v7;
	v6 =	vld.idx.msk [tilespmem:v0+s18+$0x20 ss:$0x1], $0xffff;
	s18 =	smov.u32 s13  }
.LBB1_4:
0x2c: {  	p1 =	sne.s32 s19, $0xE00;
	v7 =	vld.idx.msk [tilespmem:v0+s17+$0x30 ss:$0x1], $0xffff;
	[tilespmem:s18+$0xFFFFFFD0] =	vst v5  }
0x2d: {  	v8 =	vld.idx.msk [tilespmem:v0+s17+$0xFFFFFFC0 ss:$0x1], $0xffff;
	[tilespmem:s18+$0xFFFFFFE0] =	vst v4  }
0x2e: {  	v5 =	vld.idx.msk [tilespmem:v0+s17+$0xFFFFFFD0 ss:$0x1], $0xffff;
	[tilespmem:s18+$0xFFFFFFF0] =	vst v3  }
.Ltmp3:
0x2f: {  	v4 =	vld.idx.msk [tilespmem:v0+s17+$0xFFFFFFE0 ss:$0x1], $0xffff;
	[tilespmem:s18+$0x0] =	vst v1;
	(pc) =	sbr.rel @p1 .LBB1_4-.Ltmp3, $4  }
0x30: {  	v3 =	vld.idx.msk [tilespmem:v0+s17+$0xFFFFFFF0 ss:$0x1], $0xffff;
	[tilespmem:s18+$0x10] =	vst v2  }
0x31: {  	v1 =	vld.idx.msk [tilespmem:v0+s17+$0x0 ss:$0x1], $0xffff;
	[tilespmem:s18+$0x20] =	vst v6;
	s18 =	sadd.s32 $0x800, s18  }
0x32: {  	v2 =	vld.idx.msk [tilespmem:v0+s17+$0x10 ss:$0x1], $0xffff;
	[tilespmem:s18+$0x30] =	vst v7  }
0x33: {  	[tilespmem:s18+$0xFFFFFFC0] =	vst v8;
	v6 =	vld.idx.msk [tilespmem:v0+s17+$0x20 ss:$0x1], $0xffff;
	s17 =	sshra.s32 s19, $0x2;
	s19 =	sadd.s32 $0x200, s19  }
0x34: {  	_ =	sdelay $0x2  }
0x35: {  	[tilespmem:s18+$0xFFFFFFD0] =	vst v5  }
0x36: {  	v56 =	vld.idx.msk [tilespmem:v0+s17+$0x30 ss:$0x1], $0xffff;
	[tilespmem:s18+$0xFFFFFFE0] =	vst v4  }
0x37: {  	v57 =	vld.idx.msk [tilespmem:v0+s17+$0xFFFFFFC0 ss:$0x1], $0xffff;
	[tilespmem:s18+$0xFFFFFFF0] =	vst v3  }
0x38: {  	v58 =	vld.idx.msk [tilespmem:v0+s17+$0xFFFFFFD0 ss:$0x1], $0xffff;
	[tilespmem:s18+$0x0] =	vst v1  }
0x39: {  	v59 =	vld.idx.msk [tilespmem:v0+s17+$0xFFFFFFE0 ss:$0x1], $0xffff;
	[tilespmem:s18+$0x10] =	vst v2  }
0x3a: {  	v60 =	vld.idx.msk [tilespmem:v0+s17+$0xFFFFFFF0 ss:$0x1], $0xffff;
	s31 =	sadd.s32 $0x800, s18;
	[tilespmem:s18+$0x20] =	vst v6  }
0x3b: {  	v61 =	vld.idx.msk [tilespmem:v0+s17+$0x0 ss:$0x1], $0xffff;
	[tilespmem:s31+$0x30] =	vst v56  }
0x3c: {  	v62 =	vld.idx.msk [tilespmem:v0+s17+$0x10 ss:$0x1], $0xffff;
	s16 =	sadd.s32 $0x1, s16;
	[tilespmem:s31+$0xFFFFFFC0] =	vst v57  }
0x3d: {  	v63 =	vld.idx.msk [tilespmem:v0+s17+$0x20 ss:$0x1], $0xffff;
	p1 =	sne.s32 s16, $0x10;
	[tilespmem:s31+$0xFFFFFFD0] =	vst v58  }
.Ltmp4:
0x3e: {  	[tilespmem:s31+$0xFFFFFFE0] =	vst v59;
	(pc) =	sbr.rel @p1 .LBB1_3-.Ltmp4, $4  }
0x3f: {  	[tilespmem:s31+$0xFFFFFFF0] =	vst v60  }
0x40: {  	[tilespmem:s31+$0x0] =	vst v61  }
0x41: {  	[tilespmem:s31+$0x10] =	vst v62  }
0x42: {  	s13 =	sadd.s32 $0x80, s13;
	s15 =	sadd.s32 $0x400, s15;
	[tilespmem:s31+$0x20] =	vst v63  }
.Ltmp5:
0x43: {  	(pc) =	sbr.rel .LBB1_7-.Ltmp5, $4  }
0x44: {  	s12 =	sshll.u32 s12, $0xC;
	s11 =	sshll.u32 s11, $0x4  }
0x45: {  	s11 =	sand.u32 $0x1F0, s11;
	s12 =	sadd.s32 s3, s12  }
0x46: {  	s11 =	sadd.s32 s11, s12  }
0x47: {  	[hbm4b:s11+s6] =	stream.strided.scatter [tilespmem:s14], [sflag:$0x2], $0x4000, s7, s6, $0x38;
	[tilespmem:$0x10000] =	vst v63  }
.LBB1_8:
0x48: {  	_ =	sfence.sel $0x180000  }
0x49: {  	s2 =	simm.s32 $0x1;
	[bflag:$0x0] =	sbarrier.arrive $0xFFFF  }
0x4a: {  	s31 =	simm.s32 $0x2;
	[sflag:s2] =	ssyncpa.u1 $0x1  }
0x4b: {  	[sflag:s31] =	ssyncpa.u1 $0x1  }
0x4c: {  	p0 =	sne.s32 s1, $0x0;
	_ =	strace $0x90000047  }
0x4d: {  	s0 =	sadd.s32 @!p0 $0x100000, s0;
	[bflag:$0x2] =	sbarrier.arrive $0xFFFF  }
0x4e: {  	[sflag:s0] =	ssyncadd.tile.s32 @!p0 $0x1;
	_ =	shalt  }
.Lfunc_end1:
_tile_overlayer_lowered:
.L_overlay_start_2:
0x4f: {  	(tag) =	ssettag $0x2  }
0x50: {  	s0 =	rddreg [dreg:$0x0];
	s2 =	stileid.u32  }
0x51: {  	s1 =	rddreg [dreg:$0x1];
	p0 =	sne.s32 s2, $0x0  }
0x52: {  	s3 =	rddreg [dreg:$0x2];
	[bflag:$0x3] =	sbarrier.arrive $0xFFFF;
	s2 =	simm.s32 @!p0 $0x1C01  }
0x53: {  	[timem:s3], [sflag:s2] =	dma.local @!p0 [hbm:s0], s1  }
0x54: {  	s0 =	simm.s32 @!p0 $0x1  }
0x55: {  	_ =	swait.ge @!p0 [sflag:s0], s1  }
0x56: {  	s1 =	ssub.s32 @!p0 $0x0, s1;
	[sflag:s0] =	ssyncset.done @!p0 $0x0  }
0x57: {  	[sflag:s0] =	ssyncadd.s32 @!p0 s1  }
0x58: {  	[bflag:$0x3] =	sbarrier.arrive $0xFFFF  }
0x59: {  	_ =	shalt  }

</sc_bundles>
